<compile_context>
chip_gen: v7x
topology: tpu7x:2x2x1
jax: 0.10.2.dev20260603
libtpu: 0.0.44.dev20260713+nightly
codegen_flags: <defaults>
</compile_context>

<pallas_src>
import functools

import jax
import jax.numpy as jnp
from jax import lax
from jax.experimental import pallas as pl
from jax.experimental.pallas import tpu as pltpu
from jax.experimental.pallas import tpu_sc as plsc

B, L, V, D, T, TW, F = 1024, 20, 100000, 64, 26, 2, 10
NC, NS = 2, 16
NW = NC * NS
NB = B // NW
NBL = NB * L
NCH = NBL // 128
LANE = 16
VP = 102400
BV = 51200
TGA = 21
TGB = T - TGA
NGRP = NB // LANE


BH = BV // 2


def _contract_body(w_ref, tlo_ref, thi_ref, out_ref):
    w1 = w_ref[0, 0]
    out_ref[0, :BH] = jnp.sum(tlo_ref[0] * w1[:, None], axis=0)
    out_ref[0, BH:] = jnp.sum(thi_ref[0] * w1[:, None], axis=0)


def _contract(tabT, wr, base, nt):
    lasth = (V - 1) // BH

    def tab_spec(half):
        return pl.BlockSpec(
            (1, D, BH),
            lambda t, vc: (base + t, 0,
                           jnp.minimum(2 * vc + half, lasth)))

    return pl.pallas_call(
        _contract_body,
        grid=(nt, VP // BV),
        in_specs=[
            pl.BlockSpec((1, 1, D), lambda t, vc: (base + t, 0, 0)),
            tab_spec(0),
            tab_spec(1),
        ],
        out_specs=pl.BlockSpec(
            (1, BV), lambda t, vc: (0, t * (VP // BV) + vc)),
        out_shape=jax.ShapeDtypeStruct((1, nt * VP), jnp.float32),
    )(wr, tabT, tabT)


def _wid_base():
    c = lax.axis_index("c")
    s = lax.axis_index("s")
    wid = s * NC + c
    return wid, wid * NB


def _lanes():
    return lax.iota(jnp.int32, LANE)


def _hsum(v):
    lanes = _lanes()
    dnums = lax.GatherDimensionNumbers(
        offset_dims=(), collapsed_slice_dims=(0,), start_index_map=(0,))
    for sh in (8, 4, 2, 1):
        perm = jnp.bitwise_xor(lanes, sh)
        v = v + lax.gather(
            v, perm[:, None], dnums, slice_sizes=(1,),
            mode=lax.GatherScatterMode.PROMISE_IN_BOUNDS)
    return v


def _issue_table(src, idxall, scals, sem, t, dstrow, row0=0):
    for j in range(NCH):
        r = row0 + t * NCH + j
        pltpu.async_copy(src.at[idxall.at[r]], scals.at[dstrow + j], sem)


def _drain_table(dummy, dummyv, sem):
    pltpu.make_async_copy(dummy, dummyv, sem).wait()


def _pool_step(scals, accs, dstrow, wts1=None, woff=0):
    lanes = _lanes()
    base20 = lanes * L
    out = []
    for g in range(NGRP):
        vals = []
        for l in range(L):
            pv = base20 + (g * LANE * L + l)
            row = dstrow + lax.shift_right_logical(pv, 7)
            col = jnp.bitwise_and(pv, 127)
            v = plsc.load_gather(scals, [row, col])
            if wts1 is not None:
                wl = plsc.load_gather(wts1, [woff + pv])
                v = v * wl
            vals.append(v)
        while len(vals) > 1:
            nxt = [vals[i] + vals[i + 1] for i in range(0, len(vals) - 1, 2)]
            if len(vals) % 2:
                nxt.append(vals[-1])
            vals = nxt
        out.append(accs[g] + vals[0])
    return tuple(out)


def _dense_part(ffv, wvecv):
    lanes = _lanes()
    wv = wvecv[:]
    dense = []
    for g in range(NGRP):
        def dense_body(k, dv):
            x = _hsum(ffv[g * LANE + k, :] * wv)
            return jnp.where(lanes == k, dv + x, dv)

        dense.append(lax.fori_loop(0, LANE, dense_body,
                                   jnp.zeros((LANE,), jnp.float32)))
    return dense


def _ring_pool_loop(nt, contrib, idxall, scals, dummy, dummyv, sem, init):
    _issue_table(contrib, idxall, scals, sem, 0, 0)

    def table_body(t, carry):
        slot = jnp.bitwise_and(t, 1) * NCH
        nslot = jnp.bitwise_and(t + 1, 1) * NCH

        @pl.when(t + 1 < nt)
        def _():
            _issue_table(contrib, idxall, scals, sem, t + 1, nslot)
        _drain_table(dummy, dummyv, sem)
        return _pool_step(scals, carry, slot)

    return lax.fori_loop(0, nt, table_body, init)


def _sc_pool_body(nt, contrib, gidxw, ffp, wvec, dummy, acc_out,
                  idxall, scals, ffv, wvecv, outv, dummyv, sem):
    wid, base = _wid_base()
    pltpu.sync_copy(gidxw.at[wid], idxall)
    pltpu.sync_copy(ffp.at[pl.ds(base, NB)], ffv)
    pltpu.sync_copy(wvec, wvecv)

    dense = _dense_part(ffv, wvecv)
    accs = _ring_pool_loop(nt, contrib, idxall, scals, dummy, dummyv, sem,
                           (dense[0], dense[1]))
    for g in range(NGRP):
        outv[pl.ds(g * LANE, LANE)] = accs[g]
    pltpu.sync_copy(outv, acc_out.at[pl.ds(base, NB)])


def _sc_mid_body(nt, acc_in, contrib, gidxw, dummy, acc_out,
                 idxall, scals, accv, outv, dummyv, sem):
    wid, base = _wid_base()
    pltpu.sync_copy(gidxw.at[wid], idxall)
    pltpu.sync_copy(acc_in.at[pl.ds(base, NB)], accv)

    zero = jnp.zeros((LANE,), jnp.float32)
    accs = _ring_pool_loop(nt, contrib, idxall, scals, dummy, dummyv, sem,
                           (zero, zero))
    for g in range(NGRP):
        outv[pl.ds(g * LANE, LANE)] = accs[g] + accv[pl.ds(g * LANE, LANE)]
    pltpu.sync_copy(outv, acc_out.at[pl.ds(base, NB)])


def _sc_final_body(acc_in, contrib2, gidx2w, wtsr, dummy, out,
                   idxall, scals, wtsv, accv, outv, dummyv, sem):
    wid, base = _wid_base()
    pltpu.sync_copy(gidx2w.at[wid], idxall)
    pltpu.sync_copy(wtsr.at[wid], wtsv)
    pltpu.sync_copy(acc_in.at[pl.ds(base, NB)], accv)

    _issue_table(contrib2, idxall, scals, sem, 0, 0)
    _issue_table(contrib2, idxall, scals, sem, 1, NCH)
    zero = jnp.zeros((LANE,), jnp.float32)
    accs = (zero, zero)
    for tw in range(TW):
        _drain_table(dummy, dummyv, sem)
        accs = _pool_step(scals, accs, tw * NCH, wts1=wtsv, woff=tw * NBL)

    for g in range(NGRP):
        x = accs[g] + accv[pl.ds(g * LANE, LANE)]
        outv[pl.ds(g * LANE, LANE)] = 1.0 / (1.0 + jnp.exp(-x))
    pltpu.sync_copy(outv, out.at[pl.ds(base, NB)])


def _sc_params():
    return dict(
        mesh=plsc.VectorSubcoreMesh(core_axis_name="c", subcore_axis_name="s"),
        compiler_params=pltpu.CompilerParams(use_tc_tiling_on_sc=False,
                                             needs_layout_passes=False),
    )


@functools.cache
def _sc_pool_kernel(nt):
    return functools.partial(
        pl.kernel,
        out_type=jax.ShapeDtypeStruct((B,), jnp.float32),
        scratch_types=[
            pltpu.VMEM((nt * NCH, 128), jnp.int32),
            pltpu.VMEM((2 * NCH, 128), jnp.float32),
            pltpu.VMEM((NB, LANE), jnp.float32),
            pltpu.VMEM((LANE,), jnp.float32),
            pltpu.VMEM((NB,), jnp.float32),
            pltpu.VMEM((NCH, 128), jnp.float32),
            pltpu.SemaphoreType.DMA,
        ],
        **_sc_params(),
    )(functools.partial(_sc_pool_body, nt))


@functools.cache
def _sc_mid_kernel(nt):
    return functools.partial(
        pl.kernel,
        out_type=jax.ShapeDtypeStruct((B,), jnp.float32),
        scratch_types=[
            pltpu.VMEM((nt * NCH, 128), jnp.int32),
            pltpu.VMEM((2 * NCH, 128), jnp.float32),
            pltpu.VMEM((NB,), jnp.float32),
            pltpu.VMEM((NB,), jnp.float32),
            pltpu.VMEM((NCH, 128), jnp.float32),
            pltpu.SemaphoreType.DMA,
        ],
        **_sc_params(),
    )(functools.partial(_sc_mid_body, nt))


@functools.cache
def _sc_final_kernel():
    return functools.partial(
        pl.kernel,
        out_type=jax.ShapeDtypeStruct((B,), jnp.float32),
        scratch_types=[
            pltpu.VMEM((TW * NCH, 128), jnp.int32),
            pltpu.VMEM((TW * NCH, 128), jnp.float32),
            pltpu.VMEM((TW * NBL,), jnp.float32),
            pltpu.VMEM((NB,), jnp.float32),
            pltpu.VMEM((NB,), jnp.float32),
            pltpu.VMEM((NCH, 128), jnp.float32),
            pltpu.SemaphoreType.DMA,
        ],
        **_sc_params(),
    )(_sc_final_body)


def _group_idx(idx_slab, nt):
    offs = (jnp.arange(nt, dtype=jnp.int32) * VP)[:, None, None]
    g = (idx_slab.astype(jnp.int32) + offs).reshape(nt, NW, NCH, 128)
    return jnp.transpose(g, (1, 0, 2, 3)).reshape(NW, nt * NCH, 128)


def kernel(float_features, tables, weighted_tables, idscore_weights,
           Wd, bd, Wo, bo, idlist_indices, idscore_indices):
    wo_mean = jnp.mean(Wo, axis=1)
    wd_vec = Wd @ wo_mean[:8]
    const = jnp.dot(bd, wo_mean[:8]) + jnp.mean(bo)
    wvec = jnp.concatenate(
        [wd_vec, const[None], jnp.zeros((LANE - F - 1,), jnp.float32)])
    ffp = jnp.concatenate(
        [float_features,
         jnp.ones((B, 1), jnp.float32),
         jnp.zeros((B, LANE - F - 1), jnp.float32)], axis=1)
    wot = wo_mean[8:8 + T * D].reshape(T, D)
    wow = wo_mean[8 + T * D:].reshape(TW, D)

    tabT = jnp.transpose(tables, (0, 2, 1))
    wtabT = jnp.transpose(weighted_tables, (0, 2, 1))
    wot3 = wot.reshape(T, 1, D)
    wow3 = wow.reshape(TW, 1, D)
    contribA = _contract(tabT, wot3, 0, TGA).reshape(TGA * VP)
    contribB = _contract(tabT, wot3, TGA, TGB).reshape(TGB * VP)
    contrib2 = _contract(wtabT, wow3, 0, TW).reshape(TW * VP)

    gidxA = _group_idx(idlist_indices[:TGA], TGA)
    gidxB = _group_idx(idlist_indices[TGA:], TGB)
    gidxW = _group_idx(idscore_indices, TW)
    wtsr = jnp.transpose(idscore_weights.reshape(TW, NW, NBL),
                         (1, 0, 2)).reshape(NW, TW * NBL)
    dummy = jnp.zeros((NCH, 128), jnp.float32)

    acc = _sc_pool_kernel(TGA)(contribA, gidxA, ffp, wvec, dummy)
    acc2 = _sc_mid_kernel(TGB)(acc, contribB, gidxB, dummy)
    return _sc_final_kernel()(acc2, contrib2, gidxW, wtsr, dummy)

# --- scband reference (transcript-rebuilt; emitter-appended) ---
"""Pipeline reference for scband-test-sparse-nn-7499012899602 (READ-ONLY COPY).

The authoritative reference and input builder live on the scoring server;
editing this copy changes nothing except your own understanding.
"""

import jax, jax.numpy as jnp
import numpy as np

B, L, V, D, T, TW, F = 1024, 20, 100000, 64, 26, 2, 10
OVER_IN = 8 + T * D + TW * D


def setup_inputs(seed: int = 0) -> dict:
    key = jax.random.key(seed)
    ks = jax.random.split(key, 12)
    float_features = jax.random.normal(ks[0], (B, F), dtype=jnp.float32)
    idlist_indices = jax.random.randint(ks[1], (T, B, L), 0, V)
    idscore_indices = jax.random.randint(ks[2], (TW, B, L), 0, V)
    idscore_weights = jax.random.uniform(ks[3], (TW, B, L), dtype=jnp.float32)
    tables = jax.random.normal(ks[4], (T, V, D), dtype=jnp.float32) * 0.01
    weighted_tables = jax.random.normal(ks[5], (TW, V, D), dtype=jnp.float32) * 0.01
    Wd = jax.random.normal(ks[6], (F, 8), dtype=jnp.float32) * (1.0 / np.sqrt(F))
    bd = jnp.zeros((8,), dtype=jnp.float32)
    Wo = jax.random.normal(ks[7], (OVER_IN, 16), dtype=jnp.float32) * (1.0 / np.sqrt(OVER_IN))
    bo = jnp.zeros((16,), dtype=jnp.float32)
    return {
        "float_features": float_features,
        "tables": tables,
        "weighted_tables": weighted_tables,
        "idscore_weights": idscore_weights,
        "Wd": Wd,
        "bd": bd,
        "Wo": Wo,
        "bo": bo,
        "idlist_indices": idlist_indices,
        "idscore_indices": idscore_indices,
    }


def reference(float_features, tables, weighted_tables, idscore_weights, Wd, bd, Wo, bo, idlist_indices, idscore_indices):
    # TestDenseArch: linear projection of float features
    dense = float_features @ Wd + bd  # [B, 8]
    # TestSparseArch: EmbeddingBagCollection (sum pooling) over idlist features
    emb = jax.vmap(lambda tab, idx: jnp.take(tab, idx, axis=0))(tables, idlist_indices)  # [T, B, L, D]
    pooled = emb.sum(axis=2)  # [T, B, D]
    ebc = jnp.transpose(pooled, (1, 0, 2)).reshape(pooled.shape[1], -1)  # [B, T*D]
    # weighted EmbeddingBagCollection over idscore features
    wemb = jax.vmap(lambda tab, idx: jnp.take(tab, idx, axis=0))(weighted_tables, idscore_indices)  # [TW, B, L, D]
    wpooled = (wemb * idscore_weights[..., None]).sum(axis=2)  # [TW, B, D]
    webc = jnp.transpose(wpooled, (1, 0, 2)).reshape(wpooled.shape[1], -1)  # [B, TW*D]
    # _post_sparsenn_forward: concat ebc values + weighted ebc values
    sparse = jnp.concatenate([ebc, webc], axis=1)  # [B, T*D + TW*D]
    # TestOverArch: linear over concat(dense, sparse)
    over = jnp.concatenate([dense, sparse], axis=1) @ Wo + bo  # [B, 16]
    pred = jax.nn.sigmoid(jnp.mean(over, axis=1))  # [B]
    return pred

if __name__ == "__main__":
    import jax
    _d = setup_inputs()
    print(jax.jit(kernel)(*tuple(_d.values())))

</pallas_src>

<mosaic_0001>
#map = affine_map<(d0, d1) -> (0)>
#map1 = affine_map<(d0, d1) -> (0, 0, 0)>
#map2 = affine_map<(d0, d1) -> (0, 0)>
module attributes {stable_mosaic.version = 14 : i64} {
  func.func @_sc_mid_body(%arg0: i32, %arg1: i32, %arg2: memref<1024xf32, #tpu.memory_space<hbm>>, %arg3: memref<512000xf32, #tpu.memory_space<hbm>>, %arg4: memref<32x25x128xi32, #tpu.memory_space<hbm>>, %arg5: memref<5x128xf32, #tpu.memory_space<hbm>>, %arg6: memref<1024xf32, #tpu.memory_space<hbm>>, %arg7: memref<25x128xi32, #tpu.memory_space<vmem>>, %arg8: memref<10x128xf32, #tpu.memory_space<vmem>>, %arg9: memref<32xf32, #tpu.memory_space<vmem>>, %arg10: memref<32xf32, #tpu.memory_space<vmem>>, %arg11: memref<5x128xf32, #tpu.memory_space<vmem>>, %arg12: memref<!tpu.dma_semaphore, #tpu.memory_space<semaphore_mem>>) attributes {dimension_semantics = [#tpu.dimension_semantics<core_parallel>, #tpu.dimension_semantics<subcore_parallel>], iteration_bounds = array<i64: 2, 16>, scalar_prefetch = 0 : i64, scratch_operands = 6 : i64, tpu.core_type = #tpu.core_type<sc_vector_subcore>, window_params = [{transform_indices = #map}, {transform_indices = #map}, {transform_indices = #map1}, {transform_indices = #map2}, {transform_indices = #map}]} {
    %mul3A = arith.constant 2 : i32
    %mul3A_0 = arith.muli %arg1, %mul3A : i32
    %add3A = arith.addi %mul3A_0, %arg0 : i32
    %mul3A_1 = arith.constant 32 : i32
    %mul3A_2 = arith.muli %add3A, %mul3A_1 : i32
    "tpu.region"() ({
      %run_scoped3A = tpu.sem_alloc : memref<!tpu.dma_semaphore, #tpu.memory_space<semaphore_mem>>
      %dma_start3A_66 = arith.constant 0 : i32
      %dma_start3A_67 = arith.constant 0 : i32
      %dma_start3A_68 = tpu.memref_slice %arg4[%add3A, %dma_start3A_66, %dma_start3A_67] : memref<32x25x128xi32, #tpu.memory_space<hbm>> -> memref<1x25x128xi32, #tpu.memory_space<hbm>>
      %dma_start3A_69 = tpu.memref_squeeze %dma_start3A_68 : memref<1x25x128xi32, #tpu.memory_space<hbm>> -> memref<25x128xi32, #tpu.memory_space<hbm>>
      %dma_start3A_70 = arith.constant 0 : i32
      %dma_start3A_71 = arith.constant 0 : i32
      %dma_start3A_72 = tpu.memref_slice %arg4[%add3A, %dma_start3A_70, %dma_start3A_71] : memref<32x25x128xi32, #tpu.memory_space<hbm>> -> memref<1x25x128xi32, #tpu.memory_space<hbm>>
      %dma_start3A_73 = tpu.memref_squeeze %dma_start3A_72 : memref<1x25x128xi32, #tpu.memory_space<hbm>> -> memref<25x128xi32, #tpu.memory_space<hbm>>
      tpu.enqueue_dma source(%dma_start3A_73 : memref<25x128xi32, #tpu.memory_space<hbm>>) target(%arg7 : memref<25x128xi32, #tpu.memory_space<vmem>>) target_semaphore(%run_scoped3A : memref<!tpu.dma_semaphore, #tpu.memory_space<semaphore_mem>>)
      %dma_wait3A = arith.constant 0 : i32
      %dma_wait3A_74 = arith.constant 0 : i32
      %dma_wait3A_75 = tpu.memref_slice %arg4[%add3A, %dma_wait3A, %dma_wait3A_74] : memref<32x25x128xi32, #tpu.memory_space<hbm>> -> memref<1x25x128xi32, #tpu.memory_space<hbm>>
      %dma_wait3A_76 = tpu.memref_squeeze %dma_wait3A_75 : memref<1x25x128xi32, #tpu.memory_space<hbm>> -> memref<25x128xi32, #tpu.memory_space<hbm>>
      %dma_wait3A_77 = arith.constant 0 : i32
      %dma_wait3A_78 = arith.constant 0 : i32
      %dma_wait3A_79 = tpu.memref_slice %arg4[%add3A, %dma_wait3A_77, %dma_wait3A_78] : memref<32x25x128xi32, #tpu.memory_space<hbm>> -> memref<1x25x128xi32, #tpu.memory_space<hbm>>
      %dma_wait3A_80 = tpu.memref_squeeze %dma_wait3A_79 : memref<1x25x128xi32, #tpu.memory_space<hbm>> -> memref<25x128xi32, #tpu.memory_space<hbm>>
      tpu.wait_dma2 semaphore(%run_scoped3A : memref<!tpu.dma_semaphore, #tpu.memory_space<semaphore_mem>>) src(%dma_wait3A_80 : memref<25x128xi32, #tpu.memory_space<hbm>>) dst(%arg7 : memref<25x128xi32, #tpu.memory_space<vmem>>)
      tpu.yield
    }) : () -> ()
    "tpu.region"() ({
      %run_scoped3A = tpu.sem_alloc : memref<!tpu.dma_semaphore, #tpu.memory_space<semaphore_mem>>
      %dma_start3A_66 = tpu.memref_slice %arg2[%mul3A_2] : memref<1024xf32, #tpu.memory_space<hbm>> -> memref<32xf32, #tpu.memory_space<hbm>>
      %dma_start3A_67 = tpu.memref_slice %arg2[%mul3A_2] : memref<1024xf32, #tpu.memory_space<hbm>> -> memref<32xf32, #tpu.memory_space<hbm>>
      tpu.enqueue_dma source(%dma_start3A_67 : memref<32xf32, #tpu.memory_space<hbm>>) target(%arg9 : memref<32xf32, #tpu.memory_space<vmem>>) target_semaphore(%run_scoped3A : memref<!tpu.dma_semaphore, #tpu.memory_space<semaphore_mem>>)
      %dma_wait3A = tpu.memref_slice %arg2[%mul3A_2] : memref<1024xf32, #tpu.memory_space<hbm>> -> memref<32xf32, #tpu.memory_space<hbm>>
      %dma_wait3A_68 = tpu.memref_slice %arg2[%mul3A_2] : memref<1024xf32, #tpu.memory_space<hbm>> -> memref<32xf32, #tpu.memory_space<hbm>>
      tpu.wait_dma2 semaphore(%run_scoped3A : memref<!tpu.dma_semaphore, #tpu.memory_space<semaphore_mem>>) src(%dma_wait3A_68 : memref<32xf32, #tpu.memory_space<hbm>>) dst(%arg9 : memref<32xf32, #tpu.memory_space<vmem>>)
      tpu.yield
    }) : () -> ()
    %broadcast_in_dim3A = arith.constant 0.000000e+00 : f32
    %broadcast_in_dim3A_3 = vector.broadcast %broadcast_in_dim3A : f32 to vector<16xf32>
    %dma_start3A = arith.constant 0 : i32
    %dma_start3A_4 = arith.constant 0 : i32
    %dma_start3A_5 = arith.constant 0 : i32
    %dma_start3A_6 = tpu.memref_slice %arg8[%dma_start3A_4, %dma_start3A_5] : memref<10x128xf32, #tpu.memory_space<vmem>> -> memref<1x128xf32, #tpu.memory_space<vmem>>
    %dma_start3A_7 = tpu.memref_squeeze %dma_start3A_6 : memref<1x128xf32, #tpu.memory_space<vmem>> -> memref<128xf32, #tpu.memory_space<vmem>>
    %dma_start3A_8 = arith.constant 0 : i32
    %dma_start3A_9 = tpu.memref_slice %arg7[%dma_start3A, %dma_start3A_8] : memref<25x128xi32, #tpu.memory_space<vmem>> -> memref<1x128xi32, #tpu.memory_space<vmem>>
    %dma_start3A_10 = tpu.memref_squeeze %dma_start3A_9 : memref<1x128xi32, #tpu.memory_space<vmem>> -> memref<128xi32, #tpu.memory_space<vmem>>
    %dma_start3A_11 = arith.constant 0 : i32
    %dma_start3A_12 = tpu.memref_slice %arg3[%dma_start3A_11] : memref<512000xf32, #tpu.memory_space<hbm>> -> memref<512000xf32, #tpu.memory_space<hbm>>
    tpu.enqueue_indirect_dma source(%dma_start3A_12 : memref<512000xf32, #tpu.memory_space<hbm>>) target(%dma_start3A_7 : memref<128xf32, #tpu.memory_space<vmem>>) offsets(%dma_start3A_10 : memref<128xi32, #tpu.memory_space<vmem>>) semaphore(%arg12 : memref<!tpu.dma_semaphore, #tpu.memory_space<semaphore_mem>>)
    %dma_start3A_13 = arith.constant 1 : i32
    %dma_start3A_14 = arith.constant 1 : i32
    %dma_start3A_15 = arith.constant 0 : i32
    %dma_start3A_16 = tpu.memref_slice %arg8[%dma_start3A_14, %dma_start3A_15] : memref<10x128xf32, #tpu.memory_space<vmem>> -> memref<1x128xf32, #tpu.memory_space<vmem>>
    %dma_start3A_17 = tpu.memref_squeeze %dma_start3A_16 : memref<1x128xf32, #tpu.memory_space<vmem>> -> memref<128xf32, #tpu.memory_space<vmem>>
    %dma_start3A_18 = arith.constant 0 : i32
    %dma_start3A_19 = tpu.memref_slice %arg7[%dma_start3A_13, %dma_start3A_18] : memref<25x128xi32, #tpu.memory_space<vmem>> -> memref<1x128xi32, #tpu.memory_space<vmem>>
    %dma_start3A_20 = tpu.memref_squeeze %dma_start3A_19 : memref<1x128xi32, #tpu.memory_space<vmem>> -> memref<128xi32, #tpu.memory_space<vmem>>
    %dma_start3A_21 = arith.constant 0 : i32
    %dma_start3A_22 = tpu.memref_slice %arg3[%dma_start3A_21] : memref<512000xf32, #tpu.memory_space<hbm>> -> memref<512000xf32, #tpu.memory_space<hbm>>
    tpu.enqueue_indirect_dma source(%dma_start3A_22 : memref<512000xf32, #tpu.memory_space<hbm>>) target(%dma_start3A_17 : memref<128xf32, #tpu.memory_space<vmem>>) offsets(%dma_start3A_20 : memref<128xi32, #tpu.memory_space<vmem>>) semaphore(%arg12 : memref<!tpu.dma_semaphore, #tpu.memory_space<semaphore_mem>>)
    %dma_start3A_23 = arith.constant 2 : i32
    %dma_start3A_24 = arith.constant 2 : i32
    %dma_start3A_25 = arith.constant 0 : i32
    %dma_start3A_26 = tpu.memref_slice %arg8[%dma_start3A_24, %dma_start3A_25] : memref<10x128xf32, #tpu.memory_space<vmem>> -> memref<1x128xf32, #tpu.memory_space<vmem>>
    %dma_start3A_27 = tpu.memref_squeeze %dma_start3A_26 : memref<1x128xf32, #tpu.memory_space<vmem>> -> memref<128xf32, #tpu.memory_space<vmem>>
    %dma_start3A_28 = arith.constant 0 : i32
    %dma_start3A_29 = tpu.memref_slice %arg7[%dma_start3A_23, %dma_start3A_28] : memref<25x128xi32, #tpu.memory_space<vmem>> -> memref<1x128xi32, #tpu.memory_space<vmem>>
    %dma_start3A_30 = tpu.memref_squeeze %dma_start3A_29 : memref<1x128xi32, #tpu.memory_space<vmem>> -> memref<128xi32, #tpu.memory_space<vmem>>
    %dma_start3A_31 = arith.constant 0 : i32
    %dma_start3A_32 = tpu.memref_slice %arg3[%dma_start3A_31] : memref<512000xf32, #tpu.memory_space<hbm>> -> memref<512000xf32, #tpu.memory_space<hbm>>
    tpu.enqueue_indirect_dma source(%dma_start3A_32 : memref<512000xf32, #tpu.memory_space<hbm>>) target(%dma_start3A_27 : memref<128xf32, #tpu.memory_space<vmem>>) offsets(%dma_start3A_30 : memref<128xi32, #tpu.memory_space<vmem>>) semaphore(%arg12 : memref<!tpu.dma_semaphore, #tpu.memory_space<semaphore_mem>>)
    %dma_start3A_33 = arith.constant 3 : i32
    %dma_start3A_34 = arith.constant 3 : i32
    %dma_start3A_35 = arith.constant 0 : i32
    %dma_start3A_36 = tpu.memref_slice %arg8[%dma_start3A_34, %dma_start3A_35] : memref<10x128xf32, #tpu.memory_space<vmem>> -> memref<1x128xf32, #tpu.memory_space<vmem>>
    %dma_start3A_37 = tpu.memref_squeeze %dma_start3A_36 : memref<1x128xf32, #tpu.memory_space<vmem>> -> memref<128xf32, #tpu.memory_space<vmem>>
    %dma_start3A_38 = arith.constant 0 : i32
    %dma_start3A_39 = tpu.memref_slice %arg7[%dma_start3A_33, %dma_start3A_38] : memref<25x128xi32, #tpu.memory_space<vmem>> -> memref<1x128xi32, #tpu.memory_space<vmem>>
    %dma_start3A_40 = tpu.memref_squeeze %dma_start3A_39 : memref<1x128xi32, #tpu.memory_space<vmem>> -> memref<128xi32, #tpu.memory_space<vmem>>
    %dma_start3A_41 = arith.constant 0 : i32
    %dma_start3A_42 = tpu.memref_slice %arg3[%dma_start3A_41] : memref<512000xf32, #tpu.memory_space<hbm>> -> memref<512000xf32, #tpu.memory_space<hbm>>
    tpu.enqueue_indirect_dma source(%dma_start3A_42 : memref<512000xf32, #tpu.memory_space<hbm>>) target(%dma_start3A_37 : memref<128xf32, #tpu.memory_space<vmem>>) offsets(%dma_start3A_40 : memref<128xi32, #tpu.memory_space<vmem>>) semaphore(%arg12 : memref<!tpu.dma_semaphore, #tpu.memory_space<semaphore_mem>>)
    %dma_start3A_43 = arith.constant 4 : i32
    %dma_start3A_44 = arith.constant 4 : i32
    %dma_start3A_45 = arith.constant 0 : i32
    %dma_start3A_46 = tpu.memref_slice %arg8[%dma_start3A_44, %dma_start3A_45] : memref<10x128xf32, #tpu.memory_space<vmem>> -> memref<1x128xf32, #tpu.memory_space<vmem>>
    %dma_start3A_47 = tpu.memref_squeeze %dma_start3A_46 : memref<1x128xf32, #tpu.memory_space<vmem>> -> memref<128xf32, #tpu.memory_space<vmem>>
    %dma_start3A_48 = arith.constant 0 : i32
    %dma_start3A_49 = tpu.memref_slice %arg7[%dma_start3A_43, %dma_start3A_48] : memref<25x128xi32, #tpu.memory_space<vmem>> -> memref<1x128xi32, #tpu.memory_space<vmem>>
    %dma_start3A_50 = tpu.memref_squeeze %dma_start3A_49 : memref<1x128xi32, #tpu.memory_space<vmem>> -> memref<128xi32, #tpu.memory_space<vmem>>
    %dma_start3A_51 = arith.constant 0 : i32
    %dma_start3A_52 = tpu.memref_slice %arg3[%dma_start3A_51] : memref<512000xf32, #tpu.memory_space<hbm>> -> memref<512000xf32, #tpu.memory_space<hbm>>
    tpu.enqueue_indirect_dma source(%dma_start3A_52 : memref<512000xf32, #tpu.memory_space<hbm>>) target(%dma_start3A_47 : memref<128xf32, #tpu.memory_space<vmem>>) offsets(%dma_start3A_50 : memref<128xi32, #tpu.memory_space<vmem>>) semaphore(%arg12 : memref<!tpu.dma_semaphore, #tpu.memory_space<semaphore_mem>>)
    %scan3A = arith.constant 0 : i32
    %scan3A_53 = arith.constant 5 : i32
    %scan3A_54 = arith.addi %scan3A, %scan3A_53 : i32
    %scan3A_55 = arith.constant 1 : i32
    %scan3A_56:2 = scf.for %scan3A_66 = %scan3A to %scan3A_54 step %scan3A_55 iter_args(%scan3A_67 = %broadcast_in_dim3A_3, %scan3A_68 = %broadcast_in_dim3A_3) -> (vector<16xf32>, vector<16xf32>)  : i32 {
      %and3A = arith.constant 1 : i32
      %and3A_69 = arith.andi %scan3A_66, %and3A : i32
      %mul3A_70 = arith.constant 5 : i32
      %mul3A_71 = arith.muli %and3A_69, %mul3A_70 : i32
      %add3A_72 = arith.constant 1 : i32
      %add3A_73 = arith.addi %scan3A_66, %add3A_72 : i32
      %and3A_74 = arith.constant 1 : i32
      %and3A_75 = arith.andi %add3A_73, %and3A_74 : i32
      %mul3A_76 = arith.constant 5 : i32
      %mul3A_77 = arith.muli %and3A_75, %mul3A_76 : i32
      %add3A_78 = arith.constant 1 : i32
      %add3A_79 = arith.addi %scan3A_66, %add3A_78 : i32
      %lt3A = arith.constant 5 : i32
      %lt3A_80 = arith.cmpi slt, %add3A_79, %lt3A : i32
      %convert_element_type3A = arith.extui %lt3A_80 : i1 to i32
      %cond3A = arith.constant 0 : i32
      %cond3A_81 = arith.cmpi ne, %convert_element_type3A, %cond3A : i32
      scf.if %cond3A_81 {
        %add3A_603 = arith.constant 1 : i32
        %add3A_604 = arith.addi %scan3A_66, %add3A_603 : i32
        %mul3A_605 = arith.constant 5 : i32
        %mul3A_606 = arith.muli %add3A_604, %mul3A_605 : i32
        %add3A_607 = arith.constant 0 : i32
        %add3A_608 = arith.addi %add3A_607, %mul3A_606 : i32
        %add3A_609 = arith.constant 0 : i32
        %add3A_610 = arith.addi %add3A_608, %add3A_609 : i32
        %add3A_611 = arith.constant 0 : i32
        %add3A_612 = arith.addi %mul3A_77, %add3A_611 : i32
        %dma_start3A_613 = arith.constant 0 : i32
        %dma_start3A_614 = tpu.memref_slice %arg8[%add3A_612, %dma_start3A_613] : memref<10x128xf32, #tpu.memory_space<vmem>> -> memref<1x128xf32, #tpu.memory_space<vmem>>
        %dma_start3A_615 = tpu.memref_squeeze %dma_start3A_614 : memref<1x128xf32, #tpu.memory_space<vmem>> -> memref<128xf32, #tpu.memory_space<vmem>>
        %dma_start3A_616 = arith.constant 0 : i32
        %dma_start3A_617 = tpu.memref_slice %arg7[%add3A_610, %dma_start3A_616] : memref<25x128xi32, #tpu.memory_space<vmem>> -> memref<1x128xi32, #tpu.memory_space<vmem>>
        %dma_start3A_618 = tpu.memref_squeeze %dma_start3A_617 : memref<1x128xi32, #tpu.memory_space<vmem>> -> memref<128xi32, #tpu.memory_space<vmem>>
        %dma_start3A_619 = arith.constant 0 : i32
        %dma_start3A_620 = tpu.memref_slice %arg3[%dma_start3A_619] : memref<512000xf32, #tpu.memory_space<hbm>> -> memref<512000xf32, #tpu.memory_space<hbm>>
        tpu.enqueue_indirect_dma source(%dma_start3A_620 : memref<512000xf32, #tpu.memory_space<hbm>>) target(%dma_start3A_615 : memref<128xf32, #tpu.memory_space<vmem>>) offsets(%dma_start3A_618 : memref<128xi32, #tpu.memory_space<vmem>>) semaphore(%arg12 : memref<!tpu.dma_semaphore, #tpu.memory_space<semaphore_mem>>)
        %mul3A_621 = arith.constant 5 : i32
        %mul3A_622 = arith.muli %add3A_604, %mul3A_621 : i32
        %add3A_623 = arith.constant 0 : i32
        %add3A_624 = arith.addi %add3A_623, %mul3A_622 : i32
        %add3A_625 = arith.constant 1 : i32
        %add3A_626 = arith.addi %add3A_624, %add3A_625 : i32
        %add3A_627 = arith.constant 1 : i32
        %add3A_628 = arith.addi %mul3A_77, %add3A_627 : i32
        %dma_start3A_629 = arith.constant 0 : i32
        %dma_start3A_630 = tpu.memref_slice %arg8[%add3A_628, %dma_start3A_629] : memref<10x128xf32, #tpu.memory_space<vmem>> -> memref<1x128xf32, #tpu.memory_space<vmem>>
        %dma_start3A_631 = tpu.memref_squeeze %dma_start3A_630 : memref<1x128xf32, #tpu.memory_space<vmem>> -> memref<128xf32, #tpu.memory_space<vmem>>
        %dma_start3A_632 = arith.constant 0 : i32
        %dma_start3A_633 = tpu.memref_slice %arg7[%add3A_626, %dma_start3A_632] : memref<25x128xi32, #tpu.memory_space<vmem>> -> memref<1x128xi32, #tpu.memory_space<vmem>>
        %dma_start3A_634 = tpu.memref_squeeze %dma_start3A_633 : memref<1x128xi32, #tpu.memory_space<vmem>> -> memref<128xi32, #tpu.memory_space<vmem>>
        %dma_start3A_635 = arith.constant 0 : i32
        %dma_start3A_636 = tpu.memref_slice %arg3[%dma_start3A_635] : memref<512000xf32, #tpu.memory_space<hbm>> -> memref<512000xf32, #tpu.memory_space<hbm>>
        tpu.enqueue_indirect_dma source(%dma_start3A_636 : memref<512000xf32, #tpu.memory_space<hbm>>) target(%dma_start3A_631 : memref<128xf32, #tpu.memory_space<vmem>>) offsets(%dma_start3A_634 : memref<128xi32, #tpu.memory_space<vmem>>) semaphore(%arg12 : memref<!tpu.dma_semaphore, #tpu.memory_space<semaphore_mem>>)
        %mul3A_637 = arith.constant 5 : i32
        %mul3A_638 = arith.muli %add3A_604, %mul3A_637 : i32
        %add3A_639 = arith.constant 0 : i32
        %add3A_640 = arith.addi %add3A_639, %mul3A_638 : i32
        %add3A_641 = arith.constant 2 : i32
        %add3A_642 = arith.addi %add3A_640, %add3A_641 : i32
        %add3A_643 = arith.constant 2 : i32
        %add3A_644 = arith.addi %mul3A_77, %add3A_643 : i32
        %dma_start3A_645 = arith.constant 0 : i32
        %dma_start3A_646 = tpu.memref_slice %arg8[%add3A_644, %dma_start3A_645] : memref<10x128xf32, #tpu.memory_space<vmem>> -> memref<1x128xf32, #tpu.memory_space<vmem>>
        %dma_start3A_647 = tpu.memref_squeeze %dma_start3A_646 : memref<1x128xf32, #tpu.memory_space<vmem>> -> memref<128xf32, #tpu.memory_space<vmem>>
        %dma_start3A_648 = arith.constant 0 : i32
        %dma_start3A_649 = tpu.memref_slice %arg7[%add3A_642, %dma_start3A_648] : memref<25x128xi32, #tpu.memory_space<vmem>> -> memref<1x128xi32, #tpu.memory_space<vmem>>
        %dma_start3A_650 = tpu.memref_squeeze %dma_start3A_649 : memref<1x128xi32, #tpu.memory_space<vmem>> -> memref<128xi32, #tpu.memory_space<vmem>>
        %dma_start3A_651 = arith.constant 0 : i32
        %dma_start3A_652 = tpu.memref_slice %arg3[%dma_start3A_651] : memref<512000xf32, #tpu.memory_space<hbm>> -> memref<512000xf32, #tpu.memory_space<hbm>>
        tpu.enqueue_indirect_dma source(%dma_start3A_652 : memref<512000xf32, #tpu.memory_space<hbm>>) target(%dma_start3A_647 : memref<128xf32, #tpu.memory_space<vmem>>) offsets(%dma_start3A_650 : memref<128xi32, #tpu.memory_space<vmem>>) semaphore(%arg12 : memref<!tpu.dma_semaphore, #tpu.memory_space<semaphore_mem>>)
        %mul3A_653 = arith.constant 5 : i32
        %mul3A_654 = arith.muli %add3A_604, %mul3A_653 : i32
        %add3A_655 = arith.constant 0 : i32
        %add3A_656 = arith.addi %add3A_655, %mul3A_654 : i32
        %add3A_657 = arith.constant 3 : i32
        %add3A_658 = arith.addi %add3A_656, %add3A_657 : i32
        %add3A_659 = arith.constant 3 : i32
        %add3A_660 = arith.addi %mul3A_77, %add3A_659 : i32
        %dma_start3A_661 = arith.constant 0 : i32
        %dma_start3A_662 = tpu.memref_slice %arg8[%add3A_660, %dma_start3A_661] : memref<10x128xf32, #tpu.memory_space<vmem>> -> memref<1x128xf32, #tpu.memory_space<vmem>>
        %dma_start3A_663 = tpu.memref_squeeze %dma_start3A_662 : memref<1x128xf32, #tpu.memory_space<vmem>> -> memref<128xf32, #tpu.memory_space<vmem>>
        %dma_start3A_664 = arith.constant 0 : i32
        %dma_start3A_665 = tpu.memref_slice %arg7[%add3A_658, %dma_start3A_664] : memref<25x128xi32, #tpu.memory_space<vmem>> -> memref<1x128xi32, #tpu.memory_space<vmem>>
        %dma_start3A_666 = tpu.memref_squeeze %dma_start3A_665 : memref<1x128xi32, #tpu.memory_space<vmem>> -> memref<128xi32, #tpu.memory_space<vmem>>
        %dma_start3A_667 = arith.constant 0 : i32
        %dma_start3A_668 = tpu.memref_slice %arg3[%dma_start3A_667] : memref<512000xf32, #tpu.memory_space<hbm>> -> memref<512000xf32, #tpu.memory_space<hbm>>
        tpu.enqueue_indirect_dma source(%dma_start3A_668 : memref<512000xf32, #tpu.memory_space<hbm>>) target(%dma_start3A_663 : memref<128xf32, #tpu.memory_space<vmem>>) offsets(%dma_start3A_666 : memref<128xi32, #tpu.memory_space<vmem>>) semaphore(%arg12 : memref<!tpu.dma_semaphore, #tpu.memory_space<semaphore_mem>>)
        %mul3A_669 = arith.constant 5 : i32
        %mul3A_670 = arith.muli %add3A_604, %mul3A_669 : i32
        %add3A_671 = arith.constant 0 : i32
        %add3A_672 = arith.addi %add3A_671, %mul3A_670 : i32
        %add3A_673 = arith.constant 4 : i32
        %add3A_674 = arith.addi %add3A_672, %add3A_673 : i32
        %add3A_675 = arith.constant 4 : i32
        %add3A_676 = arith.addi %mul3A_77, %add3A_675 : i32
        %dma_start3A_677 = arith.constant 0 : i32
        %dma_start3A_678 = tpu.memref_slice %arg8[%add3A_676, %dma_start3A_677] : memref<10x128xf32, #tpu.memory_space<vmem>> -> memref<1x128xf32, #tpu.memory_space<vmem>>
        %dma_start3A_679 = tpu.memref_squeeze %dma_start3A_678 : memref<1x128xf32, #tpu.memory_space<vmem>> -> memref<128xf32, #tpu.memory_space<vmem>>
        %dma_start3A_680 = arith.constant 0 : i32
        %dma_start3A_681 = tpu.memref_slice %arg7[%add3A_674, %dma_start3A_680] : memref<25x128xi32, #tpu.memory_space<vmem>> -> memref<1x128xi32, #tpu.memory_space<vmem>>
        %dma_start3A_682 = tpu.memref_squeeze %dma_start3A_681 : memref<1x128xi32, #tpu.memory_space<vmem>> -> memref<128xi32, #tpu.memory_space<vmem>>
        %dma_start3A_683 = arith.constant 0 : i32
        %dma_start3A_684 = tpu.memref_slice %arg3[%dma_start3A_683] : memref<512000xf32, #tpu.memory_space<hbm>> -> memref<512000xf32, #tpu.memory_space<hbm>>
        tpu.enqueue_indirect_dma source(%dma_start3A_684 : memref<512000xf32, #tpu.memory_space<hbm>>) target(%dma_start3A_679 : memref<128xf32, #tpu.memory_space<vmem>>) offsets(%dma_start3A_682 : memref<128xi32, #tpu.memory_space<vmem>>) semaphore(%arg12 : memref<!tpu.dma_semaphore, #tpu.memory_space<semaphore_mem>>)
      } else {
      }
      tpu.wait_dma2 semaphore(%arg12 : memref<!tpu.dma_semaphore, #tpu.memory_space<semaphore_mem>>) src(%arg5 : memref<5x128xf32, #tpu.memory_space<hbm>>) dst(%arg11 : memref<5x128xf32, #tpu.memory_space<vmem>>)
      %iota3A = tpu.iota {dimensions = array<i32: 0>} : vector<16xi32>
      %mul3A_82 = arith.constant 20 : i32
      %mul3A_83 = vector.broadcast %mul3A_82 : i32 to vector<16xi32>
      %mul3A_84 = arith.muli %iota3A, %mul3A_83 : vector<16xi32>
      %add3A_85 = arith.constant 0 : i32
      %add3A_86 = vector.broadcast %add3A_85 : i32 to vector<16xi32>
      %add3A_87 = arith.addi %mul3A_84, %add3A_86 : vector<16xi32>
      %shift_right_logical3A = arith.constant 7 : i32
      %shift_right_logical3A_88 = vector.broadcast %shift_right_logical3A : i32 to vector<16xi32>
      %shift_right_logical3A_89 = arith.shrui %add3A_87, %shift_right_logical3A_88 : vector<16xi32>
      %add3A_90 = vector.broadcast %mul3A_71 : i32 to vector<16xi32>
      %add3A_91 = arith.addi %add3A_90, %shift_right_logical3A_89 : vector<16xi32>
      %and3A_92 = arith.constant 127 : i32
      %and3A_93 = vector.broadcast %and3A_92 : i32 to vector<16xi32>
      %and3A_94 = arith.andi %add3A_87, %and3A_93 : vector<16xi32>
      %gather3A = tpu.vector_load_idx %arg8[%add3A_91, %and3A_94] : memref<10x128xf32, #tpu.memory_space<vmem>>[vector<16xi32>, vector<16xi32>], vector<16xf32>,
      %add3A_95 = arith.constant 1 : i32
      %add3A_96 = vector.broadcast %add3A_95 : i32 to vector<16xi32>
      %add3A_97 = arith.addi %mul3A_84, %add3A_96 : vector<16xi32>
      %shift_right_logical3A_98 = arith.constant 7 : i32
      %shift_right_logical3A_99 = vector.broadcast %shift_right_logical3A_98 : i32 to vector<16xi32>
      %shift_right_logical3A_100 = arith.shrui %add3A_97, %shift_right_logical3A_99 : vector<16xi32>
      %add3A_101 = vector.broadcast %mul3A_71 : i32 to vector<16xi32>
      %add3A_102 = arith.addi %add3A_101, %shift_right_logical3A_100 : vector<16xi32>
      %and3A_103 = arith.constant 127 : i32
      %and3A_104 = vector.broadcast %and3A_103 : i32 to vector<16xi32>
      %and3A_105 = arith.andi %add3A_97, %and3A_104 : vector<16xi32>
      %gather3A_106 = tpu.vector_load_idx %arg8[%add3A_102, %and3A_105] : memref<10x128xf32, #tpu.memory_space<vmem>>[vector<16xi32>, vector<16xi32>], vector<16xf32>,
      %add3A_107 = arith.constant 2 : i32
      %add3A_108 = vector.broadcast %add3A_107 : i32 to vector<16xi32>
      %add3A_109 = arith.addi %mul3A_84, %add3A_108 : vector<16xi32>
      %shift_right_logical3A_110 = arith.constant 7 : i32
      %shift_right_logical3A_111 = vector.broadcast %shift_right_logical3A_110 : i32 to vector<16xi32>
      %shift_right_logical3A_112 = arith.shrui %add3A_109, %shift_right_logical3A_111 : vector<16xi32>
      %add3A_113 = vector.broadcast %mul3A_71 : i32 to vector<16xi32>
      %add3A_114 = arith.addi %add3A_113, %shift_right_logical3A_112 : vector<16xi32>
      %and3A_115 = arith.constant 127 : i32
      %and3A_116 = vector.broadcast %and3A_115 : i32 to vector<16xi32>
      %and3A_117 = arith.andi %add3A_109, %and3A_116 : vector<16xi32>
      %gather3A_118 = tpu.vector_load_idx %arg8[%add3A_114, %and3A_117] : memref<10x128xf32, #tpu.memory_space<vmem>>[vector<16xi32>, vector<16xi32>], vector<16xf32>,
      %add3A_119 = arith.constant 3 : i32
      %add3A_120 = vector.broadcast %add3A_119 : i32 to vector<16xi32>
      %add3A_121 = arith.addi %mul3A_84, %add3A_120 : vector<16xi32>
      %shift_right_logical3A_122 = arith.constant 7 : i32
      %shift_right_logical3A_123 = vector.broadcast %shift_right_logical3A_122 : i32 to vector<16xi32>
      %shift_right_logical3A_124 = arith.shrui %add3A_121, %shift_right_logical3A_123 : vector<16xi32>
      %add3A_125 = vector.broadcast %mul3A_71 : i32 to vector<16xi32>
      %add3A_126 = arith.addi %add3A_125, %shift_right_logical3A_124 : vector<16xi32>
      %and3A_127 = arith.constant 127 : i32
      %and3A_128 = vector.broadcast %and3A_127 : i32 to vector<16xi32>
      %and3A_129 = arith.andi %add3A_121, %and3A_128 : vector<16xi32>
      %gather3A_130 = tpu.vector_load_idx %arg8[%add3A_126, %and3A_129] : memref<10x128xf32, #tpu.memory_space<vmem>>[vector<16xi32>, vector<16xi32>], vector<16xf32>,
      %add3A_131 = arith.constant 4 : i32
      %add3A_132 = vector.broadcast %add3A_131 : i32 to vector<16xi32>
      %add3A_133 = arith.addi %mul3A_84, %add3A_132 : vector<16xi32>
      %shift_right_logical3A_134 = arith.constant 7 : i32
      %shift_right_logical3A_135 = vector.broadcast %shift_right_logical3A_134 : i32 to vector<16xi32>
      %shift_right_logical3A_136 = arith.shrui %add3A_133, %shift_right_logical3A_135 : vector<16xi32>
      %add3A_137 = vector.broadcast %mul3A_71 : i32 to vector<16xi32>
      %add3A_138 = arith.addi %add3A_137, %shift_right_logical3A_136 : vector<16xi32>
      %and3A_139 = arith.constant 127 : i32
      %and3A_140 = vector.broadcast %and3A_139 : i32 to vector<16xi32>
      %and3A_141 = arith.andi %add3A_133, %and3A_140 : vector<16xi32>
      %gather3A_142 = tpu.vector_load_idx %arg8[%add3A_138, %and3A_141] : memref<10x128xf32, #tpu.memory_space<vmem>>[vector<16xi32>, vector<16xi32>], vector<16xf32>,
      %add3A_143 = arith.constant 5 : i32
      %add3A_144 = vector.broadcast %add3A_143 : i32 to vector<16xi32>
      %add3A_145 = arith.addi %mul3A_84, %add3A_144 : vector<16xi32>
      %shift_right_logical3A_146 = arith.constant 7 : i32
      %shift_right_logical3A_147 = vector.broadcast %shift_right_logical3A_146 : i32 to vector<16xi32>
      %shift_right_logical3A_148 = arith.shrui %add3A_145, %shift_right_logical3A_147 : vector<16xi32>
      %add3A_149 = vector.broadcast %mul3A_71 : i32 to vector<16xi32>
      %add3A_150 = arith.addi %add3A_149, %shift_right_logical3A_148 : vector<16xi32>
      %and3A_151 = arith.constant 127 : i32
      %and3A_152 = vector.broadcast %and3A_151 : i32 to vector<16xi32>
      %and3A_153 = arith.andi %add3A_145, %and3A_152 : vector<16xi32>
      %gather3A_154 = tpu.vector_load_idx %arg8[%add3A_150, %and3A_153] : memref<10x128xf32, #tpu.memory_space<vmem>>[vector<16xi32>, vector<16xi32>], vector<16xf32>,
      %add3A_155 = arith.constant 6 : i32
      %add3A_156 = vector.broadcast %add3A_155 : i32 to vector<16xi32>
      %add3A_157 = arith.addi %mul3A_84, %add3A_156 : vector<16xi32>
      %shift_right_logical3A_158 = arith.constant 7 : i32
      %shift_right_logical3A_159 = vector.broadcast %shift_right_logical3A_158 : i32 to vector<16xi32>
      %shift_right_logical3A_160 = arith.shrui %add3A_157, %shift_right_logical3A_159 : vector<16xi32>
      %add3A_161 = vector.broadcast %mul3A_71 : i32 to vector<16xi32>
      %add3A_162 = arith.addi %add3A_161, %shift_right_logical3A_160 : vector<16xi32>
      %and3A_163 = arith.constant 127 : i32
      %and3A_164 = vector.broadcast %and3A_163 : i32 to vector<16xi32>
      %and3A_165 = arith.andi %add3A_157, %and3A_164 : vector<16xi32>
      %gather3A_166 = tpu.vector_load_idx %arg8[%add3A_162, %and3A_165] : memref<10x128xf32, #tpu.memory_space<vmem>>[vector<16xi32>, vector<16xi32>], vector<16xf32>,
      %add3A_167 = arith.constant 7 : i32
      %add3A_168 = vector.broadcast %add3A_167 : i32 to vector<16xi32>
      %add3A_169 = arith.addi %mul3A_84, %add3A_168 : vector<16xi32>
      %shift_right_logical3A_170 = arith.constant 7 : i32
      %shift_right_logical3A_171 = vector.broadcast %shift_right_logical3A_170 : i32 to vector<16xi32>
      %shift_right_logical3A_172 = arith.shrui %add3A_169, %shift_right_logical3A_171 : vector<16xi32>
      %add3A_173 = vector.broadcast %mul3A_71 : i32 to vector<16xi32>
      %add3A_174 = arith.addi %add3A_173, %shift_right_logical3A_172 : vector<16xi32>
      %and3A_175 = arith.constant 127 : i32
      %and3A_176 = vector.broadcast %and3A_175 : i32 to vector<16xi32>
      %and3A_177 = arith.andi %add3A_169, %and3A_176 : vector<16xi32>
      %gather3A_178 = tpu.vector_load_idx %arg8[%add3A_174, %and3A_177] : memref<10x128xf32, #tpu.memory_space<vmem>>[vector<16xi32>, vector<16xi32>], vector<16xf32>,
      %add3A_179 = arith.constant 8 : i32
      %add3A_180 = vector.broadcast %add3A_179 : i32 to vector<16xi32>
      %add3A_181 = arith.addi %mul3A_84, %add3A_180 : vector<16xi32>
      %shift_right_logical3A_182 = arith.constant 7 : i32
      %shift_right_logical3A_183 = vector.broadcast %shift_right_logical3A_182 : i32 to vector<16xi32>
      %shift_right_logical3A_184 = arith.shrui %add3A_181, %shift_right_logical3A_183 : vector<16xi32>
      %add3A_185 = vector.broadcast %mul3A_71 : i32 to vector<16xi32>
      %add3A_186 = arith.addi %add3A_185, %shift_right_logical3A_184 : vector<16xi32>
      %and3A_187 = arith.constant 127 : i32
      %and3A_188 = vector.broadcast %and3A_187 : i32 to vector<16xi32>
      %and3A_189 = arith.andi %add3A_181, %and3A_188 : vector<16xi32>
      %gather3A_190 = tpu.vector_load_idx %arg8[%add3A_186, %and3A_189] : memref<10x128xf32, #tpu.memory_space<vmem>>[vector<16xi32>, vector<16xi32>], vector<16xf32>,
      %add3A_191 = arith.constant 9 : i32
      %add3A_192 = vector.broadcast %add3A_191 : i32 to vector<16xi32>
      %add3A_193 = arith.addi %mul3A_84, %add3A_192 : vector<16xi32>
      %shift_right_logical3A_194 = arith.constant 7 : i32
      %shift_right_logical3A_195 = vector.broadcast %shift_right_logical3A_194 : i32 to vector<16xi32>
      %shift_right_logical3A_196 = arith.shrui %add3A_193, %shift_right_logical3A_195 : vector<16xi32>
      %add3A_197 = vector.broadcast %mul3A_71 : i32 to vector<16xi32>
      %add3A_198 = arith.addi %add3A_197, %shift_right_logical3A_196 : vector<16xi32>
      %and3A_199 = arith.constant 127 : i32
      %and3A_200 = vector.broadcast %and3A_199 : i32 to vector<16xi32>
      %and3A_201 = arith.andi %add3A_193, %and3A_200 : vector<16xi32>
      %gather3A_202 = tpu.vector_load_idx %arg8[%add3A_198, %and3A_201] : memref<10x128xf32, #tpu.memory_space<vmem>>[vector<16xi32>, vector<16xi32>], vector<16xf32>,
      %add3A_203 = arith.constant 10 : i32
      %add3A_204 = vector.broadcast %add3A_203 : i32 to vector<16xi32>
      %add3A_205 = arith.addi %mul3A_84, %add3A_204 : vector<16xi32>
      %shift_right_logical3A_206 = arith.constant 7 : i32
      %shift_right_logical3A_207 = vector.broadcast %shift_right_logical3A_206 : i32 to vector<16xi32>
      %shift_right_logical3A_208 = arith.shrui %add3A_205, %shift_right_logical3A_207 : vector<16xi32>
      %add3A_209 = vector.broadcast %mul3A_71 : i32 to vector<16xi32>
      %add3A_210 = arith.addi %add3A_209, %shift_right_logical3A_208 : vector<16xi32>
      %and3A_211 = arith.constant 127 : i32
      %and3A_212 = vector.broadcast %and3A_211 : i32 to vector<16xi32>
      %and3A_213 = arith.andi %add3A_205, %and3A_212 : vector<16xi32>
      %gather3A_214 = tpu.vector_load_idx %arg8[%add3A_210, %and3A_213] : memref<10x128xf32, #tpu.memory_space<vmem>>[vector<16xi32>, vector<16xi32>], vector<16xf32>,
      %add3A_215 = arith.constant 11 : i32
      %add3A_216 = vector.broadcast %add3A_215 : i32 to vector<16xi32>
      %add3A_217 = arith.addi %mul3A_84, %add3A_216 : vector<16xi32>
      %shift_right_logical3A_218 = arith.constant 7 : i32
      %shift_right_logical3A_219 = vector.broadcast %shift_right_logical3A_218 : i32 to vector<16xi32>
      %shift_right_logical3A_220 = arith.shrui %add3A_217, %shift_right_logical3A_219 : vector<16xi32>
      %add3A_221 = vector.broadcast %mul3A_71 : i32 to vector<16xi32>
      %add3A_222 = arith.addi %add3A_221, %shift_right_logical3A_220 : vector<16xi32>
      %and3A_223 = arith.constant 127 : i32
      %and3A_224 = vector.broadcast %and3A_223 : i32 to vector<16xi32>
      %and3A_225 = arith.andi %add3A_217, %and3A_224 : vector<16xi32>
      %gather3A_226 = tpu.vector_load_idx %arg8[%add3A_222, %and3A_225] : memref<10x128xf32, #tpu.memory_space<vmem>>[vector<16xi32>, vector<16xi32>], vector<16xf32>,
      %add3A_227 = arith.constant 12 : i32
      %add3A_228 = vector.broadcast %add3A_227 : i32 to vector<16xi32>
      %add3A_229 = arith.addi %mul3A_84, %add3A_228 : vector<16xi32>
      %shift_right_logical3A_230 = arith.constant 7 : i32
      %shift_right_logical3A_231 = vector.broadcast %shift_right_logical3A_230 : i32 to vector<16xi32>
      %shift_right_logical3A_232 = arith.shrui %add3A_229, %shift_right_logical3A_231 : vector<16xi32>
      %add3A_233 = vector.broadcast %mul3A_71 : i32 to vector<16xi32>
      %add3A_234 = arith.addi %add3A_233, %shift_right_logical3A_232 : vector<16xi32>
      %and3A_235 = arith.constant 127 : i32
      %and3A_236 = vector.broadcast %and3A_235 : i32 to vector<16xi32>
      %and3A_237 = arith.andi %add3A_229, %and3A_236 : vector<16xi32>
      %gather3A_238 = tpu.vector_load_idx %arg8[%add3A_234, %and3A_237] : memref<10x128xf32, #tpu.memory_space<vmem>>[vector<16xi32>, vector<16xi32>], vector<16xf32>,
      %add3A_239 = arith.constant 13 : i32
      %add3A_240 = vector.broadcast %add3A_239 : i32 to vector<16xi32>
      %add3A_241 = arith.addi %mul3A_84, %add3A_240 : vector<16xi32>
      %shift_right_logical3A_242 = arith.constant 7 : i32
      %shift_right_logical3A_243 = vector.broadcast %shift_right_logical3A_242 : i32 to vector<16xi32>
      %shift_right_logical3A_244 = arith.shrui %add3A_241, %shift_right_logical3A_243 : vector<16xi32>
      %add3A_245 = vector.broadcast %mul3A_71 : i32 to vector<16xi32>
      %add3A_246 = arith.addi %add3A_245, %shift_right_logical3A_244 : vector<16xi32>
      %and3A_247 = arith.constant 127 : i32
      %and3A_248 = vector.broadcast %and3A_247 : i32 to vector<16xi32>
      %and3A_249 = arith.andi %add3A_241, %and3A_248 : vector<16xi32>
      %gather3A_250 = tpu.vector_load_idx %arg8[%add3A_246, %and3A_249] : memref<10x128xf32, #tpu.memory_space<vmem>>[vector<16xi32>, vector<16xi32>], vector<16xf32>,
      %add3A_251 = arith.constant 14 : i32
      %add3A_252 = vector.broadcast %add3A_251 : i32 to vector<16xi32>
      %add3A_253 = arith.addi %mul3A_84, %add3A_252 : vector<16xi32>
      %shift_right_logical3A_254 = arith.constant 7 : i32
      %shift_right_logical3A_255 = vector.broadcast %shift_right_logical3A_254 : i32 to vector<16xi32>
      %shift_right_logical3A_256 = arith.shrui %add3A_253, %shift_right_logical3A_255 : vector<16xi32>
      %add3A_257 = vector.broadcast %mul3A_71 : i32 to vector<16xi32>
      %add3A_258 = arith.addi %add3A_257, %shift_right_logical3A_256 : vector<16xi32>
      %and3A_259 = arith.constant 127 : i32
      %and3A_260 = vector.broadcast %and3A_259 : i32 to vector<16xi32>
      %and3A_261 = arith.andi %add3A_253, %and3A_260 : vector<16xi32>
      %gather3A_262 = tpu.vector_load_idx %arg8[%add3A_258, %and3A_261] : memref<10x128xf32, #tpu.memory_space<vmem>>[vector<16xi32>, vector<16xi32>], vector<16xf32>,
      %add3A_263 = arith.constant 15 : i32
      %add3A_264 = vector.broadcast %add3A_263 : i32 to vector<16xi32>
      %add3A_265 = arith.addi %mul3A_84, %add3A_264 : vector<16xi32>
      %shift_right_logical3A_266 = arith.constant 7 : i32
      %shift_right_logical3A_267 = vector.broadcast %shift_right_logical3A_266 : i32 to vector<16xi32>
      %shift_right_logical3A_268 = arith.shrui %add3A_265, %shift_right_logical3A_267 : vector<16xi32>
      %add3A_269 = vector.broadcast %mul3A_71 : i32 to vector<16xi32>
      %add3A_270 = arith.addi %add3A_269, %shift_right_logical3A_268 : vector<16xi32>
      %and3A_271 = arith.constant 127 : i32
      %and3A_272 = vector.broadcast %and3A_271 : i32 to vector<16xi32>
      %and3A_273 = arith.andi %add3A_265, %and3A_272 : vector<16xi32>
      %gather3A_274 = tpu.vector_load_idx %arg8[%add3A_270, %and3A_273] : memref<10x128xf32, #tpu.memory_space<vmem>>[vector<16xi32>, vector<16xi32>], vector<16xf32>,
      %add3A_275 = arith.constant 16 : i32
      %add3A_276 = vector.broadcast %add3A_275 : i32 to vector<16xi32>
      %add3A_277 = arith.addi %mul3A_84, %add3A_276 : vector<16xi32>
      %shift_right_logical3A_278 = arith.constant 7 : i32
      %shift_right_logical3A_279 = vector.broadcast %shift_right_logical3A_278 : i32 to vector<16xi32>
      %shift_right_logical3A_280 = arith.shrui %add3A_277, %shift_right_logical3A_279 : vector<16xi32>
      %add3A_281 = vector.broadcast %mul3A_71 : i32 to vector<16xi32>
      %add3A_282 = arith.addi %add3A_281, %shift_right_logical3A_280 : vector<16xi32>
      %and3A_283 = arith.constant 127 : i32
      %and3A_284 = vector.broadcast %and3A_283 : i32 to vector<16xi32>
      %and3A_285 = arith.andi %add3A_277, %and3A_284 : vector<16xi32>
      %gather3A_286 = tpu.vector_load_idx %arg8[%add3A_282, %and3A_285] : memref<10x128xf32, #tpu.memory_space<vmem>>[vector<16xi32>, vector<16xi32>], vector<16xf32>,
      %add3A_287 = arith.constant 17 : i32
      %add3A_288 = vector.broadcast %add3A_287 : i32 to vector<16xi32>
      %add3A_289 = arith.addi %mul3A_84, %add3A_288 : vector<16xi32>
      %shift_right_logical3A_290 = arith.constant 7 : i32
      %shift_right_logical3A_291 = vector.broadcast %shift_right_logical3A_290 : i32 to vector<16xi32>
      %shift_right_logical3A_292 = arith.shrui %add3A_289, %shift_right_logical3A_291 : vector<16xi32>
      %add3A_293 = vector.broadcast %mul3A_71 : i32 to vector<16xi32>
      %add3A_294 = arith.addi %add3A_293, %shift_right_logical3A_292 : vector<16xi32>
      %and3A_295 = arith.constant 127 : i32
      %and3A_296 = vector.broadcast %and3A_295 : i32 to vector<16xi32>
      %and3A_297 = arith.andi %add3A_289, %and3A_296 : vector<16xi32>
      %gather3A_298 = tpu.vector_load_idx %arg8[%add3A_294, %and3A_297] : memref<10x128xf32, #tpu.memory_space<vmem>>[vector<16xi32>, vector<16xi32>], vector<16xf32>,
      %add3A_299 = arith.constant 18 : i32
      %add3A_300 = vector.broadcast %add3A_299 : i32 to vector<16xi32>
      %add3A_301 = arith.addi %mul3A_84, %add3A_300 : vector<16xi32>
      %shift_right_logical3A_302 = arith.constant 7 : i32
      %shift_right_logical3A_303 = vector.broadcast %shift_right_logical3A_302 : i32 to vector<16xi32>
      %shift_right_logical3A_304 = arith.shrui %add3A_301, %shift_right_logical3A_303 : vector<16xi32>
      %add3A_305 = vector.broadcast %mul3A_71 : i32 to vector<16xi32>
      %add3A_306 = arith.addi %add3A_305, %shift_right_logical3A_304 : vector<16xi32>
      %and3A_307 = arith.constant 127 : i32
      %and3A_308 = vector.broadcast %and3A_307 : i32 to vector<16xi32>
      %and3A_309 = arith.andi %add3A_301, %and3A_308 : vector<16xi32>
      %gather3A_310 = tpu.vector_load_idx %arg8[%add3A_306, %and3A_309] : memref<10x128xf32, #tpu.memory_space<vmem>>[vector<16xi32>, vector<16xi32>], vector<16xf32>,
      %add3A_311 = arith.constant 19 : i32
      %add3A_312 = vector.broadcast %add3A_311 : i32 to vector<16xi32>
      %add3A_313 = arith.addi %mul3A_84, %add3A_312 : vector<16xi32>
      %shift_right_logical3A_314 = arith.constant 7 : i32
      %shift_right_logical3A_315 = vector.broadcast %shift_right_logical3A_314 : i32 to vector<16xi32>
      %shift_right_logical3A_316 = arith.shrui %add3A_313, %shift_right_logical3A_315 : vector<16xi32>
      %add3A_317 = vector.broadcast %mul3A_71 : i32 to vector<16xi32>
      %add3A_318 = arith.addi %add3A_317, %shift_right_logical3A_316 : vector<16xi32>
      %and3A_319 = arith.constant 127 : i32
      %and3A_320 = vector.broadcast %and3A_319 : i32 to vector<16xi32>
      %and3A_321 = arith.andi %add3A_313, %and3A_320 : vector<16xi32>
      %gather3A_322 = tpu.vector_load_idx %arg8[%add3A_318, %and3A_321] : memref<10x128xf32, #tpu.memory_space<vmem>>[vector<16xi32>, vector<16xi32>], vector<16xf32>,
      %add3A_323 = arith.addf %gather3A, %gather3A_106 : vector<16xf32>
      %add3A_324 = arith.addf %gather3A_118, %gather3A_130 : vector<16xf32>
      %add3A_325 = arith.addf %gather3A_142, %gather3A_154 : vector<16xf32>
      %add3A_326 = arith.addf %gather3A_166, %gather3A_178 : vector<16xf32>
      %add3A_327 = arith.addf %gather3A_190, %gather3A_202 : vector<16xf32>
      %add3A_328 = arith.addf %gather3A_214, %gather3A_226 : vector<16xf32>
      %add3A_329 = arith.addf %gather3A_238, %gather3A_250 : vector<16xf32>
      %add3A_330 = arith.addf %gather3A_262, %gather3A_274 : vector<16xf32>
      %add3A_331 = arith.addf %gather3A_286, %gather3A_298 : vector<16xf32>
      %add3A_332 = arith.addf %gather3A_310, %gather3A_322 : vector<16xf32>
      %add3A_333 = arith.addf %add3A_323, %add3A_324 : vector<16xf32>
      %add3A_334 = arith.addf %add3A_325, %add3A_326 : vector<16xf32>
      %add3A_335 = arith.addf %add3A_327, %add3A_328 : vector<16xf32>
      %add3A_336 = arith.addf %add3A_329, %add3A_330 : vector<16xf32>
      %add3A_337 = arith.addf %add3A_331, %add3A_332 : vector<16xf32>
      %add3A_338 = arith.addf %add3A_333, %add3A_334 : vector<16xf32>
      %add3A_339 = arith.addf %add3A_335, %add3A_336 : vector<16xf32>
      %add3A_340 = arith.addf %add3A_338, %add3A_339 : vector<16xf32>
      %add3A_341 = arith.addf %add3A_340, %add3A_337 : vector<16xf32>
      %add3A_342 = arith.addf %scan3A_67, %add3A_341 : vector<16xf32>
      %add3A_343 = arith.constant 320 : i32
      %add3A_344 = vector.broadcast %add3A_343 : i32 to vector<16xi32>
      %add3A_345 = arith.addi %mul3A_84, %add3A_344 : vector<16xi32>
      %shift_right_logical3A_346 = arith.constant 7 : i32
      %shift_right_logical3A_347 = vector.broadcast %shift_right_logical3A_346 : i32 to vector<16xi32>
      %shift_right_logical3A_348 = arith.shrui %add3A_345, %shift_right_logical3A_347 : vector<16xi32>
      %add3A_349 = vector.broadcast %mul3A_71 : i32 to vector<16xi32>
      %add3A_350 = arith.addi %add3A_349, %shift_right_logical3A_348 : vector<16xi32>
      %and3A_351 = arith.constant 127 : i32
      %and3A_352 = vector.broadcast %and3A_351 : i32 to vector<16xi32>
      %and3A_353 = arith.andi %add3A_345, %and3A_352 : vector<16xi32>
      %gather3A_354 = tpu.vector_load_idx %arg8[%add3A_350, %and3A_353] : memref<10x128xf32, #tpu.memory_space<vmem>>[vector<16xi32>, vector<16xi32>], vector<16xf32>,
      %add3A_355 = arith.constant 321 : i32
      %add3A_356 = vector.broadcast %add3A_355 : i32 to vector<16xi32>
      %add3A_357 = arith.addi %mul3A_84, %add3A_356 : vector<16xi32>
      %shift_right_logical3A_358 = arith.constant 7 : i32
      %shift_right_logical3A_359 = vector.broadcast %shift_right_logical3A_358 : i32 to vector<16xi32>
      %shift_right_logical3A_360 = arith.shrui %add3A_357, %shift_right_logical3A_359 : vector<16xi32>
      %add3A_361 = vector.broadcast %mul3A_71 : i32 to vector<16xi32>
      %add3A_362 = arith.addi %add3A_361, %shift_right_logical3A_360 : vector<16xi32>
      %and3A_363 = arith.constant 127 : i32
      %and3A_364 = vector.broadcast %and3A_363 : i32 to vector<16xi32>
      %and3A_365 = arith.andi %add3A_357, %and3A_364 : vector<16xi32>
      %gather3A_366 = tpu.vector_load_idx %arg8[%add3A_362, %and3A_365] : memref<10x128xf32, #tpu.memory_space<vmem>>[vector<16xi32>, vector<16xi32>], vector<16xf32>,
      %add3A_367 = arith.constant 322 : i32
      %add3A_368 = vector.broadcast %add3A_367 : i32 to vector<16xi32>
      %add3A_369 = arith.addi %mul3A_84, %add3A_368 : vector<16xi32>
      %shift_right_logical3A_370 = arith.constant 7 : i32
      %shift_right_logical3A_371 = vector.broadcast %shift_right_logical3A_370 : i32 to vector<16xi32>
      %shift_right_logical3A_372 = arith.shrui %add3A_369, %shift_right_logical3A_371 : vector<16xi32>
      %add3A_373 = vector.broadcast %mul3A_71 : i32 to vector<16xi32>
      %add3A_374 = arith.addi %add3A_373, %shift_right_logical3A_372 : vector<16xi32>
      %and3A_375 = arith.constant 127 : i32
      %and3A_376 = vector.broadcast %and3A_375 : i32 to vector<16xi32>
      %and3A_377 = arith.andi %add3A_369, %and3A_376 : vector<16xi32>
      %gather3A_378 = tpu.vector_load_idx %arg8[%add3A_374, %and3A_377] : memref<10x128xf32, #tpu.memory_space<vmem>>[vector<16xi32>, vector<16xi32>], vector<16xf32>,
      %add3A_379 = arith.constant 323 : i32
      %add3A_380 = vector.broadcast %add3A_379 : i32 to vector<16xi32>
      %add3A_381 = arith.addi %mul3A_84, %add3A_380 : vector<16xi32>
      %shift_right_logical3A_382 = arith.constant 7 : i32
      %shift_right_logical3A_383 = vector.broadcast %shift_right_logical3A_382 : i32 to vector<16xi32>
      %shift_right_logical3A_384 = arith.shrui %add3A_381, %shift_right_logical3A_383 : vector<16xi32>
      %add3A_385 = vector.broadcast %mul3A_71 : i32 to vector<16xi32>
      %add3A_386 = arith.addi %add3A_385, %shift_right_logical3A_384 : vector<16xi32>
      %and3A_387 = arith.constant 127 : i32
      %and3A_388 = vector.broadcast %and3A_387 : i32 to vector<16xi32>
      %and3A_389 = arith.andi %add3A_381, %and3A_388 : vector<16xi32>
      %gather3A_390 = tpu.vector_load_idx %arg8[%add3A_386, %and3A_389] : memref<10x128xf32, #tpu.memory_space<vmem>>[vector<16xi32>, vector<16xi32>], vector<16xf32>,
      %add3A_391 = arith.constant 324 : i32
      %add3A_392 = vector.broadcast %add3A_391 : i32 to vector<16xi32>
      %add3A_393 = arith.addi %mul3A_84, %add3A_392 : vector<16xi32>
      %shift_right_logical3A_394 = arith.constant 7 : i32
      %shift_right_logical3A_395 = vector.broadcast %shift_right_logical3A_394 : i32 to vector<16xi32>
      %shift_right_logical3A_396 = arith.shrui %add3A_393, %shift_right_logical3A_395 : vector<16xi32>
      %add3A_397 = vector.broadcast %mul3A_71 : i32 to vector<16xi32>
      %add3A_398 = arith.addi %add3A_397, %shift_right_logical3A_396 : vector<16xi32>
      %and3A_399 = arith.constant 127 : i32
      %and3A_400 = vector.broadcast %and3A_399 : i32 to vector<16xi32>
      %and3A_401 = arith.andi %add3A_393, %and3A_400 : vector<16xi32>
      %gather3A_402 = tpu.vector_load_idx %arg8[%add3A_398, %and3A_401] : memref<10x128xf32, #tpu.memory_space<vmem>>[vector<16xi32>, vector<16xi32>], vector<16xf32>,
      %add3A_403 = arith.constant 325 : i32
      %add3A_404 = vector.broadcast %add3A_403 : i32 to vector<16xi32>
      %add3A_405 = arith.addi %mul3A_84, %add3A_404 : vector<16xi32>
      %shift_right_logical3A_406 = arith.constant 7 : i32
      %shift_right_logical3A_407 = vector.broadcast %shift_right_logical3A_406 : i32 to vector<16xi32>
      %shift_right_logical3A_408 = arith.shrui %add3A_405, %shift_right_logical3A_407 : vector<16xi32>
      %add3A_409 = vector.broadcast %mul3A_71 : i32 to vector<16xi32>
      %add3A_410 = arith.addi %add3A_409, %shift_right_logical3A_408 : vector<16xi32>
      %and3A_411 = arith.constant 127 : i32
      %and3A_412 = vector.broadcast %and3A_411 : i32 to vector<16xi32>
      %and3A_413 = arith.andi %add3A_405, %and3A_412 : vector<16xi32>
      %gather3A_414 = tpu.vector_load_idx %arg8[%add3A_410, %and3A_413] : memref<10x128xf32, #tpu.memory_space<vmem>>[vector<16xi32>, vector<16xi32>], vector<16xf32>,
      %add3A_415 = arith.constant 326 : i32
      %add3A_416 = vector.broadcast %add3A_415 : i32 to vector<16xi32>
      %add3A_417 = arith.addi %mul3A_84, %add3A_416 : vector<16xi32>
      %shift_right_logical3A_418 = arith.constant 7 : i32
      %shift_right_logical3A_419 = vector.broadcast %shift_right_logical3A_418 : i32 to vector<16xi32>
      %shift_right_logical3A_420 = arith.shrui %add3A_417, %shift_right_logical3A_419 : vector<16xi32>
      %add3A_421 = vector.broadcast %mul3A_71 : i32 to vector<16xi32>
      %add3A_422 = arith.addi %add3A_421, %shift_right_logical3A_420 : vector<16xi32>
      %and3A_423 = arith.constant 127 : i32
      %and3A_424 = vector.broadcast %and3A_423 : i32 to vector<16xi32>
      %and3A_425 = arith.andi %add3A_417, %and3A_424 : vector<16xi32>
      %gather3A_426 = tpu.vector_load_idx %arg8[%add3A_422, %and3A_425] : memref<10x128xf32, #tpu.memory_space<vmem>>[vector<16xi32>, vector<16xi32>], vector<16xf32>,
      %add3A_427 = arith.constant 327 : i32
      %add3A_428 = vector.broadcast %add3A_427 : i32 to vector<16xi32>
      %add3A_429 = arith.addi %mul3A_84, %add3A_428 : vector<16xi32>
      %shift_right_logical3A_430 = arith.constant 7 : i32
      %shift_right_logical3A_431 = vector.broadcast %shift_right_logical3A_430 : i32 to vector<16xi32>
      %shift_right_logical3A_432 = arith.shrui %add3A_429, %shift_right_logical3A_431 : vector<16xi32>
      %add3A_433 = vector.broadcast %mul3A_71 : i32 to vector<16xi32>
      %add3A_434 = arith.addi %add3A_433, %shift_right_logical3A_432 : vector<16xi32>
      %and3A_435 = arith.constant 127 : i32
      %and3A_436 = vector.broadcast %and3A_435 : i32 to vector<16xi32>
      %and3A_437 = arith.andi %add3A_429, %and3A_436 : vector<16xi32>
      %gather3A_438 = tpu.vector_load_idx %arg8[%add3A_434, %and3A_437] : memref<10x128xf32, #tpu.memory_space<vmem>>[vector<16xi32>, vector<16xi32>], vector<16xf32>,
      %add3A_439 = arith.constant 328 : i32
      %add3A_440 = vector.broadcast %add3A_439 : i32 to vector<16xi32>
      %add3A_441 = arith.addi %mul3A_84, %add3A_440 : vector<16xi32>
      %shift_right_logical3A_442 = arith.constant 7 : i32
      %shift_right_logical3A_443 = vector.broadcast %shift_right_logical3A_442 : i32 to vector<16xi32>
      %shift_right_logical3A_444 = arith.shrui %add3A_441, %shift_right_logical3A_443 : vector<16xi32>
      %add3A_445 = vector.broadcast %mul3A_71 : i32 to vector<16xi32>
      %add3A_446 = arith.addi %add3A_445, %shift_right_logical3A_444 : vector<16xi32>
      %and3A_447 = arith.constant 127 : i32
      %and3A_448 = vector.broadcast %and3A_447 : i32 to vector<16xi32>
      %and3A_449 = arith.andi %add3A_441, %and3A_448 : vector<16xi32>
      %gather3A_450 = tpu.vector_load_idx %arg8[%add3A_446, %and3A_449] : memref<10x128xf32, #tpu.memory_space<vmem>>[vector<16xi32>, vector<16xi32>], vector<16xf32>,
      %add3A_451 = arith.constant 329 : i32
      %add3A_452 = vector.broadcast %add3A_451 : i32 to vector<16xi32>
      %add3A_453 = arith.addi %mul3A_84, %add3A_452 : vector<16xi32>
      %shift_right_logical3A_454 = arith.constant 7 : i32
      %shift_right_logical3A_455 = vector.broadcast %shift_right_logical3A_454 : i32 to vector<16xi32>
      %shift_right_logical3A_456 = arith.shrui %add3A_453, %shift_right_logical3A_455 : vector<16xi32>
      %add3A_457 = vector.broadcast %mul3A_71 : i32 to vector<16xi32>
      %add3A_458 = arith.addi %add3A_457, %shift_right_logical3A_456 : vector<16xi32>
      %and3A_459 = arith.constant 127 : i32
      %and3A_460 = vector.broadcast %and3A_459 : i32 to vector<16xi32>
      %and3A_461 = arith.andi %add3A_453, %and3A_460 : vector<16xi32>
      %gather3A_462 = tpu.vector_load_idx %arg8[%add3A_458, %and3A_461] : memref<10x128xf32, #tpu.memory_space<vmem>>[vector<16xi32>, vector<16xi32>], vector<16xf32>,
      %add3A_463 = arith.constant 330 : i32
      %add3A_464 = vector.broadcast %add3A_463 : i32 to vector<16xi32>
      %add3A_465 = arith.addi %mul3A_84, %add3A_464 : vector<16xi32>
      %shift_right_logical3A_466 = arith.constant 7 : i32
      %shift_right_logical3A_467 = vector.broadcast %shift_right_logical3A_466 : i32 to vector<16xi32>
      %shift_right_logical3A_468 = arith.shrui %add3A_465, %shift_right_logical3A_467 : vector<16xi32>
      %add3A_469 = vector.broadcast %mul3A_71 : i32 to vector<16xi32>
      %add3A_470 = arith.addi %add3A_469, %shift_right_logical3A_468 : vector<16xi32>
      %and3A_471 = arith.constant 127 : i32
      %and3A_472 = vector.broadcast %and3A_471 : i32 to vector<16xi32>
      %and3A_473 = arith.andi %add3A_465, %and3A_472 : vector<16xi32>
      %gather3A_474 = tpu.vector_load_idx %arg8[%add3A_470, %and3A_473] : memref<10x128xf32, #tpu.memory_space<vmem>>[vector<16xi32>, vector<16xi32>], vector<16xf32>,
      %add3A_475 = arith.constant 331 : i32
      %add3A_476 = vector.broadcast %add3A_475 : i32 to vector<16xi32>
      %add3A_477 = arith.addi %mul3A_84, %add3A_476 : vector<16xi32>
      %shift_right_logical3A_478 = arith.constant 7 : i32
      %shift_right_logical3A_479 = vector.broadcast %shift_right_logical3A_478 : i32 to vector<16xi32>
      %shift_right_logical3A_480 = arith.shrui %add3A_477, %shift_right_logical3A_479 : vector<16xi32>
      %add3A_481 = vector.broadcast %mul3A_71 : i32 to vector<16xi32>
      %add3A_482 = arith.addi %add3A_481, %shift_right_logical3A_480 : vector<16xi32>
      %and3A_483 = arith.constant 127 : i32
      %and3A_484 = vector.broadcast %and3A_483 : i32 to vector<16xi32>
      %and3A_485 = arith.andi %add3A_477, %and3A_484 : vector<16xi32>
      %gather3A_486 = tpu.vector_load_idx %arg8[%add3A_482, %and3A_485] : memref<10x128xf32, #tpu.memory_space<vmem>>[vector<16xi32>, vector<16xi32>], vector<16xf32>,
      %add3A_487 = arith.constant 332 : i32
      %add3A_488 = vector.broadcast %add3A_487 : i32 to vector<16xi32>
      %add3A_489 = arith.addi %mul3A_84, %add3A_488 : vector<16xi32>
      %shift_right_logical3A_490 = arith.constant 7 : i32
      %shift_right_logical3A_491 = vector.broadcast %shift_right_logical3A_490 : i32 to vector<16xi32>
      %shift_right_logical3A_492 = arith.shrui %add3A_489, %shift_right_logical3A_491 : vector<16xi32>
      %add3A_493 = vector.broadcast %mul3A_71 : i32 to vector<16xi32>
      %add3A_494 = arith.addi %add3A_493, %shift_right_logical3A_492 : vector<16xi32>
      %and3A_495 = arith.constant 127 : i32
      %and3A_496 = vector.broadcast %and3A_495 : i32 to vector<16xi32>
      %and3A_497 = arith.andi %add3A_489, %and3A_496 : vector<16xi32>
      %gather3A_498 = tpu.vector_load_idx %arg8[%add3A_494, %and3A_497] : memref<10x128xf32, #tpu.memory_space<vmem>>[vector<16xi32>, vector<16xi32>], vector<16xf32>,
      %add3A_499 = arith.constant 333 : i32
      %add3A_500 = vector.broadcast %add3A_499 : i32 to vector<16xi32>
      %add3A_501 = arith.addi %mul3A_84, %add3A_500 : vector<16xi32>
      %shift_right_logical3A_502 = arith.constant 7 : i32
      %shift_right_logical3A_503 = vector.broadcast %shift_right_logical3A_502 : i32 to vector<16xi32>
      %shift_right_logical3A_504 = arith.shrui %add3A_501, %shift_right_logical3A_503 : vector<16xi32>
      %add3A_505 = vector.broadcast %mul3A_71 : i32 to vector<16xi32>
      %add3A_506 = arith.addi %add3A_505, %shift_right_logical3A_504 : vector<16xi32>
      %and3A_507 = arith.constant 127 : i32
      %and3A_508 = vector.broadcast %and3A_507 : i32 to vector<16xi32>
      %and3A_509 = arith.andi %add3A_501, %and3A_508 : vector<16xi32>
      %gather3A_510 = tpu.vector_load_idx %arg8[%add3A_506, %and3A_509] : memref<10x128xf32, #tpu.memory_space<vmem>>[vector<16xi32>, vector<16xi32>], vector<16xf32>,
      %add3A_511 = arith.constant 334 : i32
      %add3A_512 = vector.broadcast %add3A_511 : i32 to vector<16xi32>
      %add3A_513 = arith.addi %mul3A_84, %add3A_512 : vector<16xi32>
      %shift_right_logical3A_514 = arith.constant 7 : i32
      %shift_right_logical3A_515 = vector.broadcast %shift_right_logical3A_514 : i32 to vector<16xi32>
      %shift_right_logical3A_516 = arith.shrui %add3A_513, %shift_right_logical3A_515 : vector<16xi32>
      %add3A_517 = vector.broadcast %mul3A_71 : i32 to vector<16xi32>
      %add3A_518 = arith.addi %add3A_517, %shift_right_logical3A_516 : vector<16xi32>
      %and3A_519 = arith.constant 127 : i32
      %and3A_520 = vector.broadcast %and3A_519 : i32 to vector<16xi32>
      %and3A_521 = arith.andi %add3A_513, %and3A_520 : vector<16xi32>
      %gather3A_522 = tpu.vector_load_idx %arg8[%add3A_518, %and3A_521] : memref<10x128xf32, #tpu.memory_space<vmem>>[vector<16xi32>, vector<16xi32>], vector<16xf32>,
      %add3A_523 = arith.constant 335 : i32
      %add3A_524 = vector.broadcast %add3A_523 : i32 to vector<16xi32>
      %add3A_525 = arith.addi %mul3A_84, %add3A_524 : vector<16xi32>
      %shift_right_logical3A_526 = arith.constant 7 : i32
      %shift_right_logical3A_527 = vector.broadcast %shift_right_logical3A_526 : i32 to vector<16xi32>
      %shift_right_logical3A_528 = arith.shrui %add3A_525, %shift_right_logical3A_527 : vector<16xi32>
      %add3A_529 = vector.broadcast %mul3A_71 : i32 to vector<16xi32>
      %add3A_530 = arith.addi %add3A_529, %shift_right_logical3A_528 : vector<16xi32>
      %and3A_531 = arith.constant 127 : i32
      %and3A_532 = vector.broadcast %and3A_531 : i32 to vector<16xi32>
      %and3A_533 = arith.andi %add3A_525, %and3A_532 : vector<16xi32>
      %gather3A_534 = tpu.vector_load_idx %arg8[%add3A_530, %and3A_533] : memref<10x128xf32, #tpu.memory_space<vmem>>[vector<16xi32>, vector<16xi32>], vector<16xf32>,
      %add3A_535 = arith.constant 336 : i32
      %add3A_536 = vector.broadcast %add3A_535 : i32 to vector<16xi32>
      %add3A_537 = arith.addi %mul3A_84, %add3A_536 : vector<16xi32>
      %shift_right_logical3A_538 = arith.constant 7 : i32
      %shift_right_logical3A_539 = vector.broadcast %shift_right_logical3A_538 : i32 to vector<16xi32>
      %shift_right_logical3A_540 = arith.shrui %add3A_537, %shift_right_logical3A_539 : vector<16xi32>
      %add3A_541 = vector.broadcast %mul3A_71 : i32 to vector<16xi32>
      %add3A_542 = arith.addi %add3A_541, %shift_right_logical3A_540 : vector<16xi32>
      %and3A_543 = arith.constant 127 : i32
      %and3A_544 = vector.broadcast %and3A_543 : i32 to vector<16xi32>
      %and3A_545 = arith.andi %add3A_537, %and3A_544 : vector<16xi32>
      %gather3A_546 = tpu.vector_load_idx %arg8[%add3A_542, %and3A_545] : memref<10x128xf32, #tpu.memory_space<vmem>>[vector<16xi32>, vector<16xi32>], vector<16xf32>,
      %add3A_547 = arith.constant 337 : i32
      %add3A_548 = vector.broadcast %add3A_547 : i32 to vector<16xi32>
      %add3A_549 = arith.addi %mul3A_84, %add3A_548 : vector<16xi32>
      %shift_right_logical3A_550 = arith.constant 7 : i32
      %shift_right_logical3A_551 = vector.broadcast %shift_right_logical3A_550 : i32 to vector<16xi32>
      %shift_right_logical3A_552 = arith.shrui %add3A_549, %shift_right_logical3A_551 : vector<16xi32>
      %add3A_553 = vector.broadcast %mul3A_71 : i32 to vector<16xi32>
      %add3A_554 = arith.addi %add3A_553, %shift_right_logical3A_552 : vector<16xi32>
      %and3A_555 = arith.constant 127 : i32
      %and3A_556 = vector.broadcast %and3A_555 : i32 to vector<16xi32>
      %and3A_557 = arith.andi %add3A_549, %and3A_556 : vector<16xi32>
      %gather3A_558 = tpu.vector_load_idx %arg8[%add3A_554, %and3A_557] : memref<10x128xf32, #tpu.memory_space<vmem>>[vector<16xi32>, vector<16xi32>], vector<16xf32>,
      %add3A_559 = arith.constant 338 : i32
      %add3A_560 = vector.broadcast %add3A_559 : i32 to vector<16xi32>
      %add3A_561 = arith.addi %mul3A_84, %add3A_560 : vector<16xi32>
      %shift_right_logical3A_562 = arith.constant 7 : i32
      %shift_right_logical3A_563 = vector.broadcast %shift_right_logical3A_562 : i32 to vector<16xi32>
      %shift_right_logical3A_564 = arith.shrui %add3A_561, %shift_right_logical3A_563 : vector<16xi32>
      %add3A_565 = vector.broadcast %mul3A_71 : i32 to vector<16xi32>
      %add3A_566 = arith.addi %add3A_565, %shift_right_logical3A_564 : vector<16xi32>
      %and3A_567 = arith.constant 127 : i32
      %and3A_568 = vector.broadcast %and3A_567 : i32 to vector<16xi32>
      %and3A_569 = arith.andi %add3A_561, %and3A_568 : vector<16xi32>
      %gather3A_570 = tpu.vector_load_idx %arg8[%add3A_566, %and3A_569] : memref<10x128xf32, #tpu.memory_space<vmem>>[vector<16xi32>, vector<16xi32>], vector<16xf32>,
      %add3A_571 = arith.constant 339 : i32
      %add3A_572 = vector.broadcast %add3A_571 : i32 to vector<16xi32>
      %add3A_573 = arith.addi %mul3A_84, %add3A_572 : vector<16xi32>
      %shift_right_logical3A_574 = arith.constant 7 : i32
      %shift_right_logical3A_575 = vector.broadcast %shift_right_logical3A_574 : i32 to vector<16xi32>
      %shift_right_logical3A_576 = arith.shrui %add3A_573, %shift_right_logical3A_575 : vector<16xi32>
      %add3A_577 = vector.broadcast %mul3A_71 : i32 to vector<16xi32>
      %add3A_578 = arith.addi %add3A_577, %shift_right_logical3A_576 : vector<16xi32>
      %and3A_579 = arith.constant 127 : i32
      %and3A_580 = vector.broadcast %and3A_579 : i32 to vector<16xi32>
      %and3A_581 = arith.andi %add3A_573, %and3A_580 : vector<16xi32>
      %gather3A_582 = tpu.vector_load_idx %arg8[%add3A_578, %and3A_581] : memref<10x128xf32, #tpu.memory_space<vmem>>[vector<16xi32>, vector<16xi32>], vector<16xf32>,
      %add3A_583 = arith.addf %gather3A_354, %gather3A_366 : vector<16xf32>
      %add3A_584 = arith.addf %gather3A_378, %gather3A_390 : vector<16xf32>
      %add3A_585 = arith.addf %gather3A_402, %gather3A_414 : vector<16xf32>
      %add3A_586 = arith.addf %gather3A_426, %gather3A_438 : vector<16xf32>
      %add3A_587 = arith.addf %gather3A_450, %gather3A_462 : vector<16xf32>
      %add3A_588 = arith.addf %gather3A_474, %gather3A_486 : vector<16xf32>
      %add3A_589 = arith.addf %gather3A_498, %gather3A_510 : vector<16xf32>
      %add3A_590 = arith.addf %gather3A_522, %gather3A_534 : vector<16xf32>
      %add3A_591 = arith.addf %gather3A_546, %gather3A_558 : vector<16xf32>
      %add3A_592 = arith.addf %gather3A_570, %gather3A_582 : vector<16xf32>
      %add3A_593 = arith.addf %add3A_583, %add3A_584 : vector<16xf32>
      %add3A_594 = arith.addf %add3A_585, %add3A_586 : vector<16xf32>
      %add3A_595 = arith.addf %add3A_587, %add3A_588 : vector<16xf32>
      %add3A_596 = arith.addf %add3A_589, %add3A_590 : vector<16xf32>
      %add3A_597 = arith.addf %add3A_591, %add3A_592 : vector<16xf32>
      %add3A_598 = arith.addf %add3A_593, %add3A_594 : vector<16xf32>
      %add3A_599 = arith.addf %add3A_595, %add3A_596 : vector<16xf32>
      %add3A_600 = arith.addf %add3A_598, %add3A_599 : vector<16xf32>
      %add3A_601 = arith.addf %add3A_600, %add3A_597 : vector<16xf32>
      %add3A_602 = arith.addf %scan3A_68, %add3A_601 : vector<16xf32>
      scf.yield %add3A_342, %add3A_602 : vector<16xf32>, vector<16xf32>
    }
    %scan3A_57 = arith.constant 5 : i32
    %get3A = arith.constant 0 : index
    %get3A_58 = tpu.vector_load %arg9[%get3A] {strides = array<i32>} : memref<32xf32, #tpu.memory_space<vmem>>, vector<16xf32>,
    %add3A_59 = arith.addf %scan3A_56#0, %get3A_58 : vector<16xf32>
    %swap3A = arith.constant 0 : index
    %swap3A_60 = tpu.vector_load %arg10[%swap3A] {strides = array<i32>} : memref<32xf32, #tpu.memory_space<vmem>>, vector<16xf32>,
    tpu.vector_store %arg10[%swap3A], %add3A_59 {strides = array<i32>} : memref<32xf32, #tpu.memory_space<vmem>>, vector<16xf32>,
    %get3A_61 = arith.constant 16 : index
    %get3A_62 = tpu.vector_load %arg9[%get3A_61] {strides = array<i32>} : memref<32xf32, #tpu.memory_space<vmem>>, vector<16xf32>,
    %add3A_63 = arith.addf %scan3A_56#1, %get3A_62 : vector<16xf32>
    %swap3A_64 = arith.constant 16 : index
    %swap3A_65 = tpu.vector_load %arg10[%swap3A_64] {strides = array<i32>} : memref<32xf32, #tpu.memory_space<vmem>>, vector<16xf32>,
    tpu.vector_store %arg10[%swap3A_64], %add3A_63 {strides = array<i32>} : memref<32xf32, #tpu.memory_space<vmem>>, vector<16xf32>,
    "tpu.region"() ({
      %run_scoped3A = tpu.sem_alloc : memref<!tpu.dma_semaphore, #tpu.memory_space<semaphore_mem>>
      %dma_start3A_66 = tpu.memref_slice %arg6[%mul3A_2] : memref<1024xf32, #tpu.memory_space<hbm>> -> memref<32xf32, #tpu.memory_space<hbm>>
      %dma_start3A_67 = tpu.memref_slice %arg6[%mul3A_2] : memref<1024xf32, #tpu.memory_space<hbm>> -> memref<32xf32, #tpu.memory_space<hbm>>
      tpu.enqueue_dma source(%arg10 : memref<32xf32, #tpu.memory_space<vmem>>) target(%dma_start3A_67 : memref<32xf32, #tpu.memory_space<hbm>>) target_semaphore(%run_scoped3A : memref<!tpu.dma_semaphore, #tpu.memory_space<semaphore_mem>>)
      %dma_wait3A = tpu.memref_slice %arg6[%mul3A_2] : memref<1024xf32, #tpu.memory_space<hbm>> -> memref<32xf32, #tpu.memory_space<hbm>>
      %dma_wait3A_68 = tpu.memref_slice %arg6[%mul3A_2] : memref<1024xf32, #tpu.memory_space<hbm>> -> memref<32xf32, #tpu.memory_space<hbm>>
      tpu.wait_dma2 semaphore(%run_scoped3A : memref<!tpu.dma_semaphore, #tpu.memory_space<semaphore_mem>>) src(%arg10 : memref<32xf32, #tpu.memory_space<vmem>>) dst(%dma_wait3A_68 : memref<32xf32, #tpu.memory_space<hbm>>)
      tpu.yield
    }) : () -> ()
    return
  }
}

#map = affine_map<(d0, d1) -> (0)>
#map1 = affine_map<(d0, d1) -> (0, 0, 0)>
#map2 = affine_map<(d0, d1) -> (0, 0)>
module attributes {stable_mosaic.version = 14 : i64} {
  func.func @_sc_pool_body(%arg0: i32, %arg1: i32, %arg2: memref<2150400xf32, #tpu.memory_space<hbm>>, %arg3: memref<32x105x128xi32, #tpu.memory_space<hbm>>, %arg4: memref<1024x16xf32, #tpu.memory_space<hbm>>, %arg5: memref<16xf32, #tpu.memory_space<hbm>>, %arg6: memref<5x128xf32, #tpu.memory_space<hbm>>, %arg7: memref<1024xf32, #tpu.memory_space<hbm>>, %arg8: memref<105x128xi32, #tpu.memory_space<vmem>>, %arg9: memref<10x128xf32, #tpu.memory_space<vmem>>, %arg10: memref<32x16xf32, #tpu.memory_space<vmem>>, %arg11: memref<16xf32, #tpu.memory_space<vmem>>, %arg12: memref<32xf32, #tpu.memory_space<vmem>>, %arg13: memref<5x128xf32, #tpu.memory_space<vmem>>, %arg14: memref<!tpu.dma_semaphore, #tpu.memory_space<semaphore_mem>>) attributes {dimension_semantics = [#tpu.dimension_semantics<core_parallel>, #tpu.dimension_semantics<subcore_parallel>], iteration_bounds = array<i64: 2, 16>, scalar_prefetch = 0 : i64, scratch_operands = 7 : i64, tpu.core_type = #tpu.core_type<sc_vector_subcore>, window_params = [{transform_indices = #map}, {transform_indices = #map1}, {transform_indices = #map2}, {transform_indices = #map}, {transform_indices = #map2}, {transform_indices = #map}]} {
    %mul3A = arith.constant 2 : i32
    %mul3A_0 = arith.muli %arg1, %mul3A : i32
    %add3A = arith.addi %mul3A_0, %arg0 : i32
    %mul3A_1 = arith.constant 32 : i32
    %mul3A_2 = arith.muli %add3A, %mul3A_1 : i32
    "tpu.region"() ({
      %run_scoped3A = tpu.sem_alloc : memref<!tpu.dma_semaphore, #tpu.memory_space<semaphore_mem>>
      %dma_start3A_76 = arith.constant 0 : i32
      %dma_start3A_77 = arith.constant 0 : i32
      %dma_start3A_78 = tpu.memref_slice %arg3[%add3A, %dma_start3A_76, %dma_start3A_77] : memref<32x105x128xi32, #tpu.memory_space<hbm>> -> memref<1x105x128xi32, #tpu.memory_space<hbm>>
      %dma_start3A_79 = tpu.memref_squeeze %dma_start3A_78 : memref<1x105x128xi32, #tpu.memory_space<hbm>> -> memref<105x128xi32, #tpu.memory_space<hbm>>
      %dma_start3A_80 = arith.constant 0 : i32
      %dma_start3A_81 = arith.constant 0 : i32
      %dma_start3A_82 = tpu.memref_slice %arg3[%add3A, %dma_start3A_80, %dma_start3A_81] : memref<32x105x128xi32, #tpu.memory_space<hbm>> -> memref<1x105x128xi32, #tpu.memory_space<hbm>>
      %dma_start3A_83 = tpu.memref_squeeze %dma_start3A_82 : memref<1x105x128xi32, #tpu.memory_space<hbm>> -> memref<105x128xi32, #tpu.memory_space<hbm>>
      tpu.enqueue_dma source(%dma_start3A_83 : memref<105x128xi32, #tpu.memory_space<hbm>>) target(%arg8 : memref<105x128xi32, #tpu.memory_space<vmem>>) target_semaphore(%run_scoped3A : memref<!tpu.dma_semaphore, #tpu.memory_space<semaphore_mem>>)
      %dma_wait3A = arith.constant 0 : i32
      %dma_wait3A_84 = arith.constant 0 : i32
      %dma_wait3A_85 = tpu.memref_slice %arg3[%add3A, %dma_wait3A, %dma_wait3A_84] : memref<32x105x128xi32, #tpu.memory_space<hbm>> -> memref<1x105x128xi32, #tpu.memory_space<hbm>>
      %dma_wait3A_86 = tpu.memref_squeeze %dma_wait3A_85 : memref<1x105x128xi32, #tpu.memory_space<hbm>> -> memref<105x128xi32, #tpu.memory_space<hbm>>
      %dma_wait3A_87 = arith.constant 0 : i32
      %dma_wait3A_88 = arith.constant 0 : i32
      %dma_wait3A_89 = tpu.memref_slice %arg3[%add3A, %dma_wait3A_87, %dma_wait3A_88] : memref<32x105x128xi32, #tpu.memory_space<hbm>> -> memref<1x105x128xi32, #tpu.memory_space<hbm>>
      %dma_wait3A_90 = tpu.memref_squeeze %dma_wait3A_89 : memref<1x105x128xi32, #tpu.memory_space<hbm>> -> memref<105x128xi32, #tpu.memory_space<hbm>>
      tpu.wait_dma2 semaphore(%run_scoped3A : memref<!tpu.dma_semaphore, #tpu.memory_space<semaphore_mem>>) src(%dma_wait3A_90 : memref<105x128xi32, #tpu.memory_space<hbm>>) dst(%arg8 : memref<105x128xi32, #tpu.memory_space<vmem>>)
      tpu.yield
    }) : () -> ()
    "tpu.region"() ({
      %run_scoped3A = tpu.sem_alloc : memref<!tpu.dma_semaphore, #tpu.memory_space<semaphore_mem>>
      %dma_start3A_76 = arith.constant 0 : i32
      %dma_start3A_77 = tpu.memref_slice %arg4[%mul3A_2, %dma_start3A_76] : memref<1024x16xf32, #tpu.memory_space<hbm>> -> memref<32x16xf32, #tpu.memory_space<hbm>>
      %dma_start3A_78 = arith.constant 0 : i32
      %dma_start3A_79 = tpu.memref_slice %arg4[%mul3A_2, %dma_start3A_78] : memref<1024x16xf32, #tpu.memory_space<hbm>> -> memref<32x16xf32, #tpu.memory_space<hbm>>
      tpu.enqueue_dma source(%dma_start3A_79 : memref<32x16xf32, #tpu.memory_space<hbm>>) target(%arg10 : memref<32x16xf32, #tpu.memory_space<vmem>>) target_semaphore(%run_scoped3A : memref<!tpu.dma_semaphore, #tpu.memory_space<semaphore_mem>>)
      %dma_wait3A = arith.constant 0 : i32
      %dma_wait3A_80 = tpu.memref_slice %arg4[%mul3A_2, %dma_wait3A] : memref<1024x16xf32, #tpu.memory_space<hbm>> -> memref<32x16xf32, #tpu.memory_space<hbm>>
      %dma_wait3A_81 = arith.constant 0 : i32
      %dma_wait3A_82 = tpu.memref_slice %arg4[%mul3A_2, %dma_wait3A_81] : memref<1024x16xf32, #tpu.memory_space<hbm>> -> memref<32x16xf32, #tpu.memory_space<hbm>>
      tpu.wait_dma2 semaphore(%run_scoped3A : memref<!tpu.dma_semaphore, #tpu.memory_space<semaphore_mem>>) src(%dma_wait3A_82 : memref<32x16xf32, #tpu.memory_space<hbm>>) dst(%arg10 : memref<32x16xf32, #tpu.memory_space<vmem>>)
      tpu.yield
    }) : () -> ()
    "tpu.region"() ({
      %run_scoped3A = tpu.sem_alloc : memref<!tpu.dma_semaphore, #tpu.memory_space<semaphore_mem>>
      tpu.enqueue_dma source(%arg5 : memref<16xf32, #tpu.memory_space<hbm>>) target(%arg11 : memref<16xf32, #tpu.memory_space<vmem>>) target_semaphore(%run_scoped3A : memref<!tpu.dma_semaphore, #tpu.memory_space<semaphore_mem>>)
      tpu.wait_dma2 semaphore(%run_scoped3A : memref<!tpu.dma_semaphore, #tpu.memory_space<semaphore_mem>>) src(%arg5 : memref<16xf32, #tpu.memory_space<hbm>>) dst(%arg11 : memref<16xf32, #tpu.memory_space<vmem>>)
      tpu.yield
    }) : () -> ()
    %iota3A = tpu.iota {dimensions = array<i32: 0>} : vector<16xi32>
    %get3A = arith.constant 0 : index
    %get3A_3 = tpu.vector_load %arg11[%get3A] {strides = array<i32>} : memref<16xf32, #tpu.memory_space<vmem>>, vector<16xf32>,
    %broadcast_in_dim3A = arith.constant 0.000000e+00 : f32
    %broadcast_in_dim3A_4 = vector.broadcast %broadcast_in_dim3A : f32 to vector<16xf32>
    %scan3A = arith.constant 0 : i32
    %scan3A_5 = arith.constant 16 : i32
    %scan3A_6 = arith.addi %scan3A, %scan3A_5 : i32
    %scan3A_7 = arith.constant 1 : i32
    %scan3A_8 = scf.for %scan3A_76 = %scan3A to %scan3A_6 step %scan3A_7 iter_args(%scan3A_77 = %broadcast_in_dim3A_4) -> (vector<16xf32>)  : i32 {
      %add3A_78 = arith.constant 0 : i32
      %add3A_79 = arith.addi %add3A_78, %scan3A_76 : i32
      %get3A_80 = arith.index_cast %add3A_79 : i32 to index
      %get3A_81 = arith.constant 0 : index
      %get3A_82 = tpu.vector_load %arg10[%get3A_80, %get3A_81] {strides = array<i32>} : memref<32x16xf32, #tpu.memory_space<vmem>>, vector<16xf32>,
      %mul3A_83 = arith.mulf %get3A_82, %get3A_3 : vector<16xf32>
      %iota3A_84 = tpu.iota {dimensions = array<i32: 0>} : vector<16xi32>
      %xor3A = arith.constant 8 : i32
      %xor3A_85 = vector.broadcast %xor3A : i32 to vector<16xi32>
      %xor3A_86 = arith.xori %iota3A_84, %xor3A_85 : vector<16xi32>
      %broadcast_in_dim3A_87 = vector.shape_cast %xor3A_86 : vector<16xi32> to vector<16x1xi32>
      %gather3A = vector.shape_cast %broadcast_in_dim3A_87 : vector<16x1xi32> to vector<16xi32>
      %gather3A_88 = tpu.dynamic_gather %mul3A_83[%gather3A] in [0] : vector<16xf32>, vector<16xi32> -> vector<16xf32>
      %add3A_89 = arith.addf %mul3A_83, %gather3A_88 : vector<16xf32>
      %xor3A_90 = arith.constant 4 : i32
      %xor3A_91 = vector.broadcast %xor3A_90 : i32 to vector<16xi32>
      %xor3A_92 = arith.xori %iota3A_84, %xor3A_91 : vector<16xi32>
      %broadcast_in_dim3A_93 = vector.shape_cast %xor3A_92 : vector<16xi32> to vector<16x1xi32>
      %gather3A_94 = vector.shape_cast %broadcast_in_dim3A_93 : vector<16x1xi32> to vector<16xi32>
      %gather3A_95 = tpu.dynamic_gather %add3A_89[%gather3A_94] in [0] : vector<16xf32>, vector<16xi32> -> vector<16xf32>
      %add3A_96 = arith.addf %add3A_89, %gather3A_95 : vector<16xf32>
      %xor3A_97 = arith.constant 2 : i32
      %xor3A_98 = vector.broadcast %xor3A_97 : i32 to vector<16xi32>
      %xor3A_99 = arith.xori %iota3A_84, %xor3A_98 : vector<16xi32>
      %broadcast_in_dim3A_100 = vector.shape_cast %xor3A_99 : vector<16xi32> to vector<16x1xi32>
      %gather3A_101 = vector.shape_cast %broadcast_in_dim3A_100 : vector<16x1xi32> to vector<16xi32>
      %gather3A_102 = tpu.dynamic_gather %add3A_96[%gather3A_101] in [0] : vector<16xf32>, vector<16xi32> -> vector<16xf32>
      %add3A_103 = arith.addf %add3A_96, %gather3A_102 : vector<16xf32>
      %xor3A_104 = arith.constant 1 : i32
      %xor3A_105 = vector.broadcast %xor3A_104 : i32 to vector<16xi32>
      %xor3A_106 = arith.xori %iota3A_84, %xor3A_105 : vector<16xi32>
      %broadcast_in_dim3A_107 = vector.shape_cast %xor3A_106 : vector<16xi32> to vector<16x1xi32>
      %gather3A_108 = vector.shape_cast %broadcast_in_dim3A_107 : vector<16x1xi32> to vector<16xi32>
      %gather3A_109 = tpu.dynamic_gather %add3A_103[%gather3A_108] in [0] : vector<16xf32>, vector<16xi32> -> vector<16xf32>
      %add3A_110 = arith.addf %add3A_103, %gather3A_109 : vector<16xf32>
      %eq3A = vector.broadcast %scan3A_76 : i32 to vector<16xi32>
      %eq3A_111 = arith.cmpi eq, %iota3A, %eq3A : vector<16xi32>
      %add3A_112 = arith.addf %scan3A_77, %add3A_110 : vector<16xf32>
      %select_n3A = arith.select %eq3A_111, %add3A_112, %scan3A_77 : vector<16xi1>, vector<16xf32>
      scf.yield %select_n3A : vector<16xf32>
    }
    %scan3A_9 = arith.constant 16 : i32
    %broadcast_in_dim3A_10 = arith.constant 0.000000e+00 : f32
    %broadcast_in_dim3A_11 = vector.broadcast %broadcast_in_dim3A_10 : f32 to vector<16xf32>
    %scan3A_12 = arith.constant 0 : i32
    %scan3A_13 = arith.constant 16 : i32
    %scan3A_14 = arith.addi %scan3A_12, %scan3A_13 : i32
    %scan3A_15 = arith.constant 1 : i32
    %scan3A_16 = scf.for %scan3A_76 = %scan3A_12 to %scan3A_14 step %scan3A_15 iter_args(%scan3A_77 = %broadcast_in_dim3A_11) -> (vector<16xf32>)  : i32 {
      %add3A_78 = arith.constant 16 : i32
      %add3A_79 = arith.addi %add3A_78, %scan3A_76 : i32
      %get3A_80 = arith.index_cast %add3A_79 : i32 to index
      %get3A_81 = arith.constant 0 : index
      %get3A_82 = tpu.vector_load %arg10[%get3A_80, %get3A_81] {strides = array<i32>} : memref<32x16xf32, #tpu.memory_space<vmem>>, vector<16xf32>,
      %mul3A_83 = arith.mulf %get3A_82, %get3A_3 : vector<16xf32>
      %iota3A_84 = tpu.iota {dimensions = array<i32: 0>} : vector<16xi32>
      %xor3A = arith.constant 8 : i32
      %xor3A_85 = vector.broadcast %xor3A : i32 to vector<16xi32>
      %xor3A_86 = arith.xori %iota3A_84, %xor3A_85 : vector<16xi32>
      %broadcast_in_dim3A_87 = vector.shape_cast %xor3A_86 : vector<16xi32> to vector<16x1xi32>
      %gather3A = vector.shape_cast %broadcast_in_dim3A_87 : vector<16x1xi32> to vector<16xi32>
      %gather3A_88 = tpu.dynamic_gather %mul3A_83[%gather3A] in [0] : vector<16xf32>, vector<16xi32> -> vector<16xf32>
      %add3A_89 = arith.addf %mul3A_83, %gather3A_88 : vector<16xf32>
      %xor3A_90 = arith.constant 4 : i32
      %xor3A_91 = vector.broadcast %xor3A_90 : i32 to vector<16xi32>
      %xor3A_92 = arith.xori %iota3A_84, %xor3A_91 : vector<16xi32>
      %broadcast_in_dim3A_93 = vector.shape_cast %xor3A_92 : vector<16xi32> to vector<16x1xi32>
      %gather3A_94 = vector.shape_cast %broadcast_in_dim3A_93 : vector<16x1xi32> to vector<16xi32>
      %gather3A_95 = tpu.dynamic_gather %add3A_89[%gather3A_94] in [0] : vector<16xf32>, vector<16xi32> -> vector<16xf32>
      %add3A_96 = arith.addf %add3A_89, %gather3A_95 : vector<16xf32>
      %xor3A_97 = arith.constant 2 : i32
      %xor3A_98 = vector.broadcast %xor3A_97 : i32 to vector<16xi32>
      %xor3A_99 = arith.xori %iota3A_84, %xor3A_98 : vector<16xi32>
      %broadcast_in_dim3A_100 = vector.shape_cast %xor3A_99 : vector<16xi32> to vector<16x1xi32>
      %gather3A_101 = vector.shape_cast %broadcast_in_dim3A_100 : vector<16x1xi32> to vector<16xi32>
      %gather3A_102 = tpu.dynamic_gather %add3A_96[%gather3A_101] in [0] : vector<16xf32>, vector<16xi32> -> vector<16xf32>
      %add3A_103 = arith.addf %add3A_96, %gather3A_102 : vector<16xf32>
      %xor3A_104 = arith.constant 1 : i32
      %xor3A_105 = vector.broadcast %xor3A_104 : i32 to vector<16xi32>
      %xor3A_106 = arith.xori %iota3A_84, %xor3A_105 : vector<16xi32>
      %broadcast_in_dim3A_107 = vector.shape_cast %xor3A_106 : vector<16xi32> to vector<16x1xi32>
      %gather3A_108 = vector.shape_cast %broadcast_in_dim3A_107 : vector<16x1xi32> to vector<16xi32>
      %gather3A_109 = tpu.dynamic_gather %add3A_103[%gather3A_108] in [0] : vector<16xf32>, vector<16xi32> -> vector<16xf32>
      %add3A_110 = arith.addf %add3A_103, %gather3A_109 : vector<16xf32>
      %eq3A = vector.broadcast %scan3A_76 : i32 to vector<16xi32>
      %eq3A_111 = arith.cmpi eq, %iota3A, %eq3A : vector<16xi32>
      %add3A_112 = arith.addf %scan3A_77, %add3A_110 : vector<16xf32>
      %select_n3A = arith.select %eq3A_111, %add3A_112, %scan3A_77 : vector<16xi1>, vector<16xf32>
      scf.yield %select_n3A : vector<16xf32>
    }
    %scan3A_17 = arith.constant 16 : i32
    %dma_start3A = arith.constant 0 : i32
    %dma_start3A_18 = arith.constant 0 : i32
    %dma_start3A_19 = arith.constant 0 : i32
    %dma_start3A_20 = tpu.memref_slice %arg9[%dma_start3A_18, %dma_start3A_19] : memref<10x128xf32, #tpu.memory_space<vmem>> -> memref<1x128xf32, #tpu.memory_space<vmem>>
    %dma_start3A_21 = tpu.memref_squeeze %dma_start3A_20 : memref<1x128xf32, #tpu.memory_space<vmem>> -> memref<128xf32, #tpu.memory_space<vmem>>
    %dma_start3A_22 = arith.constant 0 : i32
    %dma_start3A_23 = tpu.memref_slice %arg8[%dma_start3A, %dma_start3A_22] : memref<105x128xi32, #tpu.memory_space<vmem>> -> memref<1x128xi32, #tpu.memory_space<vmem>>
    %dma_start3A_24 = tpu.memref_squeeze %dma_start3A_23 : memref<1x128xi32, #tpu.memory_space<vmem>> -> memref<128xi32, #tpu.memory_space<vmem>>
    %dma_start3A_25 = arith.constant 0 : i32
    %dma_start3A_26 = tpu.memref_slice %arg2[%dma_start3A_25] : memref<2150400xf32, #tpu.memory_space<hbm>> -> memref<2150400xf32, #tpu.memory_space<hbm>>
    tpu.enqueue_indirect_dma source(%dma_start3A_26 : memref<2150400xf32, #tpu.memory_space<hbm>>) target(%dma_start3A_21 : memref<128xf32, #tpu.memory_space<vmem>>) offsets(%dma_start3A_24 : memref<128xi32, #tpu.memory_space<vmem>>) semaphore(%arg14 : memref<!tpu.dma_semaphore, #tpu.memory_space<semaphore_mem>>)
    %dma_start3A_27 = arith.constant 1 : i32
    %dma_start3A_28 = arith.constant 1 : i32
    %dma_start3A_29 = arith.constant 0 : i32
    %dma_start3A_30 = tpu.memref_slice %arg9[%dma_start3A_28, %dma_start3A_29] : memref<10x128xf32, #tpu.memory_space<vmem>> -> memref<1x128xf32, #tpu.memory_space<vmem>>
    %dma_start3A_31 = tpu.memref_squeeze %dma_start3A_30 : memref<1x128xf32, #tpu.memory_space<vmem>> -> memref<128xf32, #tpu.memory_space<vmem>>
    %dma_start3A_32 = arith.constant 0 : i32
    %dma_start3A_33 = tpu.memref_slice %arg8[%dma_start3A_27, %dma_start3A_32] : memref<105x128xi32, #tpu.memory_space<vmem>> -> memref<1x128xi32, #tpu.memory_space<vmem>>
    %dma_start3A_34 = tpu.memref_squeeze %dma_start3A_33 : memref<1x128xi32, #tpu.memory_space<vmem>> -> memref<128xi32, #tpu.memory_space<vmem>>
    %dma_start3A_35 = arith.constant 0 : i32
    %dma_start3A_36 = tpu.memref_slice %arg2[%dma_start3A_35] : memref<2150400xf32, #tpu.memory_space<hbm>> -> memref<2150400xf32, #tpu.memory_space<hbm>>
    tpu.enqueue_indirect_dma source(%dma_start3A_36 : memref<2150400xf32, #tpu.memory_space<hbm>>) target(%dma_start3A_31 : memref<128xf32, #tpu.memory_space<vmem>>) offsets(%dma_start3A_34 : memref<128xi32, #tpu.memory_space<vmem>>) semaphore(%arg14 : memref<!tpu.dma_semaphore, #tpu.memory_space<semaphore_mem>>)
    %dma_start3A_37 = arith.constant 2 : i32
    %dma_start3A_38 = arith.constant 2 : i32
    %dma_start3A_39 = arith.constant 0 : i32
    %dma_start3A_40 = tpu.memref_slice %arg9[%dma_start3A_38, %dma_start3A_39] : memref<10x128xf32, #tpu.memory_space<vmem>> -> memref<1x128xf32, #tpu.memory_space<vmem>>
    %dma_start3A_41 = tpu.memref_squeeze %dma_start3A_40 : memref<1x128xf32, #tpu.memory_space<vmem>> -> memref<128xf32, #tpu.memory_space<vmem>>
    %dma_start3A_42 = arith.constant 0 : i32
    %dma_start3A_43 = tpu.memref_slice %arg8[%dma_start3A_37, %dma_start3A_42] : memref<105x128xi32, #tpu.memory_space<vmem>> -> memref<1x128xi32, #tpu.memory_space<vmem>>
    %dma_start3A_44 = tpu.memref_squeeze %dma_start3A_43 : memref<1x128xi32, #tpu.memory_space<vmem>> -> memref<128xi32, #tpu.memory_space<vmem>>
    %dma_start3A_45 = arith.constant 0 : i32
    %dma_start3A_46 = tpu.memref_slice %arg2[%dma_start3A_45] : memref<2150400xf32, #tpu.memory_space<hbm>> -> memref<2150400xf32, #tpu.memory_space<hbm>>
    tpu.enqueue_indirect_dma source(%dma_start3A_46 : memref<2150400xf32, #tpu.memory_space<hbm>>) target(%dma_start3A_41 : memref<128xf32, #tpu.memory_space<vmem>>) offsets(%dma_start3A_44 : memref<128xi32, #tpu.memory_space<vmem>>) semaphore(%arg14 : memref<!tpu.dma_semaphore, #tpu.memory_space<semaphore_mem>>)
    %dma_start3A_47 = arith.constant 3 : i32
    %dma_start3A_48 = arith.constant 3 : i32
    %dma_start3A_49 = arith.constant 0 : i32
    %dma_start3A_50 = tpu.memref_slice %arg9[%dma_start3A_48, %dma_start3A_49] : memref<10x128xf32, #tpu.memory_space<vmem>> -> memref<1x128xf32, #tpu.memory_space<vmem>>
    %dma_start3A_51 = tpu.memref_squeeze %dma_start3A_50 : memref<1x128xf32, #tpu.memory_space<vmem>> -> memref<128xf32, #tpu.memory_space<vmem>>
    %dma_start3A_52 = arith.constant 0 : i32
    %dma_start3A_53 = tpu.memref_slice %arg8[%dma_start3A_47, %dma_start3A_52] : memref<105x128xi32, #tpu.memory_space<vmem>> -> memref<1x128xi32, #tpu.memory_space<vmem>>
    %dma_start3A_54 = tpu.memref_squeeze %dma_start3A_53 : memref<1x128xi32, #tpu.memory_space<vmem>> -> memref<128xi32, #tpu.memory_space<vmem>>
    %dma_start3A_55 = arith.constant 0 : i32
    %dma_start3A_56 = tpu.memref_slice %arg2[%dma_start3A_55] : memref<2150400xf32, #tpu.memory_space<hbm>> -> memref<2150400xf32, #tpu.memory_space<hbm>>
    tpu.enqueue_indirect_dma source(%dma_start3A_56 : memref<2150400xf32, #tpu.memory_space<hbm>>) target(%dma_start3A_51 : memref<128xf32, #tpu.memory_space<vmem>>) offsets(%dma_start3A_54 : memref<128xi32, #tpu.memory_space<vmem>>) semaphore(%arg14 : memref<!tpu.dma_semaphore, #tpu.memory_space<semaphore_mem>>)
    %dma_start3A_57 = arith.constant 4 : i32
    %dma_start3A_58 = arith.constant 4 : i32
    %dma_start3A_59 = arith.constant 0 : i32
    %dma_start3A_60 = tpu.memref_slice %arg9[%dma_start3A_58, %dma_start3A_59] : memref<10x128xf32, #tpu.memory_space<vmem>> -> memref<1x128xf32, #tpu.memory_space<vmem>>
    %dma_start3A_61 = tpu.memref_squeeze %dma_start3A_60 : memref<1x128xf32, #tpu.memory_space<vmem>> -> memref<128xf32, #tpu.memory_space<vmem>>
    %dma_start3A_62 = arith.constant 0 : i32
    %dma_start3A_63 = tpu.memref_slice %arg8[%dma_start3A_57, %dma_start3A_62] : memref<105x128xi32, #tpu.memory_space<vmem>> -> memref<1x128xi32, #tpu.memory_space<vmem>>
    %dma_start3A_64 = tpu.memref_squeeze %dma_start3A_63 : memref<1x128xi32, #tpu.memory_space<vmem>> -> memref<128xi32, #tpu.memory_space<vmem>>
    %dma_start3A_65 = arith.constant 0 : i32
    %dma_start3A_66 = tpu.memref_slice %arg2[%dma_start3A_65] : memref<2150400xf32, #tpu.memory_space<hbm>> -> memref<2150400xf32, #tpu.memory_space<hbm>>
    tpu.enqueue_indirect_dma source(%dma_start3A_66 : memref<2150400xf32, #tpu.memory_space<hbm>>) target(%dma_start3A_61 : memref<128xf32, #tpu.memory_space<vmem>>) offsets(%dma_start3A_64 : memref<128xi32, #tpu.memory_space<vmem>>) semaphore(%arg14 : memref<!tpu.dma_semaphore, #tpu.memory_space<semaphore_mem>>)
    %scan3A_67 = arith.constant 0 : i32
    %scan3A_68 = arith.constant 21 : i32
    %scan3A_69 = arith.addi %scan3A_67, %scan3A_68 : i32
    %scan3A_70 = arith.constant 1 : i32
    %scan3A_71:2 = scf.for %scan3A_76 = %scan3A_67 to %scan3A_69 step %scan3A_70 iter_args(%scan3A_77 = %scan3A_8, %scan3A_78 = %scan3A_16) -> (vector<16xf32>, vector<16xf32>)  : i32 {
      %and3A = arith.constant 1 : i32
      %and3A_79 = arith.andi %scan3A_76, %and3A : i32
      %mul3A_80 = arith.constant 5 : i32
      %mul3A_81 = arith.muli %and3A_79, %mul3A_80 : i32
      %add3A_82 = arith.constant 1 : i32
      %add3A_83 = arith.addi %scan3A_76, %add3A_82 : i32
      %and3A_84 = arith.constant 1 : i32
      %and3A_85 = arith.andi %add3A_83, %and3A_84 : i32
      %mul3A_86 = arith.constant 5 : i32
      %mul3A_87 = arith.muli %and3A_85, %mul3A_86 : i32
      %add3A_88 = arith.constant 1 : i32
      %add3A_89 = arith.addi %scan3A_76, %add3A_88 : i32
      %lt3A = arith.constant 21 : i32
      %lt3A_90 = arith.cmpi slt, %add3A_89, %lt3A : i32
      %convert_element_type3A = arith.extui %lt3A_90 : i1 to i32
      %cond3A = arith.constant 0 : i32
      %cond3A_91 = arith.cmpi ne, %convert_element_type3A, %cond3A : i32
      scf.if %cond3A_91 {
        %add3A_614 = arith.constant 1 : i32
        %add3A_615 = arith.addi %scan3A_76, %add3A_614 : i32
        %mul3A_616 = arith.constant 5 : i32
        %mul3A_617 = arith.muli %add3A_615, %mul3A_616 : i32
        %add3A_618 = arith.constant 0 : i32
        %add3A_619 = arith.addi %add3A_618, %mul3A_617 : i32
        %add3A_620 = arith.constant 0 : i32
        %add3A_621 = arith.addi %add3A_619, %add3A_620 : i32
        %add3A_622 = arith.constant 0 : i32
        %add3A_623 = arith.addi %mul3A_87, %add3A_622 : i32
        %dma_start3A_624 = arith.constant 0 : i32
        %dma_start3A_625 = tpu.memref_slice %arg9[%add3A_623, %dma_start3A_624] : memref<10x128xf32, #tpu.memory_space<vmem>> -> memref<1x128xf32, #tpu.memory_space<vmem>>
        %dma_start3A_626 = tpu.memref_squeeze %dma_start3A_625 : memref<1x128xf32, #tpu.memory_space<vmem>> -> memref<128xf32, #tpu.memory_space<vmem>>
        %dma_start3A_627 = arith.constant 0 : i32
        %dma_start3A_628 = tpu.memref_slice %arg8[%add3A_621, %dma_start3A_627] : memref<105x128xi32, #tpu.memory_space<vmem>> -> memref<1x128xi32, #tpu.memory_space<vmem>>
        %dma_start3A_629 = tpu.memref_squeeze %dma_start3A_628 : memref<1x128xi32, #tpu.memory_space<vmem>> -> memref<128xi32, #tpu.memory_space<vmem>>
        %dma_start3A_630 = arith.constant 0 : i32
        %dma_start3A_631 = tpu.memref_slice %arg2[%dma_start3A_630] : memref<2150400xf32, #tpu.memory_space<hbm>> -> memref<2150400xf32, #tpu.memory_space<hbm>>
        tpu.enqueue_indirect_dma source(%dma_start3A_631 : memref<2150400xf32, #tpu.memory_space<hbm>>) target(%dma_start3A_626 : memref<128xf32, #tpu.memory_space<vmem>>) offsets(%dma_start3A_629 : memref<128xi32, #tpu.memory_space<vmem>>) semaphore(%arg14 : memref<!tpu.dma_semaphore, #tpu.memory_space<semaphore_mem>>)
        %mul3A_632 = arith.constant 5 : i32
        %mul3A_633 = arith.muli %add3A_615, %mul3A_632 : i32
        %add3A_634 = arith.constant 0 : i32
        %add3A_635 = arith.addi %add3A_634, %mul3A_633 : i32
        %add3A_636 = arith.constant 1 : i32
        %add3A_637 = arith.addi %add3A_635, %add3A_636 : i32
        %add3A_638 = arith.constant 1 : i32
        %add3A_639 = arith.addi %mul3A_87, %add3A_638 : i32
        %dma_start3A_640 = arith.constant 0 : i32
        %dma_start3A_641 = tpu.memref_slice %arg9[%add3A_639, %dma_start3A_640] : memref<10x128xf32, #tpu.memory_space<vmem>> -> memref<1x128xf32, #tpu.memory_space<vmem>>
        %dma_start3A_642 = tpu.memref_squeeze %dma_start3A_641 : memref<1x128xf32, #tpu.memory_space<vmem>> -> memref<128xf32, #tpu.memory_space<vmem>>
        %dma_start3A_643 = arith.constant 0 : i32
        %dma_start3A_644 = tpu.memref_slice %arg8[%add3A_637, %dma_start3A_643] : memref<105x128xi32, #tpu.memory_space<vmem>> -> memref<1x128xi32, #tpu.memory_space<vmem>>
        %dma_start3A_645 = tpu.memref_squeeze %dma_start3A_644 : memref<1x128xi32, #tpu.memory_space<vmem>> -> memref<128xi32, #tpu.memory_space<vmem>>
        %dma_start3A_646 = arith.constant 0 : i32
        %dma_start3A_647 = tpu.memref_slice %arg2[%dma_start3A_646] : memref<2150400xf32, #tpu.memory_space<hbm>> -> memref<2150400xf32, #tpu.memory_space<hbm>>
        tpu.enqueue_indirect_dma source(%dma_start3A_647 : memref<2150400xf32, #tpu.memory_space<hbm>>) target(%dma_start3A_642 : memref<128xf32, #tpu.memory_space<vmem>>) offsets(%dma_start3A_645 : memref<128xi32, #tpu.memory_space<vmem>>) semaphore(%arg14 : memref<!tpu.dma_semaphore, #tpu.memory_space<semaphore_mem>>)
        %mul3A_648 = arith.constant 5 : i32
        %mul3A_649 = arith.muli %add3A_615, %mul3A_648 : i32
        %add3A_650 = arith.constant 0 : i32
        %add3A_651 = arith.addi %add3A_650, %mul3A_649 : i32
        %add3A_652 = arith.constant 2 : i32
        %add3A_653 = arith.addi %add3A_651, %add3A_652 : i32
        %add3A_654 = arith.constant 2 : i32
        %add3A_655 = arith.addi %mul3A_87, %add3A_654 : i32
        %dma_start3A_656 = arith.constant 0 : i32
        %dma_start3A_657 = tpu.memref_slice %arg9[%add3A_655, %dma_start3A_656] : memref<10x128xf32, #tpu.memory_space<vmem>> -> memref<1x128xf32, #tpu.memory_space<vmem>>
        %dma_start3A_658 = tpu.memref_squeeze %dma_start3A_657 : memref<1x128xf32, #tpu.memory_space<vmem>> -> memref<128xf32, #tpu.memory_space<vmem>>
        %dma_start3A_659 = arith.constant 0 : i32
        %dma_start3A_660 = tpu.memref_slice %arg8[%add3A_653, %dma_start3A_659] : memref<105x128xi32, #tpu.memory_space<vmem>> -> memref<1x128xi32, #tpu.memory_space<vmem>>
        %dma_start3A_661 = tpu.memref_squeeze %dma_start3A_660 : memref<1x128xi32, #tpu.memory_space<vmem>> -> memref<128xi32, #tpu.memory_space<vmem>>
        %dma_start3A_662 = arith.constant 0 : i32
        %dma_start3A_663 = tpu.memref_slice %arg2[%dma_start3A_662] : memref<2150400xf32, #tpu.memory_space<hbm>> -> memref<2150400xf32, #tpu.memory_space<hbm>>
        tpu.enqueue_indirect_dma source(%dma_start3A_663 : memref<2150400xf32, #tpu.memory_space<hbm>>) target(%dma_start3A_658 : memref<128xf32, #tpu.memory_space<vmem>>) offsets(%dma_start3A_661 : memref<128xi32, #tpu.memory_space<vmem>>) semaphore(%arg14 : memref<!tpu.dma_semaphore, #tpu.memory_space<semaphore_mem>>)
        %mul3A_664 = arith.constant 5 : i32
        %mul3A_665 = arith.muli %add3A_615, %mul3A_664 : i32
        %add3A_666 = arith.constant 0 : i32
        %add3A_667 = arith.addi %add3A_666, %mul3A_665 : i32
        %add3A_668 = arith.constant 3 : i32
        %add3A_669 = arith.addi %add3A_667, %add3A_668 : i32
        %add3A_670 = arith.constant 3 : i32
        %add3A_671 = arith.addi %mul3A_87, %add3A_670 : i32
        %dma_start3A_672 = arith.constant 0 : i32
        %dma_start3A_673 = tpu.memref_slice %arg9[%add3A_671, %dma_start3A_672] : memref<10x128xf32, #tpu.memory_space<vmem>> -> memref<1x128xf32, #tpu.memory_space<vmem>>
        %dma_start3A_674 = tpu.memref_squeeze %dma_start3A_673 : memref<1x128xf32, #tpu.memory_space<vmem>> -> memref<128xf32, #tpu.memory_space<vmem>>
        %dma_start3A_675 = arith.constant 0 : i32
        %dma_start3A_676 = tpu.memref_slice %arg8[%add3A_669, %dma_start3A_675] : memref<105x128xi32, #tpu.memory_space<vmem>> -> memref<1x128xi32, #tpu.memory_space<vmem>>
        %dma_start3A_677 = tpu.memref_squeeze %dma_start3A_676 : memref<1x128xi32, #tpu.memory_space<vmem>> -> memref<128xi32, #tpu.memory_space<vmem>>
        %dma_start3A_678 = arith.constant 0 : i32
        %dma_start3A_679 = tpu.memref_slice %arg2[%dma_start3A_678] : memref<2150400xf32, #tpu.memory_space<hbm>> -> memref<2150400xf32, #tpu.memory_space<hbm>>
        tpu.enqueue_indirect_dma source(%dma_start3A_679 : memref<2150400xf32, #tpu.memory_space<hbm>>) target(%dma_start3A_674 : memref<128xf32, #tpu.memory_space<vmem>>) offsets(%dma_start3A_677 : memref<128xi32, #tpu.memory_space<vmem>>) semaphore(%arg14 : memref<!tpu.dma_semaphore, #tpu.memory_space<semaphore_mem>>)
        %mul3A_680 = arith.constant 5 : i32
        %mul3A_681 = arith.muli %add3A_615, %mul3A_680 : i32
        %add3A_682 = arith.constant 0 : i32
        %add3A_683 = arith.addi %add3A_682, %mul3A_681 : i32
        %add3A_684 = arith.constant 4 : i32
        %add3A_685 = arith.addi %add3A_683, %add3A_684 : i32
        %add3A_686 = arith.constant 4 : i32
        %add3A_687 = arith.addi %mul3A_87, %add3A_686 : i32
        %dma_start3A_688 = arith.constant 0 : i32
        %dma_start3A_689 = tpu.memref_slice %arg9[%add3A_687, %dma_start3A_688] : memref<10x128xf32, #tpu.memory_space<vmem>> -> memref<1x128xf32, #tpu.memory_space<vmem>>
        %dma_start3A_690 = tpu.memref_squeeze %dma_start3A_689 : memref<1x128xf32, #tpu.memory_space<vmem>> -> memref<128xf32, #tpu.memory_space<vmem>>
        %dma_start3A_691 = arith.constant 0 : i32
        %dma_start3A_692 = tpu.memref_slice %arg8[%add3A_685, %dma_start3A_691] : memref<105x128xi32, #tpu.memory_space<vmem>> -> memref<1x128xi32, #tpu.memory_space<vmem>>
        %dma_start3A_693 = tpu.memref_squeeze %dma_start3A_692 : memref<1x128xi32, #tpu.memory_space<vmem>> -> memref<128xi32, #tpu.memory_space<vmem>>
        %dma_start3A_694 = arith.constant 0 : i32
        %dma_start3A_695 = tpu.memref_slice %arg2[%dma_start3A_694] : memref<2150400xf32, #tpu.memory_space<hbm>> -> memref<2150400xf32, #tpu.memory_space<hbm>>
        tpu.enqueue_indirect_dma source(%dma_start3A_695 : memref<2150400xf32, #tpu.memory_space<hbm>>) target(%dma_start3A_690 : memref<128xf32, #tpu.memory_space<vmem>>) offsets(%dma_start3A_693 : memref<128xi32, #tpu.memory_space<vmem>>) semaphore(%arg14 : memref<!tpu.dma_semaphore, #tpu.memory_space<semaphore_mem>>)
      } else {
      }
      tpu.wait_dma2 semaphore(%arg14 : memref<!tpu.dma_semaphore, #tpu.memory_space<semaphore_mem>>) src(%arg6 : memref<5x128xf32, #tpu.memory_space<hbm>>) dst(%arg13 : memref<5x128xf32, #tpu.memory_space<vmem>>)
      %iota3A_92 = tpu.iota {dimensions = array<i32: 0>} : vector<16xi32>
      %mul3A_93 = arith.constant 20 : i32
      %mul3A_94 = vector.broadcast %mul3A_93 : i32 to vector<16xi32>
      %mul3A_95 = arith.muli %iota3A_92, %mul3A_94 : vector<16xi32>
      %add3A_96 = arith.constant 0 : i32
      %add3A_97 = vector.broadcast %add3A_96 : i32 to vector<16xi32>
      %add3A_98 = arith.addi %mul3A_95, %add3A_97 : vector<16xi32>
      %shift_right_logical3A = arith.constant 7 : i32
      %shift_right_logical3A_99 = vector.broadcast %shift_right_logical3A : i32 to vector<16xi32>
      %shift_right_logical3A_100 = arith.shrui %add3A_98, %shift_right_logical3A_99 : vector<16xi32>
      %add3A_101 = vector.broadcast %mul3A_81 : i32 to vector<16xi32>
      %add3A_102 = arith.addi %add3A_101, %shift_right_logical3A_100 : vector<16xi32>
      %and3A_103 = arith.constant 127 : i32
      %and3A_104 = vector.broadcast %and3A_103 : i32 to vector<16xi32>
      %and3A_105 = arith.andi %add3A_98, %and3A_104 : vector<16xi32>
      %gather3A = tpu.vector_load_idx %arg9[%add3A_102, %and3A_105] : memref<10x128xf32, #tpu.memory_space<vmem>>[vector<16xi32>, vector<16xi32>], vector<16xf32>,
      %add3A_106 = arith.constant 1 : i32
      %add3A_107 = vector.broadcast %add3A_106 : i32 to vector<16xi32>
      %add3A_108 = arith.addi %mul3A_95, %add3A_107 : vector<16xi32>
      %shift_right_logical3A_109 = arith.constant 7 : i32
      %shift_right_logical3A_110 = vector.broadcast %shift_right_logical3A_109 : i32 to vector<16xi32>
      %shift_right_logical3A_111 = arith.shrui %add3A_108, %shift_right_logical3A_110 : vector<16xi32>
      %add3A_112 = vector.broadcast %mul3A_81 : i32 to vector<16xi32>
      %add3A_113 = arith.addi %add3A_112, %shift_right_logical3A_111 : vector<16xi32>
      %and3A_114 = arith.constant 127 : i32
      %and3A_115 = vector.broadcast %and3A_114 : i32 to vector<16xi32>
      %and3A_116 = arith.andi %add3A_108, %and3A_115 : vector<16xi32>
      %gather3A_117 = tpu.vector_load_idx %arg9[%add3A_113, %and3A_116] : memref<10x128xf32, #tpu.memory_space<vmem>>[vector<16xi32>, vector<16xi32>], vector<16xf32>,
      %add3A_118 = arith.constant 2 : i32
      %add3A_119 = vector.broadcast %add3A_118 : i32 to vector<16xi32>
      %add3A_120 = arith.addi %mul3A_95, %add3A_119 : vector<16xi32>
      %shift_right_logical3A_121 = arith.constant 7 : i32
      %shift_right_logical3A_122 = vector.broadcast %shift_right_logical3A_121 : i32 to vector<16xi32>
      %shift_right_logical3A_123 = arith.shrui %add3A_120, %shift_right_logical3A_122 : vector<16xi32>
      %add3A_124 = vector.broadcast %mul3A_81 : i32 to vector<16xi32>
      %add3A_125 = arith.addi %add3A_124, %shift_right_logical3A_123 : vector<16xi32>
      %and3A_126 = arith.constant 127 : i32
      %and3A_127 = vector.broadcast %and3A_126 : i32 to vector<16xi32>
      %and3A_128 = arith.andi %add3A_120, %and3A_127 : vector<16xi32>
      %gather3A_129 = tpu.vector_load_idx %arg9[%add3A_125, %and3A_128] : memref<10x128xf32, #tpu.memory_space<vmem>>[vector<16xi32>, vector<16xi32>], vector<16xf32>,
      %add3A_130 = arith.constant 3 : i32
      %add3A_131 = vector.broadcast %add3A_130 : i32 to vector<16xi32>
      %add3A_132 = arith.addi %mul3A_95, %add3A_131 : vector<16xi32>
      %shift_right_logical3A_133 = arith.constant 7 : i32
      %shift_right_logical3A_134 = vector.broadcast %shift_right_logical3A_133 : i32 to vector<16xi32>
      %shift_right_logical3A_135 = arith.shrui %add3A_132, %shift_right_logical3A_134 : vector<16xi32>
      %add3A_136 = vector.broadcast %mul3A_81 : i32 to vector<16xi32>
      %add3A_137 = arith.addi %add3A_136, %shift_right_logical3A_135 : vector<16xi32>
      %and3A_138 = arith.constant 127 : i32
      %and3A_139 = vector.broadcast %and3A_138 : i32 to vector<16xi32>
      %and3A_140 = arith.andi %add3A_132, %and3A_139 : vector<16xi32>
      %gather3A_141 = tpu.vector_load_idx %arg9[%add3A_137, %and3A_140] : memref<10x128xf32, #tpu.memory_space<vmem>>[vector<16xi32>, vector<16xi32>], vector<16xf32>,
      %add3A_142 = arith.constant 4 : i32
      %add3A_143 = vector.broadcast %add3A_142 : i32 to vector<16xi32>
      %add3A_144 = arith.addi %mul3A_95, %add3A_143 : vector<16xi32>
      %shift_right_logical3A_145 = arith.constant 7 : i32
      %shift_right_logical3A_146 = vector.broadcast %shift_right_logical3A_145 : i32 to vector<16xi32>
      %shift_right_logical3A_147 = arith.shrui %add3A_144, %shift_right_logical3A_146 : vector<16xi32>
      %add3A_148 = vector.broadcast %mul3A_81 : i32 to vector<16xi32>
      %add3A_149 = arith.addi %add3A_148, %shift_right_logical3A_147 : vector<16xi32>
      %and3A_150 = arith.constant 127 : i32
      %and3A_151 = vector.broadcast %and3A_150 : i32 to vector<16xi32>
      %and3A_152 = arith.andi %add3A_144, %and3A_151 : vector<16xi32>
      %gather3A_153 = tpu.vector_load_idx %arg9[%add3A_149, %and3A_152] : memref<10x128xf32, #tpu.memory_space<vmem>>[vector<16xi32>, vector<16xi32>], vector<16xf32>,
      %add3A_154 = arith.constant 5 : i32
      %add3A_155 = vector.broadcast %add3A_154 : i32 to vector<16xi32>
      %add3A_156 = arith.addi %mul3A_95, %add3A_155 : vector<16xi32>
      %shift_right_logical3A_157 = arith.constant 7 : i32
      %shift_right_logical3A_158 = vector.broadcast %shift_right_logical3A_157 : i32 to vector<16xi32>
      %shift_right_logical3A_159 = arith.shrui %add3A_156, %shift_right_logical3A_158 : vector<16xi32>
      %add3A_160 = vector.broadcast %mul3A_81 : i32 to vector<16xi32>
      %add3A_161 = arith.addi %add3A_160, %shift_right_logical3A_159 : vector<16xi32>
      %and3A_162 = arith.constant 127 : i32
      %and3A_163 = vector.broadcast %and3A_162 : i32 to vector<16xi32>
      %and3A_164 = arith.andi %add3A_156, %and3A_163 : vector<16xi32>
      %gather3A_165 = tpu.vector_load_idx %arg9[%add3A_161, %and3A_164] : memref<10x128xf32, #tpu.memory_space<vmem>>[vector<16xi32>, vector<16xi32>], vector<16xf32>,
      %add3A_166 = arith.constant 6 : i32
      %add3A_167 = vector.broadcast %add3A_166 : i32 to vector<16xi32>
      %add3A_168 = arith.addi %mul3A_95, %add3A_167 : vector<16xi32>
      %shift_right_logical3A_169 = arith.constant 7 : i32
      %shift_right_logical3A_170 = vector.broadcast %shift_right_logical3A_169 : i32 to vector<16xi32>
      %shift_right_logical3A_171 = arith.shrui %add3A_168, %shift_right_logical3A_170 : vector<16xi32>
      %add3A_172 = vector.broadcast %mul3A_81 : i32 to vector<16xi32>
      %add3A_173 = arith.addi %add3A_172, %shift_right_logical3A_171 : vector<16xi32>
      %and3A_174 = arith.constant 127 : i32
      %and3A_175 = vector.broadcast %and3A_174 : i32 to vector<16xi32>
      %and3A_176 = arith.andi %add3A_168, %and3A_175 : vector<16xi32>
      %gather3A_177 = tpu.vector_load_idx %arg9[%add3A_173, %and3A_176] : memref<10x128xf32, #tpu.memory_space<vmem>>[vector<16xi32>, vector<16xi32>], vector<16xf32>,
      %add3A_178 = arith.constant 7 : i32
      %add3A_179 = vector.broadcast %add3A_178 : i32 to vector<16xi32>
      %add3A_180 = arith.addi %mul3A_95, %add3A_179 : vector<16xi32>
      %shift_right_logical3A_181 = arith.constant 7 : i32
      %shift_right_logical3A_182 = vector.broadcast %shift_right_logical3A_181 : i32 to vector<16xi32>
      %shift_right_logical3A_183 = arith.shrui %add3A_180, %shift_right_logical3A_182 : vector<16xi32>
      %add3A_184 = vector.broadcast %mul3A_81 : i32 to vector<16xi32>
      %add3A_185 = arith.addi %add3A_184, %shift_right_logical3A_183 : vector<16xi32>
      %and3A_186 = arith.constant 127 : i32
      %and3A_187 = vector.broadcast %and3A_186 : i32 to vector<16xi32>
      %and3A_188 = arith.andi %add3A_180, %and3A_187 : vector<16xi32>
      %gather3A_189 = tpu.vector_load_idx %arg9[%add3A_185, %and3A_188] : memref<10x128xf32, #tpu.memory_space<vmem>>[vector<16xi32>, vector<16xi32>], vector<16xf32>,
      %add3A_190 = arith.constant 8 : i32
      %add3A_191 = vector.broadcast %add3A_190 : i32 to vector<16xi32>
      %add3A_192 = arith.addi %mul3A_95, %add3A_191 : vector<16xi32>
      %shift_right_logical3A_193 = arith.constant 7 : i32
      %shift_right_logical3A_194 = vector.broadcast %shift_right_logical3A_193 : i32 to vector<16xi32>
      %shift_right_logical3A_195 = arith.shrui %add3A_192, %shift_right_logical3A_194 : vector<16xi32>
      %add3A_196 = vector.broadcast %mul3A_81 : i32 to vector<16xi32>
      %add3A_197 = arith.addi %add3A_196, %shift_right_logical3A_195 : vector<16xi32>
      %and3A_198 = arith.constant 127 : i32
      %and3A_199 = vector.broadcast %and3A_198 : i32 to vector<16xi32>
      %and3A_200 = arith.andi %add3A_192, %and3A_199 : vector<16xi32>
      %gather3A_201 = tpu.vector_load_idx %arg9[%add3A_197, %and3A_200] : memref<10x128xf32, #tpu.memory_space<vmem>>[vector<16xi32>, vector<16xi32>], vector<16xf32>,
      %add3A_202 = arith.constant 9 : i32
      %add3A_203 = vector.broadcast %add3A_202 : i32 to vector<16xi32>
      %add3A_204 = arith.addi %mul3A_95, %add3A_203 : vector<16xi32>
      %shift_right_logical3A_205 = arith.constant 7 : i32
      %shift_right_logical3A_206 = vector.broadcast %shift_right_logical3A_205 : i32 to vector<16xi32>
      %shift_right_logical3A_207 = arith.shrui %add3A_204, %shift_right_logical3A_206 : vector<16xi32>
      %add3A_208 = vector.broadcast %mul3A_81 : i32 to vector<16xi32>
      %add3A_209 = arith.addi %add3A_208, %shift_right_logical3A_207 : vector<16xi32>
      %and3A_210 = arith.constant 127 : i32
      %and3A_211 = vector.broadcast %and3A_210 : i32 to vector<16xi32>
      %and3A_212 = arith.andi %add3A_204, %and3A_211 : vector<16xi32>
      %gather3A_213 = tpu.vector_load_idx %arg9[%add3A_209, %and3A_212] : memref<10x128xf32, #tpu.memory_space<vmem>>[vector<16xi32>, vector<16xi32>], vector<16xf32>,
      %add3A_214 = arith.constant 10 : i32
      %add3A_215 = vector.broadcast %add3A_214 : i32 to vector<16xi32>
      %add3A_216 = arith.addi %mul3A_95, %add3A_215 : vector<16xi32>
      %shift_right_logical3A_217 = arith.constant 7 : i32
      %shift_right_logical3A_218 = vector.broadcast %shift_right_logical3A_217 : i32 to vector<16xi32>
      %shift_right_logical3A_219 = arith.shrui %add3A_216, %shift_right_logical3A_218 : vector<16xi32>
      %add3A_220 = vector.broadcast %mul3A_81 : i32 to vector<16xi32>
      %add3A_221 = arith.addi %add3A_220, %shift_right_logical3A_219 : vector<16xi32>
      %and3A_222 = arith.constant 127 : i32
      %and3A_223 = vector.broadcast %and3A_222 : i32 to vector<16xi32>
      %and3A_224 = arith.andi %add3A_216, %and3A_223 : vector<16xi32>
      %gather3A_225 = tpu.vector_load_idx %arg9[%add3A_221, %and3A_224] : memref<10x128xf32, #tpu.memory_space<vmem>>[vector<16xi32>, vector<16xi32>], vector<16xf32>,
      %add3A_226 = arith.constant 11 : i32
      %add3A_227 = vector.broadcast %add3A_226 : i32 to vector<16xi32>
      %add3A_228 = arith.addi %mul3A_95, %add3A_227 : vector<16xi32>
      %shift_right_logical3A_229 = arith.constant 7 : i32
      %shift_right_logical3A_230 = vector.broadcast %shift_right_logical3A_229 : i32 to vector<16xi32>
      %shift_right_logical3A_231 = arith.shrui %add3A_228, %shift_right_logical3A_230 : vector<16xi32>
      %add3A_232 = vector.broadcast %mul3A_81 : i32 to vector<16xi32>
      %add3A_233 = arith.addi %add3A_232, %shift_right_logical3A_231 : vector<16xi32>
      %and3A_234 = arith.constant 127 : i32
      %and3A_235 = vector.broadcast %and3A_234 : i32 to vector<16xi32>
      %and3A_236 = arith.andi %add3A_228, %and3A_235 : vector<16xi32>
      %gather3A_237 = tpu.vector_load_idx %arg9[%add3A_233, %and3A_236] : memref<10x128xf32, #tpu.memory_space<vmem>>[vector<16xi32>, vector<16xi32>], vector<16xf32>,
      %add3A_238 = arith.constant 12 : i32
      %add3A_239 = vector.broadcast %add3A_238 : i32 to vector<16xi32>
      %add3A_240 = arith.addi %mul3A_95, %add3A_239 : vector<16xi32>
      %shift_right_logical3A_241 = arith.constant 7 : i32
      %shift_right_logical3A_242 = vector.broadcast %shift_right_logical3A_241 : i32 to vector<16xi32>
      %shift_right_logical3A_243 = arith.shrui %add3A_240, %shift_right_logical3A_242 : vector<16xi32>
      %add3A_244 = vector.broadcast %mul3A_81 : i32 to vector<16xi32>
      %add3A_245 = arith.addi %add3A_244, %shift_right_logical3A_243 : vector<16xi32>
      %and3A_246 = arith.constant 127 : i32
      %and3A_247 = vector.broadcast %and3A_246 : i32 to vector<16xi32>
      %and3A_248 = arith.andi %add3A_240, %and3A_247 : vector<16xi32>
      %gather3A_249 = tpu.vector_load_idx %arg9[%add3A_245, %and3A_248] : memref<10x128xf32, #tpu.memory_space<vmem>>[vector<16xi32>, vector<16xi32>], vector<16xf32>,
      %add3A_250 = arith.constant 13 : i32
      %add3A_251 = vector.broadcast %add3A_250 : i32 to vector<16xi32>
      %add3A_252 = arith.addi %mul3A_95, %add3A_251 : vector<16xi32>
      %shift_right_logical3A_253 = arith.constant 7 : i32
      %shift_right_logical3A_254 = vector.broadcast %shift_right_logical3A_253 : i32 to vector<16xi32>
      %shift_right_logical3A_255 = arith.shrui %add3A_252, %shift_right_logical3A_254 : vector<16xi32>
      %add3A_256 = vector.broadcast %mul3A_81 : i32 to vector<16xi32>
      %add3A_257 = arith.addi %add3A_256, %shift_right_logical3A_255 : vector<16xi32>
      %and3A_258 = arith.constant 127 : i32
      %and3A_259 = vector.broadcast %and3A_258 : i32 to vector<16xi32>
      %and3A_260 = arith.andi %add3A_252, %and3A_259 : vector<16xi32>
      %gather3A_261 = tpu.vector_load_idx %arg9[%add3A_257, %and3A_260] : memref<10x128xf32, #tpu.memory_space<vmem>>[vector<16xi32>, vector<16xi32>], vector<16xf32>,
      %add3A_262 = arith.constant 14 : i32
      %add3A_263 = vector.broadcast %add3A_262 : i32 to vector<16xi32>
      %add3A_264 = arith.addi %mul3A_95, %add3A_263 : vector<16xi32>
      %shift_right_logical3A_265 = arith.constant 7 : i32
      %shift_right_logical3A_266 = vector.broadcast %shift_right_logical3A_265 : i32 to vector<16xi32>
      %shift_right_logical3A_267 = arith.shrui %add3A_264, %shift_right_logical3A_266 : vector<16xi32>
      %add3A_268 = vector.broadcast %mul3A_81 : i32 to vector<16xi32>
      %add3A_269 = arith.addi %add3A_268, %shift_right_logical3A_267 : vector<16xi32>
      %and3A_270 = arith.constant 127 : i32
      %and3A_271 = vector.broadcast %and3A_270 : i32 to vector<16xi32>
      %and3A_272 = arith.andi %add3A_264, %and3A_271 : vector<16xi32>
      %gather3A_273 = tpu.vector_load_idx %arg9[%add3A_269, %and3A_272] : memref<10x128xf32, #tpu.memory_space<vmem>>[vector<16xi32>, vector<16xi32>], vector<16xf32>,
      %add3A_274 = arith.constant 15 : i32
      %add3A_275 = vector.broadcast %add3A_274 : i32 to vector<16xi32>
      %add3A_276 = arith.addi %mul3A_95, %add3A_275 : vector<16xi32>
      %shift_right_logical3A_277 = arith.constant 7 : i32
      %shift_right_logical3A_278 = vector.broadcast %shift_right_logical3A_277 : i32 to vector<16xi32>
      %shift_right_logical3A_279 = arith.shrui %add3A_276, %shift_right_logical3A_278 : vector<16xi32>
      %add3A_280 = vector.broadcast %mul3A_81 : i32 to vector<16xi32>
      %add3A_281 = arith.addi %add3A_280, %shift_right_logical3A_279 : vector<16xi32>
      %and3A_282 = arith.constant 127 : i32
      %and3A_283 = vector.broadcast %and3A_282 : i32 to vector<16xi32>
      %and3A_284 = arith.andi %add3A_276, %and3A_283 : vector<16xi32>
      %gather3A_285 = tpu.vector_load_idx %arg9[%add3A_281, %and3A_284] : memref<10x128xf32, #tpu.memory_space<vmem>>[vector<16xi32>, vector<16xi32>], vector<16xf32>,
      %add3A_286 = arith.constant 16 : i32
      %add3A_287 = vector.broadcast %add3A_286 : i32 to vector<16xi32>
      %add3A_288 = arith.addi %mul3A_95, %add3A_287 : vector<16xi32>
      %shift_right_logical3A_289 = arith.constant 7 : i32
      %shift_right_logical3A_290 = vector.broadcast %shift_right_logical3A_289 : i32 to vector<16xi32>
      %shift_right_logical3A_291 = arith.shrui %add3A_288, %shift_right_logical3A_290 : vector<16xi32>
      %add3A_292 = vector.broadcast %mul3A_81 : i32 to vector<16xi32>
      %add3A_293 = arith.addi %add3A_292, %shift_right_logical3A_291 : vector<16xi32>
      %and3A_294 = arith.constant 127 : i32
      %and3A_295 = vector.broadcast %and3A_294 : i32 to vector<16xi32>
      %and3A_296 = arith.andi %add3A_288, %and3A_295 : vector<16xi32>
      %gather3A_297 = tpu.vector_load_idx %arg9[%add3A_293, %and3A_296] : memref<10x128xf32, #tpu.memory_space<vmem>>[vector<16xi32>, vector<16xi32>], vector<16xf32>,
      %add3A_298 = arith.constant 17 : i32
      %add3A_299 = vector.broadcast %add3A_298 : i32 to vector<16xi32>
      %add3A_300 = arith.addi %mul3A_95, %add3A_299 : vector<16xi32>
      %shift_right_logical3A_301 = arith.constant 7 : i32
      %shift_right_logical3A_302 = vector.broadcast %shift_right_logical3A_301 : i32 to vector<16xi32>
      %shift_right_logical3A_303 = arith.shrui %add3A_300, %shift_right_logical3A_302 : vector<16xi32>
      %add3A_304 = vector.broadcast %mul3A_81 : i32 to vector<16xi32>
      %add3A_305 = arith.addi %add3A_304, %shift_right_logical3A_303 : vector<16xi32>
      %and3A_306 = arith.constant 127 : i32
      %and3A_307 = vector.broadcast %and3A_306 : i32 to vector<16xi32>
      %and3A_308 = arith.andi %add3A_300, %and3A_307 : vector<16xi32>
      %gather3A_309 = tpu.vector_load_idx %arg9[%add3A_305, %and3A_308] : memref<10x128xf32, #tpu.memory_space<vmem>>[vector<16xi32>, vector<16xi32>], vector<16xf32>,
      %add3A_310 = arith.constant 18 : i32
      %add3A_311 = vector.broadcast %add3A_310 : i32 to vector<16xi32>
      %add3A_312 = arith.addi %mul3A_95, %add3A_311 : vector<16xi32>
      %shift_right_logical3A_313 = arith.constant 7 : i32
      %shift_right_logical3A_314 = vector.broadcast %shift_right_logical3A_313 : i32 to vector<16xi32>
      %shift_right_logical3A_315 = arith.shrui %add3A_312, %shift_right_logical3A_314 : vector<16xi32>
      %add3A_316 = vector.broadcast %mul3A_81 : i32 to vector<16xi32>
      %add3A_317 = arith.addi %add3A_316, %shift_right_logical3A_315 : vector<16xi32>
      %and3A_318 = arith.constant 127 : i32
      %and3A_319 = vector.broadcast %and3A_318 : i32 to vector<16xi32>
      %and3A_320 = arith.andi %add3A_312, %and3A_319 : vector<16xi32>
      %gather3A_321 = tpu.vector_load_idx %arg9[%add3A_317, %and3A_320] : memref<10x128xf32, #tpu.memory_space<vmem>>[vector<16xi32>, vector<16xi32>], vector<16xf32>,
      %add3A_322 = arith.constant 19 : i32
      %add3A_323 = vector.broadcast %add3A_322 : i32 to vector<16xi32>
      %add3A_324 = arith.addi %mul3A_95, %add3A_323 : vector<16xi32>
      %shift_right_logical3A_325 = arith.constant 7 : i32
      %shift_right_logical3A_326 = vector.broadcast %shift_right_logical3A_325 : i32 to vector<16xi32>
      %shift_right_logical3A_327 = arith.shrui %add3A_324, %shift_right_logical3A_326 : vector<16xi32>
      %add3A_328 = vector.broadcast %mul3A_81 : i32 to vector<16xi32>
      %add3A_329 = arith.addi %add3A_328, %shift_right_logical3A_327 : vector<16xi32>
      %and3A_330 = arith.constant 127 : i32
      %and3A_331 = vector.broadcast %and3A_330 : i32 to vector<16xi32>
      %and3A_332 = arith.andi %add3A_324, %and3A_331 : vector<16xi32>
      %gather3A_333 = tpu.vector_load_idx %arg9[%add3A_329, %and3A_332] : memref<10x128xf32, #tpu.memory_space<vmem>>[vector<16xi32>, vector<16xi32>], vector<16xf32>,
      %add3A_334 = arith.addf %gather3A, %gather3A_117 : vector<16xf32>
      %add3A_335 = arith.addf %gather3A_129, %gather3A_141 : vector<16xf32>
      %add3A_336 = arith.addf %gather3A_153, %gather3A_165 : vector<16xf32>
      %add3A_337 = arith.addf %gather3A_177, %gather3A_189 : vector<16xf32>
      %add3A_338 = arith.addf %gather3A_201, %gather3A_213 : vector<16xf32>
      %add3A_339 = arith.addf %gather3A_225, %gather3A_237 : vector<16xf32>
      %add3A_340 = arith.addf %gather3A_249, %gather3A_261 : vector<16xf32>
      %add3A_341 = arith.addf %gather3A_273, %gather3A_285 : vector<16xf32>
      %add3A_342 = arith.addf %gather3A_297, %gather3A_309 : vector<16xf32>
      %add3A_343 = arith.addf %gather3A_321, %gather3A_333 : vector<16xf32>
      %add3A_344 = arith.addf %add3A_334, %add3A_335 : vector<16xf32>
      %add3A_345 = arith.addf %add3A_336, %add3A_337 : vector<16xf32>
      %add3A_346 = arith.addf %add3A_338, %add3A_339 : vector<16xf32>
      %add3A_347 = arith.addf %add3A_340, %add3A_341 : vector<16xf32>
      %add3A_348 = arith.addf %add3A_342, %add3A_343 : vector<16xf32>
      %add3A_349 = arith.addf %add3A_344, %add3A_345 : vector<16xf32>
      %add3A_350 = arith.addf %add3A_346, %add3A_347 : vector<16xf32>
      %add3A_351 = arith.addf %add3A_349, %add3A_350 : vector<16xf32>
      %add3A_352 = arith.addf %add3A_351, %add3A_348 : vector<16xf32>
      %add3A_353 = arith.addf %scan3A_77, %add3A_352 : vector<16xf32>
      %add3A_354 = arith.constant 320 : i32
      %add3A_355 = vector.broadcast %add3A_354 : i32 to vector<16xi32>
      %add3A_356 = arith.addi %mul3A_95, %add3A_355 : vector<16xi32>
      %shift_right_logical3A_357 = arith.constant 7 : i32
      %shift_right_logical3A_358 = vector.broadcast %shift_right_logical3A_357 : i32 to vector<16xi32>
      %shift_right_logical3A_359 = arith.shrui %add3A_356, %shift_right_logical3A_358 : vector<16xi32>
      %add3A_360 = vector.broadcast %mul3A_81 : i32 to vector<16xi32>
      %add3A_361 = arith.addi %add3A_360, %shift_right_logical3A_359 : vector<16xi32>
      %and3A_362 = arith.constant 127 : i32
      %and3A_363 = vector.broadcast %and3A_362 : i32 to vector<16xi32>
      %and3A_364 = arith.andi %add3A_356, %and3A_363 : vector<16xi32>
      %gather3A_365 = tpu.vector_load_idx %arg9[%add3A_361, %and3A_364] : memref<10x128xf32, #tpu.memory_space<vmem>>[vector<16xi32>, vector<16xi32>], vector<16xf32>,
      %add3A_366 = arith.constant 321 : i32
      %add3A_367 = vector.broadcast %add3A_366 : i32 to vector<16xi32>
      %add3A_368 = arith.addi %mul3A_95, %add3A_367 : vector<16xi32>
      %shift_right_logical3A_369 = arith.constant 7 : i32
      %shift_right_logical3A_370 = vector.broadcast %shift_right_logical3A_369 : i32 to vector<16xi32>
      %shift_right_logical3A_371 = arith.shrui %add3A_368, %shift_right_logical3A_370 : vector<16xi32>
      %add3A_372 = vector.broadcast %mul3A_81 : i32 to vector<16xi32>
      %add3A_373 = arith.addi %add3A_372, %shift_right_logical3A_371 : vector<16xi32>
      %and3A_374 = arith.constant 127 : i32
      %and3A_375 = vector.broadcast %and3A_374 : i32 to vector<16xi32>
      %and3A_376 = arith.andi %add3A_368, %and3A_375 : vector<16xi32>
      %gather3A_377 = tpu.vector_load_idx %arg9[%add3A_373, %and3A_376] : memref<10x128xf32, #tpu.memory_space<vmem>>[vector<16xi32>, vector<16xi32>], vector<16xf32>,
      %add3A_378 = arith.constant 322 : i32
      %add3A_379 = vector.broadcast %add3A_378 : i32 to vector<16xi32>
      %add3A_380 = arith.addi %mul3A_95, %add3A_379 : vector<16xi32>
      %shift_right_logical3A_381 = arith.constant 7 : i32
      %shift_right_logical3A_382 = vector.broadcast %shift_right_logical3A_381 : i32 to vector<16xi32>
      %shift_right_logical3A_383 = arith.shrui %add3A_380, %shift_right_logical3A_382 : vector<16xi32>
      %add3A_384 = vector.broadcast %mul3A_81 : i32 to vector<16xi32>
      %add3A_385 = arith.addi %add3A_384, %shift_right_logical3A_383 : vector<16xi32>
      %and3A_386 = arith.constant 127 : i32
      %and3A_387 = vector.broadcast %and3A_386 : i32 to vector<16xi32>
      %and3A_388 = arith.andi %add3A_380, %and3A_387 : vector<16xi32>
      %gather3A_389 = tpu.vector_load_idx %arg9[%add3A_385, %and3A_388] : memref<10x128xf32, #tpu.memory_space<vmem>>[vector<16xi32>, vector<16xi32>], vector<16xf32>,
      %add3A_390 = arith.constant 323 : i32
      %add3A_391 = vector.broadcast %add3A_390 : i32 to vector<16xi32>
      %add3A_392 = arith.addi %mul3A_95, %add3A_391 : vector<16xi32>
      %shift_right_logical3A_393 = arith.constant 7 : i32
      %shift_right_logical3A_394 = vector.broadcast %shift_right_logical3A_393 : i32 to vector<16xi32>
      %shift_right_logical3A_395 = arith.shrui %add3A_392, %shift_right_logical3A_394 : vector<16xi32>
      %add3A_396 = vector.broadcast %mul3A_81 : i32 to vector<16xi32>
      %add3A_397 = arith.addi %add3A_396, %shift_right_logical3A_395 : vector<16xi32>
      %and3A_398 = arith.constant 127 : i32
      %and3A_399 = vector.broadcast %and3A_398 : i32 to vector<16xi32>
      %and3A_400 = arith.andi %add3A_392, %and3A_399 : vector<16xi32>
      %gather3A_401 = tpu.vector_load_idx %arg9[%add3A_397, %and3A_400] : memref<10x128xf32, #tpu.memory_space<vmem>>[vector<16xi32>, vector<16xi32>], vector<16xf32>,
      %add3A_402 = arith.constant 324 : i32
      %add3A_403 = vector.broadcast %add3A_402 : i32 to vector<16xi32>
      %add3A_404 = arith.addi %mul3A_95, %add3A_403 : vector<16xi32>
      %shift_right_logical3A_405 = arith.constant 7 : i32
      %shift_right_logical3A_406 = vector.broadcast %shift_right_logical3A_405 : i32 to vector<16xi32>
      %shift_right_logical3A_407 = arith.shrui %add3A_404, %shift_right_logical3A_406 : vector<16xi32>
      %add3A_408 = vector.broadcast %mul3A_81 : i32 to vector<16xi32>
      %add3A_409 = arith.addi %add3A_408, %shift_right_logical3A_407 : vector<16xi32>
      %and3A_410 = arith.constant 127 : i32
      %and3A_411 = vector.broadcast %and3A_410 : i32 to vector<16xi32>
      %and3A_412 = arith.andi %add3A_404, %and3A_411 : vector<16xi32>
      %gather3A_413 = tpu.vector_load_idx %arg9[%add3A_409, %and3A_412] : memref<10x128xf32, #tpu.memory_space<vmem>>[vector<16xi32>, vector<16xi32>], vector<16xf32>,
      %add3A_414 = arith.constant 325 : i32
      %add3A_415 = vector.broadcast %add3A_414 : i32 to vector<16xi32>
      %add3A_416 = arith.addi %mul3A_95, %add3A_415 : vector<16xi32>
      %shift_right_logical3A_417 = arith.constant 7 : i32
      %shift_right_logical3A_418 = vector.broadcast %shift_right_logical3A_417 : i32 to vector<16xi32>
      %shift_right_logical3A_419 = arith.shrui %add3A_416, %shift_right_logical3A_418 : vector<16xi32>
      %add3A_420 = vector.broadcast %mul3A_81 : i32 to vector<16xi32>
      %add3A_421 = arith.addi %add3A_420, %shift_right_logical3A_419 : vector<16xi32>
      %and3A_422 = arith.constant 127 : i32
      %and3A_423 = vector.broadcast %and3A_422 : i32 to vector<16xi32>
      %and3A_424 = arith.andi %add3A_416, %and3A_423 : vector<16xi32>
      %gather3A_425 = tpu.vector_load_idx %arg9[%add3A_421, %and3A_424] : memref<10x128xf32, #tpu.memory_space<vmem>>[vector<16xi32>, vector<16xi32>], vector<16xf32>,
      %add3A_426 = arith.constant 326 : i32
      %add3A_427 = vector.broadcast %add3A_426 : i32 to vector<16xi32>
      %add3A_428 = arith.addi %mul3A_95, %add3A_427 : vector<16xi32>
      %shift_right_logical3A_429 = arith.constant 7 : i32
      %shift_right_logical3A_430 = vector.broadcast %shift_right_logical3A_429 : i32 to vector<16xi32>
      %shift_right_logical3A_431 = arith.shrui %add3A_428, %shift_right_logical3A_430 : vector<16xi32>
      %add3A_432 = vector.broadcast %mul3A_81 : i32 to vector<16xi32>
      %add3A_433 = arith.addi %add3A_432, %shift_right_logical3A_431 : vector<16xi32>
      %and3A_434 = arith.constant 127 : i32
      %and3A_435 = vector.broadcast %and3A_434 : i32 to vector<16xi32>
      %and3A_436 = arith.andi %add3A_428, %and3A_435 : vector<16xi32>
      %gather3A_437 = tpu.vector_load_idx %arg9[%add3A_433, %and3A_436] : memref<10x128xf32, #tpu.memory_space<vmem>>[vector<16xi32>, vector<16xi32>], vector<16xf32>,
      %add3A_438 = arith.constant 327 : i32
      %add3A_439 = vector.broadcast %add3A_438 : i32 to vector<16xi32>
      %add3A_440 = arith.addi %mul3A_95, %add3A_439 : vector<16xi32>
      %shift_right_logical3A_441 = arith.constant 7 : i32
      %shift_right_logical3A_442 = vector.broadcast %shift_right_logical3A_441 : i32 to vector<16xi32>
      %shift_right_logical3A_443 = arith.shrui %add3A_440, %shift_right_logical3A_442 : vector<16xi32>
      %add3A_444 = vector.broadcast %mul3A_81 : i32 to vector<16xi32>
      %add3A_445 = arith.addi %add3A_444, %shift_right_logical3A_443 : vector<16xi32>
      %and3A_446 = arith.constant 127 : i32
      %and3A_447 = vector.broadcast %and3A_446 : i32 to vector<16xi32>
      %and3A_448 = arith.andi %add3A_440, %and3A_447 : vector<16xi32>
      %gather3A_449 = tpu.vector_load_idx %arg9[%add3A_445, %and3A_448] : memref<10x128xf32, #tpu.memory_space<vmem>>[vector<16xi32>, vector<16xi32>], vector<16xf32>,
      %add3A_450 = arith.constant 328 : i32
      %add3A_451 = vector.broadcast %add3A_450 : i32 to vector<16xi32>
      %add3A_452 = arith.addi %mul3A_95, %add3A_451 : vector<16xi32>
      %shift_right_logical3A_453 = arith.constant 7 : i32
      %shift_right_logical3A_454 = vector.broadcast %shift_right_logical3A_453 : i32 to vector<16xi32>
      %shift_right_logical3A_455 = arith.shrui %add3A_452, %shift_right_logical3A_454 : vector<16xi32>
      %add3A_456 = vector.broadcast %mul3A_81 : i32 to vector<16xi32>
      %add3A_457 = arith.addi %add3A_456, %shift_right_logical3A_455 : vector<16xi32>
      %and3A_458 = arith.constant 127 : i32
      %and3A_459 = vector.broadcast %and3A_458 : i32 to vector<16xi32>
      %and3A_460 = arith.andi %add3A_452, %and3A_459 : vector<16xi32>
      %gather3A_461 = tpu.vector_load_idx %arg9[%add3A_457, %and3A_460] : memref<10x128xf32, #tpu.memory_space<vmem>>[vector<16xi32>, vector<16xi32>], vector<16xf32>,
      %add3A_462 = arith.constant 329 : i32
      %add3A_463 = vector.broadcast %add3A_462 : i32 to vector<16xi32>
      %add3A_464 = arith.addi %mul3A_95, %add3A_463 : vector<16xi32>
      %shift_right_logical3A_465 = arith.constant 7 : i32
      %shift_right_logical3A_466 = vector.broadcast %shift_right_logical3A_465 : i32 to vector<16xi32>
      %shift_right_logical3A_467 = arith.shrui %add3A_464, %shift_right_logical3A_466 : vector<16xi32>
      %add3A_468 = vector.broadcast %mul3A_81 : i32 to vector<16xi32>
      %add3A_469 = arith.addi %add3A_468, %shift_right_logical3A_467 : vector<16xi32>
      %and3A_470 = arith.constant 127 : i32
      %and3A_471 = vector.broadcast %and3A_470 : i32 to vector<16xi32>
      %and3A_472 = arith.andi %add3A_464, %and3A_471 : vector<16xi32>
      %gather3A_473 = tpu.vector_load_idx %arg9[%add3A_469, %and3A_472] : memref<10x128xf32, #tpu.memory_space<vmem>>[vector<16xi32>, vector<16xi32>], vector<16xf32>,
      %add3A_474 = arith.constant 330 : i32
      %add3A_475 = vector.broadcast %add3A_474 : i32 to vector<16xi32>
      %add3A_476 = arith.addi %mul3A_95, %add3A_475 : vector<16xi32>
      %shift_right_logical3A_477 = arith.constant 7 : i32
      %shift_right_logical3A_478 = vector.broadcast %shift_right_logical3A_477 : i32 to vector<16xi32>
      %shift_right_logical3A_479 = arith.shrui %add3A_476, %shift_right_logical3A_478 : vector<16xi32>
      %add3A_480 = vector.broadcast %mul3A_81 : i32 to vector<16xi32>
      %add3A_481 = arith.addi %add3A_480, %shift_right_logical3A_479 : vector<16xi32>
      %and3A_482 = arith.constant 127 : i32
      %and3A_483 = vector.broadcast %and3A_482 : i32 to vector<16xi32>
      %and3A_484 = arith.andi %add3A_476, %and3A_483 : vector<16xi32>
      %gather3A_485 = tpu.vector_load_idx %arg9[%add3A_481, %and3A_484] : memref<10x128xf32, #tpu.memory_space<vmem>>[vector<16xi32>, vector<16xi32>], vector<16xf32>,
      %add3A_486 = arith.constant 331 : i32
      %add3A_487 = vector.broadcast %add3A_486 : i32 to vector<16xi32>
      %add3A_488 = arith.addi %mul3A_95, %add3A_487 : vector<16xi32>
      %shift_right_logical3A_489 = arith.constant 7 : i32
      %shift_right_logical3A_490 = vector.broadcast %shift_right_logical3A_489 : i32 to vector<16xi32>
      %shift_right_logical3A_491 = arith.shrui %add3A_488, %shift_right_logical3A_490 : vector<16xi32>
      %add3A_492 = vector.broadcast %mul3A_81 : i32 to vector<16xi32>
      %add3A_493 = arith.addi %add3A_492, %shift_right_logical3A_491 : vector<16xi32>
      %and3A_494 = arith.constant 127 : i32
      %and3A_495 = vector.broadcast %and3A_494 : i32 to vector<16xi32>
      %and3A_496 = arith.andi %add3A_488, %and3A_495 : vector<16xi32>
      %gather3A_497 = tpu.vector_load_idx %arg9[%add3A_493, %and3A_496] : memref<10x128xf32, #tpu.memory_space<vmem>>[vector<16xi32>, vector<16xi32>], vector<16xf32>,
      %add3A_498 = arith.constant 332 : i32
      %add3A_499 = vector.broadcast %add3A_498 : i32 to vector<16xi32>
      %add3A_500 = arith.addi %mul3A_95, %add3A_499 : vector<16xi32>
      %shift_right_logical3A_501 = arith.constant 7 : i32
      %shift_right_logical3A_502 = vector.broadcast %shift_right_logical3A_501 : i32 to vector<16xi32>
      %shift_right_logical3A_503 = arith.shrui %add3A_500, %shift_right_logical3A_502 : vector<16xi32>
      %add3A_504 = vector.broadcast %mul3A_81 : i32 to vector<16xi32>
      %add3A_505 = arith.addi %add3A_504, %shift_right_logical3A_503 : vector<16xi32>
      %and3A_506 = arith.constant 127 : i32
      %and3A_507 = vector.broadcast %and3A_506 : i32 to vector<16xi32>
      %and3A_508 = arith.andi %add3A_500, %and3A_507 : vector<16xi32>
      %gather3A_509 = tpu.vector_load_idx %arg9[%add3A_505, %and3A_508] : memref<10x128xf32, #tpu.memory_space<vmem>>[vector<16xi32>, vector<16xi32>], vector<16xf32>,
      %add3A_510 = arith.constant 333 : i32
      %add3A_511 = vector.broadcast %add3A_510 : i32 to vector<16xi32>
      %add3A_512 = arith.addi %mul3A_95, %add3A_511 : vector<16xi32>
      %shift_right_logical3A_513 = arith.constant 7 : i32
      %shift_right_logical3A_514 = vector.broadcast %shift_right_logical3A_513 : i32 to vector<16xi32>
      %shift_right_logical3A_515 = arith.shrui %add3A_512, %shift_right_logical3A_514 : vector<16xi32>
      %add3A_516 = vector.broadcast %mul3A_81 : i32 to vector<16xi32>
      %add3A_517 = arith.addi %add3A_516, %shift_right_logical3A_515 : vector<16xi32>
      %and3A_518 = arith.constant 127 : i32
      %and3A_519 = vector.broadcast %and3A_518 : i32 to vector<16xi32>
      %and3A_520 = arith.andi %add3A_512, %and3A_519 : vector<16xi32>
      %gather3A_521 = tpu.vector_load_idx %arg9[%add3A_517, %and3A_520] : memref<10x128xf32, #tpu.memory_space<vmem>>[vector<16xi32>, vector<16xi32>], vector<16xf32>,
      %add3A_522 = arith.constant 334 : i32
      %add3A_523 = vector.broadcast %add3A_522 : i32 to vector<16xi32>
      %add3A_524 = arith.addi %mul3A_95, %add3A_523 : vector<16xi32>
      %shift_right_logical3A_525 = arith.constant 7 : i32
      %shift_right_logical3A_526 = vector.broadcast %shift_right_logical3A_525 : i32 to vector<16xi32>
      %shift_right_logical3A_527 = arith.shrui %add3A_524, %shift_right_logical3A_526 : vector<16xi32>
      %add3A_528 = vector.broadcast %mul3A_81 : i32 to vector<16xi32>
      %add3A_529 = arith.addi %add3A_528, %shift_right_logical3A_527 : vector<16xi32>
      %and3A_530 = arith.constant 127 : i32
      %and3A_531 = vector.broadcast %and3A_530 : i32 to vector<16xi32>
      %and3A_532 = arith.andi %add3A_524, %and3A_531 : vector<16xi32>
      %gather3A_533 = tpu.vector_load_idx %arg9[%add3A_529, %and3A_532] : memref<10x128xf32, #tpu.memory_space<vmem>>[vector<16xi32>, vector<16xi32>], vector<16xf32>,
      %add3A_534 = arith.constant 335 : i32
      %add3A_535 = vector.broadcast %add3A_534 : i32 to vector<16xi32>
      %add3A_536 = arith.addi %mul3A_95, %add3A_535 : vector<16xi32>
      %shift_right_logical3A_537 = arith.constant 7 : i32
      %shift_right_logical3A_538 = vector.broadcast %shift_right_logical3A_537 : i32 to vector<16xi32>
      %shift_right_logical3A_539 = arith.shrui %add3A_536, %shift_right_logical3A_538 : vector<16xi32>
      %add3A_540 = vector.broadcast %mul3A_81 : i32 to vector<16xi32>
      %add3A_541 = arith.addi %add3A_540, %shift_right_logical3A_539 : vector<16xi32>
      %and3A_542 = arith.constant 127 : i32
      %and3A_543 = vector.broadcast %and3A_542 : i32 to vector<16xi32>
      %and3A_544 = arith.andi %add3A_536, %and3A_543 : vector<16xi32>
      %gather3A_545 = tpu.vector_load_idx %arg9[%add3A_541, %and3A_544] : memref<10x128xf32, #tpu.memory_space<vmem>>[vector<16xi32>, vector<16xi32>], vector<16xf32>,
      %add3A_546 = arith.constant 336 : i32
      %add3A_547 = vector.broadcast %add3A_546 : i32 to vector<16xi32>
      %add3A_548 = arith.addi %mul3A_95, %add3A_547 : vector<16xi32>
      %shift_right_logical3A_549 = arith.constant 7 : i32
      %shift_right_logical3A_550 = vector.broadcast %shift_right_logical3A_549 : i32 to vector<16xi32>
      %shift_right_logical3A_551 = arith.shrui %add3A_548, %shift_right_logical3A_550 : vector<16xi32>
      %add3A_552 = vector.broadcast %mul3A_81 : i32 to vector<16xi32>
      %add3A_553 = arith.addi %add3A_552, %shift_right_logical3A_551 : vector<16xi32>
      %and3A_554 = arith.constant 127 : i32
      %and3A_555 = vector.broadcast %and3A_554 : i32 to vector<16xi32>
      %and3A_556 = arith.andi %add3A_548, %and3A_555 : vector<16xi32>
      %gather3A_557 = tpu.vector_load_idx %arg9[%add3A_553, %and3A_556] : memref<10x128xf32, #tpu.memory_space<vmem>>[vector<16xi32>, vector<16xi32>], vector<16xf32>,
      %add3A_558 = arith.constant 337 : i32
      %add3A_559 = vector.broadcast %add3A_558 : i32 to vector<16xi32>
      %add3A_560 = arith.addi %mul3A_95, %add3A_559 : vector<16xi32>
      %shift_right_logical3A_561 = arith.constant 7 : i32
      %shift_right_logical3A_562 = vector.broadcast %shift_right_logical3A_561 : i32 to vector<16xi32>
      %shift_right_logical3A_563 = arith.shrui %add3A_560, %shift_right_logical3A_562 : vector<16xi32>
      %add3A_564 = vector.broadcast %mul3A_81 : i32 to vector<16xi32>
      %add3A_565 = arith.addi %add3A_564, %shift_right_logical3A_563 : vector<16xi32>
      %and3A_566 = arith.constant 127 : i32
      %and3A_567 = vector.broadcast %and3A_566 : i32 to vector<16xi32>
      %and3A_568 = arith.andi %add3A_560, %and3A_567 : vector<16xi32>
      %gather3A_569 = tpu.vector_load_idx %arg9[%add3A_565, %and3A_568] : memref<10x128xf32, #tpu.memory_space<vmem>>[vector<16xi32>, vector<16xi32>], vector<16xf32>,
      %add3A_570 = arith.constant 338 : i32
      %add3A_571 = vector.broadcast %add3A_570 : i32 to vector<16xi32>
      %add3A_572 = arith.addi %mul3A_95, %add3A_571 : vector<16xi32>
      %shift_right_logical3A_573 = arith.constant 7 : i32
      %shift_right_logical3A_574 = vector.broadcast %shift_right_logical3A_573 : i32 to vector<16xi32>
      %shift_right_logical3A_575 = arith.shrui %add3A_572, %shift_right_logical3A_574 : vector<16xi32>
      %add3A_576 = vector.broadcast %mul3A_81 : i32 to vector<16xi32>
      %add3A_577 = arith.addi %add3A_576, %shift_right_logical3A_575 : vector<16xi32>
      %and3A_578 = arith.constant 127 : i32
      %and3A_579 = vector.broadcast %and3A_578 : i32 to vector<16xi32>
      %and3A_580 = arith.andi %add3A_572, %and3A_579 : vector<16xi32>
      %gather3A_581 = tpu.vector_load_idx %arg9[%add3A_577, %and3A_580] : memref<10x128xf32, #tpu.memory_space<vmem>>[vector<16xi32>, vector<16xi32>], vector<16xf32>,
      %add3A_582 = arith.constant 339 : i32
      %add3A_583 = vector.broadcast %add3A_582 : i32 to vector<16xi32>
      %add3A_584 = arith.addi %mul3A_95, %add3A_583 : vector<16xi32>
      %shift_right_logical3A_585 = arith.constant 7 : i32
      %shift_right_logical3A_586 = vector.broadcast %shift_right_logical3A_585 : i32 to vector<16xi32>
      %shift_right_logical3A_587 = arith.shrui %add3A_584, %shift_right_logical3A_586 : vector<16xi32>
      %add3A_588 = vector.broadcast %mul3A_81 : i32 to vector<16xi32>
      %add3A_589 = arith.addi %add3A_588, %shift_right_logical3A_587 : vector<16xi32>
      %and3A_590 = arith.constant 127 : i32
      %and3A_591 = vector.broadcast %and3A_590 : i32 to vector<16xi32>
      %and3A_592 = arith.andi %add3A_584, %and3A_591 : vector<16xi32>
      %gather3A_593 = tpu.vector_load_idx %arg9[%add3A_589, %and3A_592] : memref<10x128xf32, #tpu.memory_space<vmem>>[vector<16xi32>, vector<16xi32>], vector<16xf32>,
      %add3A_594 = arith.addf %gather3A_365, %gather3A_377 : vector<16xf32>
      %add3A_595 = arith.addf %gather3A_389, %gather3A_401 : vector<16xf32>
      %add3A_596 = arith.addf %gather3A_413, %gather3A_425 : vector<16xf32>
      %add3A_597 = arith.addf %gather3A_437, %gather3A_449 : vector<16xf32>
      %add3A_598 = arith.addf %gather3A_461, %gather3A_473 : vector<16xf32>
      %add3A_599 = arith.addf %gather3A_485, %gather3A_497 : vector<16xf32>
      %add3A_600 = arith.addf %gather3A_509, %gather3A_521 : vector<16xf32>
      %add3A_601 = arith.addf %gather3A_533, %gather3A_545 : vector<16xf32>
      %add3A_602 = arith.addf %gather3A_557, %gather3A_569 : vector<16xf32>
      %add3A_603 = arith.addf %gather3A_581, %gather3A_593 : vector<16xf32>
      %add3A_604 = arith.addf %add3A_594, %add3A_595 : vector<16xf32>
      %add3A_605 = arith.addf %add3A_596, %add3A_597 : vector<16xf32>
      %add3A_606 = arith.addf %add3A_598, %add3A_599 : vector<16xf32>
      %add3A_607 = arith.addf %add3A_600, %add3A_601 : vector<16xf32>
      %add3A_608 = arith.addf %add3A_602, %add3A_603 : vector<16xf32>
      %add3A_609 = arith.addf %add3A_604, %add3A_605 : vector<16xf32>
      %add3A_610 = arith.addf %add3A_606, %add3A_607 : vector<16xf32>
      %add3A_611 = arith.addf %add3A_609, %add3A_610 : vector<16xf32>
      %add3A_612 = arith.addf %add3A_611, %add3A_608 : vector<16xf32>
      %add3A_613 = arith.addf %scan3A_78, %add3A_612 : vector<16xf32>
      scf.yield %add3A_353, %add3A_613 : vector<16xf32>, vector<16xf32>
    }
    %scan3A_72 = arith.constant 21 : i32
    %swap3A = arith.constant 0 : index
    %swap3A_73 = tpu.vector_load %arg12[%swap3A] {strides = array<i32>} : memref<32xf32, #tpu.memory_space<vmem>>, vector<16xf32>,
    tpu.vector_store %arg12[%swap3A], %scan3A_71#0 {strides = array<i32>} : memref<32xf32, #tpu.memory_space<vmem>>, vector<16xf32>,
    %swap3A_74 = arith.constant 16 : index
    %swap3A_75 = tpu.vector_load %arg12[%swap3A_74] {strides = array<i32>} : memref<32xf32, #tpu.memory_space<vmem>>, vector<16xf32>,
    tpu.vector_store %arg12[%swap3A_74], %scan3A_71#1 {strides = array<i32>} : memref<32xf32, #tpu.memory_space<vmem>>, vector<16xf32>,
    "tpu.region"() ({
      %run_scoped3A = tpu.sem_alloc : memref<!tpu.dma_semaphore, #tpu.memory_space<semaphore_mem>>
      %dma_start3A_76 = tpu.memref_slice %arg7[%mul3A_2] : memref<1024xf32, #tpu.memory_space<hbm>> -> memref<32xf32, #tpu.memory_space<hbm>>
      %dma_start3A_77 = tpu.memref_slice %arg7[%mul3A_2] : memref<1024xf32, #tpu.memory_space<hbm>> -> memref<32xf32, #tpu.memory_space<hbm>>
      tpu.enqueue_dma source(%arg12 : memref<32xf32, #tpu.memory_space<vmem>>) target(%dma_start3A_77 : memref<32xf32, #tpu.memory_space<hbm>>) target_semaphore(%run_scoped3A : memref<!tpu.dma_semaphore, #tpu.memory_space<semaphore_mem>>)
      %dma_wait3A = tpu.memref_slice %arg7[%mul3A_2] : memref<1024xf32, #tpu.memory_space<hbm>> -> memref<32xf32, #tpu.memory_space<hbm>>
      %dma_wait3A_78 = tpu.memref_slice %arg7[%mul3A_2] : memref<1024xf32, #tpu.memory_space<hbm>> -> memref<32xf32, #tpu.memory_space<hbm>>
      tpu.wait_dma2 semaphore(%run_scoped3A : memref<!tpu.dma_semaphore, #tpu.memory_space<semaphore_mem>>) src(%arg12 : memref<32xf32, #tpu.memory_space<vmem>>) dst(%dma_wait3A_78 : memref<32xf32, #tpu.memory_space<hbm>>)
      tpu.yield
    }) : () -> ()
    return
  }
}

#map = affine_map<(d0, d1) -> (0)>
#map1 = affine_map<(d0, d1) -> (0, 0, 0)>
#map2 = affine_map<(d0, d1) -> (0, 0)>
module attributes {stable_mosaic.version = 14 : i64} {
  func.func @_sc_final_body(%arg0: i32, %arg1: i32, %arg2: memref<1024xf32, #tpu.memory_space<hbm>>, %arg3: memref<204800xf32, #tpu.memory_space<hbm>>, %arg4: memref<32x10x128xi32, #tpu.memory_space<hbm>>, %arg5: memref<32x1280xf32, #tpu.memory_space<hbm>>, %arg6: memref<5x128xf32, #tpu.memory_space<hbm>>, %arg7: memref<1024xf32, #tpu.memory_space<hbm>>, %arg8: memref<10x128xi32, #tpu.memory_space<vmem>>, %arg9: memref<10x128xf32, #tpu.memory_space<vmem>>, %arg10: memref<1280xf32, #tpu.memory_space<vmem>>, %arg11: memref<32xf32, #tpu.memory_space<vmem>>, %arg12: memref<32xf32, #tpu.memory_space<vmem>>, %arg13: memref<5x128xf32, #tpu.memory_space<vmem>>, %arg14: memref<!tpu.dma_semaphore, #tpu.memory_space<semaphore_mem>>) attributes {dimension_semantics = [#tpu.dimension_semantics<core_parallel>, #tpu.dimension_semantics<subcore_parallel>], iteration_bounds = array<i64: 2, 16>, scalar_prefetch = 0 : i64, scratch_operands = 7 : i64, tpu.core_type = #tpu.core_type<sc_vector_subcore>, window_params = [{transform_indices = #map}, {transform_indices = #map}, {transform_indices = #map1}, {transform_indices = #map2}, {transform_indices = #map2}, {transform_indices = #map}]} {
    %mul3A = arith.constant 2 : i32
    %mul3A_0 = arith.muli %arg1, %mul3A : i32
    %add3A = arith.addi %mul3A_0, %arg0 : i32
    %mul3A_1 = arith.constant 32 : i32
    %mul3A_2 = arith.muli %add3A, %mul3A_1 : i32
    "tpu.region"() ({
      %run_scoped3A = tpu.sem_alloc : memref<!tpu.dma_semaphore, #tpu.memory_space<semaphore_mem>>
      %dma_start3A_1652 = arith.constant 0 : i32
      %dma_start3A_1653 = arith.constant 0 : i32
      %dma_start3A_1654 = tpu.memref_slice %arg4[%add3A, %dma_start3A_1652, %dma_start3A_1653] : memref<32x10x128xi32, #tpu.memory_space<hbm>> -> memref<1x10x128xi32, #tpu.memory_space<hbm>>
      %dma_start3A_1655 = tpu.memref_squeeze %dma_start3A_1654 : memref<1x10x128xi32, #tpu.memory_space<hbm>> -> memref<10x128xi32, #tpu.memory_space<hbm>>
      %dma_start3A_1656 = arith.constant 0 : i32
      %dma_start3A_1657 = arith.constant 0 : i32
      %dma_start3A_1658 = tpu.memref_slice %arg4[%add3A, %dma_start3A_1656, %dma_start3A_1657] : memref<32x10x128xi32, #tpu.memory_space<hbm>> -> memref<1x10x128xi32, #tpu.memory_space<hbm>>
      %dma_start3A_1659 = tpu.memref_squeeze %dma_start3A_1658 : memref<1x10x128xi32, #tpu.memory_space<hbm>> -> memref<10x128xi32, #tpu.memory_space<hbm>>
      tpu.enqueue_dma source(%dma_start3A_1659 : memref<10x128xi32, #tpu.memory_space<hbm>>) target(%arg8 : memref<10x128xi32, #tpu.memory_space<vmem>>) target_semaphore(%run_scoped3A : memref<!tpu.dma_semaphore, #tpu.memory_space<semaphore_mem>>)
      %dma_wait3A = arith.constant 0 : i32
      %dma_wait3A_1660 = arith.constant 0 : i32
      %dma_wait3A_1661 = tpu.memref_slice %arg4[%add3A, %dma_wait3A, %dma_wait3A_1660] : memref<32x10x128xi32, #tpu.memory_space<hbm>> -> memref<1x10x128xi32, #tpu.memory_space<hbm>>
      %dma_wait3A_1662 = tpu.memref_squeeze %dma_wait3A_1661 : memref<1x10x128xi32, #tpu.memory_space<hbm>> -> memref<10x128xi32, #tpu.memory_space<hbm>>
      %dma_wait3A_1663 = arith.constant 0 : i32
      %dma_wait3A_1664 = arith.constant 0 : i32
      %dma_wait3A_1665 = tpu.memref_slice %arg4[%add3A, %dma_wait3A_1663, %dma_wait3A_1664] : memref<32x10x128xi32, #tpu.memory_space<hbm>> -> memref<1x10x128xi32, #tpu.memory_space<hbm>>
      %dma_wait3A_1666 = tpu.memref_squeeze %dma_wait3A_1665 : memref<1x10x128xi32, #tpu.memory_space<hbm>> -> memref<10x128xi32, #tpu.memory_space<hbm>>
      tpu.wait_dma2 semaphore(%run_scoped3A : memref<!tpu.dma_semaphore, #tpu.memory_space<semaphore_mem>>) src(%dma_wait3A_1666 : memref<10x128xi32, #tpu.memory_space<hbm>>) dst(%arg8 : memref<10x128xi32, #tpu.memory_space<vmem>>)
      tpu.yield
    }) : () -> ()
    "tpu.region"() ({
      %run_scoped3A = tpu.sem_alloc : memref<!tpu.dma_semaphore, #tpu.memory_space<semaphore_mem>>
      %dma_start3A_1652 = arith.constant 0 : i32
      %dma_start3A_1653 = tpu.memref_slice %arg5[%add3A, %dma_start3A_1652] : memref<32x1280xf32, #tpu.memory_space<hbm>> -> memref<1x1280xf32, #tpu.memory_space<hbm>>
      %dma_start3A_1654 = tpu.memref_squeeze %dma_start3A_1653 : memref<1x1280xf32, #tpu.memory_space<hbm>> -> memref<1280xf32, #tpu.memory_space<hbm>>
      %dma_start3A_1655 = arith.constant 0 : i32
      %dma_start3A_1656 = tpu.memref_slice %arg5[%add3A, %dma_start3A_1655] : memref<32x1280xf32, #tpu.memory_space<hbm>> -> memref<1x1280xf32, #tpu.memory_space<hbm>>
      %dma_start3A_1657 = tpu.memref_squeeze %dma_start3A_1656 : memref<1x1280xf32, #tpu.memory_space<hbm>> -> memref<1280xf32, #tpu.memory_space<hbm>>
      tpu.enqueue_dma source(%dma_start3A_1657 : memref<1280xf32, #tpu.memory_space<hbm>>) target(%arg10 : memref<1280xf32, #tpu.memory_space<vmem>>) target_semaphore(%run_scoped3A : memref<!tpu.dma_semaphore, #tpu.memory_space<semaphore_mem>>)
      %dma_wait3A = arith.constant 0 : i32
      %dma_wait3A_1658 = tpu.memref_slice %arg5[%add3A, %dma_wait3A] : memref<32x1280xf32, #tpu.memory_space<hbm>> -> memref<1x1280xf32, #tpu.memory_space<hbm>>
      %dma_wait3A_1659 = tpu.memref_squeeze %dma_wait3A_1658 : memref<1x1280xf32, #tpu.memory_space<hbm>> -> memref<1280xf32, #tpu.memory_space<hbm>>
      %dma_wait3A_1660 = arith.constant 0 : i32
      %dma_wait3A_1661 = tpu.memref_slice %arg5[%add3A, %dma_wait3A_1660] : memref<32x1280xf32, #tpu.memory_space<hbm>> -> memref<1x1280xf32, #tpu.memory_space<hbm>>
      %dma_wait3A_1662 = tpu.memref_squeeze %dma_wait3A_1661 : memref<1x1280xf32, #tpu.memory_space<hbm>> -> memref<1280xf32, #tpu.memory_space<hbm>>
      tpu.wait_dma2 semaphore(%run_scoped3A : memref<!tpu.dma_semaphore, #tpu.memory_space<semaphore_mem>>) src(%dma_wait3A_1662 : memref<1280xf32, #tpu.memory_space<hbm>>) dst(%arg10 : memref<1280xf32, #tpu.memory_space<vmem>>)
      tpu.yield
    }) : () -> ()
    "tpu.region"() ({
      %run_scoped3A = tpu.sem_alloc : memref<!tpu.dma_semaphore, #tpu.memory_space<semaphore_mem>>
      %dma_start3A_1652 = tpu.memref_slice %arg2[%mul3A_2] : memref<1024xf32, #tpu.memory_space<hbm>> -> memref<32xf32, #tpu.memory_space<hbm>>
      %dma_start3A_1653 = tpu.memref_slice %arg2[%mul3A_2] : memref<1024xf32, #tpu.memory_space<hbm>> -> memref<32xf32, #tpu.memory_space<hbm>>
      tpu.enqueue_dma source(%dma_start3A_1653 : memref<32xf32, #tpu.memory_space<hbm>>) target(%arg11 : memref<32xf32, #tpu.memory_space<vmem>>) target_semaphore(%run_scoped3A : memref<!tpu.dma_semaphore, #tpu.memory_space<semaphore_mem>>)
      %dma_wait3A = tpu.memref_slice %arg2[%mul3A_2] : memref<1024xf32, #tpu.memory_space<hbm>> -> memref<32xf32, #tpu.memory_space<hbm>>
      %dma_wait3A_1654 = tpu.memref_slice %arg2[%mul3A_2] : memref<1024xf32, #tpu.memory_space<hbm>> -> memref<32xf32, #tpu.memory_space<hbm>>
      tpu.wait_dma2 semaphore(%run_scoped3A : memref<!tpu.dma_semaphore, #tpu.memory_space<semaphore_mem>>) src(%dma_wait3A_1654 : memref<32xf32, #tpu.memory_space<hbm>>) dst(%arg11 : memref<32xf32, #tpu.memory_space<vmem>>)
      tpu.yield
    }) : () -> ()
    %dma_start3A = arith.constant 0 : i32
    %dma_start3A_3 = arith.constant 0 : i32
    %dma_start3A_4 = arith.constant 0 : i32
    %dma_start3A_5 = tpu.memref_slice %arg9[%dma_start3A_3, %dma_start3A_4] : memref<10x128xf32, #tpu.memory_space<vmem>> -> memref<1x128xf32, #tpu.memory_space<vmem>>
    %dma_start3A_6 = tpu.memref_squeeze %dma_start3A_5 : memref<1x128xf32, #tpu.memory_space<vmem>> -> memref<128xf32, #tpu.memory_space<vmem>>
    %dma_start3A_7 = arith.constant 0 : i32
    %dma_start3A_8 = tpu.memref_slice %arg8[%dma_start3A, %dma_start3A_7] : memref<10x128xi32, #tpu.memory_space<vmem>> -> memref<1x128xi32, #tpu.memory_space<vmem>>
    %dma_start3A_9 = tpu.memref_squeeze %dma_start3A_8 : memref<1x128xi32, #tpu.memory_space<vmem>> -> memref<128xi32, #tpu.memory_space<vmem>>
    %dma_start3A_10 = arith.constant 0 : i32
    %dma_start3A_11 = tpu.memref_slice %arg3[%dma_start3A_10] : memref<204800xf32, #tpu.memory_space<hbm>> -> memref<204800xf32, #tpu.memory_space<hbm>>
    tpu.enqueue_indirect_dma source(%dma_start3A_11 : memref<204800xf32, #tpu.memory_space<hbm>>) target(%dma_start3A_6 : memref<128xf32, #tpu.memory_space<vmem>>) offsets(%dma_start3A_9 : memref<128xi32, #tpu.memory_space<vmem>>) semaphore(%arg14 : memref<!tpu.dma_semaphore, #tpu.memory_space<semaphore_mem>>)
    %dma_start3A_12 = arith.constant 1 : i32
    %dma_start3A_13 = arith.constant 1 : i32
    %dma_start3A_14 = arith.constant 0 : i32
    %dma_start3A_15 = tpu.memref_slice %arg9[%dma_start3A_13, %dma_start3A_14] : memref<10x128xf32, #tpu.memory_space<vmem>> -> memref<1x128xf32, #tpu.memory_space<vmem>>
    %dma_start3A_16 = tpu.memref_squeeze %dma_start3A_15 : memref<1x128xf32, #tpu.memory_space<vmem>> -> memref<128xf32, #tpu.memory_space<vmem>>
    %dma_start3A_17 = arith.constant 0 : i32
    %dma_start3A_18 = tpu.memref_slice %arg8[%dma_start3A_12, %dma_start3A_17] : memref<10x128xi32, #tpu.memory_space<vmem>> -> memref<1x128xi32, #tpu.memory_space<vmem>>
    %dma_start3A_19 = tpu.memref_squeeze %dma_start3A_18 : memref<1x128xi32, #tpu.memory_space<vmem>> -> memref<128xi32, #tpu.memory_space<vmem>>
    %dma_start3A_20 = arith.constant 0 : i32
    %dma_start3A_21 = tpu.memref_slice %arg3[%dma_start3A_20] : memref<204800xf32, #tpu.memory_space<hbm>> -> memref<204800xf32, #tpu.memory_space<hbm>>
    tpu.enqueue_indirect_dma source(%dma_start3A_21 : memref<204800xf32, #tpu.memory_space<hbm>>) target(%dma_start3A_16 : memref<128xf32, #tpu.memory_space<vmem>>) offsets(%dma_start3A_19 : memref<128xi32, #tpu.memory_space<vmem>>) semaphore(%arg14 : memref<!tpu.dma_semaphore, #tpu.memory_space<semaphore_mem>>)
    %dma_start3A_22 = arith.constant 2 : i32
    %dma_start3A_23 = arith.constant 2 : i32
    %dma_start3A_24 = arith.constant 0 : i32
    %dma_start3A_25 = tpu.memref_slice %arg9[%dma_start3A_23, %dma_start3A_24] : memref<10x128xf32, #tpu.memory_space<vmem>> -> memref<1x128xf32, #tpu.memory_space<vmem>>
    %dma_start3A_26 = tpu.memref_squeeze %dma_start3A_25 : memref<1x128xf32, #tpu.memory_space<vmem>> -> memref<128xf32, #tpu.memory_space<vmem>>
    %dma_start3A_27 = arith.constant 0 : i32
    %dma_start3A_28 = tpu.memref_slice %arg8[%dma_start3A_22, %dma_start3A_27] : memref<10x128xi32, #tpu.memory_space<vmem>> -> memref<1x128xi32, #tpu.memory_space<vmem>>
    %dma_start3A_29 = tpu.memref_squeeze %dma_start3A_28 : memref<1x128xi32, #tpu.memory_space<vmem>> -> memref<128xi32, #tpu.memory_space<vmem>>
    %dma_start3A_30 = arith.constant 0 : i32
    %dma_start3A_31 = tpu.memref_slice %arg3[%dma_start3A_30] : memref<204800xf32, #tpu.memory_space<hbm>> -> memref<204800xf32, #tpu.memory_space<hbm>>
    tpu.enqueue_indirect_dma source(%dma_start3A_31 : memref<204800xf32, #tpu.memory_space<hbm>>) target(%dma_start3A_26 : memref<128xf32, #tpu.memory_space<vmem>>) offsets(%dma_start3A_29 : memref<128xi32, #tpu.memory_space<vmem>>) semaphore(%arg14 : memref<!tpu.dma_semaphore, #tpu.memory_space<semaphore_mem>>)
    %dma_start3A_32 = arith.constant 3 : i32
    %dma_start3A_33 = arith.constant 3 : i32
    %dma_start3A_34 = arith.constant 0 : i32
    %dma_start3A_35 = tpu.memref_slice %arg9[%dma_start3A_33, %dma_start3A_34] : memref<10x128xf32, #tpu.memory_space<vmem>> -> memref<1x128xf32, #tpu.memory_space<vmem>>
    %dma_start3A_36 = tpu.memref_squeeze %dma_start3A_35 : memref<1x128xf32, #tpu.memory_space<vmem>> -> memref<128xf32, #tpu.memory_space<vmem>>
    %dma_start3A_37 = arith.constant 0 : i32
    %dma_start3A_38 = tpu.memref_slice %arg8[%dma_start3A_32, %dma_start3A_37] : memref<10x128xi32, #tpu.memory_space<vmem>> -> memref<1x128xi32, #tpu.memory_space<vmem>>
    %dma_start3A_39 = tpu.memref_squeeze %dma_start3A_38 : memref<1x128xi32, #tpu.memory_space<vmem>> -> memref<128xi32, #tpu.memory_space<vmem>>
    %dma_start3A_40 = arith.constant 0 : i32
    %dma_start3A_41 = tpu.memref_slice %arg3[%dma_start3A_40] : memref<204800xf32, #tpu.memory_space<hbm>> -> memref<204800xf32, #tpu.memory_space<hbm>>
    tpu.enqueue_indirect_dma source(%dma_start3A_41 : memref<204800xf32, #tpu.memory_space<hbm>>) target(%dma_start3A_36 : memref<128xf32, #tpu.memory_space<vmem>>) offsets(%dma_start3A_39 : memref<128xi32, #tpu.memory_space<vmem>>) semaphore(%arg14 : memref<!tpu.dma_semaphore, #tpu.memory_space<semaphore_mem>>)
    %dma_start3A_42 = arith.constant 4 : i32
    %dma_start3A_43 = arith.constant 4 : i32
    %dma_start3A_44 = arith.constant 0 : i32
    %dma_start3A_45 = tpu.memref_slice %arg9[%dma_start3A_43, %dma_start3A_44] : memref<10x128xf32, #tpu.memory_space<vmem>> -> memref<1x128xf32, #tpu.memory_space<vmem>>
    %dma_start3A_46 = tpu.memref_squeeze %dma_start3A_45 : memref<1x128xf32, #tpu.memory_space<vmem>> -> memref<128xf32, #tpu.memory_space<vmem>>
    %dma_start3A_47 = arith.constant 0 : i32
    %dma_start3A_48 = tpu.memref_slice %arg8[%dma_start3A_42, %dma_start3A_47] : memref<10x128xi32, #tpu.memory_space<vmem>> -> memref<1x128xi32, #tpu.memory_space<vmem>>
    %dma_start3A_49 = tpu.memref_squeeze %dma_start3A_48 : memref<1x128xi32, #tpu.memory_space<vmem>> -> memref<128xi32, #tpu.memory_space<vmem>>
    %dma_start3A_50 = arith.constant 0 : i32
    %dma_start3A_51 = tpu.memref_slice %arg3[%dma_start3A_50] : memref<204800xf32, #tpu.memory_space<hbm>> -> memref<204800xf32, #tpu.memory_space<hbm>>
    tpu.enqueue_indirect_dma source(%dma_start3A_51 : memref<204800xf32, #tpu.memory_space<hbm>>) target(%dma_start3A_46 : memref<128xf32, #tpu.memory_space<vmem>>) offsets(%dma_start3A_49 : memref<128xi32, #tpu.memory_space<vmem>>) semaphore(%arg14 : memref<!tpu.dma_semaphore, #tpu.memory_space<semaphore_mem>>)
    %dma_start3A_52 = arith.constant 5 : i32
    %dma_start3A_53 = arith.constant 5 : i32
    %dma_start3A_54 = arith.constant 0 : i32
    %dma_start3A_55 = tpu.memref_slice %arg9[%dma_start3A_53, %dma_start3A_54] : memref<10x128xf32, #tpu.memory_space<vmem>> -> memref<1x128xf32, #tpu.memory_space<vmem>>
    %dma_start3A_56 = tpu.memref_squeeze %dma_start3A_55 : memref<1x128xf32, #tpu.memory_space<vmem>> -> memref<128xf32, #tpu.memory_space<vmem>>
    %dma_start3A_57 = arith.constant 0 : i32
    %dma_start3A_58 = tpu.memref_slice %arg8[%dma_start3A_52, %dma_start3A_57] : memref<10x128xi32, #tpu.memory_space<vmem>> -> memref<1x128xi32, #tpu.memory_space<vmem>>
    %dma_start3A_59 = tpu.memref_squeeze %dma_start3A_58 : memref<1x128xi32, #tpu.memory_space<vmem>> -> memref<128xi32, #tpu.memory_space<vmem>>
    %dma_start3A_60 = arith.constant 0 : i32
    %dma_start3A_61 = tpu.memref_slice %arg3[%dma_start3A_60] : memref<204800xf32, #tpu.memory_space<hbm>> -> memref<204800xf32, #tpu.memory_space<hbm>>
    tpu.enqueue_indirect_dma source(%dma_start3A_61 : memref<204800xf32, #tpu.memory_space<hbm>>) target(%dma_start3A_56 : memref<128xf32, #tpu.memory_space<vmem>>) offsets(%dma_start3A_59 : memref<128xi32, #tpu.memory_space<vmem>>) semaphore(%arg14 : memref<!tpu.dma_semaphore, #tpu.memory_space<semaphore_mem>>)
    %dma_start3A_62 = arith.constant 6 : i32
    %dma_start3A_63 = arith.constant 6 : i32
    %dma_start3A_64 = arith.constant 0 : i32
    %dma_start3A_65 = tpu.memref_slice %arg9[%dma_start3A_63, %dma_start3A_64] : memref<10x128xf32, #tpu.memory_space<vmem>> -> memref<1x128xf32, #tpu.memory_space<vmem>>
    %dma_start3A_66 = tpu.memref_squeeze %dma_start3A_65 : memref<1x128xf32, #tpu.memory_space<vmem>> -> memref<128xf32, #tpu.memory_space<vmem>>
    %dma_start3A_67 = arith.constant 0 : i32
    %dma_start3A_68 = tpu.memref_slice %arg8[%dma_start3A_62, %dma_start3A_67] : memref<10x128xi32, #tpu.memory_space<vmem>> -> memref<1x128xi32, #tpu.memory_space<vmem>>
    %dma_start3A_69 = tpu.memref_squeeze %dma_start3A_68 : memref<1x128xi32, #tpu.memory_space<vmem>> -> memref<128xi32, #tpu.memory_space<vmem>>
    %dma_start3A_70 = arith.constant 0 : i32
    %dma_start3A_71 = tpu.memref_slice %arg3[%dma_start3A_70] : memref<204800xf32, #tpu.memory_space<hbm>> -> memref<204800xf32, #tpu.memory_space<hbm>>
    tpu.enqueue_indirect_dma source(%dma_start3A_71 : memref<204800xf32, #tpu.memory_space<hbm>>) target(%dma_start3A_66 : memref<128xf32, #tpu.memory_space<vmem>>) offsets(%dma_start3A_69 : memref<128xi32, #tpu.memory_space<vmem>>) semaphore(%arg14 : memref<!tpu.dma_semaphore, #tpu.memory_space<semaphore_mem>>)
    %dma_start3A_72 = arith.constant 7 : i32
    %dma_start3A_73 = arith.constant 7 : i32
    %dma_start3A_74 = arith.constant 0 : i32
    %dma_start3A_75 = tpu.memref_slice %arg9[%dma_start3A_73, %dma_start3A_74] : memref<10x128xf32, #tpu.memory_space<vmem>> -> memref<1x128xf32, #tpu.memory_space<vmem>>
    %dma_start3A_76 = tpu.memref_squeeze %dma_start3A_75 : memref<1x128xf32, #tpu.memory_space<vmem>> -> memref<128xf32, #tpu.memory_space<vmem>>
    %dma_start3A_77 = arith.constant 0 : i32
    %dma_start3A_78 = tpu.memref_slice %arg8[%dma_start3A_72, %dma_start3A_77] : memref<10x128xi32, #tpu.memory_space<vmem>> -> memref<1x128xi32, #tpu.memory_space<vmem>>
    %dma_start3A_79 = tpu.memref_squeeze %dma_start3A_78 : memref<1x128xi32, #tpu.memory_space<vmem>> -> memref<128xi32, #tpu.memory_space<vmem>>
    %dma_start3A_80 = arith.constant 0 : i32
    %dma_start3A_81 = tpu.memref_slice %arg3[%dma_start3A_80] : memref<204800xf32, #tpu.memory_space<hbm>> -> memref<204800xf32, #tpu.memory_space<hbm>>
    tpu.enqueue_indirect_dma source(%dma_start3A_81 : memref<204800xf32, #tpu.memory_space<hbm>>) target(%dma_start3A_76 : memref<128xf32, #tpu.memory_space<vmem>>) offsets(%dma_start3A_79 : memref<128xi32, #tpu.memory_space<vmem>>) semaphore(%arg14 : memref<!tpu.dma_semaphore, #tpu.memory_space<semaphore_mem>>)
    %dma_start3A_82 = arith.constant 8 : i32
    %dma_start3A_83 = arith.constant 8 : i32
    %dma_start3A_84 = arith.constant 0 : i32
    %dma_start3A_85 = tpu.memref_slice %arg9[%dma_start3A_83, %dma_start3A_84] : memref<10x128xf32, #tpu.memory_space<vmem>> -> memref<1x128xf32, #tpu.memory_space<vmem>>
    %dma_start3A_86 = tpu.memref_squeeze %dma_start3A_85 : memref<1x128xf32, #tpu.memory_space<vmem>> -> memref<128xf32, #tpu.memory_space<vmem>>
    %dma_start3A_87 = arith.constant 0 : i32
    %dma_start3A_88 = tpu.memref_slice %arg8[%dma_start3A_82, %dma_start3A_87] : memref<10x128xi32, #tpu.memory_space<vmem>> -> memref<1x128xi32, #tpu.memory_space<vmem>>
    %dma_start3A_89 = tpu.memref_squeeze %dma_start3A_88 : memref<1x128xi32, #tpu.memory_space<vmem>> -> memref<128xi32, #tpu.memory_space<vmem>>
    %dma_start3A_90 = arith.constant 0 : i32
    %dma_start3A_91 = tpu.memref_slice %arg3[%dma_start3A_90] : memref<204800xf32, #tpu.memory_space<hbm>> -> memref<204800xf32, #tpu.memory_space<hbm>>
    tpu.enqueue_indirect_dma source(%dma_start3A_91 : memref<204800xf32, #tpu.memory_space<hbm>>) target(%dma_start3A_86 : memref<128xf32, #tpu.memory_space<vmem>>) offsets(%dma_start3A_89 : memref<128xi32, #tpu.memory_space<vmem>>) semaphore(%arg14 : memref<!tpu.dma_semaphore, #tpu.memory_space<semaphore_mem>>)
    %dma_start3A_92 = arith.constant 9 : i32
    %dma_start3A_93 = arith.constant 9 : i32
    %dma_start3A_94 = arith.constant 0 : i32
    %dma_start3A_95 = tpu.memref_slice %arg9[%dma_start3A_93, %dma_start3A_94] : memref<10x128xf32, #tpu.memory_space<vmem>> -> memref<1x128xf32, #tpu.memory_space<vmem>>
    %dma_start3A_96 = tpu.memref_squeeze %dma_start3A_95 : memref<1x128xf32, #tpu.memory_space<vmem>> -> memref<128xf32, #tpu.memory_space<vmem>>
    %dma_start3A_97 = arith.constant 0 : i32
    %dma_start3A_98 = tpu.memref_slice %arg8[%dma_start3A_92, %dma_start3A_97] : memref<10x128xi32, #tpu.memory_space<vmem>> -> memref<1x128xi32, #tpu.memory_space<vmem>>
    %dma_start3A_99 = tpu.memref_squeeze %dma_start3A_98 : memref<1x128xi32, #tpu.memory_space<vmem>> -> memref<128xi32, #tpu.memory_space<vmem>>
    %dma_start3A_100 = arith.constant 0 : i32
    %dma_start3A_101 = tpu.memref_slice %arg3[%dma_start3A_100] : memref<204800xf32, #tpu.memory_space<hbm>> -> memref<204800xf32, #tpu.memory_space<hbm>>
    tpu.enqueue_indirect_dma source(%dma_start3A_101 : memref<204800xf32, #tpu.memory_space<hbm>>) target(%dma_start3A_96 : memref<128xf32, #tpu.memory_space<vmem>>) offsets(%dma_start3A_99 : memref<128xi32, #tpu.memory_space<vmem>>) semaphore(%arg14 : memref<!tpu.dma_semaphore, #tpu.memory_space<semaphore_mem>>)
    %broadcast_in_dim3A = arith.constant 0.000000e+00 : f32
    %broadcast_in_dim3A_102 = vector.broadcast %broadcast_in_dim3A : f32 to vector<16xf32>
    tpu.wait_dma2 semaphore(%arg14 : memref<!tpu.dma_semaphore, #tpu.memory_space<semaphore_mem>>) src(%arg6 : memref<5x128xf32, #tpu.memory_space<hbm>>) dst(%arg13 : memref<5x128xf32, #tpu.memory_space<vmem>>)
    %iota3A = tpu.iota {dimensions = array<i32: 0>} : vector<16xi32>
    %mul3A_103 = arith.constant 20 : i32
    %mul3A_104 = vector.broadcast %mul3A_103 : i32 to vector<16xi32>
    %mul3A_105 = arith.muli %iota3A, %mul3A_104 : vector<16xi32>
    %add3A_106 = arith.constant 0 : i32
    %add3A_107 = vector.broadcast %add3A_106 : i32 to vector<16xi32>
    %add3A_108 = arith.addi %mul3A_105, %add3A_107 : vector<16xi32>
    %shift_right_logical3A = arith.constant 7 : i32
    %shift_right_logical3A_109 = vector.broadcast %shift_right_logical3A : i32 to vector<16xi32>
    %shift_right_logical3A_110 = arith.shrui %add3A_108, %shift_right_logical3A_109 : vector<16xi32>
    %add3A_111 = arith.constant 0 : i32
    %add3A_112 = vector.broadcast %add3A_111 : i32 to vector<16xi32>
    %add3A_113 = arith.addi %add3A_112, %shift_right_logical3A_110 : vector<16xi32>
    %and3A = arith.constant 127 : i32
    %and3A_114 = vector.broadcast %and3A : i32 to vector<16xi32>
    %and3A_115 = arith.andi %add3A_108, %and3A_114 : vector<16xi32>
    %gather3A = tpu.vector_load_idx %arg9[%add3A_113, %and3A_115] : memref<10x128xf32, #tpu.memory_space<vmem>>[vector<16xi32>, vector<16xi32>], vector<16xf32>,
    %add3A_116 = arith.constant 0 : i32
    %add3A_117 = vector.broadcast %add3A_116 : i32 to vector<16xi32>
    %add3A_118 = arith.addi %add3A_117, %add3A_108 : vector<16xi32>
    %gather3A_119 = tpu.vector_load_idx %arg10[%add3A_118] : memref<1280xf32, #tpu.memory_space<vmem>>[vector<16xi32>], vector<16xf32>,
    %mul3A_120 = arith.mulf %gather3A, %gather3A_119 : vector<16xf32>
    %add3A_121 = arith.constant 1 : i32
    %add3A_122 = vector.broadcast %add3A_121 : i32 to vector<16xi32>
    %add3A_123 = arith.addi %mul3A_105, %add3A_122 : vector<16xi32>
    %shift_right_logical3A_124 = arith.constant 7 : i32
    %shift_right_logical3A_125 = vector.broadcast %shift_right_logical3A_124 : i32 to vector<16xi32>
    %shift_right_logical3A_126 = arith.shrui %add3A_123, %shift_right_logical3A_125 : vector<16xi32>
    %add3A_127 = arith.constant 0 : i32
    %add3A_128 = vector.broadcast %add3A_127 : i32 to vector<16xi32>
    %add3A_129 = arith.addi %add3A_128, %shift_right_logical3A_126 : vector<16xi32>
    %and3A_130 = arith.constant 127 : i32
    %and3A_131 = vector.broadcast %and3A_130 : i32 to vector<16xi32>
    %and3A_132 = arith.andi %add3A_123, %and3A_131 : vector<16xi32>
    %gather3A_133 = tpu.vector_load_idx %arg9[%add3A_129, %and3A_132] : memref<10x128xf32, #tpu.memory_space<vmem>>[vector<16xi32>, vector<16xi32>], vector<16xf32>,
    %add3A_134 = arith.constant 0 : i32
    %add3A_135 = vector.broadcast %add3A_134 : i32 to vector<16xi32>
    %add3A_136 = arith.addi %add3A_135, %add3A_123 : vector<16xi32>
    %gather3A_137 = tpu.vector_load_idx %arg10[%add3A_136] : memref<1280xf32, #tpu.memory_space<vmem>>[vector<16xi32>], vector<16xf32>,
    %mul3A_138 = arith.mulf %gather3A_133, %gather3A_137 : vector<16xf32>
    %add3A_139 = arith.constant 2 : i32
    %add3A_140 = vector.broadcast %add3A_139 : i32 to vector<16xi32>
    %add3A_141 = arith.addi %mul3A_105, %add3A_140 : vector<16xi32>
    %shift_right_logical3A_142 = arith.constant 7 : i32
    %shift_right_logical3A_143 = vector.broadcast %shift_right_logical3A_142 : i32 to vector<16xi32>
    %shift_right_logical3A_144 = arith.shrui %add3A_141, %shift_right_logical3A_143 : vector<16xi32>
    %add3A_145 = arith.constant 0 : i32
    %add3A_146 = vector.broadcast %add3A_145 : i32 to vector<16xi32>
    %add3A_147 = arith.addi %add3A_146, %shift_right_logical3A_144 : vector<16xi32>
    %and3A_148 = arith.constant 127 : i32
    %and3A_149 = vector.broadcast %and3A_148 : i32 to vector<16xi32>
    %and3A_150 = arith.andi %add3A_141, %and3A_149 : vector<16xi32>
    %gather3A_151 = tpu.vector_load_idx %arg9[%add3A_147, %and3A_150] : memref<10x128xf32, #tpu.memory_space<vmem>>[vector<16xi32>, vector<16xi32>], vector<16xf32>,
    %add3A_152 = arith.constant 0 : i32
    %add3A_153 = vector.broadcast %add3A_152 : i32 to vector<16xi32>
    %add3A_154 = arith.addi %add3A_153, %add3A_141 : vector<16xi32>
    %gather3A_155 = tpu.vector_load_idx %arg10[%add3A_154] : memref<1280xf32, #tpu.memory_space<vmem>>[vector<16xi32>], vector<16xf32>,
    %mul3A_156 = arith.mulf %gather3A_151, %gather3A_155 : vector<16xf32>
    %add3A_157 = arith.constant 3 : i32
    %add3A_158 = vector.broadcast %add3A_157 : i32 to vector<16xi32>
    %add3A_159 = arith.addi %mul3A_105, %add3A_158 : vector<16xi32>
    %shift_right_logical3A_160 = arith.constant 7 : i32
    %shift_right_logical3A_161 = vector.broadcast %shift_right_logical3A_160 : i32 to vector<16xi32>
    %shift_right_logical3A_162 = arith.shrui %add3A_159, %shift_right_logical3A_161 : vector<16xi32>
    %add3A_163 = arith.constant 0 : i32
    %add3A_164 = vector.broadcast %add3A_163 : i32 to vector<16xi32>
    %add3A_165 = arith.addi %add3A_164, %shift_right_logical3A_162 : vector<16xi32>
    %and3A_166 = arith.constant 127 : i32
    %and3A_167 = vector.broadcast %and3A_166 : i32 to vector<16xi32>
    %and3A_168 = arith.andi %add3A_159, %and3A_167 : vector<16xi32>
    %gather3A_169 = tpu.vector_load_idx %arg9[%add3A_165, %and3A_168] : memref<10x128xf32, #tpu.memory_space<vmem>>[vector<16xi32>, vector<16xi32>], vector<16xf32>,
    %add3A_170 = arith.constant 0 : i32
    %add3A_171 = vector.broadcast %add3A_170 : i32 to vector<16xi32>
    %add3A_172 = arith.addi %add3A_171, %add3A_159 : vector<16xi32>
    %gather3A_173 = tpu.vector_load_idx %arg10[%add3A_172] : memref<1280xf32, #tpu.memory_space<vmem>>[vector<16xi32>], vector<16xf32>,
    %mul3A_174 = arith.mulf %gather3A_169, %gather3A_173 : vector<16xf32>
    %add3A_175 = arith.constant 4 : i32
    %add3A_176 = vector.broadcast %add3A_175 : i32 to vector<16xi32>
    %add3A_177 = arith.addi %mul3A_105, %add3A_176 : vector<16xi32>
    %shift_right_logical3A_178 = arith.constant 7 : i32
    %shift_right_logical3A_179 = vector.broadcast %shift_right_logical3A_178 : i32 to vector<16xi32>
    %shift_right_logical3A_180 = arith.shrui %add3A_177, %shift_right_logical3A_179 : vector<16xi32>
    %add3A_181 = arith.constant 0 : i32
    %add3A_182 = vector.broadcast %add3A_181 : i32 to vector<16xi32>
    %add3A_183 = arith.addi %add3A_182, %shift_right_logical3A_180 : vector<16xi32>
    %and3A_184 = arith.constant 127 : i32
    %and3A_185 = vector.broadcast %and3A_184 : i32 to vector<16xi32>
    %and3A_186 = arith.andi %add3A_177, %and3A_185 : vector<16xi32>
    %gather3A_187 = tpu.vector_load_idx %arg9[%add3A_183, %and3A_186] : memref<10x128xf32, #tpu.memory_space<vmem>>[vector<16xi32>, vector<16xi32>], vector<16xf32>,
    %add3A_188 = arith.constant 0 : i32
    %add3A_189 = vector.broadcast %add3A_188 : i32 to vector<16xi32>
    %add3A_190 = arith.addi %add3A_189, %add3A_177 : vector<16xi32>
    %gather3A_191 = tpu.vector_load_idx %arg10[%add3A_190] : memref<1280xf32, #tpu.memory_space<vmem>>[vector<16xi32>], vector<16xf32>,
    %mul3A_192 = arith.mulf %gather3A_187, %gather3A_191 : vector<16xf32>
    %add3A_193 = arith.constant 5 : i32
    %add3A_194 = vector.broadcast %add3A_193 : i32 to vector<16xi32>
    %add3A_195 = arith.addi %mul3A_105, %add3A_194 : vector<16xi32>
    %shift_right_logical3A_196 = arith.constant 7 : i32
    %shift_right_logical3A_197 = vector.broadcast %shift_right_logical3A_196 : i32 to vector<16xi32>
    %shift_right_logical3A_198 = arith.shrui %add3A_195, %shift_right_logical3A_197 : vector<16xi32>
    %add3A_199 = arith.constant 0 : i32
    %add3A_200 = vector.broadcast %add3A_199 : i32 to vector<16xi32>
    %add3A_201 = arith.addi %add3A_200, %shift_right_logical3A_198 : vector<16xi32>
    %and3A_202 = arith.constant 127 : i32
    %and3A_203 = vector.broadcast %and3A_202 : i32 to vector<16xi32>
    %and3A_204 = arith.andi %add3A_195, %and3A_203 : vector<16xi32>
    %gather3A_205 = tpu.vector_load_idx %arg9[%add3A_201, %and3A_204] : memref<10x128xf32, #tpu.memory_space<vmem>>[vector<16xi32>, vector<16xi32>], vector<16xf32>,
    %add3A_206 = arith.constant 0 : i32
    %add3A_207 = vector.broadcast %add3A_206 : i32 to vector<16xi32>
    %add3A_208 = arith.addi %add3A_207, %add3A_195 : vector<16xi32>
    %gather3A_209 = tpu.vector_load_idx %arg10[%add3A_208] : memref<1280xf32, #tpu.memory_space<vmem>>[vector<16xi32>], vector<16xf32>,
    %mul3A_210 = arith.mulf %gather3A_205, %gather3A_209 : vector<16xf32>
    %add3A_211 = arith.constant 6 : i32
    %add3A_212 = vector.broadcast %add3A_211 : i32 to vector<16xi32>
    %add3A_213 = arith.addi %mul3A_105, %add3A_212 : vector<16xi32>
    %shift_right_logical3A_214 = arith.constant 7 : i32
    %shift_right_logical3A_215 = vector.broadcast %shift_right_logical3A_214 : i32 to vector<16xi32>
    %shift_right_logical3A_216 = arith.shrui %add3A_213, %shift_right_logical3A_215 : vector<16xi32>
    %add3A_217 = arith.constant 0 : i32
    %add3A_218 = vector.broadcast %add3A_217 : i32 to vector<16xi32>
    %add3A_219 = arith.addi %add3A_218, %shift_right_logical3A_216 : vector<16xi32>
    %and3A_220 = arith.constant 127 : i32
    %and3A_221 = vector.broadcast %and3A_220 : i32 to vector<16xi32>
    %and3A_222 = arith.andi %add3A_213, %and3A_221 : vector<16xi32>
    %gather3A_223 = tpu.vector_load_idx %arg9[%add3A_219, %and3A_222] : memref<10x128xf32, #tpu.memory_space<vmem>>[vector<16xi32>, vector<16xi32>], vector<16xf32>,
    %add3A_224 = arith.constant 0 : i32
    %add3A_225 = vector.broadcast %add3A_224 : i32 to vector<16xi32>
    %add3A_226 = arith.addi %add3A_225, %add3A_213 : vector<16xi32>
    %gather3A_227 = tpu.vector_load_idx %arg10[%add3A_226] : memref<1280xf32, #tpu.memory_space<vmem>>[vector<16xi32>], vector<16xf32>,
    %mul3A_228 = arith.mulf %gather3A_223, %gather3A_227 : vector<16xf32>
    %add3A_229 = arith.constant 7 : i32
    %add3A_230 = vector.broadcast %add3A_229 : i32 to vector<16xi32>
    %add3A_231 = arith.addi %mul3A_105, %add3A_230 : vector<16xi32>
    %shift_right_logical3A_232 = arith.constant 7 : i32
    %shift_right_logical3A_233 = vector.broadcast %shift_right_logical3A_232 : i32 to vector<16xi32>
    %shift_right_logical3A_234 = arith.shrui %add3A_231, %shift_right_logical3A_233 : vector<16xi32>
    %add3A_235 = arith.constant 0 : i32
    %add3A_236 = vector.broadcast %add3A_235 : i32 to vector<16xi32>
    %add3A_237 = arith.addi %add3A_236, %shift_right_logical3A_234 : vector<16xi32>
    %and3A_238 = arith.constant 127 : i32
    %and3A_239 = vector.broadcast %and3A_238 : i32 to vector<16xi32>
    %and3A_240 = arith.andi %add3A_231, %and3A_239 : vector<16xi32>
    %gather3A_241 = tpu.vector_load_idx %arg9[%add3A_237, %and3A_240] : memref<10x128xf32, #tpu.memory_space<vmem>>[vector<16xi32>, vector<16xi32>], vector<16xf32>,
    %add3A_242 = arith.constant 0 : i32
    %add3A_243 = vector.broadcast %add3A_242 : i32 to vector<16xi32>
    %add3A_244 = arith.addi %add3A_243, %add3A_231 : vector<16xi32>
    %gather3A_245 = tpu.vector_load_idx %arg10[%add3A_244] : memref<1280xf32, #tpu.memory_space<vmem>>[vector<16xi32>], vector<16xf32>,
    %mul3A_246 = arith.mulf %gather3A_241, %gather3A_245 : vector<16xf32>
    %add3A_247 = arith.constant 8 : i32
    %add3A_248 = vector.broadcast %add3A_247 : i32 to vector<16xi32>
    %add3A_249 = arith.addi %mul3A_105, %add3A_248 : vector<16xi32>
    %shift_right_logical3A_250 = arith.constant 7 : i32
    %shift_right_logical3A_251 = vector.broadcast %shift_right_logical3A_250 : i32 to vector<16xi32>
    %shift_right_logical3A_252 = arith.shrui %add3A_249, %shift_right_logical3A_251 : vector<16xi32>
    %add3A_253 = arith.constant 0 : i32
    %add3A_254 = vector.broadcast %add3A_253 : i32 to vector<16xi32>
    %add3A_255 = arith.addi %add3A_254, %shift_right_logical3A_252 : vector<16xi32>
    %and3A_256 = arith.constant 127 : i32
    %and3A_257 = vector.broadcast %and3A_256 : i32 to vector<16xi32>
    %and3A_258 = arith.andi %add3A_249, %and3A_257 : vector<16xi32>
    %gather3A_259 = tpu.vector_load_idx %arg9[%add3A_255, %and3A_258] : memref<10x128xf32, #tpu.memory_space<vmem>>[vector<16xi32>, vector<16xi32>], vector<16xf32>,
    %add3A_260 = arith.constant 0 : i32
    %add3A_261 = vector.broadcast %add3A_260 : i32 to vector<16xi32>
    %add3A_262 = arith.addi %add3A_261, %add3A_249 : vector<16xi32>
    %gather3A_263 = tpu.vector_load_idx %arg10[%add3A_262] : memref<1280xf32, #tpu.memory_space<vmem>>[vector<16xi32>], vector<16xf32>,
    %mul3A_264 = arith.mulf %gather3A_259, %gather3A_263 : vector<16xf32>
    %add3A_265 = arith.constant 9 : i32
    %add3A_266 = vector.broadcast %add3A_265 : i32 to vector<16xi32>
    %add3A_267 = arith.addi %mul3A_105, %add3A_266 : vector<16xi32>
    %shift_right_logical3A_268 = arith.constant 7 : i32
    %shift_right_logical3A_269 = vector.broadcast %shift_right_logical3A_268 : i32 to vector<16xi32>
    %shift_right_logical3A_270 = arith.shrui %add3A_267, %shift_right_logical3A_269 : vector<16xi32>
    %add3A_271 = arith.constant 0 : i32
    %add3A_272 = vector.broadcast %add3A_271 : i32 to vector<16xi32>
    %add3A_273 = arith.addi %add3A_272, %shift_right_logical3A_270 : vector<16xi32>
    %and3A_274 = arith.constant 127 : i32
    %and3A_275 = vector.broadcast %and3A_274 : i32 to vector<16xi32>
    %and3A_276 = arith.andi %add3A_267, %and3A_275 : vector<16xi32>
    %gather3A_277 = tpu.vector_load_idx %arg9[%add3A_273, %and3A_276] : memref<10x128xf32, #tpu.memory_space<vmem>>[vector<16xi32>, vector<16xi32>], vector<16xf32>,
    %add3A_278 = arith.constant 0 : i32
    %add3A_279 = vector.broadcast %add3A_278 : i32 to vector<16xi32>
    %add3A_280 = arith.addi %add3A_279, %add3A_267 : vector<16xi32>
    %gather3A_281 = tpu.vector_load_idx %arg10[%add3A_280] : memref<1280xf32, #tpu.memory_space<vmem>>[vector<16xi32>], vector<16xf32>,
    %mul3A_282 = arith.mulf %gather3A_277, %gather3A_281 : vector<16xf32>
    %add3A_283 = arith.constant 10 : i32
    %add3A_284 = vector.broadcast %add3A_283 : i32 to vector<16xi32>
    %add3A_285 = arith.addi %mul3A_105, %add3A_284 : vector<16xi32>
    %shift_right_logical3A_286 = arith.constant 7 : i32
    %shift_right_logical3A_287 = vector.broadcast %shift_right_logical3A_286 : i32 to vector<16xi32>
    %shift_right_logical3A_288 = arith.shrui %add3A_285, %shift_right_logical3A_287 : vector<16xi32>
    %add3A_289 = arith.constant 0 : i32
    %add3A_290 = vector.broadcast %add3A_289 : i32 to vector<16xi32>
    %add3A_291 = arith.addi %add3A_290, %shift_right_logical3A_288 : vector<16xi32>
    %and3A_292 = arith.constant 127 : i32
    %and3A_293 = vector.broadcast %and3A_292 : i32 to vector<16xi32>
    %and3A_294 = arith.andi %add3A_285, %and3A_293 : vector<16xi32>
    %gather3A_295 = tpu.vector_load_idx %arg9[%add3A_291, %and3A_294] : memref<10x128xf32, #tpu.memory_space<vmem>>[vector<16xi32>, vector<16xi32>], vector<16xf32>,
    %add3A_296 = arith.constant 0 : i32
    %add3A_297 = vector.broadcast %add3A_296 : i32 to vector<16xi32>
    %add3A_298 = arith.addi %add3A_297, %add3A_285 : vector<16xi32>
    %gather3A_299 = tpu.vector_load_idx %arg10[%add3A_298] : memref<1280xf32, #tpu.memory_space<vmem>>[vector<16xi32>], vector<16xf32>,
    %mul3A_300 = arith.mulf %gather3A_295, %gather3A_299 : vector<16xf32>
    %add3A_301 = arith.constant 11 : i32
    %add3A_302 = vector.broadcast %add3A_301 : i32 to vector<16xi32>
    %add3A_303 = arith.addi %mul3A_105, %add3A_302 : vector<16xi32>
    %shift_right_logical3A_304 = arith.constant 7 : i32
    %shift_right_logical3A_305 = vector.broadcast %shift_right_logical3A_304 : i32 to vector<16xi32>
    %shift_right_logical3A_306 = arith.shrui %add3A_303, %shift_right_logical3A_305 : vector<16xi32>
    %add3A_307 = arith.constant 0 : i32
    %add3A_308 = vector.broadcast %add3A_307 : i32 to vector<16xi32>
    %add3A_309 = arith.addi %add3A_308, %shift_right_logical3A_306 : vector<16xi32>
    %and3A_310 = arith.constant 127 : i32
    %and3A_311 = vector.broadcast %and3A_310 : i32 to vector<16xi32>
    %and3A_312 = arith.andi %add3A_303, %and3A_311 : vector<16xi32>
    %gather3A_313 = tpu.vector_load_idx %arg9[%add3A_309, %and3A_312] : memref<10x128xf32, #tpu.memory_space<vmem>>[vector<16xi32>, vector<16xi32>], vector<16xf32>,
    %add3A_314 = arith.constant 0 : i32
    %add3A_315 = vector.broadcast %add3A_314 : i32 to vector<16xi32>
    %add3A_316 = arith.addi %add3A_315, %add3A_303 : vector<16xi32>
    %gather3A_317 = tpu.vector_load_idx %arg10[%add3A_316] : memref<1280xf32, #tpu.memory_space<vmem>>[vector<16xi32>], vector<16xf32>,
    %mul3A_318 = arith.mulf %gather3A_313, %gather3A_317 : vector<16xf32>
    %add3A_319 = arith.constant 12 : i32
    %add3A_320 = vector.broadcast %add3A_319 : i32 to vector<16xi32>
    %add3A_321 = arith.addi %mul3A_105, %add3A_320 : vector<16xi32>
    %shift_right_logical3A_322 = arith.constant 7 : i32
    %shift_right_logical3A_323 = vector.broadcast %shift_right_logical3A_322 : i32 to vector<16xi32>
    %shift_right_logical3A_324 = arith.shrui %add3A_321, %shift_right_logical3A_323 : vector<16xi32>
    %add3A_325 = arith.constant 0 : i32
    %add3A_326 = vector.broadcast %add3A_325 : i32 to vector<16xi32>
    %add3A_327 = arith.addi %add3A_326, %shift_right_logical3A_324 : vector<16xi32>
    %and3A_328 = arith.constant 127 : i32
    %and3A_329 = vector.broadcast %and3A_328 : i32 to vector<16xi32>
    %and3A_330 = arith.andi %add3A_321, %and3A_329 : vector<16xi32>
    %gather3A_331 = tpu.vector_load_idx %arg9[%add3A_327, %and3A_330] : memref<10x128xf32, #tpu.memory_space<vmem>>[vector<16xi32>, vector<16xi32>], vector<16xf32>,
    %add3A_332 = arith.constant 0 : i32
    %add3A_333 = vector.broadcast %add3A_332 : i32 to vector<16xi32>
    %add3A_334 = arith.addi %add3A_333, %add3A_321 : vector<16xi32>
    %gather3A_335 = tpu.vector_load_idx %arg10[%add3A_334] : memref<1280xf32, #tpu.memory_space<vmem>>[vector<16xi32>], vector<16xf32>,
    %mul3A_336 = arith.mulf %gather3A_331, %gather3A_335 : vector<16xf32>
    %add3A_337 = arith.constant 13 : i32
    %add3A_338 = vector.broadcast %add3A_337 : i32 to vector<16xi32>
    %add3A_339 = arith.addi %mul3A_105, %add3A_338 : vector<16xi32>
    %shift_right_logical3A_340 = arith.constant 7 : i32
    %shift_right_logical3A_341 = vector.broadcast %shift_right_logical3A_340 : i32 to vector<16xi32>
    %shift_right_logical3A_342 = arith.shrui %add3A_339, %shift_right_logical3A_341 : vector<16xi32>
    %add3A_343 = arith.constant 0 : i32
    %add3A_344 = vector.broadcast %add3A_343 : i32 to vector<16xi32>
    %add3A_345 = arith.addi %add3A_344, %shift_right_logical3A_342 : vector<16xi32>
    %and3A_346 = arith.constant 127 : i32
    %and3A_347 = vector.broadcast %and3A_346 : i32 to vector<16xi32>
    %and3A_348 = arith.andi %add3A_339, %and3A_347 : vector<16xi32>
    %gather3A_349 = tpu.vector_load_idx %arg9[%add3A_345, %and3A_348] : memref<10x128xf32, #tpu.memory_space<vmem>>[vector<16xi32>, vector<16xi32>], vector<16xf32>,
    %add3A_350 = arith.constant 0 : i32
    %add3A_351 = vector.broadcast %add3A_350 : i32 to vector<16xi32>
    %add3A_352 = arith.addi %add3A_351, %add3A_339 : vector<16xi32>
    %gather3A_353 = tpu.vector_load_idx %arg10[%add3A_352] : memref<1280xf32, #tpu.memory_space<vmem>>[vector<16xi32>], vector<16xf32>,
    %mul3A_354 = arith.mulf %gather3A_349, %gather3A_353 : vector<16xf32>
    %add3A_355 = arith.constant 14 : i32
    %add3A_356 = vector.broadcast %add3A_355 : i32 to vector<16xi32>
    %add3A_357 = arith.addi %mul3A_105, %add3A_356 : vector<16xi32>
    %shift_right_logical3A_358 = arith.constant 7 : i32
    %shift_right_logical3A_359 = vector.broadcast %shift_right_logical3A_358 : i32 to vector<16xi32>
    %shift_right_logical3A_360 = arith.shrui %add3A_357, %shift_right_logical3A_359 : vector<16xi32>
    %add3A_361 = arith.constant 0 : i32
    %add3A_362 = vector.broadcast %add3A_361 : i32 to vector<16xi32>
    %add3A_363 = arith.addi %add3A_362, %shift_right_logical3A_360 : vector<16xi32>
    %and3A_364 = arith.constant 127 : i32
    %and3A_365 = vector.broadcast %and3A_364 : i32 to vector<16xi32>
    %and3A_366 = arith.andi %add3A_357, %and3A_365 : vector<16xi32>
    %gather3A_367 = tpu.vector_load_idx %arg9[%add3A_363, %and3A_366] : memref<10x128xf32, #tpu.memory_space<vmem>>[vector<16xi32>, vector<16xi32>], vector<16xf32>,
    %add3A_368 = arith.constant 0 : i32
    %add3A_369 = vector.broadcast %add3A_368 : i32 to vector<16xi32>
    %add3A_370 = arith.addi %add3A_369, %add3A_357 : vector<16xi32>
    %gather3A_371 = tpu.vector_load_idx %arg10[%add3A_370] : memref<1280xf32, #tpu.memory_space<vmem>>[vector<16xi32>], vector<16xf32>,
    %mul3A_372 = arith.mulf %gather3A_367, %gather3A_371 : vector<16xf32>
    %add3A_373 = arith.constant 15 : i32
    %add3A_374 = vector.broadcast %add3A_373 : i32 to vector<16xi32>
    %add3A_375 = arith.addi %mul3A_105, %add3A_374 : vector<16xi32>
    %shift_right_logical3A_376 = arith.constant 7 : i32
    %shift_right_logical3A_377 = vector.broadcast %shift_right_logical3A_376 : i32 to vector<16xi32>
    %shift_right_logical3A_378 = arith.shrui %add3A_375, %shift_right_logical3A_377 : vector<16xi32>
    %add3A_379 = arith.constant 0 : i32
    %add3A_380 = vector.broadcast %add3A_379 : i32 to vector<16xi32>
    %add3A_381 = arith.addi %add3A_380, %shift_right_logical3A_378 : vector<16xi32>
    %and3A_382 = arith.constant 127 : i32
    %and3A_383 = vector.broadcast %and3A_382 : i32 to vector<16xi32>
    %and3A_384 = arith.andi %add3A_375, %and3A_383 : vector<16xi32>
    %gather3A_385 = tpu.vector_load_idx %arg9[%add3A_381, %and3A_384] : memref<10x128xf32, #tpu.memory_space<vmem>>[vector<16xi32>, vector<16xi32>], vector<16xf32>,
    %add3A_386 = arith.constant 0 : i32
    %add3A_387 = vector.broadcast %add3A_386 : i32 to vector<16xi32>
    %add3A_388 = arith.addi %add3A_387, %add3A_375 : vector<16xi32>
    %gather3A_389 = tpu.vector_load_idx %arg10[%add3A_388] : memref<1280xf32, #tpu.memory_space<vmem>>[vector<16xi32>], vector<16xf32>,
    %mul3A_390 = arith.mulf %gather3A_385, %gather3A_389 : vector<16xf32>
    %add3A_391 = arith.constant 16 : i32
    %add3A_392 = vector.broadcast %add3A_391 : i32 to vector<16xi32>
    %add3A_393 = arith.addi %mul3A_105, %add3A_392 : vector<16xi32>
    %shift_right_logical3A_394 = arith.constant 7 : i32
    %shift_right_logical3A_395 = vector.broadcast %shift_right_logical3A_394 : i32 to vector<16xi32>
    %shift_right_logical3A_396 = arith.shrui %add3A_393, %shift_right_logical3A_395 : vector<16xi32>
    %add3A_397 = arith.constant 0 : i32
    %add3A_398 = vector.broadcast %add3A_397 : i32 to vector<16xi32>
    %add3A_399 = arith.addi %add3A_398, %shift_right_logical3A_396 : vector<16xi32>
    %and3A_400 = arith.constant 127 : i32
    %and3A_401 = vector.broadcast %and3A_400 : i32 to vector<16xi32>
    %and3A_402 = arith.andi %add3A_393, %and3A_401 : vector<16xi32>
    %gather3A_403 = tpu.vector_load_idx %arg9[%add3A_399, %and3A_402] : memref<10x128xf32, #tpu.memory_space<vmem>>[vector<16xi32>, vector<16xi32>], vector<16xf32>,
    %add3A_404 = arith.constant 0 : i32
    %add3A_405 = vector.broadcast %add3A_404 : i32 to vector<16xi32>
    %add3A_406 = arith.addi %add3A_405, %add3A_393 : vector<16xi32>
    %gather3A_407 = tpu.vector_load_idx %arg10[%add3A_406] : memref<1280xf32, #tpu.memory_space<vmem>>[vector<16xi32>], vector<16xf32>,
    %mul3A_408 = arith.mulf %gather3A_403, %gather3A_407 : vector<16xf32>
    %add3A_409 = arith.constant 17 : i32
    %add3A_410 = vector.broadcast %add3A_409 : i32 to vector<16xi32>
    %add3A_411 = arith.addi %mul3A_105, %add3A_410 : vector<16xi32>
    %shift_right_logical3A_412 = arith.constant 7 : i32
    %shift_right_logical3A_413 = vector.broadcast %shift_right_logical3A_412 : i32 to vector<16xi32>
    %shift_right_logical3A_414 = arith.shrui %add3A_411, %shift_right_logical3A_413 : vector<16xi32>
    %add3A_415 = arith.constant 0 : i32
    %add3A_416 = vector.broadcast %add3A_415 : i32 to vector<16xi32>
    %add3A_417 = arith.addi %add3A_416, %shift_right_logical3A_414 : vector<16xi32>
    %and3A_418 = arith.constant 127 : i32
    %and3A_419 = vector.broadcast %and3A_418 : i32 to vector<16xi32>
    %and3A_420 = arith.andi %add3A_411, %and3A_419 : vector<16xi32>
    %gather3A_421 = tpu.vector_load_idx %arg9[%add3A_417, %and3A_420] : memref<10x128xf32, #tpu.memory_space<vmem>>[vector<16xi32>, vector<16xi32>], vector<16xf32>,
    %add3A_422 = arith.constant 0 : i32
    %add3A_423 = vector.broadcast %add3A_422 : i32 to vector<16xi32>
    %add3A_424 = arith.addi %add3A_423, %add3A_411 : vector<16xi32>
    %gather3A_425 = tpu.vector_load_idx %arg10[%add3A_424] : memref<1280xf32, #tpu.memory_space<vmem>>[vector<16xi32>], vector<16xf32>,
    %mul3A_426 = arith.mulf %gather3A_421, %gather3A_425 : vector<16xf32>
    %add3A_427 = arith.constant 18 : i32
    %add3A_428 = vector.broadcast %add3A_427 : i32 to vector<16xi32>
    %add3A_429 = arith.addi %mul3A_105, %add3A_428 : vector<16xi32>
    %shift_right_logical3A_430 = arith.constant 7 : i32
    %shift_right_logical3A_431 = vector.broadcast %shift_right_logical3A_430 : i32 to vector<16xi32>
    %shift_right_logical3A_432 = arith.shrui %add3A_429, %shift_right_logical3A_431 : vector<16xi32>
    %add3A_433 = arith.constant 0 : i32
    %add3A_434 = vector.broadcast %add3A_433 : i32 to vector<16xi32>
    %add3A_435 = arith.addi %add3A_434, %shift_right_logical3A_432 : vector<16xi32>
    %and3A_436 = arith.constant 127 : i32
    %and3A_437 = vector.broadcast %and3A_436 : i32 to vector<16xi32>
    %and3A_438 = arith.andi %add3A_429, %and3A_437 : vector<16xi32>
    %gather3A_439 = tpu.vector_load_idx %arg9[%add3A_435, %and3A_438] : memref<10x128xf32, #tpu.memory_space<vmem>>[vector<16xi32>, vector<16xi32>], vector<16xf32>,
    %add3A_440 = arith.constant 0 : i32
    %add3A_441 = vector.broadcast %add3A_440 : i32 to vector<16xi32>
    %add3A_442 = arith.addi %add3A_441, %add3A_429 : vector<16xi32>
    %gather3A_443 = tpu.vector_load_idx %arg10[%add3A_442] : memref<1280xf32, #tpu.memory_space<vmem>>[vector<16xi32>], vector<16xf32>,
    %mul3A_444 = arith.mulf %gather3A_439, %gather3A_443 : vector<16xf32>
    %add3A_445 = arith.constant 19 : i32
    %add3A_446 = vector.broadcast %add3A_445 : i32 to vector<16xi32>
    %add3A_447 = arith.addi %mul3A_105, %add3A_446 : vector<16xi32>
    %shift_right_logical3A_448 = arith.constant 7 : i32
    %shift_right_logical3A_449 = vector.broadcast %shift_right_logical3A_448 : i32 to vector<16xi32>
    %shift_right_logical3A_450 = arith.shrui %add3A_447, %shift_right_logical3A_449 : vector<16xi32>
    %add3A_451 = arith.constant 0 : i32
    %add3A_452 = vector.broadcast %add3A_451 : i32 to vector<16xi32>
    %add3A_453 = arith.addi %add3A_452, %shift_right_logical3A_450 : vector<16xi32>
    %and3A_454 = arith.constant 127 : i32
    %and3A_455 = vector.broadcast %and3A_454 : i32 to vector<16xi32>
    %and3A_456 = arith.andi %add3A_447, %and3A_455 : vector<16xi32>
    %gather3A_457 = tpu.vector_load_idx %arg9[%add3A_453, %and3A_456] : memref<10x128xf32, #tpu.memory_space<vmem>>[vector<16xi32>, vector<16xi32>], vector<16xf32>,
    %add3A_458 = arith.constant 0 : i32
    %add3A_459 = vector.broadcast %add3A_458 : i32 to vector<16xi32>
    %add3A_460 = arith.addi %add3A_459, %add3A_447 : vector<16xi32>
    %gather3A_461 = tpu.vector_load_idx %arg10[%add3A_460] : memref<1280xf32, #tpu.memory_space<vmem>>[vector<16xi32>], vector<16xf32>,
    %mul3A_462 = arith.mulf %gather3A_457, %gather3A_461 : vector<16xf32>
    %add3A_463 = arith.addf %mul3A_120, %mul3A_138 : vector<16xf32>
    %add3A_464 = arith.addf %mul3A_156, %mul3A_174 : vector<16xf32>
    %add3A_465 = arith.addf %mul3A_192, %mul3A_210 : vector<16xf32>
    %add3A_466 = arith.addf %mul3A_228, %mul3A_246 : vector<16xf32>
    %add3A_467 = arith.addf %mul3A_264, %mul3A_282 : vector<16xf32>
    %add3A_468 = arith.addf %mul3A_300, %mul3A_318 : vector<16xf32>
    %add3A_469 = arith.addf %mul3A_336, %mul3A_354 : vector<16xf32>
    %add3A_470 = arith.addf %mul3A_372, %mul3A_390 : vector<16xf32>
    %add3A_471 = arith.addf %mul3A_408, %mul3A_426 : vector<16xf32>
    %add3A_472 = arith.addf %mul3A_444, %mul3A_462 : vector<16xf32>
    %add3A_473 = arith.addf %add3A_463, %add3A_464 : vector<16xf32>
    %add3A_474 = arith.addf %add3A_465, %add3A_466 : vector<16xf32>
    %add3A_475 = arith.addf %add3A_467, %add3A_468 : vector<16xf32>
    %add3A_476 = arith.addf %add3A_469, %add3A_470 : vector<16xf32>
    %add3A_477 = arith.addf %add3A_471, %add3A_472 : vector<16xf32>
    %add3A_478 = arith.addf %add3A_473, %add3A_474 : vector<16xf32>
    %add3A_479 = arith.addf %add3A_475, %add3A_476 : vector<16xf32>
    %add3A_480 = arith.addf %add3A_478, %add3A_479 : vector<16xf32>
    %add3A_481 = arith.addf %add3A_480, %add3A_477 : vector<16xf32>
    %add3A_482 = arith.addf %broadcast_in_dim3A_102, %add3A_481 : vector<16xf32>
    %add3A_483 = arith.constant 320 : i32
    %add3A_484 = vector.broadcast %add3A_483 : i32 to vector<16xi32>
    %add3A_485 = arith.addi %mul3A_105, %add3A_484 : vector<16xi32>
    %shift_right_logical3A_486 = arith.constant 7 : i32
    %shift_right_logical3A_487 = vector.broadcast %shift_right_logical3A_486 : i32 to vector<16xi32>
    %shift_right_logical3A_488 = arith.shrui %add3A_485, %shift_right_logical3A_487 : vector<16xi32>
    %add3A_489 = arith.constant 0 : i32
    %add3A_490 = vector.broadcast %add3A_489 : i32 to vector<16xi32>
    %add3A_491 = arith.addi %add3A_490, %shift_right_logical3A_488 : vector<16xi32>
    %and3A_492 = arith.constant 127 : i32
    %and3A_493 = vector.broadcast %and3A_492 : i32 to vector<16xi32>
    %and3A_494 = arith.andi %add3A_485, %and3A_493 : vector<16xi32>
    %gather3A_495 = tpu.vector_load_idx %arg9[%add3A_491, %and3A_494] : memref<10x128xf32, #tpu.memory_space<vmem>>[vector<16xi32>, vector<16xi32>], vector<16xf32>,
    %add3A_496 = arith.constant 0 : i32
    %add3A_497 = vector.broadcast %add3A_496 : i32 to vector<16xi32>
    %add3A_498 = arith.addi %add3A_497, %add3A_485 : vector<16xi32>
    %gather3A_499 = tpu.vector_load_idx %arg10[%add3A_498] : memref<1280xf32, #tpu.memory_space<vmem>>[vector<16xi32>], vector<16xf32>,
    %mul3A_500 = arith.mulf %gather3A_495, %gather3A_499 : vector<16xf32>
    %add3A_501 = arith.constant 321 : i32
    %add3A_502 = vector.broadcast %add3A_501 : i32 to vector<16xi32>
    %add3A_503 = arith.addi %mul3A_105, %add3A_502 : vector<16xi32>
    %shift_right_logical3A_504 = arith.constant 7 : i32
    %shift_right_logical3A_505 = vector.broadcast %shift_right_logical3A_504 : i32 to vector<16xi32>
    %shift_right_logical3A_506 = arith.shrui %add3A_503, %shift_right_logical3A_505 : vector<16xi32>
    %add3A_507 = arith.constant 0 : i32
    %add3A_508 = vector.broadcast %add3A_507 : i32 to vector<16xi32>
    %add3A_509 = arith.addi %add3A_508, %shift_right_logical3A_506 : vector<16xi32>
    %and3A_510 = arith.constant 127 : i32
    %and3A_511 = vector.broadcast %and3A_510 : i32 to vector<16xi32>
    %and3A_512 = arith.andi %add3A_503, %and3A_511 : vector<16xi32>
    %gather3A_513 = tpu.vector_load_idx %arg9[%add3A_509, %and3A_512] : memref<10x128xf32, #tpu.memory_space<vmem>>[vector<16xi32>, vector<16xi32>], vector<16xf32>,
    %add3A_514 = arith.constant 0 : i32
    %add3A_515 = vector.broadcast %add3A_514 : i32 to vector<16xi32>
    %add3A_516 = arith.addi %add3A_515, %add3A_503 : vector<16xi32>
    %gather3A_517 = tpu.vector_load_idx %arg10[%add3A_516] : memref<1280xf32, #tpu.memory_space<vmem>>[vector<16xi32>], vector<16xf32>,
    %mul3A_518 = arith.mulf %gather3A_513, %gather3A_517 : vector<16xf32>
    %add3A_519 = arith.constant 322 : i32
    %add3A_520 = vector.broadcast %add3A_519 : i32 to vector<16xi32>
    %add3A_521 = arith.addi %mul3A_105, %add3A_520 : vector<16xi32>
    %shift_right_logical3A_522 = arith.constant 7 : i32
    %shift_right_logical3A_523 = vector.broadcast %shift_right_logical3A_522 : i32 to vector<16xi32>
    %shift_right_logical3A_524 = arith.shrui %add3A_521, %shift_right_logical3A_523 : vector<16xi32>
    %add3A_525 = arith.constant 0 : i32
    %add3A_526 = vector.broadcast %add3A_525 : i32 to vector<16xi32>
    %add3A_527 = arith.addi %add3A_526, %shift_right_logical3A_524 : vector<16xi32>
    %and3A_528 = arith.constant 127 : i32
    %and3A_529 = vector.broadcast %and3A_528 : i32 to vector<16xi32>
    %and3A_530 = arith.andi %add3A_521, %and3A_529 : vector<16xi32>
    %gather3A_531 = tpu.vector_load_idx %arg9[%add3A_527, %and3A_530] : memref<10x128xf32, #tpu.memory_space<vmem>>[vector<16xi32>, vector<16xi32>], vector<16xf32>,
    %add3A_532 = arith.constant 0 : i32
    %add3A_533 = vector.broadcast %add3A_532 : i32 to vector<16xi32>
    %add3A_534 = arith.addi %add3A_533, %add3A_521 : vector<16xi32>
    %gather3A_535 = tpu.vector_load_idx %arg10[%add3A_534] : memref<1280xf32, #tpu.memory_space<vmem>>[vector<16xi32>], vector<16xf32>,
    %mul3A_536 = arith.mulf %gather3A_531, %gather3A_535 : vector<16xf32>
    %add3A_537 = arith.constant 323 : i32
    %add3A_538 = vector.broadcast %add3A_537 : i32 to vector<16xi32>
    %add3A_539 = arith.addi %mul3A_105, %add3A_538 : vector<16xi32>
    %shift_right_logical3A_540 = arith.constant 7 : i32
    %shift_right_logical3A_541 = vector.broadcast %shift_right_logical3A_540 : i32 to vector<16xi32>
    %shift_right_logical3A_542 = arith.shrui %add3A_539, %shift_right_logical3A_541 : vector<16xi32>
    %add3A_543 = arith.constant 0 : i32
    %add3A_544 = vector.broadcast %add3A_543 : i32 to vector<16xi32>
    %add3A_545 = arith.addi %add3A_544, %shift_right_logical3A_542 : vector<16xi32>
    %and3A_546 = arith.constant 127 : i32
    %and3A_547 = vector.broadcast %and3A_546 : i32 to vector<16xi32>
    %and3A_548 = arith.andi %add3A_539, %and3A_547 : vector<16xi32>
    %gather3A_549 = tpu.vector_load_idx %arg9[%add3A_545, %and3A_548] : memref<10x128xf32, #tpu.memory_space<vmem>>[vector<16xi32>, vector<16xi32>], vector<16xf32>,
    %add3A_550 = arith.constant 0 : i32
    %add3A_551 = vector.broadcast %add3A_550 : i32 to vector<16xi32>
    %add3A_552 = arith.addi %add3A_551, %add3A_539 : vector<16xi32>
    %gather3A_553 = tpu.vector_load_idx %arg10[%add3A_552] : memref<1280xf32, #tpu.memory_space<vmem>>[vector<16xi32>], vector<16xf32>,
    %mul3A_554 = arith.mulf %gather3A_549, %gather3A_553 : vector<16xf32>
    %add3A_555 = arith.constant 324 : i32
    %add3A_556 = vector.broadcast %add3A_555 : i32 to vector<16xi32>
    %add3A_557 = arith.addi %mul3A_105, %add3A_556 : vector<16xi32>
    %shift_right_logical3A_558 = arith.constant 7 : i32
    %shift_right_logical3A_559 = vector.broadcast %shift_right_logical3A_558 : i32 to vector<16xi32>
    %shift_right_logical3A_560 = arith.shrui %add3A_557, %shift_right_logical3A_559 : vector<16xi32>
    %add3A_561 = arith.constant 0 : i32
    %add3A_562 = vector.broadcast %add3A_561 : i32 to vector<16xi32>
    %add3A_563 = arith.addi %add3A_562, %shift_right_logical3A_560 : vector<16xi32>
    %and3A_564 = arith.constant 127 : i32
    %and3A_565 = vector.broadcast %and3A_564 : i32 to vector<16xi32>
    %and3A_566 = arith.andi %add3A_557, %and3A_565 : vector<16xi32>
    %gather3A_567 = tpu.vector_load_idx %arg9[%add3A_563, %and3A_566] : memref<10x128xf32, #tpu.memory_space<vmem>>[vector<16xi32>, vector<16xi32>], vector<16xf32>,
    %add3A_568 = arith.constant 0 : i32
    %add3A_569 = vector.broadcast %add3A_568 : i32 to vector<16xi32>
    %add3A_570 = arith.addi %add3A_569, %add3A_557 : vector<16xi32>
    %gather3A_571 = tpu.vector_load_idx %arg10[%add3A_570] : memref<1280xf32, #tpu.memory_space<vmem>>[vector<16xi32>], vector<16xf32>,
    %mul3A_572 = arith.mulf %gather3A_567, %gather3A_571 : vector<16xf32>
    %add3A_573 = arith.constant 325 : i32
    %add3A_574 = vector.broadcast %add3A_573 : i32 to vector<16xi32>
    %add3A_575 = arith.addi %mul3A_105, %add3A_574 : vector<16xi32>
    %shift_right_logical3A_576 = arith.constant 7 : i32
    %shift_right_logical3A_577 = vector.broadcast %shift_right_logical3A_576 : i32 to vector<16xi32>
    %shift_right_logical3A_578 = arith.shrui %add3A_575, %shift_right_logical3A_577 : vector<16xi32>
    %add3A_579 = arith.constant 0 : i32
    %add3A_580 = vector.broadcast %add3A_579 : i32 to vector<16xi32>
    %add3A_581 = arith.addi %add3A_580, %shift_right_logical3A_578 : vector<16xi32>
    %and3A_582 = arith.constant 127 : i32
    %and3A_583 = vector.broadcast %and3A_582 : i32 to vector<16xi32>
    %and3A_584 = arith.andi %add3A_575, %and3A_583 : vector<16xi32>
    %gather3A_585 = tpu.vector_load_idx %arg9[%add3A_581, %and3A_584] : memref<10x128xf32, #tpu.memory_space<vmem>>[vector<16xi32>, vector<16xi32>], vector<16xf32>,
    %add3A_586 = arith.constant 0 : i32
    %add3A_587 = vector.broadcast %add3A_586 : i32 to vector<16xi32>
    %add3A_588 = arith.addi %add3A_587, %add3A_575 : vector<16xi32>
    %gather3A_589 = tpu.vector_load_idx %arg10[%add3A_588] : memref<1280xf32, #tpu.memory_space<vmem>>[vector<16xi32>], vector<16xf32>,
    %mul3A_590 = arith.mulf %gather3A_585, %gather3A_589 : vector<16xf32>
    %add3A_591 = arith.constant 326 : i32
    %add3A_592 = vector.broadcast %add3A_591 : i32 to vector<16xi32>
    %add3A_593 = arith.addi %mul3A_105, %add3A_592 : vector<16xi32>
    %shift_right_logical3A_594 = arith.constant 7 : i32
    %shift_right_logical3A_595 = vector.broadcast %shift_right_logical3A_594 : i32 to vector<16xi32>
    %shift_right_logical3A_596 = arith.shrui %add3A_593, %shift_right_logical3A_595 : vector<16xi32>
    %add3A_597 = arith.constant 0 : i32
    %add3A_598 = vector.broadcast %add3A_597 : i32 to vector<16xi32>
    %add3A_599 = arith.addi %add3A_598, %shift_right_logical3A_596 : vector<16xi32>
    %and3A_600 = arith.constant 127 : i32
    %and3A_601 = vector.broadcast %and3A_600 : i32 to vector<16xi32>
    %and3A_602 = arith.andi %add3A_593, %and3A_601 : vector<16xi32>
    %gather3A_603 = tpu.vector_load_idx %arg9[%add3A_599, %and3A_602] : memref<10x128xf32, #tpu.memory_space<vmem>>[vector<16xi32>, vector<16xi32>], vector<16xf32>,
    %add3A_604 = arith.constant 0 : i32
    %add3A_605 = vector.broadcast %add3A_604 : i32 to vector<16xi32>
    %add3A_606 = arith.addi %add3A_605, %add3A_593 : vector<16xi32>
    %gather3A_607 = tpu.vector_load_idx %arg10[%add3A_606] : memref<1280xf32, #tpu.memory_space<vmem>>[vector<16xi32>], vector<16xf32>,
    %mul3A_608 = arith.mulf %gather3A_603, %gather3A_607 : vector<16xf32>
    %add3A_609 = arith.constant 327 : i32
    %add3A_610 = vector.broadcast %add3A_609 : i32 to vector<16xi32>
    %add3A_611 = arith.addi %mul3A_105, %add3A_610 : vector<16xi32>
    %shift_right_logical3A_612 = arith.constant 7 : i32
    %shift_right_logical3A_613 = vector.broadcast %shift_right_logical3A_612 : i32 to vector<16xi32>
    %shift_right_logical3A_614 = arith.shrui %add3A_611, %shift_right_logical3A_613 : vector<16xi32>
    %add3A_615 = arith.constant 0 : i32
    %add3A_616 = vector.broadcast %add3A_615 : i32 to vector<16xi32>
    %add3A_617 = arith.addi %add3A_616, %shift_right_logical3A_614 : vector<16xi32>
    %and3A_618 = arith.constant 127 : i32
    %and3A_619 = vector.broadcast %and3A_618 : i32 to vector<16xi32>
    %and3A_620 = arith.andi %add3A_611, %and3A_619 : vector<16xi32>
    %gather3A_621 = tpu.vector_load_idx %arg9[%add3A_617, %and3A_620] : memref<10x128xf32, #tpu.memory_space<vmem>>[vector<16xi32>, vector<16xi32>], vector<16xf32>,
    %add3A_622 = arith.constant 0 : i32
    %add3A_623 = vector.broadcast %add3A_622 : i32 to vector<16xi32>
    %add3A_624 = arith.addi %add3A_623, %add3A_611 : vector<16xi32>
    %gather3A_625 = tpu.vector_load_idx %arg10[%add3A_624] : memref<1280xf32, #tpu.memory_space<vmem>>[vector<16xi32>], vector<16xf32>,
    %mul3A_626 = arith.mulf %gather3A_621, %gather3A_625 : vector<16xf32>
    %add3A_627 = arith.constant 328 : i32
    %add3A_628 = vector.broadcast %add3A_627 : i32 to vector<16xi32>
    %add3A_629 = arith.addi %mul3A_105, %add3A_628 : vector<16xi32>
    %shift_right_logical3A_630 = arith.constant 7 : i32
    %shift_right_logical3A_631 = vector.broadcast %shift_right_logical3A_630 : i32 to vector<16xi32>
    %shift_right_logical3A_632 = arith.shrui %add3A_629, %shift_right_logical3A_631 : vector<16xi32>
    %add3A_633 = arith.constant 0 : i32
    %add3A_634 = vector.broadcast %add3A_633 : i32 to vector<16xi32>
    %add3A_635 = arith.addi %add3A_634, %shift_right_logical3A_632 : vector<16xi32>
    %and3A_636 = arith.constant 127 : i32
    %and3A_637 = vector.broadcast %and3A_636 : i32 to vector<16xi32>
    %and3A_638 = arith.andi %add3A_629, %and3A_637 : vector<16xi32>
    %gather3A_639 = tpu.vector_load_idx %arg9[%add3A_635, %and3A_638] : memref<10x128xf32, #tpu.memory_space<vmem>>[vector<16xi32>, vector<16xi32>], vector<16xf32>,
    %add3A_640 = arith.constant 0 : i32
    %add3A_641 = vector.broadcast %add3A_640 : i32 to vector<16xi32>
    %add3A_642 = arith.addi %add3A_641, %add3A_629 : vector<16xi32>
    %gather3A_643 = tpu.vector_load_idx %arg10[%add3A_642] : memref<1280xf32, #tpu.memory_space<vmem>>[vector<16xi32>], vector<16xf32>,
    %mul3A_644 = arith.mulf %gather3A_639, %gather3A_643 : vector<16xf32>
    %add3A_645 = arith.constant 329 : i32
    %add3A_646 = vector.broadcast %add3A_645 : i32 to vector<16xi32>
    %add3A_647 = arith.addi %mul3A_105, %add3A_646 : vector<16xi32>
    %shift_right_logical3A_648 = arith.constant 7 : i32
    %shift_right_logical3A_649 = vector.broadcast %shift_right_logical3A_648 : i32 to vector<16xi32>
    %shift_right_logical3A_650 = arith.shrui %add3A_647, %shift_right_logical3A_649 : vector<16xi32>
    %add3A_651 = arith.constant 0 : i32
    %add3A_652 = vector.broadcast %add3A_651 : i32 to vector<16xi32>
    %add3A_653 = arith.addi %add3A_652, %shift_right_logical3A_650 : vector<16xi32>
    %and3A_654 = arith.constant 127 : i32
    %and3A_655 = vector.broadcast %and3A_654 : i32 to vector<16xi32>
    %and3A_656 = arith.andi %add3A_647, %and3A_655 : vector<16xi32>
    %gather3A_657 = tpu.vector_load_idx %arg9[%add3A_653, %and3A_656] : memref<10x128xf32, #tpu.memory_space<vmem>>[vector<16xi32>, vector<16xi32>], vector<16xf32>,
    %add3A_658 = arith.constant 0 : i32
    %add3A_659 = vector.broadcast %add3A_658 : i32 to vector<16xi32>
    %add3A_660 = arith.addi %add3A_659, %add3A_647 : vector<16xi32>
    %gather3A_661 = tpu.vector_load_idx %arg10[%add3A_660] : memref<1280xf32, #tpu.memory_space<vmem>>[vector<16xi32>], vector<16xf32>,
    %mul3A_662 = arith.mulf %gather3A_657, %gather3A_661 : vector<16xf32>
    %add3A_663 = arith.constant 330 : i32
    %add3A_664 = vector.broadcast %add3A_663 : i32 to vector<16xi32>
    %add3A_665 = arith.addi %mul3A_105, %add3A_664 : vector<16xi32>
    %shift_right_logical3A_666 = arith.constant 7 : i32
    %shift_right_logical3A_667 = vector.broadcast %shift_right_logical3A_666 : i32 to vector<16xi32>
    %shift_right_logical3A_668 = arith.shrui %add3A_665, %shift_right_logical3A_667 : vector<16xi32>
    %add3A_669 = arith.constant 0 : i32
    %add3A_670 = vector.broadcast %add3A_669 : i32 to vector<16xi32>
    %add3A_671 = arith.addi %add3A_670, %shift_right_logical3A_668 : vector<16xi32>
    %and3A_672 = arith.constant 127 : i32
    %and3A_673 = vector.broadcast %and3A_672 : i32 to vector<16xi32>
    %and3A_674 = arith.andi %add3A_665, %and3A_673 : vector<16xi32>
    %gather3A_675 = tpu.vector_load_idx %arg9[%add3A_671, %and3A_674] : memref<10x128xf32, #tpu.memory_space<vmem>>[vector<16xi32>, vector<16xi32>], vector<16xf32>,
    %add3A_676 = arith.constant 0 : i32
    %add3A_677 = vector.broadcast %add3A_676 : i32 to vector<16xi32>
    %add3A_678 = arith.addi %add3A_677, %add3A_665 : vector<16xi32>
    %gather3A_679 = tpu.vector_load_idx %arg10[%add3A_678] : memref<1280xf32, #tpu.memory_space<vmem>>[vector<16xi32>], vector<16xf32>,
    %mul3A_680 = arith.mulf %gather3A_675, %gather3A_679 : vector<16xf32>
    %add3A_681 = arith.constant 331 : i32
    %add3A_682 = vector.broadcast %add3A_681 : i32 to vector<16xi32>
    %add3A_683 = arith.addi %mul3A_105, %add3A_682 : vector<16xi32>
    %shift_right_logical3A_684 = arith.constant 7 : i32
    %shift_right_logical3A_685 = vector.broadcast %shift_right_logical3A_684 : i32 to vector<16xi32>
    %shift_right_logical3A_686 = arith.shrui %add3A_683, %shift_right_logical3A_685 : vector<16xi32>
    %add3A_687 = arith.constant 0 : i32
    %add3A_688 = vector.broadcast %add3A_687 : i32 to vector<16xi32>
    %add3A_689 = arith.addi %add3A_688, %shift_right_logical3A_686 : vector<16xi32>
    %and3A_690 = arith.constant 127 : i32
    %and3A_691 = vector.broadcast %and3A_690 : i32 to vector<16xi32>
    %and3A_692 = arith.andi %add3A_683, %and3A_691 : vector<16xi32>
    %gather3A_693 = tpu.vector_load_idx %arg9[%add3A_689, %and3A_692] : memref<10x128xf32, #tpu.memory_space<vmem>>[vector<16xi32>, vector<16xi32>], vector<16xf32>,
    %add3A_694 = arith.constant 0 : i32
    %add3A_695 = vector.broadcast %add3A_694 : i32 to vector<16xi32>
    %add3A_696 = arith.addi %add3A_695, %add3A_683 : vector<16xi32>
    %gather3A_697 = tpu.vector_load_idx %arg10[%add3A_696] : memref<1280xf32, #tpu.memory_space<vmem>>[vector<16xi32>], vector<16xf32>,
    %mul3A_698 = arith.mulf %gather3A_693, %gather3A_697 : vector<16xf32>
    %add3A_699 = arith.constant 332 : i32
    %add3A_700 = vector.broadcast %add3A_699 : i32 to vector<16xi32>
    %add3A_701 = arith.addi %mul3A_105, %add3A_700 : vector<16xi32>
    %shift_right_logical3A_702 = arith.constant 7 : i32
    %shift_right_logical3A_703 = vector.broadcast %shift_right_logical3A_702 : i32 to vector<16xi32>
    %shift_right_logical3A_704 = arith.shrui %add3A_701, %shift_right_logical3A_703 : vector<16xi32>
    %add3A_705 = arith.constant 0 : i32
    %add3A_706 = vector.broadcast %add3A_705 : i32 to vector<16xi32>
    %add3A_707 = arith.addi %add3A_706, %shift_right_logical3A_704 : vector<16xi32>
    %and3A_708 = arith.constant 127 : i32
    %and3A_709 = vector.broadcast %and3A_708 : i32 to vector<16xi32>
    %and3A_710 = arith.andi %add3A_701, %and3A_709 : vector<16xi32>
    %gather3A_711 = tpu.vector_load_idx %arg9[%add3A_707, %and3A_710] : memref<10x128xf32, #tpu.memory_space<vmem>>[vector<16xi32>, vector<16xi32>], vector<16xf32>,
    %add3A_712 = arith.constant 0 : i32
    %add3A_713 = vector.broadcast %add3A_712 : i32 to vector<16xi32>
    %add3A_714 = arith.addi %add3A_713, %add3A_701 : vector<16xi32>
    %gather3A_715 = tpu.vector_load_idx %arg10[%add3A_714] : memref<1280xf32, #tpu.memory_space<vmem>>[vector<16xi32>], vector<16xf32>,
    %mul3A_716 = arith.mulf %gather3A_711, %gather3A_715 : vector<16xf32>
    %add3A_717 = arith.constant 333 : i32
    %add3A_718 = vector.broadcast %add3A_717 : i32 to vector<16xi32>
    %add3A_719 = arith.addi %mul3A_105, %add3A_718 : vector<16xi32>
    %shift_right_logical3A_720 = arith.constant 7 : i32
    %shift_right_logical3A_721 = vector.broadcast %shift_right_logical3A_720 : i32 to vector<16xi32>
    %shift_right_logical3A_722 = arith.shrui %add3A_719, %shift_right_logical3A_721 : vector<16xi32>
    %add3A_723 = arith.constant 0 : i32
    %add3A_724 = vector.broadcast %add3A_723 : i32 to vector<16xi32>
    %add3A_725 = arith.addi %add3A_724, %shift_right_logical3A_722 : vector<16xi32>
    %and3A_726 = arith.constant 127 : i32
    %and3A_727 = vector.broadcast %and3A_726 : i32 to vector<16xi32>
    %and3A_728 = arith.andi %add3A_719, %and3A_727 : vector<16xi32>
    %gather3A_729 = tpu.vector_load_idx %arg9[%add3A_725, %and3A_728] : memref<10x128xf32, #tpu.memory_space<vmem>>[vector<16xi32>, vector<16xi32>], vector<16xf32>,
    %add3A_730 = arith.constant 0 : i32
    %add3A_731 = vector.broadcast %add3A_730 : i32 to vector<16xi32>
    %add3A_732 = arith.addi %add3A_731, %add3A_719 : vector<16xi32>
    %gather3A_733 = tpu.vector_load_idx %arg10[%add3A_732] : memref<1280xf32, #tpu.memory_space<vmem>>[vector<16xi32>], vector<16xf32>,
    %mul3A_734 = arith.mulf %gather3A_729, %gather3A_733 : vector<16xf32>
    %add3A_735 = arith.constant 334 : i32
    %add3A_736 = vector.broadcast %add3A_735 : i32 to vector<16xi32>
    %add3A_737 = arith.addi %mul3A_105, %add3A_736 : vector<16xi32>
    %shift_right_logical3A_738 = arith.constant 7 : i32
    %shift_right_logical3A_739 = vector.broadcast %shift_right_logical3A_738 : i32 to vector<16xi32>
    %shift_right_logical3A_740 = arith.shrui %add3A_737, %shift_right_logical3A_739 : vector<16xi32>
    %add3A_741 = arith.constant 0 : i32
    %add3A_742 = vector.broadcast %add3A_741 : i32 to vector<16xi32>
    %add3A_743 = arith.addi %add3A_742, %shift_right_logical3A_740 : vector<16xi32>
    %and3A_744 = arith.constant 127 : i32
    %and3A_745 = vector.broadcast %and3A_744 : i32 to vector<16xi32>
    %and3A_746 = arith.andi %add3A_737, %and3A_745 : vector<16xi32>
    %gather3A_747 = tpu.vector_load_idx %arg9[%add3A_743, %and3A_746] : memref<10x128xf32, #tpu.memory_space<vmem>>[vector<16xi32>, vector<16xi32>], vector<16xf32>,
    %add3A_748 = arith.constant 0 : i32
    %add3A_749 = vector.broadcast %add3A_748 : i32 to vector<16xi32>
    %add3A_750 = arith.addi %add3A_749, %add3A_737 : vector<16xi32>
    %gather3A_751 = tpu.vector_load_idx %arg10[%add3A_750] : memref<1280xf32, #tpu.memory_space<vmem>>[vector<16xi32>], vector<16xf32>,
    %mul3A_752 = arith.mulf %gather3A_747, %gather3A_751 : vector<16xf32>
    %add3A_753 = arith.constant 335 : i32
    %add3A_754 = vector.broadcast %add3A_753 : i32 to vector<16xi32>
    %add3A_755 = arith.addi %mul3A_105, %add3A_754 : vector<16xi32>
    %shift_right_logical3A_756 = arith.constant 7 : i32
    %shift_right_logical3A_757 = vector.broadcast %shift_right_logical3A_756 : i32 to vector<16xi32>
    %shift_right_logical3A_758 = arith.shrui %add3A_755, %shift_right_logical3A_757 : vector<16xi32>
    %add3A_759 = arith.constant 0 : i32
    %add3A_760 = vector.broadcast %add3A_759 : i32 to vector<16xi32>
    %add3A_761 = arith.addi %add3A_760, %shift_right_logical3A_758 : vector<16xi32>
    %and3A_762 = arith.constant 127 : i32
    %and3A_763 = vector.broadcast %and3A_762 : i32 to vector<16xi32>
    %and3A_764 = arith.andi %add3A_755, %and3A_763 : vector<16xi32>
    %gather3A_765 = tpu.vector_load_idx %arg9[%add3A_761, %and3A_764] : memref<10x128xf32, #tpu.memory_space<vmem>>[vector<16xi32>, vector<16xi32>], vector<16xf32>,
    %add3A_766 = arith.constant 0 : i32
    %add3A_767 = vector.broadcast %add3A_766 : i32 to vector<16xi32>
    %add3A_768 = arith.addi %add3A_767, %add3A_755 : vector<16xi32>
    %gather3A_769 = tpu.vector_load_idx %arg10[%add3A_768] : memref<1280xf32, #tpu.memory_space<vmem>>[vector<16xi32>], vector<16xf32>,
    %mul3A_770 = arith.mulf %gather3A_765, %gather3A_769 : vector<16xf32>
    %add3A_771 = arith.constant 336 : i32
    %add3A_772 = vector.broadcast %add3A_771 : i32 to vector<16xi32>
    %add3A_773 = arith.addi %mul3A_105, %add3A_772 : vector<16xi32>
    %shift_right_logical3A_774 = arith.constant 7 : i32
    %shift_right_logical3A_775 = vector.broadcast %shift_right_logical3A_774 : i32 to vector<16xi32>
    %shift_right_logical3A_776 = arith.shrui %add3A_773, %shift_right_logical3A_775 : vector<16xi32>
    %add3A_777 = arith.constant 0 : i32
    %add3A_778 = vector.broadcast %add3A_777 : i32 to vector<16xi32>
    %add3A_779 = arith.addi %add3A_778, %shift_right_logical3A_776 : vector<16xi32>
    %and3A_780 = arith.constant 127 : i32
    %and3A_781 = vector.broadcast %and3A_780 : i32 to vector<16xi32>
    %and3A_782 = arith.andi %add3A_773, %and3A_781 : vector<16xi32>
    %gather3A_783 = tpu.vector_load_idx %arg9[%add3A_779, %and3A_782] : memref<10x128xf32, #tpu.memory_space<vmem>>[vector<16xi32>, vector<16xi32>], vector<16xf32>,
    %add3A_784 = arith.constant 0 : i32
    %add3A_785 = vector.broadcast %add3A_784 : i32 to vector<16xi32>
    %add3A_786 = arith.addi %add3A_785, %add3A_773 : vector<16xi32>
    %gather3A_787 = tpu.vector_load_idx %arg10[%add3A_786] : memref<1280xf32, #tpu.memory_space<vmem>>[vector<16xi32>], vector<16xf32>,
    %mul3A_788 = arith.mulf %gather3A_783, %gather3A_787 : vector<16xf32>
    %add3A_789 = arith.constant 337 : i32
    %add3A_790 = vector.broadcast %add3A_789 : i32 to vector<16xi32>
    %add3A_791 = arith.addi %mul3A_105, %add3A_790 : vector<16xi32>
    %shift_right_logical3A_792 = arith.constant 7 : i32
    %shift_right_logical3A_793 = vector.broadcast %shift_right_logical3A_792 : i32 to vector<16xi32>
    %shift_right_logical3A_794 = arith.shrui %add3A_791, %shift_right_logical3A_793 : vector<16xi32>
    %add3A_795 = arith.constant 0 : i32
    %add3A_796 = vector.broadcast %add3A_795 : i32 to vector<16xi32>
    %add3A_797 = arith.addi %add3A_796, %shift_right_logical3A_794 : vector<16xi32>
    %and3A_798 = arith.constant 127 : i32
    %and3A_799 = vector.broadcast %and3A_798 : i32 to vector<16xi32>
    %and3A_800 = arith.andi %add3A_791, %and3A_799 : vector<16xi32>
    %gather3A_801 = tpu.vector_load_idx %arg9[%add3A_797, %and3A_800] : memref<10x128xf32, #tpu.memory_space<vmem>>[vector<16xi32>, vector<16xi32>], vector<16xf32>,
    %add3A_802 = arith.constant 0 : i32
    %add3A_803 = vector.broadcast %add3A_802 : i32 to vector<16xi32>
    %add3A_804 = arith.addi %add3A_803, %add3A_791 : vector<16xi32>
    %gather3A_805 = tpu.vector_load_idx %arg10[%add3A_804] : memref<1280xf32, #tpu.memory_space<vmem>>[vector<16xi32>], vector<16xf32>,
    %mul3A_806 = arith.mulf %gather3A_801, %gather3A_805 : vector<16xf32>
    %add3A_807 = arith.constant 338 : i32
    %add3A_808 = vector.broadcast %add3A_807 : i32 to vector<16xi32>
    %add3A_809 = arith.addi %mul3A_105, %add3A_808 : vector<16xi32>
    %shift_right_logical3A_810 = arith.constant 7 : i32
    %shift_right_logical3A_811 = vector.broadcast %shift_right_logical3A_810 : i32 to vector<16xi32>
    %shift_right_logical3A_812 = arith.shrui %add3A_809, %shift_right_logical3A_811 : vector<16xi32>
    %add3A_813 = arith.constant 0 : i32
    %add3A_814 = vector.broadcast %add3A_813 : i32 to vector<16xi32>
    %add3A_815 = arith.addi %add3A_814, %shift_right_logical3A_812 : vector<16xi32>
    %and3A_816 = arith.constant 127 : i32
    %and3A_817 = vector.broadcast %and3A_816 : i32 to vector<16xi32>
    %and3A_818 = arith.andi %add3A_809, %and3A_817 : vector<16xi32>
    %gather3A_819 = tpu.vector_load_idx %arg9[%add3A_815, %and3A_818] : memref<10x128xf32, #tpu.memory_space<vmem>>[vector<16xi32>, vector<16xi32>], vector<16xf32>,
    %add3A_820 = arith.constant 0 : i32
    %add3A_821 = vector.broadcast %add3A_820 : i32 to vector<16xi32>
    %add3A_822 = arith.addi %add3A_821, %add3A_809 : vector<16xi32>
    %gather3A_823 = tpu.vector_load_idx %arg10[%add3A_822] : memref<1280xf32, #tpu.memory_space<vmem>>[vector<16xi32>], vector<16xf32>,
    %mul3A_824 = arith.mulf %gather3A_819, %gather3A_823 : vector<16xf32>
    %add3A_825 = arith.constant 339 : i32
    %add3A_826 = vector.broadcast %add3A_825 : i32 to vector<16xi32>
    %add3A_827 = arith.addi %mul3A_105, %add3A_826 : vector<16xi32>
    %shift_right_logical3A_828 = arith.constant 7 : i32
    %shift_right_logical3A_829 = vector.broadcast %shift_right_logical3A_828 : i32 to vector<16xi32>
    %shift_right_logical3A_830 = arith.shrui %add3A_827, %shift_right_logical3A_829 : vector<16xi32>
    %add3A_831 = arith.constant 0 : i32
    %add3A_832 = vector.broadcast %add3A_831 : i32 to vector<16xi32>
    %add3A_833 = arith.addi %add3A_832, %shift_right_logical3A_830 : vector<16xi32>
    %and3A_834 = arith.constant 127 : i32
    %and3A_835 = vector.broadcast %and3A_834 : i32 to vector<16xi32>
    %and3A_836 = arith.andi %add3A_827, %and3A_835 : vector<16xi32>
    %gather3A_837 = tpu.vector_load_idx %arg9[%add3A_833, %and3A_836] : memref<10x128xf32, #tpu.memory_space<vmem>>[vector<16xi32>, vector<16xi32>], vector<16xf32>,
    %add3A_838 = arith.constant 0 : i32
    %add3A_839 = vector.broadcast %add3A_838 : i32 to vector<16xi32>
    %add3A_840 = arith.addi %add3A_839, %add3A_827 : vector<16xi32>
    %gather3A_841 = tpu.vector_load_idx %arg10[%add3A_840] : memref<1280xf32, #tpu.memory_space<vmem>>[vector<16xi32>], vector<16xf32>,
    %mul3A_842 = arith.mulf %gather3A_837, %gather3A_841 : vector<16xf32>
    %add3A_843 = arith.addf %mul3A_500, %mul3A_518 : vector<16xf32>
    %add3A_844 = arith.addf %mul3A_536, %mul3A_554 : vector<16xf32>
    %add3A_845 = arith.addf %mul3A_572, %mul3A_590 : vector<16xf32>
    %add3A_846 = arith.addf %mul3A_608, %mul3A_626 : vector<16xf32>
    %add3A_847 = arith.addf %mul3A_644, %mul3A_662 : vector<16xf32>
    %add3A_848 = arith.addf %mul3A_680, %mul3A_698 : vector<16xf32>
    %add3A_849 = arith.addf %mul3A_716, %mul3A_734 : vector<16xf32>
    %add3A_850 = arith.addf %mul3A_752, %mul3A_770 : vector<16xf32>
    %add3A_851 = arith.addf %mul3A_788, %mul3A_806 : vector<16xf32>
    %add3A_852 = arith.addf %mul3A_824, %mul3A_842 : vector<16xf32>
    %add3A_853 = arith.addf %add3A_843, %add3A_844 : vector<16xf32>
    %add3A_854 = arith.addf %add3A_845, %add3A_846 : vector<16xf32>
    %add3A_855 = arith.addf %add3A_847, %add3A_848 : vector<16xf32>
    %add3A_856 = arith.addf %add3A_849, %add3A_850 : vector<16xf32>
    %add3A_857 = arith.addf %add3A_851, %add3A_852 : vector<16xf32>
    %add3A_858 = arith.addf %add3A_853, %add3A_854 : vector<16xf32>
    %add3A_859 = arith.addf %add3A_855, %add3A_856 : vector<16xf32>
    %add3A_860 = arith.addf %add3A_858, %add3A_859 : vector<16xf32>
    %add3A_861 = arith.addf %add3A_860, %add3A_857 : vector<16xf32>
    %add3A_862 = arith.addf %broadcast_in_dim3A_102, %add3A_861 : vector<16xf32>
    tpu.wait_dma2 semaphore(%arg14 : memref<!tpu.dma_semaphore, #tpu.memory_space<semaphore_mem>>) src(%arg6 : memref<5x128xf32, #tpu.memory_space<hbm>>) dst(%arg13 : memref<5x128xf32, #tpu.memory_space<vmem>>)
    %iota3A_863 = tpu.iota {dimensions = array<i32: 0>} : vector<16xi32>
    %mul3A_864 = arith.constant 20 : i32
    %mul3A_865 = vector.broadcast %mul3A_864 : i32 to vector<16xi32>
    %mul3A_866 = arith.muli %iota3A_863, %mul3A_865 : vector<16xi32>
    %add3A_867 = arith.constant 0 : i32
    %add3A_868 = vector.broadcast %add3A_867 : i32 to vector<16xi32>
    %add3A_869 = arith.addi %mul3A_866, %add3A_868 : vector<16xi32>
    %shift_right_logical3A_870 = arith.constant 7 : i32
    %shift_right_logical3A_871 = vector.broadcast %shift_right_logical3A_870 : i32 to vector<16xi32>
    %shift_right_logical3A_872 = arith.shrui %add3A_869, %shift_right_logical3A_871 : vector<16xi32>
    %add3A_873 = arith.constant 5 : i32
    %add3A_874 = vector.broadcast %add3A_873 : i32 to vector<16xi32>
    %add3A_875 = arith.addi %add3A_874, %shift_right_logical3A_872 : vector<16xi32>
    %and3A_876 = arith.constant 127 : i32
    %and3A_877 = vector.broadcast %and3A_876 : i32 to vector<16xi32>
    %and3A_878 = arith.andi %add3A_869, %and3A_877 : vector<16xi32>
    %gather3A_879 = tpu.vector_load_idx %arg9[%add3A_875, %and3A_878] : memref<10x128xf32, #tpu.memory_space<vmem>>[vector<16xi32>, vector<16xi32>], vector<16xf32>,
    %add3A_880 = arith.constant 640 : i32
    %add3A_881 = vector.broadcast %add3A_880 : i32 to vector<16xi32>
    %add3A_882 = arith.addi %add3A_881, %add3A_869 : vector<16xi32>
    %gather3A_883 = tpu.vector_load_idx %arg10[%add3A_882] : memref<1280xf32, #tpu.memory_space<vmem>>[vector<16xi32>], vector<16xf32>,
    %mul3A_884 = arith.mulf %gather3A_879, %gather3A_883 : vector<16xf32>
    %add3A_885 = arith.constant 1 : i32
    %add3A_886 = vector.broadcast %add3A_885 : i32 to vector<16xi32>
    %add3A_887 = arith.addi %mul3A_866, %add3A_886 : vector<16xi32>
    %shift_right_logical3A_888 = arith.constant 7 : i32
    %shift_right_logical3A_889 = vector.broadcast %shift_right_logical3A_888 : i32 to vector<16xi32>
    %shift_right_logical3A_890 = arith.shrui %add3A_887, %shift_right_logical3A_889 : vector<16xi32>
    %add3A_891 = arith.constant 5 : i32
    %add3A_892 = vector.broadcast %add3A_891 : i32 to vector<16xi32>
    %add3A_893 = arith.addi %add3A_892, %shift_right_logical3A_890 : vector<16xi32>
    %and3A_894 = arith.constant 127 : i32
    %and3A_895 = vector.broadcast %and3A_894 : i32 to vector<16xi32>
    %and3A_896 = arith.andi %add3A_887, %and3A_895 : vector<16xi32>
    %gather3A_897 = tpu.vector_load_idx %arg9[%add3A_893, %and3A_896] : memref<10x128xf32, #tpu.memory_space<vmem>>[vector<16xi32>, vector<16xi32>], vector<16xf32>,
    %add3A_898 = arith.constant 640 : i32
    %add3A_899 = vector.broadcast %add3A_898 : i32 to vector<16xi32>
    %add3A_900 = arith.addi %add3A_899, %add3A_887 : vector<16xi32>
    %gather3A_901 = tpu.vector_load_idx %arg10[%add3A_900] : memref<1280xf32, #tpu.memory_space<vmem>>[vector<16xi32>], vector<16xf32>,
    %mul3A_902 = arith.mulf %gather3A_897, %gather3A_901 : vector<16xf32>
    %add3A_903 = arith.constant 2 : i32
    %add3A_904 = vector.broadcast %add3A_903 : i32 to vector<16xi32>
    %add3A_905 = arith.addi %mul3A_866, %add3A_904 : vector<16xi32>
    %shift_right_logical3A_906 = arith.constant 7 : i32
    %shift_right_logical3A_907 = vector.broadcast %shift_right_logical3A_906 : i32 to vector<16xi32>
    %shift_right_logical3A_908 = arith.shrui %add3A_905, %shift_right_logical3A_907 : vector<16xi32>
    %add3A_909 = arith.constant 5 : i32
    %add3A_910 = vector.broadcast %add3A_909 : i32 to vector<16xi32>
    %add3A_911 = arith.addi %add3A_910, %shift_right_logical3A_908 : vector<16xi32>
    %and3A_912 = arith.constant 127 : i32
    %and3A_913 = vector.broadcast %and3A_912 : i32 to vector<16xi32>
    %and3A_914 = arith.andi %add3A_905, %and3A_913 : vector<16xi32>
    %gather3A_915 = tpu.vector_load_idx %arg9[%add3A_911, %and3A_914] : memref<10x128xf32, #tpu.memory_space<vmem>>[vector<16xi32>, vector<16xi32>], vector<16xf32>,
    %add3A_916 = arith.constant 640 : i32
    %add3A_917 = vector.broadcast %add3A_916 : i32 to vector<16xi32>
    %add3A_918 = arith.addi %add3A_917, %add3A_905 : vector<16xi32>
    %gather3A_919 = tpu.vector_load_idx %arg10[%add3A_918] : memref<1280xf32, #tpu.memory_space<vmem>>[vector<16xi32>], vector<16xf32>,
    %mul3A_920 = arith.mulf %gather3A_915, %gather3A_919 : vector<16xf32>
    %add3A_921 = arith.constant 3 : i32
    %add3A_922 = vector.broadcast %add3A_921 : i32 to vector<16xi32>
    %add3A_923 = arith.addi %mul3A_866, %add3A_922 : vector<16xi32>
    %shift_right_logical3A_924 = arith.constant 7 : i32
    %shift_right_logical3A_925 = vector.broadcast %shift_right_logical3A_924 : i32 to vector<16xi32>
    %shift_right_logical3A_926 = arith.shrui %add3A_923, %shift_right_logical3A_925 : vector<16xi32>
    %add3A_927 = arith.constant 5 : i32
    %add3A_928 = vector.broadcast %add3A_927 : i32 to vector<16xi32>
    %add3A_929 = arith.addi %add3A_928, %shift_right_logical3A_926 : vector<16xi32>
    %and3A_930 = arith.constant 127 : i32
    %and3A_931 = vector.broadcast %and3A_930 : i32 to vector<16xi32>
    %and3A_932 = arith.andi %add3A_923, %and3A_931 : vector<16xi32>
    %gather3A_933 = tpu.vector_load_idx %arg9[%add3A_929, %and3A_932] : memref<10x128xf32, #tpu.memory_space<vmem>>[vector<16xi32>, vector<16xi32>], vector<16xf32>,
    %add3A_934 = arith.constant 640 : i32
    %add3A_935 = vector.broadcast %add3A_934 : i32 to vector<16xi32>
    %add3A_936 = arith.addi %add3A_935, %add3A_923 : vector<16xi32>
    %gather3A_937 = tpu.vector_load_idx %arg10[%add3A_936] : memref<1280xf32, #tpu.memory_space<vmem>>[vector<16xi32>], vector<16xf32>,
    %mul3A_938 = arith.mulf %gather3A_933, %gather3A_937 : vector<16xf32>
    %add3A_939 = arith.constant 4 : i32
    %add3A_940 = vector.broadcast %add3A_939 : i32 to vector<16xi32>
    %add3A_941 = arith.addi %mul3A_866, %add3A_940 : vector<16xi32>
    %shift_right_logical3A_942 = arith.constant 7 : i32
    %shift_right_logical3A_943 = vector.broadcast %shift_right_logical3A_942 : i32 to vector<16xi32>
    %shift_right_logical3A_944 = arith.shrui %add3A_941, %shift_right_logical3A_943 : vector<16xi32>
    %add3A_945 = arith.constant 5 : i32
    %add3A_946 = vector.broadcast %add3A_945 : i32 to vector<16xi32>
    %add3A_947 = arith.addi %add3A_946, %shift_right_logical3A_944 : vector<16xi32>
    %and3A_948 = arith.constant 127 : i32
    %and3A_949 = vector.broadcast %and3A_948 : i32 to vector<16xi32>
    %and3A_950 = arith.andi %add3A_941, %and3A_949 : vector<16xi32>
    %gather3A_951 = tpu.vector_load_idx %arg9[%add3A_947, %and3A_950] : memref<10x128xf32, #tpu.memory_space<vmem>>[vector<16xi32>, vector<16xi32>], vector<16xf32>,
    %add3A_952 = arith.constant 640 : i32
    %add3A_953 = vector.broadcast %add3A_952 : i32 to vector<16xi32>
    %add3A_954 = arith.addi %add3A_953, %add3A_941 : vector<16xi32>
    %gather3A_955 = tpu.vector_load_idx %arg10[%add3A_954] : memref<1280xf32, #tpu.memory_space<vmem>>[vector<16xi32>], vector<16xf32>,
    %mul3A_956 = arith.mulf %gather3A_951, %gather3A_955 : vector<16xf32>
    %add3A_957 = arith.constant 5 : i32
    %add3A_958 = vector.broadcast %add3A_957 : i32 to vector<16xi32>
    %add3A_959 = arith.addi %mul3A_866, %add3A_958 : vector<16xi32>
    %shift_right_logical3A_960 = arith.constant 7 : i32
    %shift_right_logical3A_961 = vector.broadcast %shift_right_logical3A_960 : i32 to vector<16xi32>
    %shift_right_logical3A_962 = arith.shrui %add3A_959, %shift_right_logical3A_961 : vector<16xi32>
    %add3A_963 = arith.constant 5 : i32
    %add3A_964 = vector.broadcast %add3A_963 : i32 to vector<16xi32>
    %add3A_965 = arith.addi %add3A_964, %shift_right_logical3A_962 : vector<16xi32>
    %and3A_966 = arith.constant 127 : i32
    %and3A_967 = vector.broadcast %and3A_966 : i32 to vector<16xi32>
    %and3A_968 = arith.andi %add3A_959, %and3A_967 : vector<16xi32>
    %gather3A_969 = tpu.vector_load_idx %arg9[%add3A_965, %and3A_968] : memref<10x128xf32, #tpu.memory_space<vmem>>[vector<16xi32>, vector<16xi32>], vector<16xf32>,
    %add3A_970 = arith.constant 640 : i32
    %add3A_971 = vector.broadcast %add3A_970 : i32 to vector<16xi32>
    %add3A_972 = arith.addi %add3A_971, %add3A_959 : vector<16xi32>
    %gather3A_973 = tpu.vector_load_idx %arg10[%add3A_972] : memref<1280xf32, #tpu.memory_space<vmem>>[vector<16xi32>], vector<16xf32>,
    %mul3A_974 = arith.mulf %gather3A_969, %gather3A_973 : vector<16xf32>
    %add3A_975 = arith.constant 6 : i32
    %add3A_976 = vector.broadcast %add3A_975 : i32 to vector<16xi32>
    %add3A_977 = arith.addi %mul3A_866, %add3A_976 : vector<16xi32>
    %shift_right_logical3A_978 = arith.constant 7 : i32
    %shift_right_logical3A_979 = vector.broadcast %shift_right_logical3A_978 : i32 to vector<16xi32>
    %shift_right_logical3A_980 = arith.shrui %add3A_977, %shift_right_logical3A_979 : vector<16xi32>
    %add3A_981 = arith.constant 5 : i32
    %add3A_982 = vector.broadcast %add3A_981 : i32 to vector<16xi32>
    %add3A_983 = arith.addi %add3A_982, %shift_right_logical3A_980 : vector<16xi32>
    %and3A_984 = arith.constant 127 : i32
    %and3A_985 = vector.broadcast %and3A_984 : i32 to vector<16xi32>
    %and3A_986 = arith.andi %add3A_977, %and3A_985 : vector<16xi32>
    %gather3A_987 = tpu.vector_load_idx %arg9[%add3A_983, %and3A_986] : memref<10x128xf32, #tpu.memory_space<vmem>>[vector<16xi32>, vector<16xi32>], vector<16xf32>,
    %add3A_988 = arith.constant 640 : i32
    %add3A_989 = vector.broadcast %add3A_988 : i32 to vector<16xi32>
    %add3A_990 = arith.addi %add3A_989, %add3A_977 : vector<16xi32>
    %gather3A_991 = tpu.vector_load_idx %arg10[%add3A_990] : memref<1280xf32, #tpu.memory_space<vmem>>[vector<16xi32>], vector<16xf32>,
    %mul3A_992 = arith.mulf %gather3A_987, %gather3A_991 : vector<16xf32>
    %add3A_993 = arith.constant 7 : i32
    %add3A_994 = vector.broadcast %add3A_993 : i32 to vector<16xi32>
    %add3A_995 = arith.addi %mul3A_866, %add3A_994 : vector<16xi32>
    %shift_right_logical3A_996 = arith.constant 7 : i32
    %shift_right_logical3A_997 = vector.broadcast %shift_right_logical3A_996 : i32 to vector<16xi32>
    %shift_right_logical3A_998 = arith.shrui %add3A_995, %shift_right_logical3A_997 : vector<16xi32>
    %add3A_999 = arith.constant 5 : i32
    %add3A_1000 = vector.broadcast %add3A_999 : i32 to vector<16xi32>
    %add3A_1001 = arith.addi %add3A_1000, %shift_right_logical3A_998 : vector<16xi32>
    %and3A_1002 = arith.constant 127 : i32
    %and3A_1003 = vector.broadcast %and3A_1002 : i32 to vector<16xi32>
    %and3A_1004 = arith.andi %add3A_995, %and3A_1003 : vector<16xi32>
    %gather3A_1005 = tpu.vector_load_idx %arg9[%add3A_1001, %and3A_1004] : memref<10x128xf32, #tpu.memory_space<vmem>>[vector<16xi32>, vector<16xi32>], vector<16xf32>,
    %add3A_1006 = arith.constant 640 : i32
    %add3A_1007 = vector.broadcast %add3A_1006 : i32 to vector<16xi32>
    %add3A_1008 = arith.addi %add3A_1007, %add3A_995 : vector<16xi32>
    %gather3A_1009 = tpu.vector_load_idx %arg10[%add3A_1008] : memref<1280xf32, #tpu.memory_space<vmem>>[vector<16xi32>], vector<16xf32>,
    %mul3A_1010 = arith.mulf %gather3A_1005, %gather3A_1009 : vector<16xf32>
    %add3A_1011 = arith.constant 8 : i32
    %add3A_1012 = vector.broadcast %add3A_1011 : i32 to vector<16xi32>
    %add3A_1013 = arith.addi %mul3A_866, %add3A_1012 : vector<16xi32>
    %shift_right_logical3A_1014 = arith.constant 7 : i32
    %shift_right_logical3A_1015 = vector.broadcast %shift_right_logical3A_1014 : i32 to vector<16xi32>
    %shift_right_logical3A_1016 = arith.shrui %add3A_1013, %shift_right_logical3A_1015 : vector<16xi32>
    %add3A_1017 = arith.constant 5 : i32
    %add3A_1018 = vector.broadcast %add3A_1017 : i32 to vector<16xi32>
    %add3A_1019 = arith.addi %add3A_1018, %shift_right_logical3A_1016 : vector<16xi32>
    %and3A_1020 = arith.constant 127 : i32
    %and3A_1021 = vector.broadcast %and3A_1020 : i32 to vector<16xi32>
    %and3A_1022 = arith.andi %add3A_1013, %and3A_1021 : vector<16xi32>
    %gather3A_1023 = tpu.vector_load_idx %arg9[%add3A_1019, %and3A_1022] : memref<10x128xf32, #tpu.memory_space<vmem>>[vector<16xi32>, vector<16xi32>], vector<16xf32>,
    %add3A_1024 = arith.constant 640 : i32
    %add3A_1025 = vector.broadcast %add3A_1024 : i32 to vector<16xi32>
    %add3A_1026 = arith.addi %add3A_1025, %add3A_1013 : vector<16xi32>
    %gather3A_1027 = tpu.vector_load_idx %arg10[%add3A_1026] : memref<1280xf32, #tpu.memory_space<vmem>>[vector<16xi32>], vector<16xf32>,
    %mul3A_1028 = arith.mulf %gather3A_1023, %gather3A_1027 : vector<16xf32>
    %add3A_1029 = arith.constant 9 : i32
    %add3A_1030 = vector.broadcast %add3A_1029 : i32 to vector<16xi32>
    %add3A_1031 = arith.addi %mul3A_866, %add3A_1030 : vector<16xi32>
    %shift_right_logical3A_1032 = arith.constant 7 : i32
    %shift_right_logical3A_1033 = vector.broadcast %shift_right_logical3A_1032 : i32 to vector<16xi32>
    %shift_right_logical3A_1034 = arith.shrui %add3A_1031, %shift_right_logical3A_1033 : vector<16xi32>
    %add3A_1035 = arith.constant 5 : i32
    %add3A_1036 = vector.broadcast %add3A_1035 : i32 to vector<16xi32>
    %add3A_1037 = arith.addi %add3A_1036, %shift_right_logical3A_1034 : vector<16xi32>
    %and3A_1038 = arith.constant 127 : i32
    %and3A_1039 = vector.broadcast %and3A_1038 : i32 to vector<16xi32>
    %and3A_1040 = arith.andi %add3A_1031, %and3A_1039 : vector<16xi32>
    %gather3A_1041 = tpu.vector_load_idx %arg9[%add3A_1037, %and3A_1040] : memref<10x128xf32, #tpu.memory_space<vmem>>[vector<16xi32>, vector<16xi32>], vector<16xf32>,
    %add3A_1042 = arith.constant 640 : i32
    %add3A_1043 = vector.broadcast %add3A_1042 : i32 to vector<16xi32>
    %add3A_1044 = arith.addi %add3A_1043, %add3A_1031 : vector<16xi32>
    %gather3A_1045 = tpu.vector_load_idx %arg10[%add3A_1044] : memref<1280xf32, #tpu.memory_space<vmem>>[vector<16xi32>], vector<16xf32>,
    %mul3A_1046 = arith.mulf %gather3A_1041, %gather3A_1045 : vector<16xf32>
    %add3A_1047 = arith.constant 10 : i32
    %add3A_1048 = vector.broadcast %add3A_1047 : i32 to vector<16xi32>
    %add3A_1049 = arith.addi %mul3A_866, %add3A_1048 : vector<16xi32>
    %shift_right_logical3A_1050 = arith.constant 7 : i32
    %shift_right_logical3A_1051 = vector.broadcast %shift_right_logical3A_1050 : i32 to vector<16xi32>
    %shift_right_logical3A_1052 = arith.shrui %add3A_1049, %shift_right_logical3A_1051 : vector<16xi32>
    %add3A_1053 = arith.constant 5 : i32
    %add3A_1054 = vector.broadcast %add3A_1053 : i32 to vector<16xi32>
    %add3A_1055 = arith.addi %add3A_1054, %shift_right_logical3A_1052 : vector<16xi32>
    %and3A_1056 = arith.constant 127 : i32
    %and3A_1057 = vector.broadcast %and3A_1056 : i32 to vector<16xi32>
    %and3A_1058 = arith.andi %add3A_1049, %and3A_1057 : vector<16xi32>
    %gather3A_1059 = tpu.vector_load_idx %arg9[%add3A_1055, %and3A_1058] : memref<10x128xf32, #tpu.memory_space<vmem>>[vector<16xi32>, vector<16xi32>], vector<16xf32>,
    %add3A_1060 = arith.constant 640 : i32
    %add3A_1061 = vector.broadcast %add3A_1060 : i32 to vector<16xi32>
    %add3A_1062 = arith.addi %add3A_1061, %add3A_1049 : vector<16xi32>
    %gather3A_1063 = tpu.vector_load_idx %arg10[%add3A_1062] : memref<1280xf32, #tpu.memory_space<vmem>>[vector<16xi32>], vector<16xf32>,
    %mul3A_1064 = arith.mulf %gather3A_1059, %gather3A_1063 : vector<16xf32>
    %add3A_1065 = arith.constant 11 : i32
    %add3A_1066 = vector.broadcast %add3A_1065 : i32 to vector<16xi32>
    %add3A_1067 = arith.addi %mul3A_866, %add3A_1066 : vector<16xi32>
    %shift_right_logical3A_1068 = arith.constant 7 : i32
    %shift_right_logical3A_1069 = vector.broadcast %shift_right_logical3A_1068 : i32 to vector<16xi32>
    %shift_right_logical3A_1070 = arith.shrui %add3A_1067, %shift_right_logical3A_1069 : vector<16xi32>
    %add3A_1071 = arith.constant 5 : i32
    %add3A_1072 = vector.broadcast %add3A_1071 : i32 to vector<16xi32>
    %add3A_1073 = arith.addi %add3A_1072, %shift_right_logical3A_1070 : vector<16xi32>
    %and3A_1074 = arith.constant 127 : i32
    %and3A_1075 = vector.broadcast %and3A_1074 : i32 to vector<16xi32>
    %and3A_1076 = arith.andi %add3A_1067, %and3A_1075 : vector<16xi32>
    %gather3A_1077 = tpu.vector_load_idx %arg9[%add3A_1073, %and3A_1076] : memref<10x128xf32, #tpu.memory_space<vmem>>[vector<16xi32>, vector<16xi32>], vector<16xf32>,
    %add3A_1078 = arith.constant 640 : i32
    %add3A_1079 = vector.broadcast %add3A_1078 : i32 to vector<16xi32>
    %add3A_1080 = arith.addi %add3A_1079, %add3A_1067 : vector<16xi32>
    %gather3A_1081 = tpu.vector_load_idx %arg10[%add3A_1080] : memref<1280xf32, #tpu.memory_space<vmem>>[vector<16xi32>], vector<16xf32>,
    %mul3A_1082 = arith.mulf %gather3A_1077, %gather3A_1081 : vector<16xf32>
    %add3A_1083 = arith.constant 12 : i32
    %add3A_1084 = vector.broadcast %add3A_1083 : i32 to vector<16xi32>
    %add3A_1085 = arith.addi %mul3A_866, %add3A_1084 : vector<16xi32>
    %shift_right_logical3A_1086 = arith.constant 7 : i32
    %shift_right_logical3A_1087 = vector.broadcast %shift_right_logical3A_1086 : i32 to vector<16xi32>
    %shift_right_logical3A_1088 = arith.shrui %add3A_1085, %shift_right_logical3A_1087 : vector<16xi32>
    %add3A_1089 = arith.constant 5 : i32
    %add3A_1090 = vector.broadcast %add3A_1089 : i32 to vector<16xi32>
    %add3A_1091 = arith.addi %add3A_1090, %shift_right_logical3A_1088 : vector<16xi32>
    %and3A_1092 = arith.constant 127 : i32
    %and3A_1093 = vector.broadcast %and3A_1092 : i32 to vector<16xi32>
    %and3A_1094 = arith.andi %add3A_1085, %and3A_1093 : vector<16xi32>
    %gather3A_1095 = tpu.vector_load_idx %arg9[%add3A_1091, %and3A_1094] : memref<10x128xf32, #tpu.memory_space<vmem>>[vector<16xi32>, vector<16xi32>], vector<16xf32>,
    %add3A_1096 = arith.constant 640 : i32
    %add3A_1097 = vector.broadcast %add3A_1096 : i32 to vector<16xi32>
    %add3A_1098 = arith.addi %add3A_1097, %add3A_1085 : vector<16xi32>
    %gather3A_1099 = tpu.vector_load_idx %arg10[%add3A_1098] : memref<1280xf32, #tpu.memory_space<vmem>>[vector<16xi32>], vector<16xf32>,
    %mul3A_1100 = arith.mulf %gather3A_1095, %gather3A_1099 : vector<16xf32>
    %add3A_1101 = arith.constant 13 : i32
    %add3A_1102 = vector.broadcast %add3A_1101 : i32 to vector<16xi32>
    %add3A_1103 = arith.addi %mul3A_866, %add3A_1102 : vector<16xi32>
    %shift_right_logical3A_1104 = arith.constant 7 : i32
    %shift_right_logical3A_1105 = vector.broadcast %shift_right_logical3A_1104 : i32 to vector<16xi32>
    %shift_right_logical3A_1106 = arith.shrui %add3A_1103, %shift_right_logical3A_1105 : vector<16xi32>
    %add3A_1107 = arith.constant 5 : i32
    %add3A_1108 = vector.broadcast %add3A_1107 : i32 to vector<16xi32>
    %add3A_1109 = arith.addi %add3A_1108, %shift_right_logical3A_1106 : vector<16xi32>
    %and3A_1110 = arith.constant 127 : i32
    %and3A_1111 = vector.broadcast %and3A_1110 : i32 to vector<16xi32>
    %and3A_1112 = arith.andi %add3A_1103, %and3A_1111 : vector<16xi32>
    %gather3A_1113 = tpu.vector_load_idx %arg9[%add3A_1109, %and3A_1112] : memref<10x128xf32, #tpu.memory_space<vmem>>[vector<16xi32>, vector<16xi32>], vector<16xf32>,
    %add3A_1114 = arith.constant 640 : i32
    %add3A_1115 = vector.broadcast %add3A_1114 : i32 to vector<16xi32>
    %add3A_1116 = arith.addi %add3A_1115, %add3A_1103 : vector<16xi32>
    %gather3A_1117 = tpu.vector_load_idx %arg10[%add3A_1116] : memref<1280xf32, #tpu.memory_space<vmem>>[vector<16xi32>], vector<16xf32>,
    %mul3A_1118 = arith.mulf %gather3A_1113, %gather3A_1117 : vector<16xf32>
    %add3A_1119 = arith.constant 14 : i32
    %add3A_1120 = vector.broadcast %add3A_1119 : i32 to vector<16xi32>
    %add3A_1121 = arith.addi %mul3A_866, %add3A_1120 : vector<16xi32>
    %shift_right_logical3A_1122 = arith.constant 7 : i32
    %shift_right_logical3A_1123 = vector.broadcast %shift_right_logical3A_1122 : i32 to vector<16xi32>
    %shift_right_logical3A_1124 = arith.shrui %add3A_1121, %shift_right_logical3A_1123 : vector<16xi32>
    %add3A_1125 = arith.constant 5 : i32
    %add3A_1126 = vector.broadcast %add3A_1125 : i32 to vector<16xi32>
    %add3A_1127 = arith.addi %add3A_1126, %shift_right_logical3A_1124 : vector<16xi32>
    %and3A_1128 = arith.constant 127 : i32
    %and3A_1129 = vector.broadcast %and3A_1128 : i32 to vector<16xi32>
    %and3A_1130 = arith.andi %add3A_1121, %and3A_1129 : vector<16xi32>
    %gather3A_1131 = tpu.vector_load_idx %arg9[%add3A_1127, %and3A_1130] : memref<10x128xf32, #tpu.memory_space<vmem>>[vector<16xi32>, vector<16xi32>], vector<16xf32>,
    %add3A_1132 = arith.constant 640 : i32
    %add3A_1133 = vector.broadcast %add3A_1132 : i32 to vector<16xi32>
    %add3A_1134 = arith.addi %add3A_1133, %add3A_1121 : vector<16xi32>
    %gather3A_1135 = tpu.vector_load_idx %arg10[%add3A_1134] : memref<1280xf32, #tpu.memory_space<vmem>>[vector<16xi32>], vector<16xf32>,
    %mul3A_1136 = arith.mulf %gather3A_1131, %gather3A_1135 : vector<16xf32>
    %add3A_1137 = arith.constant 15 : i32
    %add3A_1138 = vector.broadcast %add3A_1137 : i32 to vector<16xi32>
    %add3A_1139 = arith.addi %mul3A_866, %add3A_1138 : vector<16xi32>
    %shift_right_logical3A_1140 = arith.constant 7 : i32
    %shift_right_logical3A_1141 = vector.broadcast %shift_right_logical3A_1140 : i32 to vector<16xi32>
    %shift_right_logical3A_1142 = arith.shrui %add3A_1139, %shift_right_logical3A_1141 : vector<16xi32>
    %add3A_1143 = arith.constant 5 : i32
    %add3A_1144 = vector.broadcast %add3A_1143 : i32 to vector<16xi32>
    %add3A_1145 = arith.addi %add3A_1144, %shift_right_logical3A_1142 : vector<16xi32>
    %and3A_1146 = arith.constant 127 : i32
    %and3A_1147 = vector.broadcast %and3A_1146 : i32 to vector<16xi32>
    %and3A_1148 = arith.andi %add3A_1139, %and3A_1147 : vector<16xi32>
    %gather3A_1149 = tpu.vector_load_idx %arg9[%add3A_1145, %and3A_1148] : memref<10x128xf32, #tpu.memory_space<vmem>>[vector<16xi32>, vector<16xi32>], vector<16xf32>,
    %add3A_1150 = arith.constant 640 : i32
    %add3A_1151 = vector.broadcast %add3A_1150 : i32 to vector<16xi32>
    %add3A_1152 = arith.addi %add3A_1151, %add3A_1139 : vector<16xi32>
    %gather3A_1153 = tpu.vector_load_idx %arg10[%add3A_1152] : memref<1280xf32, #tpu.memory_space<vmem>>[vector<16xi32>], vector<16xf32>,
    %mul3A_1154 = arith.mulf %gather3A_1149, %gather3A_1153 : vector<16xf32>
    %add3A_1155 = arith.constant 16 : i32
    %add3A_1156 = vector.broadcast %add3A_1155 : i32 to vector<16xi32>
    %add3A_1157 = arith.addi %mul3A_866, %add3A_1156 : vector<16xi32>
    %shift_right_logical3A_1158 = arith.constant 7 : i32
    %shift_right_logical3A_1159 = vector.broadcast %shift_right_logical3A_1158 : i32 to vector<16xi32>
    %shift_right_logical3A_1160 = arith.shrui %add3A_1157, %shift_right_logical3A_1159 : vector<16xi32>
    %add3A_1161 = arith.constant 5 : i32
    %add3A_1162 = vector.broadcast %add3A_1161 : i32 to vector<16xi32>
    %add3A_1163 = arith.addi %add3A_1162, %shift_right_logical3A_1160 : vector<16xi32>
    %and3A_1164 = arith.constant 127 : i32
    %and3A_1165 = vector.broadcast %and3A_1164 : i32 to vector<16xi32>
    %and3A_1166 = arith.andi %add3A_1157, %and3A_1165 : vector<16xi32>
    %gather3A_1167 = tpu.vector_load_idx %arg9[%add3A_1163, %and3A_1166] : memref<10x128xf32, #tpu.memory_space<vmem>>[vector<16xi32>, vector<16xi32>], vector<16xf32>,
    %add3A_1168 = arith.constant 640 : i32
    %add3A_1169 = vector.broadcast %add3A_1168 : i32 to vector<16xi32>
    %add3A_1170 = arith.addi %add3A_1169, %add3A_1157 : vector<16xi32>
    %gather3A_1171 = tpu.vector_load_idx %arg10[%add3A_1170] : memref<1280xf32, #tpu.memory_space<vmem>>[vector<16xi32>], vector<16xf32>,
    %mul3A_1172 = arith.mulf %gather3A_1167, %gather3A_1171 : vector<16xf32>
    %add3A_1173 = arith.constant 17 : i32
    %add3A_1174 = vector.broadcast %add3A_1173 : i32 to vector<16xi32>
    %add3A_1175 = arith.addi %mul3A_866, %add3A_1174 : vector<16xi32>
    %shift_right_logical3A_1176 = arith.constant 7 : i32
    %shift_right_logical3A_1177 = vector.broadcast %shift_right_logical3A_1176 : i32 to vector<16xi32>
    %shift_right_logical3A_1178 = arith.shrui %add3A_1175, %shift_right_logical3A_1177 : vector<16xi32>
    %add3A_1179 = arith.constant 5 : i32
    %add3A_1180 = vector.broadcast %add3A_1179 : i32 to vector<16xi32>
    %add3A_1181 = arith.addi %add3A_1180, %shift_right_logical3A_1178 : vector<16xi32>
    %and3A_1182 = arith.constant 127 : i32
    %and3A_1183 = vector.broadcast %and3A_1182 : i32 to vector<16xi32>
    %and3A_1184 = arith.andi %add3A_1175, %and3A_1183 : vector<16xi32>
    %gather3A_1185 = tpu.vector_load_idx %arg9[%add3A_1181, %and3A_1184] : memref<10x128xf32, #tpu.memory_space<vmem>>[vector<16xi32>, vector<16xi32>], vector<16xf32>,
    %add3A_1186 = arith.constant 640 : i32
    %add3A_1187 = vector.broadcast %add3A_1186 : i32 to vector<16xi32>
    %add3A_1188 = arith.addi %add3A_1187, %add3A_1175 : vector<16xi32>
    %gather3A_1189 = tpu.vector_load_idx %arg10[%add3A_1188] : memref<1280xf32, #tpu.memory_space<vmem>>[vector<16xi32>], vector<16xf32>,
    %mul3A_1190 = arith.mulf %gather3A_1185, %gather3A_1189 : vector<16xf32>
    %add3A_1191 = arith.constant 18 : i32
    %add3A_1192 = vector.broadcast %add3A_1191 : i32 to vector<16xi32>
    %add3A_1193 = arith.addi %mul3A_866, %add3A_1192 : vector<16xi32>
    %shift_right_logical3A_1194 = arith.constant 7 : i32
    %shift_right_logical3A_1195 = vector.broadcast %shift_right_logical3A_1194 : i32 to vector<16xi32>
    %shift_right_logical3A_1196 = arith.shrui %add3A_1193, %shift_right_logical3A_1195 : vector<16xi32>
    %add3A_1197 = arith.constant 5 : i32
    %add3A_1198 = vector.broadcast %add3A_1197 : i32 to vector<16xi32>
    %add3A_1199 = arith.addi %add3A_1198, %shift_right_logical3A_1196 : vector<16xi32>
    %and3A_1200 = arith.constant 127 : i32
    %and3A_1201 = vector.broadcast %and3A_1200 : i32 to vector<16xi32>
    %and3A_1202 = arith.andi %add3A_1193, %and3A_1201 : vector<16xi32>
    %gather3A_1203 = tpu.vector_load_idx %arg9[%add3A_1199, %and3A_1202] : memref<10x128xf32, #tpu.memory_space<vmem>>[vector<16xi32>, vector<16xi32>], vector<16xf32>,
    %add3A_1204 = arith.constant 640 : i32
    %add3A_1205 = vector.broadcast %add3A_1204 : i32 to vector<16xi32>
    %add3A_1206 = arith.addi %add3A_1205, %add3A_1193 : vector<16xi32>
    %gather3A_1207 = tpu.vector_load_idx %arg10[%add3A_1206] : memref<1280xf32, #tpu.memory_space<vmem>>[vector<16xi32>], vector<16xf32>,
    %mul3A_1208 = arith.mulf %gather3A_1203, %gather3A_1207 : vector<16xf32>
    %add3A_1209 = arith.constant 19 : i32
    %add3A_1210 = vector.broadcast %add3A_1209 : i32 to vector<16xi32>
    %add3A_1211 = arith.addi %mul3A_866, %add3A_1210 : vector<16xi32>
    %shift_right_logical3A_1212 = arith.constant 7 : i32
    %shift_right_logical3A_1213 = vector.broadcast %shift_right_logical3A_1212 : i32 to vector<16xi32>
    %shift_right_logical3A_1214 = arith.shrui %add3A_1211, %shift_right_logical3A_1213 : vector<16xi32>
    %add3A_1215 = arith.constant 5 : i32
    %add3A_1216 = vector.broadcast %add3A_1215 : i32 to vector<16xi32>
    %add3A_1217 = arith.addi %add3A_1216, %shift_right_logical3A_1214 : vector<16xi32>
    %and3A_1218 = arith.constant 127 : i32
    %and3A_1219 = vector.broadcast %and3A_1218 : i32 to vector<16xi32>
    %and3A_1220 = arith.andi %add3A_1211, %and3A_1219 : vector<16xi32>
    %gather3A_1221 = tpu.vector_load_idx %arg9[%add3A_1217, %and3A_1220] : memref<10x128xf32, #tpu.memory_space<vmem>>[vector<16xi32>, vector<16xi32>], vector<16xf32>,
    %add3A_1222 = arith.constant 640 : i32
    %add3A_1223 = vector.broadcast %add3A_1222 : i32 to vector<16xi32>
    %add3A_1224 = arith.addi %add3A_1223, %add3A_1211 : vector<16xi32>
    %gather3A_1225 = tpu.vector_load_idx %arg10[%add3A_1224] : memref<1280xf32, #tpu.memory_space<vmem>>[vector<16xi32>], vector<16xf32>,
    %mul3A_1226 = arith.mulf %gather3A_1221, %gather3A_1225 : vector<16xf32>
    %add3A_1227 = arith.addf %mul3A_884, %mul3A_902 : vector<16xf32>
    %add3A_1228 = arith.addf %mul3A_920, %mul3A_938 : vector<16xf32>
    %add3A_1229 = arith.addf %mul3A_956, %mul3A_974 : vector<16xf32>
    %add3A_1230 = arith.addf %mul3A_992, %mul3A_1010 : vector<16xf32>
    %add3A_1231 = arith.addf %mul3A_1028, %mul3A_1046 : vector<16xf32>
    %add3A_1232 = arith.addf %mul3A_1064, %mul3A_1082 : vector<16xf32>
    %add3A_1233 = arith.addf %mul3A_1100, %mul3A_1118 : vector<16xf32>
    %add3A_1234 = arith.addf %mul3A_1136, %mul3A_1154 : vector<16xf32>
    %add3A_1235 = arith.addf %mul3A_1172, %mul3A_1190 : vector<16xf32>
    %add3A_1236 = arith.addf %mul3A_1208, %mul3A_1226 : vector<16xf32>
    %add3A_1237 = arith.addf %add3A_1227, %add3A_1228 : vector<16xf32>
    %add3A_1238 = arith.addf %add3A_1229, %add3A_1230 : vector<16xf32>
    %add3A_1239 = arith.addf %add3A_1231, %add3A_1232 : vector<16xf32>
    %add3A_1240 = arith.addf %add3A_1233, %add3A_1234 : vector<16xf32>
    %add3A_1241 = arith.addf %add3A_1235, %add3A_1236 : vector<16xf32>
    %add3A_1242 = arith.addf %add3A_1237, %add3A_1238 : vector<16xf32>
    %add3A_1243 = arith.addf %add3A_1239, %add3A_1240 : vector<16xf32>
    %add3A_1244 = arith.addf %add3A_1242, %add3A_1243 : vector<16xf32>
    %add3A_1245 = arith.addf %add3A_1244, %add3A_1241 : vector<16xf32>
    %add3A_1246 = arith.addf %add3A_482, %add3A_1245 : vector<16xf32>
    %add3A_1247 = arith.constant 320 : i32
    %add3A_1248 = vector.broadcast %add3A_1247 : i32 to vector<16xi32>
    %add3A_1249 = arith.addi %mul3A_866, %add3A_1248 : vector<16xi32>
    %shift_right_logical3A_1250 = arith.constant 7 : i32
    %shift_right_logical3A_1251 = vector.broadcast %shift_right_logical3A_1250 : i32 to vector<16xi32>
    %shift_right_logical3A_1252 = arith.shrui %add3A_1249, %shift_right_logical3A_1251 : vector<16xi32>
    %add3A_1253 = arith.constant 5 : i32
    %add3A_1254 = vector.broadcast %add3A_1253 : i32 to vector<16xi32>
    %add3A_1255 = arith.addi %add3A_1254, %shift_right_logical3A_1252 : vector<16xi32>
    %and3A_1256 = arith.constant 127 : i32
    %and3A_1257 = vector.broadcast %and3A_1256 : i32 to vector<16xi32>
    %and3A_1258 = arith.andi %add3A_1249, %and3A_1257 : vector<16xi32>
    %gather3A_1259 = tpu.vector_load_idx %arg9[%add3A_1255, %and3A_1258] : memref<10x128xf32, #tpu.memory_space<vmem>>[vector<16xi32>, vector<16xi32>], vector<16xf32>,
    %add3A_1260 = arith.constant 640 : i32
    %add3A_1261 = vector.broadcast %add3A_1260 : i32 to vector<16xi32>
    %add3A_1262 = arith.addi %add3A_1261, %add3A_1249 : vector<16xi32>
    %gather3A_1263 = tpu.vector_load_idx %arg10[%add3A_1262] : memref<1280xf32, #tpu.memory_space<vmem>>[vector<16xi32>], vector<16xf32>,
    %mul3A_1264 = arith.mulf %gather3A_1259, %gather3A_1263 : vector<16xf32>
    %add3A_1265 = arith.constant 321 : i32
    %add3A_1266 = vector.broadcast %add3A_1265 : i32 to vector<16xi32>
    %add3A_1267 = arith.addi %mul3A_866, %add3A_1266 : vector<16xi32>
    %shift_right_logical3A_1268 = arith.constant 7 : i32
    %shift_right_logical3A_1269 = vector.broadcast %shift_right_logical3A_1268 : i32 to vector<16xi32>
    %shift_right_logical3A_1270 = arith.shrui %add3A_1267, %shift_right_logical3A_1269 : vector<16xi32>
    %add3A_1271 = arith.constant 5 : i32
    %add3A_1272 = vector.broadcast %add3A_1271 : i32 to vector<16xi32>
    %add3A_1273 = arith.addi %add3A_1272, %shift_right_logical3A_1270 : vector<16xi32>
    %and3A_1274 = arith.constant 127 : i32
    %and3A_1275 = vector.broadcast %and3A_1274 : i32 to vector<16xi32>
    %and3A_1276 = arith.andi %add3A_1267, %and3A_1275 : vector<16xi32>
    %gather3A_1277 = tpu.vector_load_idx %arg9[%add3A_1273, %and3A_1276] : memref<10x128xf32, #tpu.memory_space<vmem>>[vector<16xi32>, vector<16xi32>], vector<16xf32>,
    %add3A_1278 = arith.constant 640 : i32
    %add3A_1279 = vector.broadcast %add3A_1278 : i32 to vector<16xi32>
    %add3A_1280 = arith.addi %add3A_1279, %add3A_1267 : vector<16xi32>
    %gather3A_1281 = tpu.vector_load_idx %arg10[%add3A_1280] : memref<1280xf32, #tpu.memory_space<vmem>>[vector<16xi32>], vector<16xf32>,
    %mul3A_1282 = arith.mulf %gather3A_1277, %gather3A_1281 : vector<16xf32>
    %add3A_1283 = arith.constant 322 : i32
    %add3A_1284 = vector.broadcast %add3A_1283 : i32 to vector<16xi32>
    %add3A_1285 = arith.addi %mul3A_866, %add3A_1284 : vector<16xi32>
    %shift_right_logical3A_1286 = arith.constant 7 : i32
    %shift_right_logical3A_1287 = vector.broadcast %shift_right_logical3A_1286 : i32 to vector<16xi32>
    %shift_right_logical3A_1288 = arith.shrui %add3A_1285, %shift_right_logical3A_1287 : vector<16xi32>
    %add3A_1289 = arith.constant 5 : i32
    %add3A_1290 = vector.broadcast %add3A_1289 : i32 to vector<16xi32>
    %add3A_1291 = arith.addi %add3A_1290, %shift_right_logical3A_1288 : vector<16xi32>
    %and3A_1292 = arith.constant 127 : i32
    %and3A_1293 = vector.broadcast %and3A_1292 : i32 to vector<16xi32>
    %and3A_1294 = arith.andi %add3A_1285, %and3A_1293 : vector<16xi32>
    %gather3A_1295 = tpu.vector_load_idx %arg9[%add3A_1291, %and3A_1294] : memref<10x128xf32, #tpu.memory_space<vmem>>[vector<16xi32>, vector<16xi32>], vector<16xf32>,
    %add3A_1296 = arith.constant 640 : i32
    %add3A_1297 = vector.broadcast %add3A_1296 : i32 to vector<16xi32>
    %add3A_1298 = arith.addi %add3A_1297, %add3A_1285 : vector<16xi32>
    %gather3A_1299 = tpu.vector_load_idx %arg10[%add3A_1298] : memref<1280xf32, #tpu.memory_space<vmem>>[vector<16xi32>], vector<16xf32>,
    %mul3A_1300 = arith.mulf %gather3A_1295, %gather3A_1299 : vector<16xf32>
    %add3A_1301 = arith.constant 323 : i32
    %add3A_1302 = vector.broadcast %add3A_1301 : i32 to vector<16xi32>
    %add3A_1303 = arith.addi %mul3A_866, %add3A_1302 : vector<16xi32>
    %shift_right_logical3A_1304 = arith.constant 7 : i32
    %shift_right_logical3A_1305 = vector.broadcast %shift_right_logical3A_1304 : i32 to vector<16xi32>
    %shift_right_logical3A_1306 = arith.shrui %add3A_1303, %shift_right_logical3A_1305 : vector<16xi32>
    %add3A_1307 = arith.constant 5 : i32
    %add3A_1308 = vector.broadcast %add3A_1307 : i32 to vector<16xi32>
    %add3A_1309 = arith.addi %add3A_1308, %shift_right_logical3A_1306 : vector<16xi32>
    %and3A_1310 = arith.constant 127 : i32
    %and3A_1311 = vector.broadcast %and3A_1310 : i32 to vector<16xi32>
    %and3A_1312 = arith.andi %add3A_1303, %and3A_1311 : vector<16xi32>
    %gather3A_1313 = tpu.vector_load_idx %arg9[%add3A_1309, %and3A_1312] : memref<10x128xf32, #tpu.memory_space<vmem>>[vector<16xi32>, vector<16xi32>], vector<16xf32>,
    %add3A_1314 = arith.constant 640 : i32
    %add3A_1315 = vector.broadcast %add3A_1314 : i32 to vector<16xi32>
    %add3A_1316 = arith.addi %add3A_1315, %add3A_1303 : vector<16xi32>
    %gather3A_1317 = tpu.vector_load_idx %arg10[%add3A_1316] : memref<1280xf32, #tpu.memory_space<vmem>>[vector<16xi32>], vector<16xf32>,
    %mul3A_1318 = arith.mulf %gather3A_1313, %gather3A_1317 : vector<16xf32>
    %add3A_1319 = arith.constant 324 : i32
    %add3A_1320 = vector.broadcast %add3A_1319 : i32 to vector<16xi32>
    %add3A_1321 = arith.addi %mul3A_866, %add3A_1320 : vector<16xi32>
    %shift_right_logical3A_1322 = arith.constant 7 : i32
    %shift_right_logical3A_1323 = vector.broadcast %shift_right_logical3A_1322 : i32 to vector<16xi32>
    %shift_right_logical3A_1324 = arith.shrui %add3A_1321, %shift_right_logical3A_1323 : vector<16xi32>
    %add3A_1325 = arith.constant 5 : i32
    %add3A_1326 = vector.broadcast %add3A_1325 : i32 to vector<16xi32>
    %add3A_1327 = arith.addi %add3A_1326, %shift_right_logical3A_1324 : vector<16xi32>
    %and3A_1328 = arith.constant 127 : i32
    %and3A_1329 = vector.broadcast %and3A_1328 : i32 to vector<16xi32>
    %and3A_1330 = arith.andi %add3A_1321, %and3A_1329 : vector<16xi32>
    %gather3A_1331 = tpu.vector_load_idx %arg9[%add3A_1327, %and3A_1330] : memref<10x128xf32, #tpu.memory_space<vmem>>[vector<16xi32>, vector<16xi32>], vector<16xf32>,
    %add3A_1332 = arith.constant 640 : i32
    %add3A_1333 = vector.broadcast %add3A_1332 : i32 to vector<16xi32>
    %add3A_1334 = arith.addi %add3A_1333, %add3A_1321 : vector<16xi32>
    %gather3A_1335 = tpu.vector_load_idx %arg10[%add3A_1334] : memref<1280xf32, #tpu.memory_space<vmem>>[vector<16xi32>], vector<16xf32>,
    %mul3A_1336 = arith.mulf %gather3A_1331, %gather3A_1335 : vector<16xf32>
    %add3A_1337 = arith.constant 325 : i32
    %add3A_1338 = vector.broadcast %add3A_1337 : i32 to vector<16xi32>
    %add3A_1339 = arith.addi %mul3A_866, %add3A_1338 : vector<16xi32>
    %shift_right_logical3A_1340 = arith.constant 7 : i32
    %shift_right_logical3A_1341 = vector.broadcast %shift_right_logical3A_1340 : i32 to vector<16xi32>
    %shift_right_logical3A_1342 = arith.shrui %add3A_1339, %shift_right_logical3A_1341 : vector<16xi32>
    %add3A_1343 = arith.constant 5 : i32
    %add3A_1344 = vector.broadcast %add3A_1343 : i32 to vector<16xi32>
    %add3A_1345 = arith.addi %add3A_1344, %shift_right_logical3A_1342 : vector<16xi32>
    %and3A_1346 = arith.constant 127 : i32
    %and3A_1347 = vector.broadcast %and3A_1346 : i32 to vector<16xi32>
    %and3A_1348 = arith.andi %add3A_1339, %and3A_1347 : vector<16xi32>
    %gather3A_1349 = tpu.vector_load_idx %arg9[%add3A_1345, %and3A_1348] : memref<10x128xf32, #tpu.memory_space<vmem>>[vector<16xi32>, vector<16xi32>], vector<16xf32>,
    %add3A_1350 = arith.constant 640 : i32
    %add3A_1351 = vector.broadcast %add3A_1350 : i32 to vector<16xi32>
    %add3A_1352 = arith.addi %add3A_1351, %add3A_1339 : vector<16xi32>
    %gather3A_1353 = tpu.vector_load_idx %arg10[%add3A_1352] : memref<1280xf32, #tpu.memory_space<vmem>>[vector<16xi32>], vector<16xf32>,
    %mul3A_1354 = arith.mulf %gather3A_1349, %gather3A_1353 : vector<16xf32>
    %add3A_1355 = arith.constant 326 : i32
    %add3A_1356 = vector.broadcast %add3A_1355 : i32 to vector<16xi32>
    %add3A_1357 = arith.addi %mul3A_866, %add3A_1356 : vector<16xi32>
    %shift_right_logical3A_1358 = arith.constant 7 : i32
    %shift_right_logical3A_1359 = vector.broadcast %shift_right_logical3A_1358 : i32 to vector<16xi32>
    %shift_right_logical3A_1360 = arith.shrui %add3A_1357, %shift_right_logical3A_1359 : vector<16xi32>
    %add3A_1361 = arith.constant 5 : i32
    %add3A_1362 = vector.broadcast %add3A_1361 : i32 to vector<16xi32>
    %add3A_1363 = arith.addi %add3A_1362, %shift_right_logical3A_1360 : vector<16xi32>
    %and3A_1364 = arith.constant 127 : i32
    %and3A_1365 = vector.broadcast %and3A_1364 : i32 to vector<16xi32>
    %and3A_1366 = arith.andi %add3A_1357, %and3A_1365 : vector<16xi32>
    %gather3A_1367 = tpu.vector_load_idx %arg9[%add3A_1363, %and3A_1366] : memref<10x128xf32, #tpu.memory_space<vmem>>[vector<16xi32>, vector<16xi32>], vector<16xf32>,
    %add3A_1368 = arith.constant 640 : i32
    %add3A_1369 = vector.broadcast %add3A_1368 : i32 to vector<16xi32>
    %add3A_1370 = arith.addi %add3A_1369, %add3A_1357 : vector<16xi32>
    %gather3A_1371 = tpu.vector_load_idx %arg10[%add3A_1370] : memref<1280xf32, #tpu.memory_space<vmem>>[vector<16xi32>], vector<16xf32>,
    %mul3A_1372 = arith.mulf %gather3A_1367, %gather3A_1371 : vector<16xf32>
    %add3A_1373 = arith.constant 327 : i32
    %add3A_1374 = vector.broadcast %add3A_1373 : i32 to vector<16xi32>
    %add3A_1375 = arith.addi %mul3A_866, %add3A_1374 : vector<16xi32>
    %shift_right_logical3A_1376 = arith.constant 7 : i32
    %shift_right_logical3A_1377 = vector.broadcast %shift_right_logical3A_1376 : i32 to vector<16xi32>
    %shift_right_logical3A_1378 = arith.shrui %add3A_1375, %shift_right_logical3A_1377 : vector<16xi32>
    %add3A_1379 = arith.constant 5 : i32
    %add3A_1380 = vector.broadcast %add3A_1379 : i32 to vector<16xi32>
    %add3A_1381 = arith.addi %add3A_1380, %shift_right_logical3A_1378 : vector<16xi32>
    %and3A_1382 = arith.constant 127 : i32
    %and3A_1383 = vector.broadcast %and3A_1382 : i32 to vector<16xi32>
    %and3A_1384 = arith.andi %add3A_1375, %and3A_1383 : vector<16xi32>
    %gather3A_1385 = tpu.vector_load_idx %arg9[%add3A_1381, %and3A_1384] : memref<10x128xf32, #tpu.memory_space<vmem>>[vector<16xi32>, vector<16xi32>], vector<16xf32>,
    %add3A_1386 = arith.constant 640 : i32
    %add3A_1387 = vector.broadcast %add3A_1386 : i32 to vector<16xi32>
    %add3A_1388 = arith.addi %add3A_1387, %add3A_1375 : vector<16xi32>
    %gather3A_1389 = tpu.vector_load_idx %arg10[%add3A_1388] : memref<1280xf32, #tpu.memory_space<vmem>>[vector<16xi32>], vector<16xf32>,
    %mul3A_1390 = arith.mulf %gather3A_1385, %gather3A_1389 : vector<16xf32>
    %add3A_1391 = arith.constant 328 : i32
    %add3A_1392 = vector.broadcast %add3A_1391 : i32 to vector<16xi32>
    %add3A_1393 = arith.addi %mul3A_866, %add3A_1392 : vector<16xi32>
    %shift_right_logical3A_1394 = arith.constant 7 : i32
    %shift_right_logical3A_1395 = vector.broadcast %shift_right_logical3A_1394 : i32 to vector<16xi32>
    %shift_right_logical3A_1396 = arith.shrui %add3A_1393, %shift_right_logical3A_1395 : vector<16xi32>
    %add3A_1397 = arith.constant 5 : i32
    %add3A_1398 = vector.broadcast %add3A_1397 : i32 to vector<16xi32>
    %add3A_1399 = arith.addi %add3A_1398, %shift_right_logical3A_1396 : vector<16xi32>
    %and3A_1400 = arith.constant 127 : i32
    %and3A_1401 = vector.broadcast %and3A_1400 : i32 to vector<16xi32>
    %and3A_1402 = arith.andi %add3A_1393, %and3A_1401 : vector<16xi32>
    %gather3A_1403 = tpu.vector_load_idx %arg9[%add3A_1399, %and3A_1402] : memref<10x128xf32, #tpu.memory_space<vmem>>[vector<16xi32>, vector<16xi32>], vector<16xf32>,
    %add3A_1404 = arith.constant 640 : i32
    %add3A_1405 = vector.broadcast %add3A_1404 : i32 to vector<16xi32>
    %add3A_1406 = arith.addi %add3A_1405, %add3A_1393 : vector<16xi32>
    %gather3A_1407 = tpu.vector_load_idx %arg10[%add3A_1406] : memref<1280xf32, #tpu.memory_space<vmem>>[vector<16xi32>], vector<16xf32>,
    %mul3A_1408 = arith.mulf %gather3A_1403, %gather3A_1407 : vector<16xf32>
    %add3A_1409 = arith.constant 329 : i32
    %add3A_1410 = vector.broadcast %add3A_1409 : i32 to vector<16xi32>
    %add3A_1411 = arith.addi %mul3A_866, %add3A_1410 : vector<16xi32>
    %shift_right_logical3A_1412 = arith.constant 7 : i32
    %shift_right_logical3A_1413 = vector.broadcast %shift_right_logical3A_1412 : i32 to vector<16xi32>
    %shift_right_logical3A_1414 = arith.shrui %add3A_1411, %shift_right_logical3A_1413 : vector<16xi32>
    %add3A_1415 = arith.constant 5 : i32
    %add3A_1416 = vector.broadcast %add3A_1415 : i32 to vector<16xi32>
    %add3A_1417 = arith.addi %add3A_1416, %shift_right_logical3A_1414 : vector<16xi32>
    %and3A_1418 = arith.constant 127 : i32
    %and3A_1419 = vector.broadcast %and3A_1418 : i32 to vector<16xi32>
    %and3A_1420 = arith.andi %add3A_1411, %and3A_1419 : vector<16xi32>
    %gather3A_1421 = tpu.vector_load_idx %arg9[%add3A_1417, %and3A_1420] : memref<10x128xf32, #tpu.memory_space<vmem>>[vector<16xi32>, vector<16xi32>], vector<16xf32>,
    %add3A_1422 = arith.constant 640 : i32
    %add3A_1423 = vector.broadcast %add3A_1422 : i32 to vector<16xi32>
    %add3A_1424 = arith.addi %add3A_1423, %add3A_1411 : vector<16xi32>
    %gather3A_1425 = tpu.vector_load_idx %arg10[%add3A_1424] : memref<1280xf32, #tpu.memory_space<vmem>>[vector<16xi32>], vector<16xf32>,
    %mul3A_1426 = arith.mulf %gather3A_1421, %gather3A_1425 : vector<16xf32>
    %add3A_1427 = arith.constant 330 : i32
    %add3A_1428 = vector.broadcast %add3A_1427 : i32 to vector<16xi32>
    %add3A_1429 = arith.addi %mul3A_866, %add3A_1428 : vector<16xi32>
    %shift_right_logical3A_1430 = arith.constant 7 : i32
    %shift_right_logical3A_1431 = vector.broadcast %shift_right_logical3A_1430 : i32 to vector<16xi32>
    %shift_right_logical3A_1432 = arith.shrui %add3A_1429, %shift_right_logical3A_1431 : vector<16xi32>
    %add3A_1433 = arith.constant 5 : i32
    %add3A_1434 = vector.broadcast %add3A_1433 : i32 to vector<16xi32>
    %add3A_1435 = arith.addi %add3A_1434, %shift_right_logical3A_1432 : vector<16xi32>
    %and3A_1436 = arith.constant 127 : i32
    %and3A_1437 = vector.broadcast %and3A_1436 : i32 to vector<16xi32>
    %and3A_1438 = arith.andi %add3A_1429, %and3A_1437 : vector<16xi32>
    %gather3A_1439 = tpu.vector_load_idx %arg9[%add3A_1435, %and3A_1438] : memref<10x128xf32, #tpu.memory_space<vmem>>[vector<16xi32>, vector<16xi32>], vector<16xf32>,
    %add3A_1440 = arith.constant 640 : i32
    %add3A_1441 = vector.broadcast %add3A_1440 : i32 to vector<16xi32>
    %add3A_1442 = arith.addi %add3A_1441, %add3A_1429 : vector<16xi32>
    %gather3A_1443 = tpu.vector_load_idx %arg10[%add3A_1442] : memref<1280xf32, #tpu.memory_space<vmem>>[vector<16xi32>], vector<16xf32>,
    %mul3A_1444 = arith.mulf %gather3A_1439, %gather3A_1443 : vector<16xf32>
    %add3A_1445 = arith.constant 331 : i32
    %add3A_1446 = vector.broadcast %add3A_1445 : i32 to vector<16xi32>
    %add3A_1447 = arith.addi %mul3A_866, %add3A_1446 : vector<16xi32>
    %shift_right_logical3A_1448 = arith.constant 7 : i32
    %shift_right_logical3A_1449 = vector.broadcast %shift_right_logical3A_1448 : i32 to vector<16xi32>
    %shift_right_logical3A_1450 = arith.shrui %add3A_1447, %shift_right_logical3A_1449 : vector<16xi32>
    %add3A_1451 = arith.constant 5 : i32
    %add3A_1452 = vector.broadcast %add3A_1451 : i32 to vector<16xi32>
    %add3A_1453 = arith.addi %add3A_1452, %shift_right_logical3A_1450 : vector<16xi32>
    %and3A_1454 = arith.constant 127 : i32
    %and3A_1455 = vector.broadcast %and3A_1454 : i32 to vector<16xi32>
    %and3A_1456 = arith.andi %add3A_1447, %and3A_1455 : vector<16xi32>
    %gather3A_1457 = tpu.vector_load_idx %arg9[%add3A_1453, %and3A_1456] : memref<10x128xf32, #tpu.memory_space<vmem>>[vector<16xi32>, vector<16xi32>], vector<16xf32>,
    %add3A_1458 = arith.constant 640 : i32
    %add3A_1459 = vector.broadcast %add3A_1458 : i32 to vector<16xi32>
    %add3A_1460 = arith.addi %add3A_1459, %add3A_1447 : vector<16xi32>
    %gather3A_1461 = tpu.vector_load_idx %arg10[%add3A_1460] : memref<1280xf32, #tpu.memory_space<vmem>>[vector<16xi32>], vector<16xf32>,
    %mul3A_1462 = arith.mulf %gather3A_1457, %gather3A_1461 : vector<16xf32>
    %add3A_1463 = arith.constant 332 : i32
    %add3A_1464 = vector.broadcast %add3A_1463 : i32 to vector<16xi32>
    %add3A_1465 = arith.addi %mul3A_866, %add3A_1464 : vector<16xi32>
    %shift_right_logical3A_1466 = arith.constant 7 : i32
    %shift_right_logical3A_1467 = vector.broadcast %shift_right_logical3A_1466 : i32 to vector<16xi32>
    %shift_right_logical3A_1468 = arith.shrui %add3A_1465, %shift_right_logical3A_1467 : vector<16xi32>
    %add3A_1469 = arith.constant 5 : i32
    %add3A_1470 = vector.broadcast %add3A_1469 : i32 to vector<16xi32>
    %add3A_1471 = arith.addi %add3A_1470, %shift_right_logical3A_1468 : vector<16xi32>
    %and3A_1472 = arith.constant 127 : i32
    %and3A_1473 = vector.broadcast %and3A_1472 : i32 to vector<16xi32>
    %and3A_1474 = arith.andi %add3A_1465, %and3A_1473 : vector<16xi32>
    %gather3A_1475 = tpu.vector_load_idx %arg9[%add3A_1471, %and3A_1474] : memref<10x128xf32, #tpu.memory_space<vmem>>[vector<16xi32>, vector<16xi32>], vector<16xf32>,
    %add3A_1476 = arith.constant 640 : i32
    %add3A_1477 = vector.broadcast %add3A_1476 : i32 to vector<16xi32>
    %add3A_1478 = arith.addi %add3A_1477, %add3A_1465 : vector<16xi32>
    %gather3A_1479 = tpu.vector_load_idx %arg10[%add3A_1478] : memref<1280xf32, #tpu.memory_space<vmem>>[vector<16xi32>], vector<16xf32>,
    %mul3A_1480 = arith.mulf %gather3A_1475, %gather3A_1479 : vector<16xf32>
    %add3A_1481 = arith.constant 333 : i32
    %add3A_1482 = vector.broadcast %add3A_1481 : i32 to vector<16xi32>
    %add3A_1483 = arith.addi %mul3A_866, %add3A_1482 : vector<16xi32>
    %shift_right_logical3A_1484 = arith.constant 7 : i32
    %shift_right_logical3A_1485 = vector.broadcast %shift_right_logical3A_1484 : i32 to vector<16xi32>
    %shift_right_logical3A_1486 = arith.shrui %add3A_1483, %shift_right_logical3A_1485 : vector<16xi32>
    %add3A_1487 = arith.constant 5 : i32
    %add3A_1488 = vector.broadcast %add3A_1487 : i32 to vector<16xi32>
    %add3A_1489 = arith.addi %add3A_1488, %shift_right_logical3A_1486 : vector<16xi32>
    %and3A_1490 = arith.constant 127 : i32
    %and3A_1491 = vector.broadcast %and3A_1490 : i32 to vector<16xi32>
    %and3A_1492 = arith.andi %add3A_1483, %and3A_1491 : vector<16xi32>
    %gather3A_1493 = tpu.vector_load_idx %arg9[%add3A_1489, %and3A_1492] : memref<10x128xf32, #tpu.memory_space<vmem>>[vector<16xi32>, vector<16xi32>], vector<16xf32>,
    %add3A_1494 = arith.constant 640 : i32
    %add3A_1495 = vector.broadcast %add3A_1494 : i32 to vector<16xi32>
    %add3A_1496 = arith.addi %add3A_1495, %add3A_1483 : vector<16xi32>
    %gather3A_1497 = tpu.vector_load_idx %arg10[%add3A_1496] : memref<1280xf32, #tpu.memory_space<vmem>>[vector<16xi32>], vector<16xf32>,
    %mul3A_1498 = arith.mulf %gather3A_1493, %gather3A_1497 : vector<16xf32>
    %add3A_1499 = arith.constant 334 : i32
    %add3A_1500 = vector.broadcast %add3A_1499 : i32 to vector<16xi32>
    %add3A_1501 = arith.addi %mul3A_866, %add3A_1500 : vector<16xi32>
    %shift_right_logical3A_1502 = arith.constant 7 : i32
    %shift_right_logical3A_1503 = vector.broadcast %shift_right_logical3A_1502 : i32 to vector<16xi32>
    %shift_right_logical3A_1504 = arith.shrui %add3A_1501, %shift_right_logical3A_1503 : vector<16xi32>
    %add3A_1505 = arith.constant 5 : i32
    %add3A_1506 = vector.broadcast %add3A_1505 : i32 to vector<16xi32>
    %add3A_1507 = arith.addi %add3A_1506, %shift_right_logical3A_1504 : vector<16xi32>
    %and3A_1508 = arith.constant 127 : i32
    %and3A_1509 = vector.broadcast %and3A_1508 : i32 to vector<16xi32>
    %and3A_1510 = arith.andi %add3A_1501, %and3A_1509 : vector<16xi32>
    %gather3A_1511 = tpu.vector_load_idx %arg9[%add3A_1507, %and3A_1510] : memref<10x128xf32, #tpu.memory_space<vmem>>[vector<16xi32>, vector<16xi32>], vector<16xf32>,
    %add3A_1512 = arith.constant 640 : i32
    %add3A_1513 = vector.broadcast %add3A_1512 : i32 to vector<16xi32>
    %add3A_1514 = arith.addi %add3A_1513, %add3A_1501 : vector<16xi32>
    %gather3A_1515 = tpu.vector_load_idx %arg10[%add3A_1514] : memref<1280xf32, #tpu.memory_space<vmem>>[vector<16xi32>], vector<16xf32>,
    %mul3A_1516 = arith.mulf %gather3A_1511, %gather3A_1515 : vector<16xf32>
    %add3A_1517 = arith.constant 335 : i32
    %add3A_1518 = vector.broadcast %add3A_1517 : i32 to vector<16xi32>
    %add3A_1519 = arith.addi %mul3A_866, %add3A_1518 : vector<16xi32>
    %shift_right_logical3A_1520 = arith.constant 7 : i32
    %shift_right_logical3A_1521 = vector.broadcast %shift_right_logical3A_1520 : i32 to vector<16xi32>
    %shift_right_logical3A_1522 = arith.shrui %add3A_1519, %shift_right_logical3A_1521 : vector<16xi32>
    %add3A_1523 = arith.constant 5 : i32
    %add3A_1524 = vector.broadcast %add3A_1523 : i32 to vector<16xi32>
    %add3A_1525 = arith.addi %add3A_1524, %shift_right_logical3A_1522 : vector<16xi32>
    %and3A_1526 = arith.constant 127 : i32
    %and3A_1527 = vector.broadcast %and3A_1526 : i32 to vector<16xi32>
    %and3A_1528 = arith.andi %add3A_1519, %and3A_1527 : vector<16xi32>
    %gather3A_1529 = tpu.vector_load_idx %arg9[%add3A_1525, %and3A_1528] : memref<10x128xf32, #tpu.memory_space<vmem>>[vector<16xi32>, vector<16xi32>], vector<16xf32>,
    %add3A_1530 = arith.constant 640 : i32
    %add3A_1531 = vector.broadcast %add3A_1530 : i32 to vector<16xi32>
    %add3A_1532 = arith.addi %add3A_1531, %add3A_1519 : vector<16xi32>
    %gather3A_1533 = tpu.vector_load_idx %arg10[%add3A_1532] : memref<1280xf32, #tpu.memory_space<vmem>>[vector<16xi32>], vector<16xf32>,
    %mul3A_1534 = arith.mulf %gather3A_1529, %gather3A_1533 : vector<16xf32>
    %add3A_1535 = arith.constant 336 : i32
    %add3A_1536 = vector.broadcast %add3A_1535 : i32 to vector<16xi32>
    %add3A_1537 = arith.addi %mul3A_866, %add3A_1536 : vector<16xi32>
    %shift_right_logical3A_1538 = arith.constant 7 : i32
    %shift_right_logical3A_1539 = vector.broadcast %shift_right_logical3A_1538 : i32 to vector<16xi32>
    %shift_right_logical3A_1540 = arith.shrui %add3A_1537, %shift_right_logical3A_1539 : vector<16xi32>
    %add3A_1541 = arith.constant 5 : i32
    %add3A_1542 = vector.broadcast %add3A_1541 : i32 to vector<16xi32>
    %add3A_1543 = arith.addi %add3A_1542, %shift_right_logical3A_1540 : vector<16xi32>
    %and3A_1544 = arith.constant 127 : i32
    %and3A_1545 = vector.broadcast %and3A_1544 : i32 to vector<16xi32>
    %and3A_1546 = arith.andi %add3A_1537, %and3A_1545 : vector<16xi32>
    %gather3A_1547 = tpu.vector_load_idx %arg9[%add3A_1543, %and3A_1546] : memref<10x128xf32, #tpu.memory_space<vmem>>[vector<16xi32>, vector<16xi32>], vector<16xf32>,
    %add3A_1548 = arith.constant 640 : i32
    %add3A_1549 = vector.broadcast %add3A_1548 : i32 to vector<16xi32>
    %add3A_1550 = arith.addi %add3A_1549, %add3A_1537 : vector<16xi32>
    %gather3A_1551 = tpu.vector_load_idx %arg10[%add3A_1550] : memref<1280xf32, #tpu.memory_space<vmem>>[vector<16xi32>], vector<16xf32>,
    %mul3A_1552 = arith.mulf %gather3A_1547, %gather3A_1551 : vector<16xf32>
    %add3A_1553 = arith.constant 337 : i32
    %add3A_1554 = vector.broadcast %add3A_1553 : i32 to vector<16xi32>
    %add3A_1555 = arith.addi %mul3A_866, %add3A_1554 : vector<16xi32>
    %shift_right_logical3A_1556 = arith.constant 7 : i32
    %shift_right_logical3A_1557 = vector.broadcast %shift_right_logical3A_1556 : i32 to vector<16xi32>
    %shift_right_logical3A_1558 = arith.shrui %add3A_1555, %shift_right_logical3A_1557 : vector<16xi32>
    %add3A_1559 = arith.constant 5 : i32
    %add3A_1560 = vector.broadcast %add3A_1559 : i32 to vector<16xi32>
    %add3A_1561 = arith.addi %add3A_1560, %shift_right_logical3A_1558 : vector<16xi32>
    %and3A_1562 = arith.constant 127 : i32
    %and3A_1563 = vector.broadcast %and3A_1562 : i32 to vector<16xi32>
    %and3A_1564 = arith.andi %add3A_1555, %and3A_1563 : vector<16xi32>
    %gather3A_1565 = tpu.vector_load_idx %arg9[%add3A_1561, %and3A_1564] : memref<10x128xf32, #tpu.memory_space<vmem>>[vector<16xi32>, vector<16xi32>], vector<16xf32>,
    %add3A_1566 = arith.constant 640 : i32
    %add3A_1567 = vector.broadcast %add3A_1566 : i32 to vector<16xi32>
    %add3A_1568 = arith.addi %add3A_1567, %add3A_1555 : vector<16xi32>
    %gather3A_1569 = tpu.vector_load_idx %arg10[%add3A_1568] : memref<1280xf32, #tpu.memory_space<vmem>>[vector<16xi32>], vector<16xf32>,
    %mul3A_1570 = arith.mulf %gather3A_1565, %gather3A_1569 : vector<16xf32>
    %add3A_1571 = arith.constant 338 : i32
    %add3A_1572 = vector.broadcast %add3A_1571 : i32 to vector<16xi32>
    %add3A_1573 = arith.addi %mul3A_866, %add3A_1572 : vector<16xi32>
    %shift_right_logical3A_1574 = arith.constant 7 : i32
    %shift_right_logical3A_1575 = vector.broadcast %shift_right_logical3A_1574 : i32 to vector<16xi32>
    %shift_right_logical3A_1576 = arith.shrui %add3A_1573, %shift_right_logical3A_1575 : vector<16xi32>
    %add3A_1577 = arith.constant 5 : i32
    %add3A_1578 = vector.broadcast %add3A_1577 : i32 to vector<16xi32>
    %add3A_1579 = arith.addi %add3A_1578, %shift_right_logical3A_1576 : vector<16xi32>
    %and3A_1580 = arith.constant 127 : i32
    %and3A_1581 = vector.broadcast %and3A_1580 : i32 to vector<16xi32>
    %and3A_1582 = arith.andi %add3A_1573, %and3A_1581 : vector<16xi32>
    %gather3A_1583 = tpu.vector_load_idx %arg9[%add3A_1579, %and3A_1582] : memref<10x128xf32, #tpu.memory_space<vmem>>[vector<16xi32>, vector<16xi32>], vector<16xf32>,
    %add3A_1584 = arith.constant 640 : i32
    %add3A_1585 = vector.broadcast %add3A_1584 : i32 to vector<16xi32>
    %add3A_1586 = arith.addi %add3A_1585, %add3A_1573 : vector<16xi32>
    %gather3A_1587 = tpu.vector_load_idx %arg10[%add3A_1586] : memref<1280xf32, #tpu.memory_space<vmem>>[vector<16xi32>], vector<16xf32>,
    %mul3A_1588 = arith.mulf %gather3A_1583, %gather3A_1587 : vector<16xf32>
    %add3A_1589 = arith.constant 339 : i32
    %add3A_1590 = vector.broadcast %add3A_1589 : i32 to vector<16xi32>
    %add3A_1591 = arith.addi %mul3A_866, %add3A_1590 : vector<16xi32>
    %shift_right_logical3A_1592 = arith.constant 7 : i32
    %shift_right_logical3A_1593 = vector.broadcast %shift_right_logical3A_1592 : i32 to vector<16xi32>
    %shift_right_logical3A_1594 = arith.shrui %add3A_1591, %shift_right_logical3A_1593 : vector<16xi32>
    %add3A_1595 = arith.constant 5 : i32
    %add3A_1596 = vector.broadcast %add3A_1595 : i32 to vector<16xi32>
    %add3A_1597 = arith.addi %add3A_1596, %shift_right_logical3A_1594 : vector<16xi32>
    %and3A_1598 = arith.constant 127 : i32
    %and3A_1599 = vector.broadcast %and3A_1598 : i32 to vector<16xi32>
    %and3A_1600 = arith.andi %add3A_1591, %and3A_1599 : vector<16xi32>
    %gather3A_1601 = tpu.vector_load_idx %arg9[%add3A_1597, %and3A_1600] : memref<10x128xf32, #tpu.memory_space<vmem>>[vector<16xi32>, vector<16xi32>], vector<16xf32>,
    %add3A_1602 = arith.constant 640 : i32
    %add3A_1603 = vector.broadcast %add3A_1602 : i32 to vector<16xi32>
    %add3A_1604 = arith.addi %add3A_1603, %add3A_1591 : vector<16xi32>
    %gather3A_1605 = tpu.vector_load_idx %arg10[%add3A_1604] : memref<1280xf32, #tpu.memory_space<vmem>>[vector<16xi32>], vector<16xf32>,
    %mul3A_1606 = arith.mulf %gather3A_1601, %gather3A_1605 : vector<16xf32>
    %add3A_1607 = arith.addf %mul3A_1264, %mul3A_1282 : vector<16xf32>
    %add3A_1608 = arith.addf %mul3A_1300, %mul3A_1318 : vector<16xf32>
    %add3A_1609 = arith.addf %mul3A_1336, %mul3A_1354 : vector<16xf32>
    %add3A_1610 = arith.addf %mul3A_1372, %mul3A_1390 : vector<16xf32>
    %add3A_1611 = arith.addf %mul3A_1408, %mul3A_1426 : vector<16xf32>
    %add3A_1612 = arith.addf %mul3A_1444, %mul3A_1462 : vector<16xf32>
    %add3A_1613 = arith.addf %mul3A_1480, %mul3A_1498 : vector<16xf32>
    %add3A_1614 = arith.addf %mul3A_1516, %mul3A_1534 : vector<16xf32>
    %add3A_1615 = arith.addf %mul3A_1552, %mul3A_1570 : vector<16xf32>
    %add3A_1616 = arith.addf %mul3A_1588, %mul3A_1606 : vector<16xf32>
    %add3A_1617 = arith.addf %add3A_1607, %add3A_1608 : vector<16xf32>
    %add3A_1618 = arith.addf %add3A_1609, %add3A_1610 : vector<16xf32>
    %add3A_1619 = arith.addf %add3A_1611, %add3A_1612 : vector<16xf32>
    %add3A_1620 = arith.addf %add3A_1613, %add3A_1614 : vector<16xf32>
    %add3A_1621 = arith.addf %add3A_1615, %add3A_1616 : vector<16xf32>
    %add3A_1622 = arith.addf %add3A_1617, %add3A_1618 : vector<16xf32>
    %add3A_1623 = arith.addf %add3A_1619, %add3A_1620 : vector<16xf32>
    %add3A_1624 = arith.addf %add3A_1622, %add3A_1623 : vector<16xf32>
    %add3A_1625 = arith.addf %add3A_1624, %add3A_1621 : vector<16xf32>
    %add3A_1626 = arith.addf %add3A_862, %add3A_1625 : vector<16xf32>
    %get3A = arith.constant 0 : index
    %get3A_1627 = tpu.vector_load %arg11[%get3A] {strides = array<i32>} : memref<32xf32, #tpu.memory_space<vmem>>, vector<16xf32>,
    %add3A_1628 = arith.addf %add3A_1246, %get3A_1627 : vector<16xf32>
    %neg3A = arith.constant 0.000000e+00 : f32
    %neg3A_1629 = vector.broadcast %neg3A : f32 to vector<16xf32>
    %neg3A_1630 = arith.subf %neg3A_1629, %add3A_1628 : vector<16xf32>
    %exp3A = math.exp %neg3A_1630 : vector<16xf32>
    %add3A_1631 = arith.constant 1.000000e+00 : f32
    %add3A_1632 = vector.broadcast %add3A_1631 : f32 to vector<16xf32>
    %add3A_1633 = arith.addf %add3A_1632, %exp3A : vector<16xf32>
    %div3A = arith.constant 1.000000e+00 : f32
    %div3A_1634 = vector.broadcast %div3A : f32 to vector<16xf32>
    %div3A_1635 = arith.divf %div3A_1634, %add3A_1633 : vector<16xf32>
    %swap3A = arith.constant 0 : index
    %swap3A_1636 = tpu.vector_load %arg12[%swap3A] {strides = array<i32>} : memref<32xf32, #tpu.memory_space<vmem>>, vector<16xf32>,
    tpu.vector_store %arg12[%swap3A], %div3A_1635 {strides = array<i32>} : memref<32xf32, #tpu.memory_space<vmem>>, vector<16xf32>,
    %get3A_1637 = arith.constant 16 : index
    %get3A_1638 = tpu.vector_load %arg11[%get3A_1637] {strides = array<i32>} : memref<32xf32, #tpu.memory_space<vmem>>, vector<16xf32>,
    %add3A_1639 = arith.addf %add3A_1626, %get3A_1638 : vector<16xf32>
    %neg3A_1640 = arith.constant 0.000000e+00 : f32
    %neg3A_1641 = vector.broadcast %neg3A_1640 : f32 to vector<16xf32>
    %neg3A_1642 = arith.subf %neg3A_1641, %add3A_1639 : vector<16xf32>
    %exp3A_1643 = math.exp %neg3A_1642 : vector<16xf32>
    %add3A_1644 = arith.constant 1.000000e+00 : f32
    %add3A_1645 = vector.broadcast %add3A_1644 : f32 to vector<16xf32>
    %add3A_1646 = arith.addf %add3A_1645, %exp3A_1643 : vector<16xf32>
    %div3A_1647 = arith.constant 1.000000e+00 : f32
    %div3A_1648 = vector.broadcast %div3A_1647 : f32 to vector<16xf32>
    %div3A_1649 = arith.divf %div3A_1648, %add3A_1646 : vector<16xf32>
    %swap3A_1650 = arith.constant 16 : index
    %swap3A_1651 = tpu.vector_load %arg12[%swap3A_1650] {strides = array<i32>} : memref<32xf32, #tpu.memory_space<vmem>>, vector<16xf32>,
    tpu.vector_store %arg12[%swap3A_1650], %div3A_1649 {strides = array<i32>} : memref<32xf32, #tpu.memory_space<vmem>>, vector<16xf32>,
    "tpu.region"() ({
      %run_scoped3A = tpu.sem_alloc : memref<!tpu.dma_semaphore, #tpu.memory_space<semaphore_mem>>
      %dma_start3A_1652 = tpu.memref_slice %arg7[%mul3A_2] : memref<1024xf32, #tpu.memory_space<hbm>> -> memref<32xf32, #tpu.memory_space<hbm>>
      %dma_start3A_1653 = tpu.memref_slice %arg7[%mul3A_2] : memref<1024xf32, #tpu.memory_space<hbm>> -> memref<32xf32, #tpu.memory_space<hbm>>
      tpu.enqueue_dma source(%arg12 : memref<32xf32, #tpu.memory_space<vmem>>) target(%dma_start3A_1653 : memref<32xf32, #tpu.memory_space<hbm>>) target_semaphore(%run_scoped3A : memref<!tpu.dma_semaphore, #tpu.memory_space<semaphore_mem>>)
      %dma_wait3A = tpu.memref_slice %arg7[%mul3A_2] : memref<1024xf32, #tpu.memory_space<hbm>> -> memref<32xf32, #tpu.memory_space<hbm>>
      %dma_wait3A_1654 = tpu.memref_slice %arg7[%mul3A_2] : memref<1024xf32, #tpu.memory_space<hbm>> -> memref<32xf32, #tpu.memory_space<hbm>>
      tpu.wait_dma2 semaphore(%run_scoped3A : memref<!tpu.dma_semaphore, #tpu.memory_space<semaphore_mem>>) src(%arg12 : memref<32xf32, #tpu.memory_space<vmem>>) dst(%dma_wait3A_1654 : memref<32xf32, #tpu.memory_space<hbm>>)
      tpu.yield
    }) : () -> ()
    return
  }
}

module attributes {stable_mosaic.version = 14 : i64} {
  func.func @_contract_body(%arg0: i32, %arg1: i32, %arg2: memref<1x1x64xf32, #tpu.memory_space<vmem>>, %arg3: memref<1x64x25600xf32, #tpu.memory_space<vmem>>, %arg4: memref<1x64x25600xf32, #tpu.memory_space<vmem>>, %arg5: memref<1x51200xf32, #tpu.memory_space<vmem>>) attributes {dimension_semantics = [#tpu.dimension_semantics<arbitrary>, #tpu.dimension_semantics<arbitrary>], iteration_bounds = array<i64: 21, 2>, scalar_prefetch = 0 : i64, scratch_operands = 0 : i64, tpu.core_type = #tpu.core_type<tc>, window_params = [{transform_indices = @transform_0, window_bounds = array<i64: 1, 1, 64>}, {transform_indices = @transform_1, window_bounds = array<i64: 1, 64, 25600>}, {transform_indices = @transform_2, window_bounds = array<i64: 1, 64, 25600>}, {transform_indices = @transform_3, window_bounds = array<i64: 1, 51200>}]} {
    %get3A = arith.constant 0 : index
    %get3A_0 = arith.constant 0 : index
    %get3A_1 = arith.constant 0 : index
    %get3A_2 = vector.load %arg2[%get3A, %get3A_0, %get3A_1] : memref<1x1x64xf32, #tpu.memory_space<vmem>>, vector<1x1x64xf32>
    %get3A_3 = vector.shape_cast %get3A_2 : vector<1x1x64xf32> to vector<64xf32>
    %get3A_4 = arith.constant 0 : index
    %get3A_5 = arith.constant 0 : index
    %get3A_6 = arith.constant 0 : index
    %get3A_7 = vector.load %arg3[%get3A_4, %get3A_5, %get3A_6] : memref<1x64x25600xf32, #tpu.memory_space<vmem>>, vector<1x64x25600xf32>
    %get3A_8 = vector.shape_cast %get3A_7 : vector<1x64x25600xf32> to vector<64x25600xf32>
    %broadcast_in_dim3A = vector.shape_cast %get3A_3 : vector<64xf32> to vector<64x1xf32>
    %mul3A = vector.broadcast %broadcast_in_dim3A : vector<64x1xf32> to vector<64x25600xf32>
    %mul3A_9 = arith.mulf %get3A_8, %mul3A : vector<64x25600xf32>
    %reduce_sum3A = arith.constant dense<0.000000e+00> : vector<25600xf32>
    %reduce_sum3A_10 = vector.multi_reduction <add>, %mul3A_9, %reduce_sum3A [0] : vector<64x25600xf32> to vector<25600xf32>
    %swap3A = arith.constant 0 : index
    %swap3A_11 = arith.constant 0 : index
    %swap3A_12 = vector.load %arg5[%swap3A, %swap3A_11] : memref<1x51200xf32, #tpu.memory_space<vmem>>, vector<1x25600xf32>
    %swap3A_13 = vector.shape_cast %swap3A_12 : vector<1x25600xf32> to vector<25600xf32>
    %swap3A_14 = vector.shape_cast %reduce_sum3A_10 : vector<25600xf32> to vector<1x25600xf32>
    tpu.vector_store %arg5[%swap3A, %swap3A_11], %swap3A_14 {strides = array<i32>} : memref<1x51200xf32, #tpu.memory_space<vmem>>, vector<1x25600xf32>,
    %get3A_15 = arith.constant 0 : index
    %get3A_16 = arith.constant 0 : index
    %get3A_17 = arith.constant 0 : index
    %get3A_18 = vector.load %arg4[%get3A_15, %get3A_16, %get3A_17] : memref<1x64x25600xf32, #tpu.memory_space<vmem>>, vector<1x64x25600xf32>
    %get3A_19 = vector.shape_cast %get3A_18 : vector<1x64x25600xf32> to vector<64x25600xf32>
    %broadcast_in_dim3A_20 = vector.shape_cast %get3A_3 : vector<64xf32> to vector<64x1xf32>
    %mul3A_21 = vector.broadcast %broadcast_in_dim3A_20 : vector<64x1xf32> to vector<64x25600xf32>
    %mul3A_22 = arith.mulf %get3A_19, %mul3A_21 : vector<64x25600xf32>
    %reduce_sum3A_23 = arith.constant dense<0.000000e+00> : vector<25600xf32>
    %reduce_sum3A_24 = vector.multi_reduction <add>, %mul3A_22, %reduce_sum3A_23 [0] : vector<64x25600xf32> to vector<25600xf32>
    %swap3A_25 = arith.constant 0 : index
    %swap3A_26 = arith.constant 25600 : index
    %swap3A_27 = vector.load %arg5[%swap3A_25, %swap3A_26] : memref<1x51200xf32, #tpu.memory_space<vmem>>, vector<1x25600xf32>
    %swap3A_28 = vector.shape_cast %swap3A_27 : vector<1x25600xf32> to vector<25600xf32>
    %swap3A_29 = vector.shape_cast %reduce_sum3A_24 : vector<25600xf32> to vector<1x25600xf32>
    tpu.vector_store %arg5[%swap3A_25, %swap3A_26], %swap3A_29 {strides = array<i32>} : memref<1x51200xf32, #tpu.memory_space<vmem>>, vector<1x25600xf32>,
    return
  }
  func.func @transform_0(%arg0: i32, %arg1: i32) -> (i32, i32, i32) {
    %add3A = arith.constant 0 : i32
    %add3A_0 = arith.addi %add3A, %arg0 : i32
    %c0_i32 = arith.constant 0 : i32
    %c0_i32_1 = arith.constant 0 : i32
    %c0_i32_2 = arith.constant 0 : i32
    return %add3A_0, %c0_i32, %c0_i32_1 : i32, i32, i32
  }
  func.func @transform_1(%arg0: i32, %arg1: i32) -> (i32, i32, i32) {
    %add3A = arith.constant 0 : i32
    %add3A_0 = arith.addi %add3A, %arg0 : i32
    %mul3A = arith.constant 2 : i32
    %mul3A_1 = arith.muli %mul3A, %arg1 : i32
    %add3A_2 = arith.constant 0 : i32
    %add3A_3 = arith.addi %mul3A_1, %add3A_2 : i32
    %min3A = arith.constant 3 : i32
    %min3A_4 = arith.minsi %add3A_3, %min3A : i32
    %c0_i32 = arith.constant 0 : i32
    %c0_i32_5 = arith.constant 0 : i32
    return %add3A_0, %c0_i32, %min3A_4 : i32, i32, i32
  }
  func.func @transform_2(%arg0: i32, %arg1: i32) -> (i32, i32, i32) {
    %add3A = arith.constant 0 : i32
    %add3A_0 = arith.addi %add3A, %arg0 : i32
    %mul3A = arith.constant 2 : i32
    %mul3A_1 = arith.muli %mul3A, %arg1 : i32
    %add3A_2 = arith.constant 1 : i32
    %add3A_3 = arith.addi %mul3A_1, %add3A_2 : i32
    %min3A = arith.constant 3 : i32
    %min3A_4 = arith.minsi %add3A_3, %min3A : i32
    %c0_i32 = arith.constant 0 : i32
    %c0_i32_5 = arith.constant 0 : i32
    return %add3A_0, %c0_i32, %min3A_4 : i32, i32, i32
  }
  func.func @transform_3(%arg0: i32, %arg1: i32) -> (i32, i32) {
    %mul3A = arith.constant 2 : i32
    %mul3A_0 = arith.muli %arg0, %mul3A : i32
    %add3A = arith.addi %mul3A_0, %arg1 : i32
    %c0_i32 = arith.constant 0 : i32
    %c0_i32_1 = arith.constant 0 : i32
    return %c0_i32, %add3A : i32, i32
  }
}

module attributes {stable_mosaic.version = 14 : i64} {
  func.func @_contract_body(%arg0: i32, %arg1: i32, %arg2: memref<1x1x64xf32, #tpu.memory_space<vmem>>, %arg3: memref<1x64x25600xf32, #tpu.memory_space<vmem>>, %arg4: memref<1x64x25600xf32, #tpu.memory_space<vmem>>, %arg5: memref<1x51200xf32, #tpu.memory_space<vmem>>) attributes {dimension_semantics = [#tpu.dimension_semantics<arbitrary>, #tpu.dimension_semantics<arbitrary>], iteration_bounds = array<i64: 5, 2>, scalar_prefetch = 0 : i64, scratch_operands = 0 : i64, tpu.core_type = #tpu.core_type<tc>, window_params = [{transform_indices = @transform_0, window_bounds = array<i64: 1, 1, 64>}, {transform_indices = @transform_1, window_bounds = array<i64: 1, 64, 25600>}, {transform_indices = @transform_2, window_bounds = array<i64: 1, 64, 25600>}, {transform_indices = @transform_3, window_bounds = array<i64: 1, 51200>}]} {
    %get3A = arith.constant 0 : index
    %get3A_0 = arith.constant 0 : index
    %get3A_1 = arith.constant 0 : index
    %get3A_2 = vector.load %arg2[%get3A, %get3A_0, %get3A_1] : memref<1x1x64xf32, #tpu.memory_space<vmem>>, vector<1x1x64xf32>
    %get3A_3 = vector.shape_cast %get3A_2 : vector<1x1x64xf32> to vector<64xf32>
    %get3A_4 = arith.constant 0 : index
    %get3A_5 = arith.constant 0 : index
    %get3A_6 = arith.constant 0 : index
    %get3A_7 = vector.load %arg3[%get3A_4, %get3A_5, %get3A_6] : memref<1x64x25600xf32, #tpu.memory_space<vmem>>, vector<1x64x25600xf32>
    %get3A_8 = vector.shape_cast %get3A_7 : vector<1x64x25600xf32> to vector<64x25600xf32>
    %broadcast_in_dim3A = vector.shape_cast %get3A_3 : vector<64xf32> to vector<64x1xf32>
    %mul3A = vector.broadcast %broadcast_in_dim3A : vector<64x1xf32> to vector<64x25600xf32>
    %mul3A_9 = arith.mulf %get3A_8, %mul3A : vector<64x25600xf32>
    %reduce_sum3A = arith.constant dense<0.000000e+00> : vector<25600xf32>
    %reduce_sum3A_10 = vector.multi_reduction <add>, %mul3A_9, %reduce_sum3A [0] : vector<64x25600xf32> to vector<25600xf32>
    %swap3A = arith.constant 0 : index
    %swap3A_11 = arith.constant 0 : index
    %swap3A_12 = vector.load %arg5[%swap3A, %swap3A_11] : memref<1x51200xf32, #tpu.memory_space<vmem>>, vector<1x25600xf32>
    %swap3A_13 = vector.shape_cast %swap3A_12 : vector<1x25600xf32> to vector<25600xf32>
    %swap3A_14 = vector.shape_cast %reduce_sum3A_10 : vector<25600xf32> to vector<1x25600xf32>
    tpu.vector_store %arg5[%swap3A, %swap3A_11], %swap3A_14 {strides = array<i32>} : memref<1x51200xf32, #tpu.memory_space<vmem>>, vector<1x25600xf32>,
    %get3A_15 = arith.constant 0 : index
    %get3A_16 = arith.constant 0 : index
    %get3A_17 = arith.constant 0 : index
    %get3A_18 = vector.load %arg4[%get3A_15, %get3A_16, %get3A_17] : memref<1x64x25600xf32, #tpu.memory_space<vmem>>, vector<1x64x25600xf32>
    %get3A_19 = vector.shape_cast %get3A_18 : vector<1x64x25600xf32> to vector<64x25600xf32>
    %broadcast_in_dim3A_20 = vector.shape_cast %get3A_3 : vector<64xf32> to vector<64x1xf32>
    %mul3A_21 = vector.broadcast %broadcast_in_dim3A_20 : vector<64x1xf32> to vector<64x25600xf32>
    %mul3A_22 = arith.mulf %get3A_19, %mul3A_21 : vector<64x25600xf32>
    %reduce_sum3A_23 = arith.constant dense<0.000000e+00> : vector<25600xf32>
    %reduce_sum3A_24 = vector.multi_reduction <add>, %mul3A_22, %reduce_sum3A_23 [0] : vector<64x25600xf32> to vector<25600xf32>
    %swap3A_25 = arith.constant 0 : index
    %swap3A_26 = arith.constant 25600 : index
    %swap3A_27 = vector.load %arg5[%swap3A_25, %swap3A_26] : memref<1x51200xf32, #tpu.memory_space<vmem>>, vector<1x25600xf32>
    %swap3A_28 = vector.shape_cast %swap3A_27 : vector<1x25600xf32> to vector<25600xf32>
    %swap3A_29 = vector.shape_cast %reduce_sum3A_24 : vector<25600xf32> to vector<1x25600xf32>
    tpu.vector_store %arg5[%swap3A_25, %swap3A_26], %swap3A_29 {strides = array<i32>} : memref<1x51200xf32, #tpu.memory_space<vmem>>, vector<1x25600xf32>,
    return
  }
  func.func @transform_0(%arg0: i32, %arg1: i32) -> (i32, i32, i32) {
    %add3A = arith.constant 21 : i32
    %add3A_0 = arith.addi %add3A, %arg0 : i32
    %c0_i32 = arith.constant 0 : i32
    %c0_i32_1 = arith.constant 0 : i32
    %c0_i32_2 = arith.constant 0 : i32
    return %add3A_0, %c0_i32, %c0_i32_1 : i32, i32, i32
  }
  func.func @transform_1(%arg0: i32, %arg1: i32) -> (i32, i32, i32) {
    %add3A = arith.constant 21 : i32
    %add3A_0 = arith.addi %add3A, %arg0 : i32
    %mul3A = arith.constant 2 : i32
    %mul3A_1 = arith.muli %mul3A, %arg1 : i32
    %add3A_2 = arith.constant 0 : i32
    %add3A_3 = arith.addi %mul3A_1, %add3A_2 : i32
    %min3A = arith.constant 3 : i32
    %min3A_4 = arith.minsi %add3A_3, %min3A : i32
    %c0_i32 = arith.constant 0 : i32
    %c0_i32_5 = arith.constant 0 : i32
    return %add3A_0, %c0_i32, %min3A_4 : i32, i32, i32
  }
  func.func @transform_2(%arg0: i32, %arg1: i32) -> (i32, i32, i32) {
    %add3A = arith.constant 21 : i32
    %add3A_0 = arith.addi %add3A, %arg0 : i32
    %mul3A = arith.constant 2 : i32
    %mul3A_1 = arith.muli %mul3A, %arg1 : i32
    %add3A_2 = arith.constant 1 : i32
    %add3A_3 = arith.addi %mul3A_1, %add3A_2 : i32
    %min3A = arith.constant 3 : i32
    %min3A_4 = arith.minsi %add3A_3, %min3A : i32
    %c0_i32 = arith.constant 0 : i32
    %c0_i32_5 = arith.constant 0 : i32
    return %add3A_0, %c0_i32, %min3A_4 : i32, i32, i32
  }
  func.func @transform_3(%arg0: i32, %arg1: i32) -> (i32, i32) {
    %mul3A = arith.constant 2 : i32
    %mul3A_0 = arith.muli %arg0, %mul3A : i32
    %add3A = arith.addi %mul3A_0, %arg1 : i32
    %c0_i32 = arith.constant 0 : i32
    %c0_i32_1 = arith.constant 0 : i32
    return %c0_i32, %add3A : i32, i32
  }
}

module attributes {stable_mosaic.version = 14 : i64} {
  func.func @_contract_body(%arg0: i32, %arg1: i32, %arg2: memref<1x1x64xf32, #tpu.memory_space<vmem>>, %arg3: memref<1x64x25600xf32, #tpu.memory_space<vmem>>, %arg4: memref<1x64x25600xf32, #tpu.memory_space<vmem>>, %arg5: memref<1x51200xf32, #tpu.memory_space<vmem>>) attributes {dimension_semantics = [#tpu.dimension_semantics<arbitrary>, #tpu.dimension_semantics<arbitrary>], iteration_bounds = array<i64: 2, 2>, scalar_prefetch = 0 : i64, scratch_operands = 0 : i64, tpu.core_type = #tpu.core_type<tc>, window_params = [{transform_indices = @transform_0, window_bounds = array<i64: 1, 1, 64>}, {transform_indices = @transform_1, window_bounds = array<i64: 1, 64, 25600>}, {transform_indices = @transform_2, window_bounds = array<i64: 1, 64, 25600>}, {transform_indices = @transform_3, window_bounds = array<i64: 1, 51200>}]} {
    %get3A = arith.constant 0 : index
    %get3A_0 = arith.constant 0 : index
    %get3A_1 = arith.constant 0 : index
    %get3A_2 = vector.load %arg2[%get3A, %get3A_0, %get3A_1] : memref<1x1x64xf32, #tpu.memory_space<vmem>>, vector<1x1x64xf32>
    %get3A_3 = vector.shape_cast %get3A_2 : vector<1x1x64xf32> to vector<64xf32>
    %get3A_4 = arith.constant 0 : index
    %get3A_5 = arith.constant 0 : index
    %get3A_6 = arith.constant 0 : index
    %get3A_7 = vector.load %arg3[%get3A_4, %get3A_5, %get3A_6] : memref<1x64x25600xf32, #tpu.memory_space<vmem>>, vector<1x64x25600xf32>
    %get3A_8 = vector.shape_cast %get3A_7 : vector<1x64x25600xf32> to vector<64x25600xf32>
    %broadcast_in_dim3A = vector.shape_cast %get3A_3 : vector<64xf32> to vector<64x1xf32>
    %mul3A = vector.broadcast %broadcast_in_dim3A : vector<64x1xf32> to vector<64x25600xf32>
    %mul3A_9 = arith.mulf %get3A_8, %mul3A : vector<64x25600xf32>
    %reduce_sum3A = arith.constant dense<0.000000e+00> : vector<25600xf32>
    %reduce_sum3A_10 = vector.multi_reduction <add>, %mul3A_9, %reduce_sum3A [0] : vector<64x25600xf32> to vector<25600xf32>
    %swap3A = arith.constant 0 : index
    %swap3A_11 = arith.constant 0 : index
    %swap3A_12 = vector.load %arg5[%swap3A, %swap3A_11] : memref<1x51200xf32, #tpu.memory_space<vmem>>, vector<1x25600xf32>
    %swap3A_13 = vector.shape_cast %swap3A_12 : vector<1x25600xf32> to vector<25600xf32>
    %swap3A_14 = vector.shape_cast %reduce_sum3A_10 : vector<25600xf32> to vector<1x25600xf32>
    tpu.vector_store %arg5[%swap3A, %swap3A_11], %swap3A_14 {strides = array<i32>} : memref<1x51200xf32, #tpu.memory_space<vmem>>, vector<1x25600xf32>,
    %get3A_15 = arith.constant 0 : index
    %get3A_16 = arith.constant 0 : index
    %get3A_17 = arith.constant 0 : index
    %get3A_18 = vector.load %arg4[%get3A_15, %get3A_16, %get3A_17] : memref<1x64x25600xf32, #tpu.memory_space<vmem>>, vector<1x64x25600xf32>
    %get3A_19 = vector.shape_cast %get3A_18 : vector<1x64x25600xf32> to vector<64x25600xf32>
    %broadcast_in_dim3A_20 = vector.shape_cast %get3A_3 : vector<64xf32> to vector<64x1xf32>
    %mul3A_21 = vector.broadcast %broadcast_in_dim3A_20 : vector<64x1xf32> to vector<64x25600xf32>
    %mul3A_22 = arith.mulf %get3A_19, %mul3A_21 : vector<64x25600xf32>
    %reduce_sum3A_23 = arith.constant dense<0.000000e+00> : vector<25600xf32>
    %reduce_sum3A_24 = vector.multi_reduction <add>, %mul3A_22, %reduce_sum3A_23 [0] : vector<64x25600xf32> to vector<25600xf32>
    %swap3A_25 = arith.constant 0 : index
    %swap3A_26 = arith.constant 25600 : index
    %swap3A_27 = vector.load %arg5[%swap3A_25, %swap3A_26] : memref<1x51200xf32, #tpu.memory_space<vmem>>, vector<1x25600xf32>
    %swap3A_28 = vector.shape_cast %swap3A_27 : vector<1x25600xf32> to vector<25600xf32>
    %swap3A_29 = vector.shape_cast %reduce_sum3A_24 : vector<25600xf32> to vector<1x25600xf32>
    tpu.vector_store %arg5[%swap3A_25, %swap3A_26], %swap3A_29 {strides = array<i32>} : memref<1x51200xf32, #tpu.memory_space<vmem>>, vector<1x25600xf32>,
    return
  }
  func.func @transform_0(%arg0: i32, %arg1: i32) -> (i32, i32, i32) {
    %add3A = arith.constant 0 : i32
    %add3A_0 = arith.addi %add3A, %arg0 : i32
    %c0_i32 = arith.constant 0 : i32
    %c0_i32_1 = arith.constant 0 : i32
    %c0_i32_2 = arith.constant 0 : i32
    return %add3A_0, %c0_i32, %c0_i32_1 : i32, i32, i32
  }
  func.func @transform_1(%arg0: i32, %arg1: i32) -> (i32, i32, i32) {
    %add3A = arith.constant 0 : i32
    %add3A_0 = arith.addi %add3A, %arg0 : i32
    %mul3A = arith.constant 2 : i32
    %mul3A_1 = arith.muli %mul3A, %arg1 : i32
    %add3A_2 = arith.constant 0 : i32
    %add3A_3 = arith.addi %mul3A_1, %add3A_2 : i32
    %min3A = arith.constant 3 : i32
    %min3A_4 = arith.minsi %add3A_3, %min3A : i32
    %c0_i32 = arith.constant 0 : i32
    %c0_i32_5 = arith.constant 0 : i32
    return %add3A_0, %c0_i32, %min3A_4 : i32, i32, i32
  }
  func.func @transform_2(%arg0: i32, %arg1: i32) -> (i32, i32, i32) {
    %add3A = arith.constant 0 : i32
    %add3A_0 = arith.addi %add3A, %arg0 : i32
    %mul3A = arith.constant 2 : i32
    %mul3A_1 = arith.muli %mul3A, %arg1 : i32
    %add3A_2 = arith.constant 1 : i32
    %add3A_3 = arith.addi %mul3A_1, %add3A_2 : i32
    %min3A = arith.constant 3 : i32
    %min3A_4 = arith.minsi %add3A_3, %min3A : i32
    %c0_i32 = arith.constant 0 : i32
    %c0_i32_5 = arith.constant 0 : i32
    return %add3A_0, %c0_i32, %min3A_4 : i32, i32, i32
  }
  func.func @transform_3(%arg0: i32, %arg1: i32) -> (i32, i32) {
    %mul3A = arith.constant 2 : i32
    %mul3A_0 = arith.muli %arg0, %mul3A : i32
    %add3A = arith.addi %mul3A_0, %arg1 : i32
    %c0_i32 = arith.constant 0 : i32
    %c0_i32_1 = arith.constant 0 : i32
    return %c0_i32, %add3A : i32, i32
  }
}

</mosaic_0001>

<sc_bundles>
// kernel: kernel.11.cloned.1.call-start
scs
__scs_entry_jumppad:
0x0: {  	(pc) =	sbr.rel $0x88, $3  }
0x1: {  	(tag) =	ssettag $0x0;
	lr =	simm.s32 $0x1  }
0x2: {  	[smem:$0x3F97] =	sst lr;
	_ =	strace $0xD0000000  }
0x3: {  	_ = 	snop  }
0x4: {  	_ = 	snop  }
0x5: {  	_ = 	snop  }
0x6: {  	_ = 	snop  }
0x7: {  	_ = 	snop  }
__scs_overlays_trampoline_lowered:
0x8: {  	[smem:$0x3FA6] =	sst s0  }
0x9: {  	[smem:$0x3FA7] =	sst s1  }
0xa: {  	[smem:$0x3FA8] =	sst s2  }
0xb: {  	[smem:$0x3FA9] =	sst s3  }
0xc: {  	[smem:$0x3FAA] =	sst s4  }
0xd: {  	[smem:$0x3FAB] =	sst s5  }
0xe: {  	[smem:$0x3FAC] =	sst s6  }
0xf: {  	[smem:$0x3FAD] =	sst s7  }
0x10: {  	[smem:$0x3FAE] =	sst s8  }
0x11: {  	[smem:$0x3FAF] =	sst s9;
	s0 =	simm.s32 @!p0 $0x0  }
0x12: {  	s1 =	sld [smem:$0x3F95];
	s0 =	simm.s32 @p0 $0x1  }
0x13: {  	[smem:$0x3FB0] =	sst s0;
	s0 =	simm.s32 @!p1 $0x0  }
0x14: {  	s2 =	sld [smem:$0x3F94];
	s0 =	simm.s32 @p1 $0x1  }
0x15: {  	[smem:$0x3FB1] =	sst s0;
	s0 =	simm.s32 @!p2 $0x0  }
0x16: {  	s3 =	sld [smem:$0x3FDB];
	s0 =	simm.s32 @p2 $0x1  }
0x17: {  	s4 =	simm.s32 $0x1BF5;
	[smem:$0x3FB3] =	sst s0  }
0x18: {  	s0 =	sld [smem:$0x3F96];
	_ =	swait.ge [sflag:s4], $0x0  }
0x19: {  	s7 =	sld [smem:$0x3F97]  }
0x1a: {  	s8 =	sadd.s32 $0xFFFFE003, lr  }
0x1b: {  	s9 =	sadd.s32 $0xFFFFFEF7, lr;
	s5 =	simm.s32 $0xFFFFFFFF;
	p2 =	slt.u32 s8, $0xFFFFF086  }
0x1c: {  	p1 =	slt.u32 s9, $0xF7A;
	s5 =	simm.s32 @!p2 $0x0  }
0x1d: {  	s5 =	simm.s32 @p1 $0x1;
	p0 =	seq.s32 s7, s2  }
0x1e: {  	s7 =	smul.u32 @!p0 $0xF7A, s2;
	p2 =	seq.s32 @!p0 s5, $0x0  }
0x1f: {  	s9 =	smul.u32 $0xF7A, s1;
	s8 =	simm.s32 @!p0 $0x1BF5;
	p2 =	por !p2, p0  }
0x20: {  	[sflag:s8] =	ssyncset.s32 @!p0 $0xFFFFF086;
	s6 =	sadd.s32 @!p0 s3, s7;
	s7 =	simm.s32 @!p0 $0x108  }
0x21: {  	s3 =	sadd.s32 s3, s9;
	s6 =	sadd.s32 @!p0 $0x88, s6;
	s7 =	simm.s32 @p2 $0x1082  }
0x22: {  	[simem:s7], [sflag:s8] =	dma.local @!p0 [hbm:s6], $0xF7A  }
0x23: {  	s9 =	sor.u32 $0xD0000000, s2;
	s6 =	simm.s32 $0x108;
	_ =	swait.ge @!p0 [sflag:s8], $0x0  }
0x24: {  	s3 =	sadd.s32 $0x88, s3;
	s6 =	simm.s32 @!p1 $0x1082;
	[sflag:s4] =	ssyncset.s32 $0xFFFFF086  }
0x25: {  	[simem:s6], [sflag:s4] =	dma.local [hbm:s3], $0xF7A  }
0x26: {  	[smem:$0x3F97] =	sst s1;
	(tag) =	ssettag s2;
	_ =	strace s9  }
0x27: {  	s1 =	sld [smem:$0x3FA7]  }
0x28: {  	s2 =	sld [smem:$0x3FA8]  }
0x29: {  	s4 =	sld [smem:$0x3FAA]  }
0x2a: {  	p0 =	seq.s32 s5, $0x0;
	s5 =	sld [smem:$0x3FAB]  }
0x2b: {  	s6 =	sld [smem:$0x3FAC]  }
0x2c: {  	s7 =	sld [smem:$0x3FAD]  }
0x2d: {  	s3 =	simm.s32 $0x108;
	s8 =	sld [smem:$0x3FAE]  }
0x2e: {  	s3 =	simm.s32 @!p0 $0x1082;
	s9 =	sld [smem:$0x3FAF]  }
0x2f: {  	lr =	sadd.s32 s0, s3;
	s0 =	sld [smem:$0x3FA6]  }
0x30: {  	s3 =	sld [smem:$0x3FA9]  }
0x31: {  	[smem:$0x3FB2] =	sst s10  }
0x32: {  	s10 =	sld [smem:$0x3FB0];
	_ =	sdelay $0x3  }
0x33: {  	p0 =	seq.s32 s10, $0x1;
	s10 =	sld [smem:$0x3FB2];
	_ =	sdelay $0x3  }
0x34: {  	[smem:$0x3FB2] =	sst s10  }
0x35: {  	s10 =	sld [smem:$0x3FB1];
	_ =	sdelay $0x3  }
0x36: {  	p1 =	seq.s32 s10, $0x1;
	s10 =	sld [smem:$0x3FB2];
	_ =	sdelay $0x3  }
0x37: {  	[smem:$0x3FB2] =	sst s10  }
0x38: {  	s10 =	sld [smem:$0x3FB3]  }
0x39: {  	_ = 	snop;
	(pc) =	sbr.ind lr, $3  }
0x3a: {  	_ = 	snop  }
0x3b: {  	_ = 	snop  }
0x3c: {  	p2 =	seq.s32 s10, $0x1;
	s10 =	sld [smem:$0x3FB2]  }
0x3d: {  	_ =	shalt  }
0x3e: {  	_ =	shalt  }
0x3f: {  	_ =	shalt  }
0x40: {  	_ =	shalt  }
0x41: {  	_ =	shalt  }
0x42: {  	_ =	shalt  }
0x43: {  	_ =	shalt  }
0x44: {  	_ =	shalt  }
0x45: {  	_ =	shalt  }
0x46: {  	_ =	shalt  }
0x47: {  	_ =	shalt  }
0x48: {  	_ =	shalt  }
0x49: {  	_ =	shalt  }
0x4a: {  	_ =	shalt  }
0x4b: {  	_ =	shalt  }
0x4c: {  	_ =	shalt  }
0x4d: {  	_ =	shalt  }
0x4e: {  	_ =	shalt  }
0x4f: {  	_ =	shalt  }
0x50: {  	_ =	shalt  }
0x51: {  	_ =	shalt  }
0x52: {  	_ =	shalt  }
0x53: {  	_ =	shalt  }
0x54: {  	_ =	shalt  }
0x55: {  	_ =	shalt  }
0x56: {  	_ =	shalt  }
0x57: {  	_ =	shalt  }
0x58: {  	_ =	shalt  }
0x59: {  	_ =	shalt  }
0x5a: {  	_ =	shalt  }
0x5b: {  	_ =	shalt  }
0x5c: {  	_ =	shalt  }
0x5d: {  	_ =	shalt  }
0x5e: {  	_ =	shalt  }
0x5f: {  	_ =	shalt  }
0x60: {  	_ =	shalt  }
0x61: {  	_ =	shalt  }
0x62: {  	_ =	shalt  }
0x63: {  	_ =	shalt  }
0x64: {  	_ =	shalt  }
0x65: {  	_ =	shalt  }
0x66: {  	_ =	shalt  }
0x67: {  	_ =	shalt  }
0x68: {  	_ =	shalt  }
0x69: {  	_ =	shalt  }
0x6a: {  	_ =	shalt  }
0x6b: {  	_ =	shalt  }
0x6c: {  	_ =	shalt  }
0x6d: {  	_ =	shalt  }
0x6e: {  	_ =	shalt  }
0x6f: {  	_ =	shalt  }
0x70: {  	_ =	shalt  }
0x71: {  	_ =	shalt  }
0x72: {  	_ =	shalt  }
0x73: {  	_ =	shalt  }
0x74: {  	_ =	shalt  }
0x75: {  	_ =	shalt  }
0x76: {  	_ =	shalt  }
0x77: {  	_ =	shalt  }
0x78: {  	_ =	shalt  }
0x79: {  	_ =	shalt  }
0x7a: {  	_ =	shalt  }
0x7b: {  	_ =	shalt  }
0x7c: {  	_ =	shalt  }
0x7d: {  	_ =	shalt  }
0x7e: {  	_ =	shalt  }
0x7f: {  	_ =	shalt  }
0x80: {  	_ =	shalt  }
0x81: {  	_ =	shalt  }
0x82: {  	_ =	shalt  }
0x83: {  	_ =	shalt  }
0x84: {  	_ =	shalt  }
0x85: {  	_ =	shalt  }
0x86: {  	_ =	shalt  }
0x87: {  	_ =	shalt  }
.Lfunc_end0:
.L_simem_size_0:
called_computation.1_lowered:
.L_overlay_start_0:
0x88: {  	s2 =	sld [smem:$0x3FD9]  }
0x89: {  	s3 =	sld [smem:$0x3FFE];
	_ =	sdelay $0x1  }
0x8a: {  	s1 =	srdreg.scid  }
0x8b: {  	s0 =	sand.u32 $0x1, s1  }
0x8c: {  	s17 =	sshll.u32 s0, $0xA;
	s2 =	sadd.s32 s3, s2  }
0x8d: {  	s2 =	sadd.s32 s2, s17  }
0x8e: {  	[smem:$0x3FBE] =	sst s2  }
0x8f: {  	_ = 	snop  }
0x90: {  	s2 =	sld [smem:$0x3FD0];
	(tm) =	ssettm $0x1  }
0x91: {  	s18 =	sld [smem:$0x3FFB];
	_ =	sdelay $0x3  }
0x92: {  	_ =	strace s18  }
0x93: {  	s3 =	sld [smem:$0x3FFC];
	_ =	sdelay $0x3  }
0x94: {  	_ =	strace s3  }
0x95: {  	s3 =	sld [smem:$0x3FFD];
	_ =	sdelay $0x3  }
0x96: {  	_ =	strace s3  }
0x97: {  	_ =	strace $0x8FFFFFFF  }
0x98: {  	s19 =	sld [smem:$0x3FDB];
	_ =	sdelay $0x1  }
0x99: {  	s4 =	simm.s32 $_scs_section_size  }
0x9a: {  	s5 =	simm.s32 $_size__tile_overlayer_lowered;
	s6 =	simm.s32 $_tile_overlayer_lowered  }
0x9b: {  	s22 =	simm.s32 $0x1BFF;
	s21 =	sshll.u32 s6, $0x1;
	s3 =	sadd.s32 s4, s19  }
0x9c: {  	s7 =	simm.s32 $0x0;
	s20 =	sshll.u32 s5, $0x1;
	s5 =	sadd.s32 s21, s3  }
0x9d: {  	[timem:s7], [sflag:s22] =	dma.local [hbm:s5], s20  }
0x9e: {  	_ =	swait.ge [sflag:s22], s20  }
0x9f: {  	s4 =	ssub.s32 $0x0, s20;
	[sflag:s22] =	ssyncset.done $0x0  }
0xa0: {  	[sflag:s22] =	ssyncadd.s32 s4;
	_ =	sdelay $0x1  }
0xa1: {  	s23 =	simm.s32 $0x1B8B  }
0xa2: {  	_ =	swait.ge [sflag:s23], $0x1  }
0xa3: {  	[sflag:s23] =	ssyncset.done $0x0  }
0xa4: {  	s25 =	simm.s32 $0x1B8E;
	s24 =	sld [smem:$0x3FFE];
	[sflag:s23] =	ssyncadd.s32 $0xFFFFFFFF  }
0xa5: {  	s26 =	simm.s32 $execute0_lowered;
	[smem:$0x3FD2] =	sst s25  }
0xa6: {  	s5 =	sshll.u32 s26, $0x1;
	_ =	strace $0x80000049;
	[dreg:$0x1] =	wrdreg $0xFFFFFFFF  }
0xa7: {  	s28 =	simm.s32 $_size_execute0_lowered;
	s3 =	sadd.s32 s3, s5;
	[dreg:$0x0] =	wrdreg $0x0  }
0xa8: {  	s5 =	sshll.u32 s28, $0x1;
	[dreg:$0x2] =	wrdreg s3  }
0xa9: {  	[dreg:$0x3] =	wrdreg s5  }
0xaa: {  	[dreg:$0x4] =	wrdreg $0xC0  }
0xab: {  	_ =	task [dreg:s7], $0x5FFFF  }
0xac: {  	[dreg:$0x1] =	wrdreg $0xFFFFFFFF  }
0xad: {  	[dreg:$0x0] =	wrdreg $0x60  }
0xae: {  	[dreg:$0x2] =	wrdreg s2  }
0xaf: {  	[dreg:$0x3] =	wrdreg s24  }
0xb0: {  	[dreg:$0x4] =	wrdreg $0x9  }
0xb1: {  	_ =	task.clear_ibuf [dreg:s7], $0x5FFFF;
	_ =	strace $0x90000049  }
0xb2: {  	s29 =	simm.s32 $0x9;
	_ =	strace $0x8000004B  }
0xb3: {  	_ =	swait.ge [sflag:s29], $0x1  }
0xb4: {  	[sflag:s29] =	ssyncadd.s32 $0xFFFFFFFF  }
0xb5: {  	_ =	strace $0x9000004B  }
0xb6: {  	_ =	sfence  }
0xb7: {  	s30 =	sld [smem:$0x0];
	_ =	sdelay $0x2  }
0xb8: {  	s31 =	sshll.u32 s1, $0xD;
	s1 =	sshrl.u32 s1, $0x2  }
0xb9: {  	s3 =	sand.u32 $0x4000, s31;
	s1 =	sadd.s32 s1, s30  }
0xba: {  	s0 =	sor.u32 s3, s0;
	s1 =	sshll.u32 s1, $0x11  }
0xbb: {  	s0 =	sor.u32 s1, s0  }
0xbc: {  	s0 =	sadd.s32 $0x8F2B, s0  }
0xbd: {  	[sflag:s0] =	ssyncadd.remote.s32 $0x1  }
0xbe: {  	_ =	sfence.sel $0xFFFF  }
0xbf: {  	[dreg:$0x0] =	wrdreg $0xFFFFFFFF;
	(pc) =	sbr.abs _section_cstart, $3  }
0xc0: {  	[dreg:$0x1] =	wrdreg $0xFFFFFFFF  }
0xc1: {  	_ =	task.clear_ibuf [dreg:s7], $0x2FFFF;
	_ =	strace $0x9FFFFFFF  }
0xc2: {  	(tm) =	ssettm $0x7FFFFFFF  }
0xc3: {  	_ =	shalt  }
tec
execute0_lowered:
.L_overlay_start_1:
0x0: {  	(tag) =	ssettag $0x1  }
0x1: {  	v0 =	vimm.s32 $0x200  }
0x2: {  	vm0 =	vcmask $0xB00;
	vm1 =	vcmask $0xF00;
	v6 =	vimm.s32 $0x100  }
0x3: {  	v2 =	vimm.s32 $0x2C180470;
	v3 =	vimm.s32 $0x5D493521;
	v63 =	vimm.s32 $0x2E1A0672  }
0x4: {  	v36 =	vimm.s32 $0x614D3925;
	v37 =	vimm.s32 $0x311D0975;
	v38 =	vimm.s32 $0x624E3A26  }
0x5: {  	v42 =	vimm.s32 $0x634F3B27;
	v50 =	vimm.s32 $0x331F0B77;
	v13 =	vimm.s32 $0x64503C28  }
0x6: {  	v14 =	vimm.s32 $0x34200C78;
	v51 =	vimm.s32 $0x65513D29;
	v56 =	vimm.s32 $0x35210D79  }
0x7: {  	v57 =	vimm.s32 $0x66523E2A;
	v58 =	vimm.s32 $0x37230F7B;
	v60 =	vimm.s32 $0x47331F0B  }
0x8: {  	v61 =	vimm.s32 $0x3925117D;
	v62 =	vimm.s32 $0x4935210D;
	v15 =	vimm.s32 $0x4B37230F  }
0x9: {  	v16 =	vimm.s32 $0x1B07735F;
	v1 =	vsel vm0, $0x100, v0;
	vm0 =	vcmask $0x230C  }
0xa: {  	v0 =	vsel vm1, $0x100, v0;
	vm1 =	vcmask $0x1700;
	v43 =	vunpack.c.0.s8.s32 v2  }
0xb: {  	v2 =	vimm.s32 $0x3C281400;
	v5 =	vunpack.c.0.s8.s32 v3;
	v3 =	vimm.s32 $0xD796551  }
0xc: {  	v15 =	vunpack.c.0.s8.s32 v15;
	v16 =	vunpack.c.0.s8.s32 v16;
	v39 =	vsel vm0, $0x180, v1  }
0xd: {  	vm0 =	vcmask $0x270C;
	v7 =	vunpack.c.0.s8.s32 v2;
	v2 =	vimm.s32 $0xC786450  }
0xe: {  	v10 =	vunpack.c.0.s8.s32 v3;
	v3 =	vimm.s32 $0x5E4A3622;
	v40 =	vsel vm0, $0x180, v1  }
0xf: {  	vm0 =	vcmask $0x2710;
	v1 =	vimm.s32 $0x5C483420;
	v45 =	vunpack.c.0.s8.s32 v2  }
0x10: {  	v2 =	vimm.s32 $0x2D190571;
	v3 =	vunpack.c.0.s8.s32 v3;
	v41 =	vunpack.c.0.s8.s32 v1  }
0x11: {  	v44 =	vsel vm0, $0x180, v0;
	v0 =	vsel vm1, $0x0, v6;
	vm0 =	vcmask $0x1F10  }
0x12: {  	vm1 =	vcmask $0x2F18;
	v8 =	vunpack.c.0.s8.s32 v2;
	v2 =	vimm.s32 $0x3D291501  }
0x13: {  	v4 =	vsel vm0, v45, v7;
	v9 =	vunpack.c.0.s8.s32 v2;
	v46 =	vsel vm1, $0x80, v0  }
0x14: {  	[tilespmem:$0x1FD60] =	vst v5;
	v1 =	vsel vm0, v43, v41;
	v2 =	vsel vm0, v8, v5;
	v5 =	vunpack.c.0.s8.s32 v63  }
0x15: {  	vm1 =	vcmask $0x3318;
	[tilespmem:$0x1FD70] =	vst v8;
	v8 =	vsel vm0, v10, v9;
	v34 =	vcombine.low v4, v1  }
0x16: {  	[tilespmem:$0x1FD90] =	vst v3;
	v47 =	vcombine.low v8, v2;
	v1 =	vsel vm0, v5, v3;
	v2 =	vimm.s32 $0x3E2A1602  }
0x17: {  	[tilespmem:$0x1FDA0] =	vst v5;
	v3 =	vimm.s32 $0xE7A6652;
	v5 =	vunpack.c.0.s8.s32 v37;
	v37 =	vimm.s32 $0x4C382410  }
0x18: {  	v8 =	vunpack.c.0.s8.s32 v2;
	v32 =	vunpack.c.0.s8.s32 v3;
	v2 =	vimm.s32 $0x5F4B3723  }
0x19: {  	v3 =	vimm.s32 $0x3F2B1703;
	v33 =	vunpack.c.0.s8.s32 v2;
	v2 =	vimm.s32 $0x2F1B0773  }
0x1a: {  	[tilespmem:$0x1FD80] =	vst v10;
	v10 =	vunpack.c.0.s8.s32 v3;
	v3 =	vimm.s32 $0x301C0874;
	v11 =	vunpack.c.0.s8.s32 v2  }
0x1b: {  	v2 =	vimm.s32 $0xF7B6753;
	v4 =	vsel vm0, v32, v8;
	v3 =	vunpack.c.0.s8.s32 v3  }
0x1c: {  	v12 =	vunpack.c.0.s8.s32 v2;
	v2 =	vimm.s32 $0x604C3824;
	v48 =	vcombine.low v4, v1  }
0x1d: {  	v4 =	vunpack.c.0.s8.s32 v36;
	v36 =	vimm.s32 $0x6C584430;
	v2 =	vunpack.c.0.s8.s32 v2  }
0x1e: {  	[tilespmem:$0x1FDD0] =	vst v11;
	v1 =	vsel vm0, v11, v33;
	v11 =	vimm.s32 $0x412D1905;
	v35 =	vsel vm0, v12, v10  }
0x1f: {  	v4 =	vsel vm0, v5, v4;
	v5 =	vunpack.c.0.s8.s32 v38;
	v52 =	vcombine.low v35, v1  }
0x20: {  	v1 =	vsel vm0, v3, v2;
	v2 =	vimm.s32 $0x402C1804;
	v3 =	vimm.s32 $0x107C6854  }
0x21: {  	[tilespmem:$0x1FDC0] =	vst v33;
	v38 =	vimm.s32 $0x1F0B7763;
	v2 =	vunpack.c.0.s8.s32 v2;
	v3 =	vunpack.c.0.s8.s32 v3  }
0x22: {  	v33 =	vimm.s32 $0x6A56422E;
	[tilespmem:$0x1FDE0] =	vst v12;
	v12 =	vimm.s32 $0x117D6955;
	v23 =	vunpack.c.0.s8.s32 v38  }
0x23: {  	v2 =	vsel vm0, v3, v2;
	v3 =	vunpack.c.0.s8.s32 v11;
	v11 =	vunpack.c.0.s8.s32 v12  }
0x24: {  	v38 =	vimm.s32 $0x26E5A46;
	v12 =	vimm.s32 $0x321E0A76;
	v49 =	vcombine.low v2, v1  }
0x25: {  	v2 =	vimm.s32 $0x422E1A06;
	v3 =	vsel vm0, v11, v3;
	v11 =	vunpack.c.0.s8.s32 v12  }
0x26: {  	v2 =	vunpack.c.0.s8.s32 v2;
	v12 =	vimm.s32 $0x137F6B57;
	v53 =	vcombine.low v3, v4  }
0x27: {  	v3 =	vimm.s32 $0x127E6A56;
	v4 =	vunpack.c.0.s8.s32 v42;
	v12 =	vunpack.c.0.s8.s32 v12  }
0x28: {  	v1 =	vsel vm0, v11, v5;
	v3 =	vunpack.c.0.s8.s32 v3;
	v11 =	vimm.s32 $0x432F1B07  }
0x29: {  	v42 =	vimm.s32 $0x7C685440;
	v5 =	vunpack.c.0.s8.s32 v50;
	v11 =	vunpack.c.0.s8.s32 v11  }
0x2a: {  	v2 =	vsel vm0, v3, v2;
	v3 =	vunpack.c.0.s8.s32 v13;
	v13 =	vunpack.c.0.s8.s32 v14  }
0x2b: {  	v14 =	vimm.s32 $0x3B27137F;
	v54 =	vcombine.low v2, v1;
	v1 =	vsel vm0, v5, v4  }
0x2c: {  	v2 =	vsel vm0, v12, v11;
	v4 =	vunpack.c.0.s8.s32 v51;
	v5 =	vunpack.c.0.s8.s32 v56  }
0x2d: {  	v11 =	vimm.s32 $0x45311D09;
	v12 =	vimm.s32 $0x15016D59;
	v55 =	vcombine.low v2, v1  }
0x2e: {  	v1 =	vsel vm0, v13, v3;
	v2 =	vimm.s32 $0x44301C08;
	v3 =	vimm.s32 $0x14006C58  }
0x2f: {  	v56 =	vsel vm1, $0x80, v0;
	v2 =	vunpack.c.0.s8.s32 v2;
	v3 =	vunpack.c.0.s8.s32 v3  }
0x30: {  	v14 =	vunpack.c.0.s8.s32 v14;
	vm1 =	vcmask $0x1B00;
	v13 =	vimm.s32 $0x3824107C  }
0x31: {  	v4 =	vsel vm0, v5, v4;
	v5 =	vunpack.c.0.s8.s32 v57;
	v2 =	vsel vm0, v3, v2  }
0x32: {  	v3 =	vunpack.c.0.s8.s32 v11;
	v11 =	vunpack.c.0.s8.s32 v12;
	v12 =	vimm.s32 $0x36220E7A  }
0x33: {  	v50 =	vcombine.low v2, v1;
	v1 =	vimm.s32 $0x46321E0A;
	v2 =	vimm.s32 $0x16026E5A  }
0x34: {  	v3 =	vsel vm0, v11, v3;
	v11 =	vunpack.c.0.s8.s32 v12;
	v1 =	vunpack.c.0.s8.s32 v1  }
0x35: {  	v2 =	vunpack.c.0.s8.s32 v2;
	v12 =	vimm.s32 $0x6854402C;
	v59 =	vcombine.low v3, v4  }
0x36: {  	v3 =	vimm.s32 $0x67533F2B;
	v4 =	vunpack.c.0.s8.s32 v58;
	v58 =	vimm.s32 $0x705C4834  }
0x37: {  	v0 =	vsel vm0, v11, v5;
	v3 =	vunpack.c.0.s8.s32 v3;
	v5 =	vunpack.c.0.s8.s32 v60  }
0x38: {  	v11 =	vimm.s32 $0x17036F5B;
	v1 =	vsel vm0, v2, v1;
	v2 =	vunpack.c.0.s8.s32 v12  }
0x39: {  	v12 =	vunpack.c.0.s8.s32 v13;
	v13 =	vimm.s32 $0x6B57432F;
	v11 =	vunpack.c.0.s8.s32 v11  }
0x3a: {  	v60 =	vcombine.low v1, v0;
	v13 =	vunpack.c.0.s8.s32 v13;
	v0 =	vsel vm0, v4, v3  }
0x3b: {  	v3 =	vimm.s32 $0x6955412D;
	v4 =	vunpack.c.0.s8.s32 v61;
	v61 =	vimm.s32 $0x6C5844  }
0x3c: {  	v1 =	vsel vm0, v11, v5;
	v3 =	vunpack.c.0.s8.s32 v3;
	v11 =	vimm.s32 $0x1905715D  }
0x3d: {  	v5 =	vunpack.c.0.s8.s32 v37;
	v63 =	vcombine.low v1, v0;
	v0 =	vsel vm0, v12, v2  }
0x3e: {  	[tilespmem:$0x1FDB0] =	vst v32;
	v1 =	vimm.s32 $0x4834200C;
	v2 =	vimm.s32 $0x1804705C;
	v32 =	vunpack.c.0.s8.s32 v11  }
0x3f: {  	v11 =	vimm.s32 $0x3A26127E;
	v12 =	vimm.s32 $0x1A06725E;
	v1 =	vunpack.c.0.s8.s32 v1  }
0x40: {  	v2 =	vunpack.c.0.s8.s32 v2;
	v3 =	vsel vm0, v4, v3;
	v4 =	vunpack.c.0.s8.s32 v33  }
0x41: {  	v35 =	vunpack.c.0.s8.s32 v11;
	v11 =	vimm.s32 $0x4A36220E;
	v12 =	vunpack.c.0.s8.s32 v12  }
0x42: {  	v11 =	vunpack.c.0.s8.s32 v11;
	v1 =	vsel vm0, v2, v1;
	v2 =	vunpack.c.0.s8.s32 v62  }
0x43: {  	v62 =	vimm.s32 $0x503C2814;
	v17 =	vcombine.low v1, v0;
	v0 =	vsel vm0, v35, v4  }
0x44: {  	v1 =	vsel vm0, v12, v11;
	v11 =	vimm.s32 $0x1C087460;
	v4 =	vunpack.c.0.s8.s32 v36  }
0x45: {  	v12 =	vimm.s32 $0x6D594531;
	v35 =	vimm.s32 $0x715D4935;
	v2 =	vsel vm0, v32, v2  }
0x46: {  	v11 =	vunpack.c.0.s8.s32 v11;
	v12 =	vunpack.c.0.s8.s32 v12;
	v32 =	vimm.s32 $0x210D7965  }
0x47: {  	v18 =	vcombine.low v2, v3;
	v2 =	vsel vm0, v14, v13;
	v3 =	vsel vm0, v16, v15  }
0x48: {  	v13 =	vimm.s32 $0x4D392511;
	v14 =	vimm.s32 $0x1D097561;
	v15 =	vcombine.low v1, v0  }
0x49: {  	v0 =	vsel vm0, v7, v4;
	v7 =	vunpack.c.0.s8.s32 v42;
	v42 =	vimm.s32 $0x523E2A16  }
0x4a: {  	v13 =	vunpack.c.0.s8.s32 v13;
	v14 =	vunpack.c.0.s8.s32 v14;
	v1 =	vsel vm0, v11, v5  }
0x4b: {  	v16 =	vcombine.low v3, v2;
	v2 =	vsel vm0, v9, v12;
	v33 =	vcombine.low v1, v0  }
0x4c: {  	v0 =	vimm.s32 $0x6E5A4632;
	v1 =	vimm.s32 $0x4E3A2612;
	v51 =	vsel vm0, v5, v7  }
0x4d: {  	[tilespmem:$0x1FE30] =	vst v7;
	v7 =	vunpack.c.0.s8.s32 v58;
	v5 =	vunpack.c.0.s8.s32 v62;
	v3 =	vsel vm0, v14, v13  }
0x4e: {  	v62 =	vimm.s32 $0x4705C48;
	v9 =	vunpack.c.0.s8.s32 v1;
	v30 =	vcombine.low v3, v2  }
0x4f: {  	v2 =	vimm.s32 $0x1E0A7662;
	v3 =	vunpack.c.0.s8.s32 v0;
	v0 =	vimm.s32 $0x6F5B4733  }
0x50: {  	v1 =	vunpack.c.0.s8.s32 v2;
	v2 =	vimm.s32 $0x4F3B2713;
	v19 =	vunpack.c.0.s8.s32 v0  }
0x51: {  	v57 =	vsel vm0, v12, v14;
	v22 =	vunpack.c.0.s8.s32 v2;
	v0 =	vsel vm0, v8, v3  }
0x52: {  	v2 =	vsel vm0, v1, v9;
	v8 =	vsel vm0, v10, v19;
	v10 =	vimm.s32 $0x220E7A66  }
0x53: {  	[tilespmem:$0x1FDF0] =	vst v9;
	v1 =	vsel vm0, v3, v1;
	v3 =	vimm.s32 $0x5844301C;
	v9 =	vsel vm0, v23, v22  }
0x54: {  	[tilespmem:$0x1FE10] =	vst v22;
	v22 =	vcombine.low v2, v0;
	v0 =	vimm.s32 $0x7D695541;
	v2 =	vsel vm0, v4, v11  }
0x55: {  	v4 =	vunpack.c.0.s8.s32 v61;
	v11 =	vimm.s32 $0x725E4A36;
	v36 =	vunpack.c.0.s8.s32 v10  }
0x56: {  	v61 =	vimm.s32 $0x24107C68;
	v3 =	vunpack.c.0.s8.s32 v3;
	v25 =	vcombine.low v9, v8  }
0x57: {  	v8 =	vunpack.c.0.s8.s32 v0;
	v0 =	vimm.s32 $0x200C7864;
	v20 =	vcombine.low v51, v2  }
0x58: {  	v10 =	vunpack.c.0.s8.s32 v11;
	v51 =	vimm.s32 $0x230F7B67;
	v9 =	vunpack.c.0.s8.s32 v0  }
0x59: {  	v0 =	vsel vm1, $0x0, v6;
	v6 =	vunpack.c.0.s8.s32 v32;
	v4 =	vsel vm0, v5, v4  }
0x5a: {  	v5 =	vunpack.c.0.s8.s32 v42;
	v32 =	vimm.s32 $0x54402C18;
	[tilespmem:$0x1FE40] =	vst v8;
	v8 =	vsel vm0, v13, v8  }
0x5b: {  	[tilespmem:$0x1FE20] =	vst v23;
	v23 =	vcombine.low v8, v57;
	v2 =	vsel vm0, v7, v9;
	v8 =	vimm.s32 $0x16D5945  }
0x5c: {  	v7 =	vunpack.c.0.s8.s32 v35;
	v9 =	vimm.s32 $0x513D2915;
	v57 =	vimm.s32 $0x735F4B37  }
0x5d: {  	v35 =	vimm.s32 $0x25117D69;
	v8 =	vunpack.c.0.s8.s32 v8;
	v9 =	vunpack.c.0.s8.s32 v9  }
0x5e: {  	v12 =	vcombine.low v4, v2;
	v4 =	vunpack.c.0.s8.s32 v38;
	v2 =	vsel vm0, v7, v6  }
0x5f: {  	v6 =	vunpack.c.0.s8.s32 v51;
	v7 =	vunpack.c.0.s8.s32 v57;
	v37 =	vsel vm0, v9, v8  }
0x60: {  	v8 =	vimm.s32 $0x36F5B47;
	v9 =	vimm.s32 $0x533F2B17;
	v4 =	vsel vm0, v5, v4  }
0x61: {  	v13 =	vcombine.low v37, v2;
	v58 =	vunpack.c.0.s8.s32 v8;
	v8 =	vunpack.c.0.s8.s32 v9  }
0x62: {  	v2 =	vsel vm0, v10, v36;
	v6 =	vsel vm0, v7, v6;
	v9 =	vimm.s32 $0x74604C38  }
0x63: {  	v7 =	vunpack.c.0.s8.s32 v61;
	v36 =	vimm.s32 $0x75614D39;
	v5 =	vsel vm0, v8, v58  }
0x64: {  	v21 =	vcombine.low v4, v2;
	v8 =	vunpack.c.0.s8.s32 v9;
	v2 =	vcombine.low v5, v6  }
0x65: {  	v4 =	vunpack.c.0.s8.s32 v62;
	v9 =	vimm.s32 $0x55412D19;
	v5 =	vunpack.c.0.s8.s32 v32  }
0x66: {  	v6 =	vunpack.c.0.s8.s32 v35;
	[tilespmem:$0x1FE50] =	vst v2;
	v2 =	vsel vm0, v8, v7;
	v8 =	vimm.s32 $0x5715D49  }
0x67: {  	v9 =	vunpack.c.0.s8.s32 v9;
	v7 =	vunpack.c.0.s8.s32 v36;
	v8 =	vunpack.c.0.s8.s32 v8  }
0x68: {  	v11 =	vimm.s32 $0x76624E3A;
	vm1 =	vcmask $0x331C;
	v4 =	vsel vm0, v5, v4  }
0x69: {  	s2 =	simm.s32 $0x0;
	[tilespmem:$0x1FE00] =	vst v19;
	v29 =	vcombine.low v4, v2;
	v2 =	vsel vm0, v7, v6;
	v38 =	vsel vm0, v9, v8  }
0x6a: {  	[smem:$0x7FF] =	sst s2;
	[tilespmem:$0x1FE70] =	vst v1;
	v42 =	vimm.s32 $0x6725E4A;
	v51 =	vimm.s32 $0x56422E1A;
	v2 =	vcombine.low v38, v2  }
0x6b: {  	v57 =	vimm.s32 $0x27137F6B;
	v10 =	vimm.s32 $0x26127E6A;
	v62 =	vimm.s32 $0x2814006C  }
0x6c: {  	s5 =	rddreg [dreg:$0x0];
	v19 =	vsel vm1, $0x80, v0;
	v58 =	vimm.s32 $0x77634F3B;
	v32 =	vimm.s32 $0x2915016D;
	[tilespmem:$0x1FE60] =	vst v2  }
0x6d: {  	s4 =	rddreg [dreg:$0x1];
	v37 =	vunpack.c.0.s8.s32 v10;
	v10 =	vunpack.c.0.s8.s32 v11;
	v35 =	vimm.s32 $0x7965513D;
	_ =	strace $0x8000004A;
	[tilespmem:$0x1FEB0] =	vst v12  }
0x6e: {  	v5 =	vunpack.c.0.s8.s32 v51;
	v36 =	vimm.s32 $0x975614D;
	v51 =	vimm.s32 $0xB77634F;
	[tilespmem:$0x1FED0] =	vst v15  }
0x6f: {  	v4 =	vunpack.c.0.s8.s32 v42;
	v42 =	vimm.s32 $0x7B67533F;
	v0 =	vunpack.c.0.s8.s32 v51;
	[tilespmem:$0x1FEE0] =	vst v16  }
0x70: {  	v6 =	vunpack.c.0.s8.s32 v57;
	v7 =	vunpack.c.0.s8.s32 v58;
	v57 =	vimm.s32 $0x5B47331F;
	[tilespmem:$0x1FF00] =	vst v19  }
0x71: {  	v8 =	vimm.s32 $0x7735F4B;
	v9 =	vimm.s32 $0x57432F1B;
	v4 =	vsel vm0, v5, v4;
	[tilespmem:$0x1FF10] =	vst v18  }
0x72: {  	v61 =	vunpack.c.0.s8.s32 v8;
	v8 =	vunpack.c.0.s8.s32 v9;
	v6 =	vsel vm0, v7, v6;
	[tilespmem:$0x1FF20] =	vst v25  }
0x73: {  	v9 =	vimm.s32 $0x7864503C;
	v7 =	vunpack.c.0.s8.s32 v62;
	v38 =	vimm.s32 $0x2B17036F;
	[tilespmem:$0x1FF40] =	vst v13  }
0x74: {  	v2 =	vsel vm0, v10, v37;
	v5 =	vsel vm0, v8, v61;
	v8 =	vunpack.c.0.s8.s32 v9;
	[tilespmem:$0x1FF60] =	vst v17  }
0x75: {  	v37 =	vimm.s32 $0x5945311D;
	v9 =	vimm.s32 $0x7A66523E;
	v24 =	vcombine.low v4, v2;
	[tilespmem:$0x1FF70] =	vst v33  }
0x76: {  	v14 =	vcombine.low v5, v6;
	v2 =	vimm.s32 $0x874604C;
	v4 =	vunpack.c.0.s8.s32 v32;
	[tilespmem:$0x1FF80] =	vst v22  }
0x77: {  	v5 =	vunpack.c.0.s8.s32 v35;
	v6 =	vunpack.c.0.s8.s32 v36;
	[tilespmem:$0x1FF90] =	vst v30;
	v2 =	vunpack.c.0.s8.s32 v2  }
0x78: {  	[tilespmem:$0x1FFA0] =	vst v20;
	v1 =	vsel vm0, v8, v7;
	v7 =	vunpack.c.0.s8.s32 v37;
	v8 =	vimm.s32 $0x2A16026E  }
0x79: {  	[tilespmem:$0x1FFB0] =	vst v23;
	v2 =	vsel vm0, v3, v2;
	v3 =	vunpack.c.0.s8.s32 v8;
	v8 =	vunpack.c.0.s8.s32 v9  }
0x7a: {  	s3 =	srdreg.scid;
	[tilespmem:$0x1FFD0] =	vst v29;
	v31 =	vcombine.low v2, v1;
	v1 =	vsel vm0, v5, v4;
	v2 =	vsel vm0, v7, v6  }
0x7b: {  	s11 =	simm.s32 $0xC80;
	s12 =	simm.s32 $0xD00;
	s14 =	simm.s32 $0xD80;
	v58 =	vunpack.c.0.s8.s32 v57;
	[tilespmem:$0x1FFE0] =	vst v34;
	v4 =	vunpack.c.0.s8.s32 v38;
	v11 =	vcombine.low v2, v1  }
0x7c: {  	s0 =	stileid.u32;
	s13 =	simm.s32 $0x100;
	s15 =	simm.s32 $0x180;
	[tilespmem:$0x1FFF0] =	vst v21;
	v1 =	vsel vm0, v8, v3;
	v2 =	vimm.s32 $0xA76624E;
	v3 =	vimm.s32 $0x5A46321E  }
0x7d: {  	s16 =	simm.s32 $0xE00;
	s17 =	simm.s32 $0x200;
	s18 =	simm.s32 $0xE80;
	[tilespmem:$0x1FEF0] =	vst v14;
	v5 =	vunpack.c.0.s8.s32 v42;
	v2 =	vunpack.c.0.s8.s32 v2;
	v3 =	vunpack.c.0.s8.s32 v3  }
0x7e: {  	s19 =	simm.s32 $0x1;
	s3 =	sand.u32 $0x1, s3;
	s6 =	sshll.u32 s0, $0x1;
	v0 =	vsel vm0, v58, v0;
	v61 =	vimm.s32 $0x7E6A5642;
	[tilespmem:$0x1FFC0] =	vst v24  }
0x7f: {  	s20 =	simm.s32 $0x11A0;
	s21 =	simm.s32 $0x0;
	s6 =	sor.u32 s3, s6;
	[tilespmem:$0x1FF50] =	vst v31;
	v2 =	vsel vm0, v3, v2;
	v3 =	vsel vm0, v5, v4;
	v4 =	vunpack.c.0.s8.s32 v61  }
0x80: {  	s8 =	ssub.s32 $0x2, s3;
	s7 =	smul.u32 $0x190, s6;
	s6 =	sshll.u32 s6, $0x2;
	[tilespmem:$0x1FEC0] =	vst v11;
	v27 =	vcombine.low v2, v1;
	v2 =	vcombine.low v0, v3  }
0x81: {  	s3 =	sadd.s32 $0x51400, s4;
	s9 =	sshrl.u32 s8, $0x1;
	s10 =	sadd.s32 s6, s4;
	v62 =	vimm.s32 $0x7F6B5743;
	[tilespmem:$0x1FE80] =	vst v4  }
0x82: {  	s8 =	ssub.s32 s8, s9;
	s5 =	sadd.s32 s5, s6;
	s9 =	simm.s32 $0x1180;
	v4 =	vunpack.c.0.s8.s32 v62;
	[tilespmem:$0x1FEA0] =	vst v2  }
0x83: {  	s7 =	sadd.s32 s7, s4;
	s6 =	sadd.s32 $0x1C00, s10;
	s10 =	simm.s32 $0x80;
	[tilespmem:$0x1FF30] =	vst v27  }
0x84: {  	s4 =	sadd.s32 $0x60E00, s7;
	s7 =	smax.u32 s8, $0x1;
	s8 =	simm.s32 $0x2;
	[tilespmem:$0x1FE90] =	vst v4  }
.LBB2_1:
0x85: {  	[tilespmem:s2], [sflag:$0x2] =	stream.linear.gather [hbm4b:s4+s2], $0xC80, $0x38;
	[tilespmem:$0x11C0] =	vst v63  }
0x86: {  	_ =	swait.ge [sflag:s8], $0xC80  }
0x87: {  	[sflag:s8] =	ssyncset.done $0x0  }
0x88: {  	[sflag:s8] =	ssyncadd.s32 $0xFFFFF380  }
0x89: {  	[tilespmem:s9], [sflag:$0x2] =	stream.linear.gather [hbm4b:s5+s2], $0x20, $0x38;
	[tilespmem:$0x11C0] =	vst v63  }
0x8a: {  	_ =	swait.ge [sflag:s8], $0x20  }
0x8b: {  	[sflag:s8] =	ssyncset.done $0x0  }
0x8c: {  	p0 =	por $0x0, $0x0;
	[sflag:s8] =	ssyncadd.s32 $0xFFFFFFE0  }
0x8d: {  	[tilespmem:s11], [sflag:$0x1] =	stream.indirect.gather [hbm4b:s3+s10], $0x1, s2, s10, $0xb8;
	[tilespmem:$0x11C0] =	vst v63  }
0x8e: {  	s22 =	sand.u32 @!p0 $0x1, s19  }
0x8f: {  	[tilespmem:s12], [sflag:$0x1] =	stream.indirect.gather [hbm4b:s3+s10], $0x1, s10, s10, $0xb8;
	[tilespmem:$0x11C0] =	vst v63  }
0x90: {  	p1 =	seq.s32 @!p0 s22, $0x1  }
0x91: {  	[tilespmem:s14], [sflag:$0x1] =	stream.indirect.gather [hbm4b:s3+s10], $0x1, s13, s10, $0xb8;
	[tilespmem:$0x11C0] =	vst v63  }
0x92: {  	s22 =	simm.s32 @!p0 $0x280;
	p1 =	por !p1, p0  }
0x93: {  	[tilespmem:s16], [sflag:$0x1] =	stream.indirect.gather [hbm4b:s3+s10], $0x1, s15, s10, $0xb8;
	[tilespmem:$0x11C0] =	vst v63  }
0x94: {  	s31 =	sand.u32 $0x1, s19;
	s23 =	simm.s32 @!p0 $0x280;
	s22 =	simm.s32 @p1 $0x0  }
0x95: {  	[tilespmem:s18], [sflag:$0x1] =	stream.indirect.gather [hbm4b:s3+s10], $0x1, s17, s10, $0xb8;
	[tilespmem:$0x11C0] =	vst v63  }
0x96: {  	s25 =	simm.s32 @!p0 $0x80;
	p1 =	seq.s32 s31, $0x1;
	s24 =	sadd.s32 @!p0 $0xC80, s22  }
0x97: {  	[tilespmem:s24], [sflag:$0x1] =	stream.indirect.gather @!p0 [hbm4b:s3+s25], $0x1, s23, s25, $0xb8;
	[tilespmem:$0x11C0] =	vst v63  }
0x98: {  	s26 =	sor.u32 @!p0 $0xD00, s22;
	s24 =	simm.s32 @!p0 $0x300;
	s23 =	simm.s32 $0x0  }
0x99: {  	[tilespmem:s26], [sflag:$0x1] =	stream.indirect.gather @!p0 [hbm4b:s3+s25], $0x1, s24, s25, $0xb8;
	[tilespmem:$0x11C0] =	vst v63  }
0x9a: {  	s23 =	simm.s32 @!p1 $0x5;
	s24 =	sadd.s32 @!p0 $0xD80, s22;
	s26 =	simm.s32 @!p0 $0x380  }
0x9b: {  	[tilespmem:s24], [sflag:$0x1] =	stream.indirect.gather @!p0 [hbm4b:s3+s25], $0x1, s26, s25, $0xb8;
	[tilespmem:$0x11C0] =	vst v63  }
0x9c: {  	v0 =	vmov s23;
	s23 =	simm.s32 @!p0 $0x400;
	s24 =	sadd.s32 @!p0 $0xE00, s22  }
0x9d: {  	[tilespmem:s24], [sflag:$0x1] =	stream.indirect.gather @!p0 [hbm4b:s3+s25], $0x1, s23, s25, $0xb8;
	[tilespmem:$0x11C0] =	vst v63  }
0x9e: {  	s22 =	sadd.s32 @!p0 $0xE80, s22;
	s23 =	simm.s32 @!p0 $0x480  }
0x9f: {  	[tilespmem:s22], [sflag:$0x1] =	stream.indirect.gather @!p0 [hbm4b:s3+s25], $0x1, s23, s25, $0xb8;
	[tilespmem:$0x11C0] =	vst v63  }
0xa0: {  	v0 =	vshll.u32 v0, $0x7;
	_ =	swait.ge [sflag:s19], $0x280  }
0xa1: {  	v9 =	vadd.s32 v39, v0;
	v5 =	vld [tilespmem:$0x1FDC0]  }
0xa2: {  	v2 =	vor.u32 v2, v9;
	v6 =	vld [tilespmem:$0x1FDE0]  }
0xa3: {  	v26 =	vld [tilespmem:$0x1FE90]  }
0xa4: {  	v7 =	vld [tilespmem:$0x1FD90]  }
0xa5: {  	v1 =	vadd.s32 v56, v0;
	[sflag:s19] =	ssyncset.done $0x0;
	v10 =	vld [tilespmem:$0x1FDB0]  }
0xa6: {  	v3 =	vor.u32 v16, v1;
	v25 =	vld [tilespmem:$0x1FE80];
	[sflag:s19] =	ssyncadd.s32 $0xFFFFFD80  }
0xa7: {  	v8 =	vor.u32 v15, v1;
	v15 =	vld.idx.msk [tilespmem:v2+s11+$0x0], $0xffff  }
0xa8: {  	v2 =	vld [tilespmem:$0x1FDA0]  }
0xa9: {  	v5 =	vsel vm0, v5, v6;
	v6 =	vld [tilespmem:$0x1FDD0];
	_ =	sdelay $0x1  }
0xaa: {  	v38 =	vld.idx.msk [tilespmem:v3+s11+$0x0], $0xffff  }
0xab: {  	v4 =	vor.u32 v18, v1;
	v3 =	vld [tilespmem:$0x1FE40]  }
0xac: {  	v7 =	vsel vm0, v7, v10;
	v10 =	vor.u32 v11, v9;
	v11 =	vld [tilespmem:$0x1FD80];
	v2 =	vsel vm0, v25, v2  }
0xad: {  	v37 =	vcombine.low v7, v2;
	v2 =	vld [tilespmem:$0x1FD70];
	v6 =	vsel vm0, v26, v6  }
0xae: {  	v28 =	vcombine.low v5, v6;
	v6 =	vld [tilespmem:$0x1FD60];
	_ =	sdelay $0x1  }
0xaf: {  	v16 =	vld.idx.msk [tilespmem:v4+s11+$0x0], $0xffff  }
0xb0: {  	v4 =	vld [tilespmem:$0x1FE10]  }
0xb1: {  	v7 =	vld [tilespmem:$0x1FE20]  }
0xb2: {  	v2 =	vsel vm0, v3, v2;
	v3 =	vor.u32 v17, v1;
	v11 =	vsel vm0, v6, v11;
	v6 =	vld [tilespmem:$0x1FE00];
	_ =	sdelay $0x1  }
0xb3: {  	v57 =	vadd.s32 v40, v0  }
0xb4: {  	v35 =	vadd.s32 v46, v0;
	v12 =	vor.u32 v14, v57  }
0xb5: {  	v42 =	vor.u32 v27, v9;
	v27 =	vor.u32 v30, v35;
	v51 =	vcombine.low v11, v2;
	v2 =	vld.idx.msk [tilespmem:v8+s11+$0x0], $0xffff  }
0xb6: {  	v4 =	vsel vm0, v4, v26;
	v11 =	vor.u32 v60, v1;
	v30 =	vld.idx.msk [tilespmem:v3+s11+$0x0], $0xffff;
	v8 =	vsel vm0, v6, v7  }
0xb7: {  	v5 =	vor.u32 v63, v1;
	v6 =	vcombine.low v4, v8;
	v4 =	vld [tilespmem:$0x1FDF0]  }
0xb8: {  	v3 =	vld [tilespmem:$0x1FE70]  }
0xb9: {  	v18 =	vor.u32 v13, v57  }
0xba: {  	v58 =	vld.idx.msk [tilespmem:v12+s11+$0x0], $0xffff  }
0xbb: {  	v36 =	vadd.s32 v19, v0;
	v32 =	vld.idx.msk [tilespmem:v11+s11+$0x0], $0xffff  }
0xbc: {  	v19 =	vor.u32 v53, v36;
	v26 =	vadd.s32 v44, v0;
	v4 =	vsel vm0, v4, v25;
	v25 =	vld.idx.msk [tilespmem:v5+s11+$0x0], $0xffff  }
0xbd: {  	[tilespmem:$0x1FD20] =	vst v6;
	v3 =	vcombine.low v4, v3;
	v4 =	vor.u32 v29, v57;
	v29 =	vor.u32 v6, v26;
	v6 =	vld [tilespmem:$0x1FE60]  }
0xbe: {  	v33 =	vor.u32 v33, v35;
	v12 =	vld.idx.msk [tilespmem:v18+s11+$0x0], $0xffff  }
0xbf: {  	v13 =	vor.u32 v55, v36;
	v14 =	vld.idx.msk [tilespmem:v10+s11+$0x0], $0xffff  }
0xc0: {  	v62 =	vor.u32 v50, v1;
	v18 =	vor.u32 v48, v36;
	v0 =	vor.u32 v31, v9;
	v10 =	vld [tilespmem:$0x1FE30]  }
0xc1: {  	v31 =	vor.u32 v52, v36;
	v23 =	vor.u32 v23, v26;
	v11 =	vld.idx.msk [tilespmem:v19+s11+$0x0], $0xffff;
	v5 =	vor.u32 v59, v1  }
0xc2: {  	[tilespmem:$0x1FD40] =	vst v37;
	v17 =	vor.u32 v22, v35;
	v25 =	vadd.f32 v25, v32;
	v32 =	vor.u32 v6, v57;
	v6 =	vld [tilespmem:$0x1FE50]  }
0xc3: {  	v22 =	vor.u32 v21, v57;
	[tilespmem:$0x1FD50] =	vst v28;
	v19 =	vadd.f32 v16, v30;
	v30 =	vld.idx.msk [tilespmem:v33+s11+$0x0], $0xffff  }
0xc4: {  	[tilespmem:$0x1FD30] =	vst v51;
	v1 =	vor.u32 v20, v26;
	v20 =	vor.u32 v3, v26;
	v26 =	vld.idx.msk [tilespmem:v27+s11+$0x0], $0xffff  }
0xc5: {  	v61 =	vimm.f32 $0.0e+00;
	v21 =	vor.u32 v24, v57;
	[tilespmem:$0x1FD10] =	vst v3;
	v3 =	vor.u32 v51, v9;
	v27 =	vld.idx.msk [tilespmem:v62+s11+$0x0], $0xffff  }
0xc6: {  	v51 =	vor.u32 v37, v9;
	v37 =	vor.u32 v28, v9;
	v28 =	vor.u32 v34, v36;
	v24 =	vld.idx.msk [tilespmem:v5+s11+$0x0], $0xffff  }
0xc7: {  	s22 =	simm.s32 $0xA00;
	s23 =	simm.s32 $0x1;
	v62 =	vimm.f32 $0.0e+00;
	v5 =	vld.idx.msk [tilespmem:v31+s11+$0x0], $0xffff;
	v31 =	vor.u32 v47, v36;
	v33 =	vor.u32 v6, v57  }
.LBB2_2:
0xc8: {  	v16 =	vld.idx.msk [tilespmem:v29+s11+$0x0], $0xffff  }
0xc9: {  	v13 =	vld.idx.msk [tilespmem:v13+s11+$0x0], $0xffff  }
0xca: {  	v23 =	vld.idx.msk [tilespmem:v23+s11+$0x0], $0xffff  }
0xcb: {  	v32 =	vld.idx.msk [tilespmem:v32+s11+$0x0], $0xffff  }
0xcc: {  	v33 =	vld.idx.msk [tilespmem:v33+s11+$0x0], $0xffff  }
0xcd: {  	v28 =	vld.idx.msk [tilespmem:v28+s11+$0x0], $0xffff  }
0xce: {  	v6 =	vld [tilespmem:$0x1FEB0]  }
0xcf: {  	v20 =	vld.idx.msk [tilespmem:v20+s11+$0x0], $0xffff  }
0xd0: {  	v22 =	vld.idx.msk [tilespmem:v22+s11+$0x0], $0xffff  }
0xd1: {  	v31 =	vld.idx.msk [tilespmem:v31+s11+$0x0], $0xffff  }
0xd2: {  	v21 =	vld.idx.msk [tilespmem:v21+s11+$0x0], $0xffff  }
0xd3: {  	v29 =	vor.u32 v49, v36;
	v36 =	vor.u32 v54, v36;
	v0 =	vld.idx.msk [tilespmem:v0+s11+$0x0], $0xffff  }
0xd4: {  	v18 =	vld.idx.msk [tilespmem:v18+s11+$0x0], $0xffff  }
0xd5: {  	v1 =	vld.idx.msk [tilespmem:v1+s11+$0x0], $0xffff  }
0xd6: {  	v4 =	vld.idx.msk [tilespmem:v4+s11+$0x0], $0xffff;
	v26 =	vadd.f32 v26, v30;
	v24 =	vadd.f32 v24, v27;
	v30 =	vor.u32 v6, v57  }
0xd7: {  	v20 =	vadd.f32 v16, v20;
	v6 =	vld [tilespmem:$0x1FF20];
	v16 =	vsel vm0, v10, v43;
	v57 =	vsel vm0, v41, v45  }
0xd8: {  	v36 =	vld.idx.msk [tilespmem:v36+s11+$0x0], $0xffff;
	v16 =	vcombine.low v57, v16  }
0xd9: {  	v24 =	vadd.f32 v25, v24;
	v25 =	vld.idx.msk [tilespmem:v29+s11+$0x0], $0xffff  }
0xda: {  	s24 =	smov.u32 s22;
	v17 =	vld.idx.msk [tilespmem:v17+s11+$0x0], $0xffff;
	v9 =	vor.u32 v16, v9  }
0xdb: {  	s23 =	sadd.s32 $0x1, s23;
	v3 =	vld.idx.msk [tilespmem:v3+s11+$0x0], $0xffff;
	p1 =	seq.s32 s24, $0x2800  }
0xdc: {  	s26 =	sand.u32 @!p1 $0x1, s23;
	v27 =	vld.idx.msk [tilespmem:v42+s11+$0x0], $0xffff;
	v29 =	vor.u32 v6, v35  }
0xdd: {  	s25 =	sand.u32 $0x1, s23;
	p3 =	seq.s32 @!p1 s26, $0x1;
	v0 =	vadd.f32 v14, v0;
	v14 =	vld.idx.msk [tilespmem:v37+s11+$0x0], $0xffff  }
0xde: {  	p2 =	seq.s32 s25, $0x1;
	s25 =	simm.s32 @!p1 $0x280;
	p3 =	por !p3, p1;
	v30 =	vld.idx.msk [tilespmem:v30+s11+$0x0], $0xffff;
	v13 =	vadd.f32 v13, v36;
	v11 =	vadd.f32 v11, v25  }
0xdf: {  	v2 =	vadd.f32 v38, v2;
	s24 =	sshra.s32 @!p1 s24, $0x2;
	s25 =	simm.s32 @p3 $0x0;
	v9 =	vld.idx.msk [tilespmem:v9+s11+$0x0], $0xffff  }
0xe0: {  	s0 =	simm.s32 @!p1 $0x80;
	s26 =	sadd.s32 @!p1 $0x280, s24;
	s31 =	sadd.s32 @!p1 $0xC80, s25;
	v11 =	vadd.f32 v13, v11;
	v13 =	vld.idx.msk [tilespmem:v51+s11+$0x0], $0xffff  }
0xe1: {  	v2 =	vadd.f32 v2, v19;
	v19 =	vadd.f32 v58, v21;
	v21 =	vld.idx.msk [tilespmem:v29+s11+$0x0], $0xffff;
	[tilespmem:s31], [sflag:$0x1] =	stream.indirect.gather @!p1 [hbm4b:s3+s0], $0x1, s26, s0, $0xb8  }
0xe2: {  	s28 =	sadd.s32 @!p1 $0x300, s24;
	v28 =	vadd.f32 v31, v28;
	v5 =	vadd.f32 v5, v18;
	s1 =	sor.u32 @!p1 $0xD00, s25  }
0xe3: {  	v6 =	vld [tilespmem:$0x1FF00];
	[tilespmem:s1], [sflag:$0x1] =	stream.indirect.gather @!p1 [hbm4b:s3+s0], $0x1, s28, s0, $0xb8  }
0xe4: {  	v5 =	vadd.f32 v5, v28;
	s1 =	simm.s32 $0x0  }
0xe5: {  	s1 =	simm.s32 @!p2 $0x5  }
0xe6: {  	s29 =	sadd.s32 @!p1 $0x400, s24;
	v5 =	vadd.f32 v11, v5;
	v11 =	vmov s1  }
0xe7: {  	s30 =	sadd.s32 @!p1 $0x480, s24;
	s24 =	sadd.s32 @!p1 $0x380, s24;
	s26 =	sadd.s32 @!p1 $0xD80, s25;
	v11 =	vshll.u32 v11, $0x7  }
0xe8: {  	[tilespmem:s26], [sflag:$0x1] =	stream.indirect.gather @!p1 [hbm4b:s3+s0], $0x1, s24, s0, $0xb8;
	v36 =	vadd.s32 v6, v11;
	v6 =	vld [tilespmem:$0x1FEA0]  }
0xe9: {  	v4 =	vadd.f32 v32, v4;
	v15 =	vadd.f32 v15, v27;
	s31 =	sadd.s32 @!p1 $0xE00, s25  }
0xea: {  	v2 =	vadd.f32 v2, v24;
	[tilespmem:s31], [sflag:$0x1] =	stream.indirect.gather @!p1 [hbm4b:s3+s0], $0x1, s29, s0, $0xb8;
	[tilespmem:$0x11C0] =	vst v63  }
0xeb: {  	v4 =	vadd.f32 v19, v4;
	v0 =	vadd.f32 v15, v0;
	s25 =	sadd.s32 @!p1 $0xE80, s25  }
0xec: {  	v5 =	vadd.f32 v2, v5;
	v2 =	vld [tilespmem:$0x1FEE0];
	v3 =	vadd.f32 v3, v9;
	v9 =	vadd.s32 v39, v11;
	[tilespmem:s25], [sflag:$0x1] =	stream.indirect.gather @!p1 [hbm4b:s3+s0], $0x1, s30, s0, $0xb8  }
0xed: {  	v13 =	vadd.f32 v14, v13;
	v14 =	vor.u32 v6, v9;
	v6 =	vld [tilespmem:$0x1FF30];
	_ =	swait.ge [sflag:s19], $0x280  }
0xee: {  	v4 =	vadd.f32 v0, v4;
	v0 =	vld [tilespmem:$0x1FF10]  }
0xef: {  	v17 =	vadd.f32 v21, v17  }
0xf0: {  	v1 =	vadd.f32 v23, v1  }
0xf1: {  	v19 =	vadd.s32 v56, v11;
	v18 =	vadd.f32 v17, v26  }
0xf2: {  	v22 =	vadd.f32 v33, v22;
	v20 =	vadd.f32 v20, v1;
	v2 =	vor.u32 v2, v19;
	v1 =	vld [tilespmem:$0x1FF60]  }
0xf3: {  	v12 =	vadd.f32 v12, v30;
	v5 =	vadd.f32 v18, v5;
	v17 =	vor.u32 v0, v19;
	v0 =	vld [tilespmem:$0x1FED0]  }
0xf4: {  	v8 =	vld [tilespmem:$0x1FFC0]  }
0xf5: {  	v12 =	vadd.f32 v22, v12;
	v22 =	vor.u32 v63, v19;
	v61 =	vadd.f32 v5, v61;
	[sflag:s19] =	ssyncset.done $0x0;
	v5 =	vld [tilespmem:$0x1FD40]  }
0xf6: {  	[sflag:s19] =	ssyncadd.s32 $0xFFFFFD80;
	v42 =	vor.u32 v6, v9;
	v6 =	vld [tilespmem:$0x1FFB0]  }
0xf7: {  	v38 =	vld.idx.msk [tilespmem:v2+s11+$0x0], $0xffff  }
0xf8: {  	v21 =	vor.u32 v0, v19;
	v0 =	vld [tilespmem:$0x1FEC0]  }
0xf9: {  	v26 =	vor.u32 v1, v19;
	v1 =	vld [tilespmem:$0x1FF70]  }
0xfa: {  	v24 =	vadd.s32 v44, v11;
	v34 =	vld.idx.msk [tilespmem:v22+s11+$0x0], $0xffff  }
0xfb: {  	v23 =	vor.u32 v6, v24;
	v6 =	vld [tilespmem:$0x1FD10]  }
0xfc: {  	v35 =	vadd.s32 v46, v11;
	v15 =	vld.idx.msk [tilespmem:v14+s11+$0x0], $0xffff  }
0xfd: {  	v57 =	vadd.s32 v40, v11;
	v51 =	vor.u32 v5, v9;
	v5 =	vld [tilespmem:$0x1FD50];
	v11 =	vor.u32 v0, v9  }
0xfe: {  	v30 =	vor.u32 v1, v35;
	v1 =	vld [tilespmem:$0x1FF40]  }
0xff: {  	v31 =	vld.idx.msk [tilespmem:v17+s11+$0x0], $0xffff  }
0x100: {  	v12 =	vadd.f32 v12, v20;
	v20 =	vor.u32 v6, v24;
	v6 =	vld [tilespmem:$0x1FFF0]  }
0x101: {  	v0 =	vld [tilespmem:$0x1FEF0]  }
0x102: {  	v14 =	vld.idx.msk [tilespmem:v11+s11+$0x0], $0xffff  }
0x103: {  	v11 =	vadd.f32 v4, v12;
	v4 =	vld [tilespmem:$0x1FF90]  }
0x104: {  	v27 =	vor.u32 v1, v57;
	v1 =	vld [tilespmem:$0x1FF80]  }
0x105: {  	v37 =	vor.u32 v5, v9;
	v5 =	vld [tilespmem:$0x1FFE0]  }
0x106: {  	v2 =	vld.idx.msk [tilespmem:v21+s11+$0x0], $0xffff;
	v25 =	vor.u32 v0, v57  }
0x107: {  	v3 =	vadd.f32 v13, v3;
	v30 =	vld.idx.msk [tilespmem:v30+s11+$0x0], $0xffff  }
0x108: {  	v22 =	vor.u32 v6, v57;
	v6 =	vmovc v44;
	v44 =	vmov v40;
	v0 =	vld [tilespmem:$0x1FF50];
	v40 =	vor.u32 v4, v35  }
0x109: {  	v17 =	vor.u32 v1, v35;
	v1 =	vld [tilespmem:$0x1FFA0]  }
0x10a: {  	v32 =	vor.u32 v53, v36;
	v11 =	vadd.f32 v3, v11;
	v3 =	vld [tilespmem:$0x1FD20]  }
0x10b: {  	v58 =	vld.idx.msk [tilespmem:v25+s11+$0x0], $0xffff  }
0x10c: {  	v28 =	vor.u32 v60, v19;
	v33 =	vor.u32 v59, v19;
	v25 =	vor.u32 v50, v19;
	v19 =	vld.idx.msk [tilespmem:v26+s11+$0x0], $0xffff  }
0x10d: {  	v7 =	vmov v60;
	v13 =	vor.u32 v55, v36;
	v26 =	vld.idx.msk [tilespmem:v40+s11+$0x0], $0xffff  }
0x10e: {  	v60 =	vmovc v55;
	v55 =	vmovc v49;
	v49 =	vmov v46;
	v40 =	vmov v44;
	v44 =	vmov v6;
	v6 =	vld [tilespmem:$0x1FE60]  }
0x10f: {  	v46 =	vmovc v43;
	v43 =	vmov v39;
	v39 =	vor.u32 v52, v36;
	v62 =	vadd.f32 v11, v62;
	v11 =	vld.idx.msk [tilespmem:v32+s11+$0x0], $0xffff  }
0x110: {  	v18 =	vor.u32 v48, v36;
	v21 =	vor.u32 v8, v57;
	v8 =	vmovc v63;
	v63 =	vmov v50;
	v4 =	vld [tilespmem:$0x1FFD0]  }
0x111: {  	v50 =	vmovc v56;
	v56 =	vmovc v53;
	v53 =	vmov v48;
	v48 =	vmov v45;
	v45 =	vmov v41;
	v41 =	vld.idx.msk [tilespmem:v28+s11+$0x0], $0xffff  }
0x112: {  	s22 =	sadd.s32 $0xA00, s22;
	v29 =	vor.u32 v3, v24;
	v3 =	vld [tilespmem:$0x1FD30]  }
0x113: {  	p0 =	sne.s32 s22, $0x3200;
	v0 =	vor.u32 v0, v9;
	v32 =	vor.u32 v6, v57;
	v6 =	vld [tilespmem:$0x1FE50]  }
.Ltmp0:
0x114: {  	v1 =	vor.u32 v1, v24;
	v28 =	vor.u32 v5, v36;
	v5 =	vld.idx.msk [tilespmem:v39+s11+$0x0], $0xffff;
	v39 =	vmov v43;
	(pc) =	sbr.rel @p0 .LBB2_2-.Ltmp0, $4  }
0x115: {  	v12 =	vld.idx.msk [tilespmem:v27+s11+$0x0], $0xffff;
	v43 =	vmovc v46;
	v46 =	vmovc v49;
	v49 =	vmov v55;
	v55 =	vmov v60;
	v4 =	vor.u32 v4, v57  }
0x116: {  	v60 =	vmovc v7;
	v19 =	vadd.f32 v31, v19;
	v27 =	vld.idx.msk [tilespmem:v25+s11+$0x0], $0xffff;
	v25 =	vadd.f32 v34, v41;
	v41 =	vmov v45  }
0x117: {  	v24 =	vld.idx.msk [tilespmem:v33+s11+$0x0], $0xffff;
	v45 =	vmovc v48;
	v48 =	vmovc v53;
	v53 =	vmov v56;
	v56 =	vmov v50;
	v50 =	vmov v63  }
0x118: {  	v63 =	vmovc v8;
	v31 =	vor.u32 v47, v36;
	v3 =	vor.u32 v3, v9;
	v33 =	vor.u32 v6, v57  }
0x119: {  	_ =	sdelay $0x3  }
0x11a: {  	v6 =	vld.idx.msk [tilespmem:v29+s11+$0x0], $0xffff  }
0x11b: {  	v10 =	vld.idx.msk [tilespmem:v32+s11+$0x0], $0xffff  }
0x11c: {  	v7 =	vld.idx.msk [tilespmem:v13+s11+$0x0], $0xffff  }
0x11d: {  	v8 =	vld.idx.msk [tilespmem:v23+s11+$0x0], $0xffff  }
0x11e: {  	v13 =	vld.idx.msk [tilespmem:v33+s11+$0x0], $0xffff  }
0x11f: {  	v23 =	vld.idx.msk [tilespmem:v28+s11+$0x0], $0xffff  }
0x120: {  	[tilespmem:$0x1FD00] =	vst v10;
	v10 =	vld [tilespmem:$0x1FEB0]  }
0x121: {  	v20 =	vld.idx.msk [tilespmem:v20+s11+$0x0], $0xffff  }
0x122: {  	v22 =	vld.idx.msk [tilespmem:v22+s11+$0x0], $0xffff  }
0x123: {  	v31 =	vld.idx.msk [tilespmem:v31+s11+$0x0], $0xffff  }
0x124: {  	v21 =	vld.idx.msk [tilespmem:v21+s11+$0x0], $0xffff  }
0x125: {  	v0 =	vld.idx.msk [tilespmem:v0+s11+$0x0], $0xffff;
	v28 =	vor.u32 v10, v57  }
0x126: {  	v29 =	vor.u32 v49, v36;
	v18 =	vld.idx.msk [tilespmem:v18+s11+$0x0], $0xffff  }
0x127: {  	v32 =	vor.u32 v54, v36;
	v1 =	vld.idx.msk [tilespmem:v1+s11+$0x0], $0xffff  }
0x128: {  	v57 =	vld.idx.msk [tilespmem:v42+s11+$0x0], $0xffff  }
0x129: {  	v42 =	vld [tilespmem:$0x1FF20]  }
0x12a: {  	v28 =	vld.idx.msk [tilespmem:v28+s11+$0x0], $0xffff  }
0x12b: {  	v2 =	vadd.f32 v38, v2;
	v9 =	vor.u32 v16, v9;
	v29 =	vld.idx.msk [tilespmem:v29+s11+$0x0], $0xffff  }
0x12c: {  	v24 =	vadd.f32 v24, v27;
	v27 =	vld.idx.msk [tilespmem:v32+s11+$0x0], $0xffff  }
0x12d: {  	v26 =	vadd.f32 v26, v30;
	v4 =	vld.idx.msk [tilespmem:v4+s11+$0x0], $0xffff;
	v2 =	vadd.f32 v2, v19  }
0x12e: {  	v17 =	vld.idx.msk [tilespmem:v17+s11+$0x0], $0xffff;
	v24 =	vadd.f32 v25, v24;
	v6 =	vadd.f32 v6, v20  }
0x12f: {  	v3 =	vld.idx.msk [tilespmem:v3+s11+$0x0], $0xffff;
	v13 =	vadd.f32 v13, v22;
	v34 =	vor.u32 v42, v35;
	v12 =	vadd.f32 v12, v28  }
0x130: {  	v16 =	vadd.f32 v31, v23;
	v9 =	vld.idx.msk [tilespmem:v9+s11+$0x0], $0xffff;
	v11 =	vadd.f32 v11, v29  }
0x131: {  	v7 =	vadd.f32 v7, v27;
	v12 =	vadd.f32 v13, v12;
	v13 =	vld [tilespmem:$0x1FD00]  }
0x132: {  	v5 =	vadd.f32 v5, v18;
	v0 =	vadd.f32 v14, v0;
	v14 =	vld.idx.msk [tilespmem:v51+s11+$0x0], $0xffff  }
0x133: {  	v1 =	vadd.f32 v8, v1;
	v7 =	vadd.f32 v7, v11;
	v11 =	vld.idx.msk [tilespmem:v37+s11+$0x0], $0xffff  }
0x134: {  	v20 =	vadd.f32 v58, v21;
	v2 =	vadd.f32 v2, v24;
	v19 =	vld.idx.msk [tilespmem:v34+s11+$0x0], $0xffff  }
0x135: {  	v5 =	vadd.f32 v5, v16;
	v1 =	vadd.f32 v6, v1  }
0x136: {  	v15 =	vadd.f32 v15, v57;
	v4 =	vadd.f32 v13, v4  }
0x137: {  	v3 =	vadd.f32 v3, v9;
	v5 =	vadd.f32 v7, v5  }
0x138: {  	v0 =	vadd.f32 v15, v0;
	v4 =	vadd.f32 v20, v4  }
0x139: {  	v51 =	vadd.f32 v11, v14;
	v8 =	vadd.f32 v19, v17  }
0x13a: {  	v1 =	vadd.f32 v12, v1;
	v0 =	vadd.f32 v0, v4  }
0x13b: {  	v2 =	vadd.f32 v2, v5;
	v57 =	vadd.f32 v8, v26  }
0x13c: {  	v3 =	vadd.f32 v51, v3;
	v0 =	vadd.f32 v0, v1;
	v1 =	vld [tilespmem:$0x1180]  }
0x13d: {  	v58 =	vld [tilespmem:$0x1190];
	v2 =	vadd.f32 v57, v2  }
0x13e: {  	v0 =	vadd.f32 v3, v0  }
0x13f: {  	v2 =	vadd.f32 v2, v61  }
0x140: {  	v0 =	vadd.f32 v0, v62  }
0x141: {  	v1 =	vadd.f32 v1, v2  }
0x142: {  	v0 =	vadd.f32 v58, v0  }
0x143: {  	[tilespmem:$0x11A0] =	vst v1  }
0x144: {  	[tilespmem:$0x11B0] =	vst v0  }
0x145: {  	[hbm4b:s6+s2] =	stream.linear.scatter [tilespmem:s20], [sflag:$0x2], $0x20, $0x38;
	[tilespmem:$0x11C0] =	vst v63  }
0x146: {  	_ =	swait.ge [sflag:s8], $0x20  }
0x147: {  	v34 =	vld [tilespmem:$0x1FFE0]  }
0x148: {  	v17 =	vld [tilespmem:$0x1FF60]  }
0x149: {  	v18 =	vld [tilespmem:$0x1FF10]  }
0x14a: {  	v15 =	vld [tilespmem:$0x1FED0]  }
0x14b: {  	v16 =	vld [tilespmem:$0x1FEE0]  }
0x14c: {  	v33 =	vld [tilespmem:$0x1FF70]  }
0x14d: {  	v30 =	vld [tilespmem:$0x1FF90]  }
0x14e: {  	v22 =	vld [tilespmem:$0x1FF80]  }
0x14f: {  	v20 =	vld [tilespmem:$0x1FFA0]  }
0x150: {  	v23 =	vld [tilespmem:$0x1FFB0]  }
0x151: {  	v13 =	vld [tilespmem:$0x1FF40]  }
0x152: {  	v21 =	vld [tilespmem:$0x1FFF0]  }
0x153: {  	v29 =	vld [tilespmem:$0x1FFD0]  }
0x154: {  	s21 =	sadd.s32 $0x1, s21;
	v24 =	vld [tilespmem:$0x1FFC0]  }
0x155: {  	p0 =	sne.s32 s21, s7;
	v14 =	vld [tilespmem:$0x1FEF0]  }
.Ltmp1:
0x156: {  	v31 =	vld [tilespmem:$0x1FF50];
	(pc) =	sbr.rel @p0 .LBB2_1-.Ltmp1, $4  }
0x157: {  	v11 =	vld [tilespmem:$0x1FEC0]  }
0x158: {  	v19 =	vld [tilespmem:$0x1FF00]  }
0x159: {  	[sflag:s8] =	ssyncset.done $0x0;
	v27 =	vld [tilespmem:$0x1FF30]  }
0x15a: {  	v2 =	vld [tilespmem:$0x1FEA0];
	[sflag:s8] =	ssyncadd.s32 $0xFFFFFFE0  }
0x15b: {  	_ =	sfence.sel $0x180000  }
0x15c: {  	[bflag:$0x0] =	sbarrier.arrive $0xFFFF  }
0x15d: {  	_ =	strace $0x9000004A  }
0x15e: {  	s0 =	stileid.u32;
	[bflag:$0x2] =	sbarrier.arrive $0xFFFF  }
0x15f: {  	p0 =	sne.s32 s0, $0x0;
	s0 =	rddreg [dreg:$0x2]  }
0x160: {  	s0 =	sadd.s32 @!p0 $0x100000, s0  }
0x161: {  	[sflag:s0] =	ssyncadd.tile.s32 @!p0 $0x1;
	_ =	shalt  }
.Lfunc_end2:
_tile_overlayer_lowered:
.L_overlay_start_2:
0x162: {  	(tag) =	ssettag $0x2  }
0x163: {  	s0 =	rddreg [dreg:$0x0];
	s2 =	stileid.u32  }
0x164: {  	s1 =	rddreg [dreg:$0x1];
	p0 =	sne.s32 s2, $0x0  }
0x165: {  	s3 =	rddreg [dreg:$0x2];
	[bflag:$0x3] =	sbarrier.arrive $0xFFFF;
	s2 =	simm.s32 @!p0 $0x1C02  }
0x166: {  	[timem:s3], [sflag:s2] =	dma.local @!p0 [hbm:s0], s1  }
0x167: {  	s0 =	simm.s32 @!p0 $0x2  }
0x168: {  	_ =	swait.ge @!p0 [sflag:s0], s1  }
0x169: {  	s1 =	ssub.s32 @!p0 $0x0, s1;
	[sflag:s0] =	ssyncset.done @!p0 $0x0  }
0x16a: {  	[sflag:s0] =	ssyncadd.s32 @!p0 s1  }
0x16b: {  	[bflag:$0x3] =	sbarrier.arrive $0xFFFF  }
0x16c: {  	_ =	shalt  }

// kernel: kernel.14.cloned.1.call-start
scs
__scs_entry_jumppad:
0x0: {  	(pc) =	sbr.rel $0x88, $3  }
0x1: {  	(tag) =	ssettag $0x0;
	lr =	simm.s32 $0x1  }
0x2: {  	[smem:$0x3F97] =	sst lr;
	_ =	strace $0xD0000000  }
0x3: {  	_ = 	snop  }
0x4: {  	_ = 	snop  }
0x5: {  	_ = 	snop  }
0x6: {  	_ = 	snop  }
0x7: {  	_ = 	snop  }
__scs_overlays_trampoline_lowered:
0x8: {  	[smem:$0x3FA6] =	sst s0  }
0x9: {  	[smem:$0x3FA7] =	sst s1  }
0xa: {  	[smem:$0x3FA8] =	sst s2  }
0xb: {  	[smem:$0x3FA9] =	sst s3  }
0xc: {  	[smem:$0x3FAA] =	sst s4  }
0xd: {  	[smem:$0x3FAB] =	sst s5  }
0xe: {  	[smem:$0x3FAC] =	sst s6  }
0xf: {  	[smem:$0x3FAD] =	sst s7  }
0x10: {  	[smem:$0x3FAE] =	sst s8  }
0x11: {  	[smem:$0x3FAF] =	sst s9;
	s0 =	simm.s32 @!p0 $0x0  }
0x12: {  	s1 =	sld [smem:$0x3F95];
	s0 =	simm.s32 @p0 $0x1  }
0x13: {  	[smem:$0x3FB0] =	sst s0;
	s0 =	simm.s32 @!p1 $0x0  }
0x14: {  	s2 =	sld [smem:$0x3F94];
	s0 =	simm.s32 @p1 $0x1  }
0x15: {  	[smem:$0x3FB1] =	sst s0;
	s0 =	simm.s32 @!p2 $0x0  }
0x16: {  	s3 =	sld [smem:$0x3FDB];
	s0 =	simm.s32 @p2 $0x1  }
0x17: {  	s4 =	simm.s32 $0x1BF5;
	[smem:$0x3FB3] =	sst s0  }
0x18: {  	s0 =	sld [smem:$0x3F96];
	_ =	swait.ge [sflag:s4], $0x0  }
0x19: {  	s7 =	sld [smem:$0x3F97]  }
0x1a: {  	s8 =	sadd.s32 $0xFFFFE003, lr  }
0x1b: {  	s9 =	sadd.s32 $0xFFFFFEF7, lr;
	s5 =	simm.s32 $0xFFFFFFFF;
	p2 =	slt.u32 s8, $0xFFFFF086  }
0x1c: {  	p1 =	slt.u32 s9, $0xF7A;
	s5 =	simm.s32 @!p2 $0x0  }
0x1d: {  	s5 =	simm.s32 @p1 $0x1;
	p0 =	seq.s32 s7, s2  }
0x1e: {  	s7 =	smul.u32 @!p0 $0xF7A, s2;
	p2 =	seq.s32 @!p0 s5, $0x0  }
0x1f: {  	s9 =	smul.u32 $0xF7A, s1;
	s8 =	simm.s32 @!p0 $0x1BF5;
	p2 =	por !p2, p0  }
0x20: {  	[sflag:s8] =	ssyncset.s32 @!p0 $0xFFFFF086;
	s6 =	sadd.s32 @!p0 s3, s7;
	s7 =	simm.s32 @!p0 $0x108  }
0x21: {  	s3 =	sadd.s32 s3, s9;
	s6 =	sadd.s32 @!p0 $0x88, s6;
	s7 =	simm.s32 @p2 $0x1082  }
0x22: {  	[simem:s7], [sflag:s8] =	dma.local @!p0 [hbm:s6], $0xF7A  }
0x23: {  	s9 =	sor.u32 $0xD0000000, s2;
	s6 =	simm.s32 $0x108;
	_ =	swait.ge @!p0 [sflag:s8], $0x0  }
0x24: {  	s3 =	sadd.s32 $0x88, s3;
	s6 =	simm.s32 @!p1 $0x1082;
	[sflag:s4] =	ssyncset.s32 $0xFFFFF086  }
0x25: {  	[simem:s6], [sflag:s4] =	dma.local [hbm:s3], $0xF7A  }
0x26: {  	[smem:$0x3F97] =	sst s1;
	(tag) =	ssettag s2;
	_ =	strace s9  }
0x27: {  	s1 =	sld [smem:$0x3FA7]  }
0x28: {  	s2 =	sld [smem:$0x3FA8]  }
0x29: {  	s4 =	sld [smem:$0x3FAA]  }
0x2a: {  	p0 =	seq.s32 s5, $0x0;
	s5 =	sld [smem:$0x3FAB]  }
0x2b: {  	s6 =	sld [smem:$0x3FAC]  }
0x2c: {  	s7 =	sld [smem:$0x3FAD]  }
0x2d: {  	s3 =	simm.s32 $0x108;
	s8 =	sld [smem:$0x3FAE]  }
0x2e: {  	s3 =	simm.s32 @!p0 $0x1082;
	s9 =	sld [smem:$0x3FAF]  }
0x2f: {  	lr =	sadd.s32 s0, s3;
	s0 =	sld [smem:$0x3FA6]  }
0x30: {  	s3 =	sld [smem:$0x3FA9]  }
0x31: {  	[smem:$0x3FB2] =	sst s10  }
0x32: {  	s10 =	sld [smem:$0x3FB0];
	_ =	sdelay $0x3  }
0x33: {  	p0 =	seq.s32 s10, $0x1;
	s10 =	sld [smem:$0x3FB2];
	_ =	sdelay $0x3  }
0x34: {  	[smem:$0x3FB2] =	sst s10  }
0x35: {  	s10 =	sld [smem:$0x3FB1];
	_ =	sdelay $0x3  }
0x36: {  	p1 =	seq.s32 s10, $0x1;
	s10 =	sld [smem:$0x3FB2];
	_ =	sdelay $0x3  }
0x37: {  	[smem:$0x3FB2] =	sst s10  }
0x38: {  	s10 =	sld [smem:$0x3FB3]  }
0x39: {  	_ = 	snop;
	(pc) =	sbr.ind lr, $3  }
0x3a: {  	_ = 	snop  }
0x3b: {  	_ = 	snop  }
0x3c: {  	p2 =	seq.s32 s10, $0x1;
	s10 =	sld [smem:$0x3FB2]  }
0x3d: {  	_ =	shalt  }
0x3e: {  	_ =	shalt  }
0x3f: {  	_ =	shalt  }
0x40: {  	_ =	shalt  }
0x41: {  	_ =	shalt  }
0x42: {  	_ =	shalt  }
0x43: {  	_ =	shalt  }
0x44: {  	_ =	shalt  }
0x45: {  	_ =	shalt  }
0x46: {  	_ =	shalt  }
0x47: {  	_ =	shalt  }
0x48: {  	_ =	shalt  }
0x49: {  	_ =	shalt  }
0x4a: {  	_ =	shalt  }
0x4b: {  	_ =	shalt  }
0x4c: {  	_ =	shalt  }
0x4d: {  	_ =	shalt  }
0x4e: {  	_ =	shalt  }
0x4f: {  	_ =	shalt  }
0x50: {  	_ =	shalt  }
0x51: {  	_ =	shalt  }
0x52: {  	_ =	shalt  }
0x53: {  	_ =	shalt  }
0x54: {  	_ =	shalt  }
0x55: {  	_ =	shalt  }
0x56: {  	_ =	shalt  }
0x57: {  	_ =	shalt  }
0x58: {  	_ =	shalt  }
0x59: {  	_ =	shalt  }
0x5a: {  	_ =	shalt  }
0x5b: {  	_ =	shalt  }
0x5c: {  	_ =	shalt  }
0x5d: {  	_ =	shalt  }
0x5e: {  	_ =	shalt  }
0x5f: {  	_ =	shalt  }
0x60: {  	_ =	shalt  }
0x61: {  	_ =	shalt  }
0x62: {  	_ =	shalt  }
0x63: {  	_ =	shalt  }
0x64: {  	_ =	shalt  }
0x65: {  	_ =	shalt  }
0x66: {  	_ =	shalt  }
0x67: {  	_ =	shalt  }
0x68: {  	_ =	shalt  }
0x69: {  	_ =	shalt  }
0x6a: {  	_ =	shalt  }
0x6b: {  	_ =	shalt  }
0x6c: {  	_ =	shalt  }
0x6d: {  	_ =	shalt  }
0x6e: {  	_ =	shalt  }
0x6f: {  	_ =	shalt  }
0x70: {  	_ =	shalt  }
0x71: {  	_ =	shalt  }
0x72: {  	_ =	shalt  }
0x73: {  	_ =	shalt  }
0x74: {  	_ =	shalt  }
0x75: {  	_ =	shalt  }
0x76: {  	_ =	shalt  }
0x77: {  	_ =	shalt  }
0x78: {  	_ =	shalt  }
0x79: {  	_ =	shalt  }
0x7a: {  	_ =	shalt  }
0x7b: {  	_ =	shalt  }
0x7c: {  	_ =	shalt  }
0x7d: {  	_ =	shalt  }
0x7e: {  	_ =	shalt  }
0x7f: {  	_ =	shalt  }
0x80: {  	_ =	shalt  }
0x81: {  	_ =	shalt  }
0x82: {  	_ =	shalt  }
0x83: {  	_ =	shalt  }
0x84: {  	_ =	shalt  }
0x85: {  	_ =	shalt  }
0x86: {  	_ =	shalt  }
0x87: {  	_ =	shalt  }
.Lfunc_end0:
.L_simem_size_0:
called_computation.2_lowered:
.L_overlay_start_0:
0x88: {  	s2 =	sld [smem:$0x3FD9]  }
0x89: {  	s3 =	sld [smem:$0x3FFE];
	_ =	sdelay $0x1  }
0x8a: {  	s1 =	srdreg.scid  }
0x8b: {  	s0 =	sand.u32 $0x1, s1  }
0x8c: {  	s17 =	sshll.u32 s0, $0xA;
	s2 =	sadd.s32 s3, s2  }
0x8d: {  	s2 =	sadd.s32 s2, s17  }
0x8e: {  	[smem:$0x3FBE] =	sst s2  }
0x8f: {  	_ = 	snop  }
0x90: {  	s2 =	sld [smem:$0x3FD0];
	(tm) =	ssettm $0x1  }
0x91: {  	s18 =	sld [smem:$0x3FFB];
	_ =	sdelay $0x3  }
0x92: {  	_ =	strace s18  }
0x93: {  	s3 =	sld [smem:$0x3FFC];
	_ =	sdelay $0x3  }
0x94: {  	_ =	strace s3  }
0x95: {  	s3 =	sld [smem:$0x3FFD];
	_ =	sdelay $0x3  }
0x96: {  	_ =	strace s3  }
0x97: {  	_ =	strace $0x8FFFFFFF  }
0x98: {  	s19 =	sld [smem:$0x3FDB];
	_ =	sdelay $0x1  }
0x99: {  	s4 =	simm.s32 $_scs_section_size  }
0x9a: {  	s5 =	simm.s32 $_size__tile_overlayer_lowered;
	s6 =	simm.s32 $_tile_overlayer_lowered  }
0x9b: {  	s22 =	simm.s32 $0x1BFF;
	s21 =	sshll.u32 s6, $0x1;
	s3 =	sadd.s32 s4, s19  }
0x9c: {  	s7 =	simm.s32 $0x0;
	s20 =	sshll.u32 s5, $0x1;
	s5 =	sadd.s32 s21, s3  }
0x9d: {  	[timem:s7], [sflag:s22] =	dma.local [hbm:s5], s20  }
0x9e: {  	_ =	swait.ge [sflag:s22], s20  }
0x9f: {  	s4 =	ssub.s32 $0x0, s20;
	[sflag:s22] =	ssyncset.done $0x0  }
0xa0: {  	[sflag:s22] =	ssyncadd.s32 s4;
	_ =	sdelay $0x1  }
0xa1: {  	s23 =	simm.s32 $0x1B8B  }
0xa2: {  	_ =	swait.ge [sflag:s23], $0x1  }
0xa3: {  	[sflag:s23] =	ssyncset.done $0x0  }
0xa4: {  	s25 =	simm.s32 $0x1B8E;
	s24 =	sld [smem:$0x3FFE];
	[sflag:s23] =	ssyncadd.s32 $0xFFFFFFFF  }
0xa5: {  	s26 =	simm.s32 $execute0_lowered;
	[smem:$0x3FD2] =	sst s25  }
0xa6: {  	s5 =	sshll.u32 s26, $0x1;
	_ =	strace $0x8000004C;
	[dreg:$0x1] =	wrdreg $0xFFFFFFFF  }
0xa7: {  	s28 =	simm.s32 $_size_execute0_lowered;
	s3 =	sadd.s32 s3, s5;
	[dreg:$0x0] =	wrdreg $0x0  }
0xa8: {  	s5 =	sshll.u32 s28, $0x1;
	[dreg:$0x2] =	wrdreg s3  }
0xa9: {  	[dreg:$0x3] =	wrdreg s5  }
0xaa: {  	[dreg:$0x4] =	wrdreg $0xC0  }
0xab: {  	_ =	task [dreg:s7], $0x5FFFF  }
0xac: {  	[dreg:$0x1] =	wrdreg $0xFFFFFFFF  }
0xad: {  	[dreg:$0x0] =	wrdreg $0x60  }
0xae: {  	[dreg:$0x2] =	wrdreg s24  }
0xaf: {  	[dreg:$0x3] =	wrdreg s2  }
0xb0: {  	[dreg:$0x4] =	wrdreg $0x9  }
0xb1: {  	_ =	task.clear_ibuf [dreg:s7], $0x5FFFF;
	_ =	strace $0x9000004C  }
0xb2: {  	s29 =	simm.s32 $0x9;
	_ =	strace $0x8000004E  }
0xb3: {  	_ =	swait.ge [sflag:s29], $0x1  }
0xb4: {  	[sflag:s29] =	ssyncadd.s32 $0xFFFFFFFF  }
0xb5: {  	_ =	strace $0x9000004E  }
0xb6: {  	_ =	sfence  }
0xb7: {  	s30 =	sld [smem:$0x0];
	_ =	sdelay $0x2  }
0xb8: {  	s31 =	sshll.u32 s1, $0xD;
	s1 =	sshrl.u32 s1, $0x2  }
0xb9: {  	s3 =	sand.u32 $0x4000, s31;
	s1 =	sadd.s32 s1, s30  }
0xba: {  	s0 =	sor.u32 s3, s0;
	s1 =	sshll.u32 s1, $0x11  }
0xbb: {  	s0 =	sor.u32 s1, s0  }
0xbc: {  	s0 =	sadd.s32 $0x8F2B, s0  }
0xbd: {  	[sflag:s0] =	ssyncadd.remote.s32 $0x1  }
0xbe: {  	_ =	sfence.sel $0xFFFF  }
0xbf: {  	[dreg:$0x0] =	wrdreg $0xFFFFFFFF;
	(pc) =	sbr.abs _section_cstart, $3  }
0xc0: {  	[dreg:$0x1] =	wrdreg $0xFFFFFFFF  }
0xc1: {  	_ =	task.clear_ibuf [dreg:s7], $0x2FFFF;
	_ =	strace $0x9FFFFFFF  }
0xc2: {  	(tm) =	ssettm $0x7FFFFFFF  }
0xc3: {  	_ =	shalt  }
tec
execute0_lowered:
.L_overlay_start_1:
0x0: {  	(tag) =	ssettag $0x1  }
0x1: {  	v0 =	vlaneseq.u32  }
0x2: {  	v57 =	vmul.u32 $0x14, v0;
	_ =	sdelay $0x1  }
0x3: {  	v0 =	vor.u32 $0x1, v57  }
0x4: {  	v61 =	vor.u32 $0x2, v57;
	[tilespmem:$0x1FC10] =	vst v0  }
0x5: {  	v62 =	vor.u32 $0x3, v57;
	[tilespmem:$0x1FC20] =	vst v61  }
0x6: {  	v63 =	vadd.s32 $0x4, v57;
	[tilespmem:$0x1FC30] =	vst v62  }
0x7: {  	v4 =	vadd.s32 $0x5, v57;
	[tilespmem:$0x1FC40] =	vst v63  }
0x8: {  	v5 =	vadd.s32 $0x6, v57;
	[tilespmem:$0x1FC50] =	vst v4  }
0x9: {  	v6 =	vadd.s32 $0x7, v57;
	[tilespmem:$0x1FC60] =	vst v5  }
0xa: {  	v7 =	vadd.s32 $0x8, v57;
	[tilespmem:$0x1FC70] =	vst v6  }
0xb: {  	v8 =	vadd.s32 $0x9, v57;
	[tilespmem:$0x1FC80] =	vst v7  }
0xc: {  	v9 =	vadd.s32 $0xA, v57;
	[tilespmem:$0x1FC90] =	vst v8  }
0xd: {  	v10 =	vadd.s32 $0xB, v57;
	[tilespmem:$0x1FCA0] =	vst v9  }
0xe: {  	v11 =	vadd.s32 $0xC, v57;
	[tilespmem:$0x1FCB0] =	vst v10  }
0xf: {  	v12 =	vadd.s32 $0xD, v57;
	[tilespmem:$0x1FCC0] =	vst v11  }
0x10: {  	v13 =	vadd.s32 $0xE, v57;
	[tilespmem:$0x1FCD0] =	vst v12  }
0x11: {  	v14 =	vadd.s32 $0xF, v57;
	[tilespmem:$0x1FCE0] =	vst v13  }
0x12: {  	v15 =	vadd.s32 $0x10, v57;
	[tilespmem:$0x1FCF0] =	vst v14  }
0x13: {  	v16 =	vadd.s32 $0x11, v57;
	[tilespmem:$0x1FD00] =	vst v15  }
0x14: {  	v17 =	vadd.s32 $0x12, v57;
	[tilespmem:$0x1FD10] =	vst v16  }
0x15: {  	v18 =	vadd.s32 $0x13, v57;
	[tilespmem:$0x1FD20] =	vst v17  }
0x16: {  	v19 =	vadd.s32 $0x140, v57;
	[tilespmem:$0x1FD30] =	vst v18  }
0x17: {  	v20 =	vadd.s32 $0x141, v57;
	[tilespmem:$0x1FD40] =	vst v19  }
0x18: {  	v21 =	vadd.s32 $0x142, v57;
	[tilespmem:$0x1FD50] =	vst v20  }
0x19: {  	s2 =	srdreg.scid;
	v22 =	vadd.s32 $0x143, v57;
	[tilespmem:$0x1FD60] =	vst v21  }
0x1a: {  	s1 =	rddreg [dreg:$0x0];
	s3 =	sand.u32 $0x1, s2;
	s2 =	simm.s32 $0x0;
	v23 =	vadd.s32 $0x144, v57;
	[tilespmem:$0x1FD70] =	vst v22  }
0x1b: {  	[smem:$0x7FF] =	sst s2;
	v24 =	vadd.s32 $0x145, v57;
	[tilespmem:$0x1FD80] =	vst v23  }
0x1c: {  	s6 =	rddreg [dreg:$0x1];
	v25 =	vadd.s32 $0x146, v57;
	_ =	strace $0x8000004D;
	[tilespmem:$0x1FD90] =	vst v24  }
0x1d: {  	v26 =	vadd.s32 $0x147, v57;
	[tilespmem:$0x1FDA0] =	vst v25  }
0x1e: {  	v27 =	vadd.s32 $0x148, v57;
	[tilespmem:$0x1FDB0] =	vst v26  }
0x1f: {  	v28 =	vadd.s32 $0x149, v57;
	[tilespmem:$0x1FDC0] =	vst v27  }
0x20: {  	v29 =	vadd.s32 $0x14A, v57;
	[tilespmem:$0x1FDD0] =	vst v28  }
0x21: {  	v30 =	vadd.s32 $0x14B, v57;
	[tilespmem:$0x1FDE0] =	vst v29  }
0x22: {  	v31 =	vadd.s32 $0x14C, v57;
	[tilespmem:$0x1FDF0] =	vst v30  }
0x23: {  	v32 =	vadd.s32 $0x14D, v57;
	[tilespmem:$0x1FE00] =	vst v31  }
0x24: {  	v33 =	vadd.s32 $0x14E, v57;
	[tilespmem:$0x1FE10] =	vst v32  }
0x25: {  	v34 =	vadd.s32 $0x14F, v57;
	[tilespmem:$0x1FE20] =	vst v33  }
0x26: {  	v35 =	vadd.s32 $0x150, v57;
	[tilespmem:$0x1FE30] =	vst v34  }
0x27: {  	v36 =	vadd.s32 $0x151, v57;
	[tilespmem:$0x1FE40] =	vst v35  }
0x28: {  	v37 =	vadd.s32 $0x152, v57;
	[tilespmem:$0x1FE50] =	vst v36  }
0x29: {  	v38 =	vadd.s32 $0x153, v57;
	[tilespmem:$0x1FE60] =	vst v37  }
0x2a: {  	v39 =	vadd.s32 $0x280, v57;
	[tilespmem:$0x1FE70] =	vst v38  }
0x2b: {  	v40 =	vadd.s32 $0x281, v57;
	[tilespmem:$0x1FE80] =	vst v39  }
0x2c: {  	v41 =	vadd.s32 $0x282, v57;
	[tilespmem:$0x1FE90] =	vst v40  }
0x2d: {  	v42 =	vadd.s32 $0x283, v57;
	[tilespmem:$0x1FEA0] =	vst v41  }
0x2e: {  	v43 =	vadd.s32 $0x284, v57;
	[tilespmem:$0x1FEB0] =	vst v42  }
0x2f: {  	v44 =	vadd.s32 $0x285, v57;
	[tilespmem:$0x1FEC0] =	vst v43  }
0x30: {  	v45 =	vadd.s32 $0x286, v57;
	[tilespmem:$0x1FED0] =	vst v44  }
0x31: {  	v46 =	vadd.s32 $0x287, v57;
	[tilespmem:$0x1FEE0] =	vst v45  }
0x32: {  	v47 =	vadd.s32 $0x288, v57;
	[tilespmem:$0x1FEF0] =	vst v46  }
0x33: {  	v48 =	vadd.s32 $0x289, v57;
	[tilespmem:$0x1FF00] =	vst v47  }
0x34: {  	v49 =	vadd.s32 $0x28A, v57;
	[tilespmem:$0x1FF10] =	vst v48  }
0x35: {  	s0 =	stileid.u32;
	s10 =	simm.s32 $0xF00;
	v50 =	vadd.s32 $0x28B, v57;
	[tilespmem:$0x1FF20] =	vst v49  }
0x36: {  	s11 =	simm.s32 $0x80;
	s12 =	simm.s32 $0x500;
	s13 =	simm.s32 $0x580;
	v51 =	vadd.s32 $0x28C, v57;
	[tilespmem:$0x1FF30] =	vst v50  }
0x37: {  	s14 =	simm.s32 $0x100;
	s15 =	simm.s32 $0x600;
	s16 =	simm.s32 $0x180;
	v52 =	vadd.s32 $0x28D, v57;
	[tilespmem:$0x1FF40] =	vst v51  }
0x38: {  	s17 =	simm.s32 $0x680;
	s18 =	simm.s32 $0x200;
	s19 =	simm.s32 $0x700;
	v53 =	vadd.s32 $0x28E, v57;
	[tilespmem:$0x1FF50] =	vst v52  }
0x39: {  	s20 =	simm.s32 $0x280;
	s21 =	simm.s32 $0x780;
	s22 =	simm.s32 $0x300;
	v54 =	vadd.s32 $0x28F, v57;
	[tilespmem:$0x1FF60] =	vst v53  }
0x3a: {  	s23 =	simm.s32 $0x800;
	s28 =	simm.s32 $0x900;
	s4 =	sshll.u32 s0, $0x1;
	v55 =	vadd.s32 $0x290, v57;
	[tilespmem:$0x1FF70] =	vst v54  }
0x3b: {  	s29 =	simm.s32 $0x480;
	s30 =	simm.s32 $0x980;
	s4 =	sor.u32 s3, s4;
	v56 =	vadd.s32 $0x291, v57;
	[tilespmem:$0x1FF80] =	vst v55  }
0x3c: {  	s31 =	simm.s32 $0x1;
	s25 =	ssub.s32 $0x2, s3;
	s5 =	smul.u32 $0xA0, s4;
	v58 =	vadd.s32 $0x292, v57;
	[tilespmem:$0x1FF90] =	vst v56  }
0x3d: {  	s3 =	sadd.s32 $0x4600, s1;
	s7 =	sshll.u32 s4, $0x2;
	s26 =	sshrl.u32 s25, $0x1;
	v59 =	vadd.s32 $0x293, v57;
	[tilespmem:$0x1FFA0] =	vst v58  }
0x3e: {  	v60 =	vadd.s32 $0x3C0, v57;
	s8 =	sadd.s32 s7, s1;
	s6 =	sadd.s32 s6, s7;
	s24 =	sadd.s32 s5, s1;
	[tilespmem:$0x1FFB0] =	vst v59  }
0x3f: {  	v61 =	vadd.s32 $0x3C1, v57;
	s1 =	ssub.s32 s25, s26;
	s5 =	sadd.s32 $0x1C00, s8;
	s8 =	simm.s32 $0x2;
	[tilespmem:$0x1FFC0] =	vst v60  }
0x40: {  	v62 =	vadd.s32 $0x3C2, v57;
	s25 =	simm.s32 $0x880;
	s26 =	simm.s32 $0x400;
	[tilespmem:$0x1FFD0] =	vst v61;
	s9 =	sadd.s32 $0x1E00, s24  }
0x41: {  	v63 =	vadd.s32 $0x3C3, v57;
	[tilespmem:$0x1FFE0] =	vst v62;
	s4 =	sadd.s32 $0x3200, s24;
	s7 =	smax.u32 s1, $0x1;
	s24 =	simm.s32 $0x380  }
0x42: {  	[tilespmem:$0x1FFF0] =	vst v63;
	s1 =	simm.s32 $0xF20;
	[dreg:$0x3] =	wrdreg s9;
	s9 =	simm.s32 $0xA00  }
.LBB2_1:
0x43: {  	s0 =	rddreg [dreg:$0x3]  }
0x44: {  	[tilespmem:s2], [sflag:$0x2] =	stream.linear.gather [hbm4b:s0+s2], $0x500, $0x38;
	[tilespmem:$0xF40] =	vst v63  }
0x45: {  	_ =	swait.ge [sflag:s8], $0x500  }
0x46: {  	[sflag:s8] =	ssyncset.done $0x0  }
0x47: {  	[sflag:s8] =	ssyncadd.s32 $0xFFFFFB00  }
0x48: {  	[tilespmem:s9], [sflag:$0x2] =	stream.linear.gather [hbm4b:s4+s2], $0x500, $0x38;
	[tilespmem:$0xF40] =	vst v63  }
0x49: {  	_ =	swait.ge [sflag:s8], $0x500  }
0x4a: {  	[sflag:s8] =	ssyncset.done $0x0  }
0x4b: {  	[sflag:s8] =	ssyncadd.s32 $0xFFFFFB00  }
0x4c: {  	[tilespmem:s10], [sflag:$0x2] =	stream.linear.gather [hbm4b:s5+s2], $0x20, $0x38;
	[tilespmem:$0xF40] =	vst v63  }
0x4d: {  	_ =	swait.ge [sflag:s8], $0x20  }
0x4e: {  	[sflag:s8] =	ssyncset.done $0x0  }
0x4f: {  	[sflag:s8] =	ssyncadd.s32 $0xFFFFFFE0  }
0x50: {  	[tilespmem:s12], [sflag:$0x1] =	stream.indirect.gather [hbm4b:s3+s11], $0x1, s2, s11, $0xb8;
	[tilespmem:$0xF40] =	vst v63  }
0x51: {  	_ = 	snop  }
0x52: {  	[tilespmem:s13], [sflag:$0x1] =	stream.indirect.gather [hbm4b:s3+s11], $0x1, s11, s11, $0xb8;
	[tilespmem:$0xF40] =	vst v63  }
0x53: {  	_ = 	snop  }
0x54: {  	[tilespmem:s15], [sflag:$0x1] =	stream.indirect.gather [hbm4b:s3+s11], $0x1, s14, s11, $0xb8;
	[tilespmem:$0xF40] =	vst v63  }
0x55: {  	_ = 	snop  }
0x56: {  	[tilespmem:s17], [sflag:$0x1] =	stream.indirect.gather [hbm4b:s3+s11], $0x1, s16, s11, $0xb8;
	[tilespmem:$0xF40] =	vst v63  }
0x57: {  	_ = 	snop  }
0x58: {  	[tilespmem:s19], [sflag:$0x1] =	stream.indirect.gather [hbm4b:s3+s11], $0x1, s18, s11, $0xb8;
	[tilespmem:$0xF40] =	vst v63  }
0x59: {  	_ = 	snop  }
0x5a: {  	[tilespmem:s21], [sflag:$0x1] =	stream.indirect.gather [hbm4b:s3+s11], $0x1, s20, s11, $0xb8;
	[tilespmem:$0xF40] =	vst v63  }
0x5b: {  	_ = 	snop  }
0x5c: {  	[tilespmem:s23], [sflag:$0x1] =	stream.indirect.gather [hbm4b:s3+s11], $0x1, s22, s11, $0xb8;
	[tilespmem:$0xF40] =	vst v63  }
0x5d: {  	_ = 	snop  }
0x5e: {  	[tilespmem:s25], [sflag:$0x1] =	stream.indirect.gather [hbm4b:s3+s11], $0x1, s24, s11, $0xb8;
	[tilespmem:$0xF40] =	vst v63  }
0x5f: {  	_ = 	snop  }
0x60: {  	[tilespmem:s28], [sflag:$0x1] =	stream.indirect.gather [hbm4b:s3+s11], $0x1, s26, s11, $0xb8;
	[tilespmem:$0xF40] =	vst v63  }
0x61: {  	_ = 	snop  }
0x62: {  	[tilespmem:s30], [sflag:$0x1] =	stream.indirect.gather [hbm4b:s3+s11], $0x1, s29, s11, $0xb8;
	[tilespmem:$0xF40] =	vst v63  }
0x63: {  	_ =	swait.ge [sflag:s31], $0x280  }
0x64: {  	v0 =	vld [tilespmem:$0x1FC10]  }
0x65: {  	v33 =	vld [tilespmem:$0x1FC20]  }
0x66: {  	v34 =	vld [tilespmem:$0x1FC30]  }
0x67: {  	v35 =	vld [tilespmem:$0x1FC40]  }
0x68: {  	v36 =	vld [tilespmem:$0x1FC50]  }
0x69: {  	v37 =	vld [tilespmem:$0x1FC60]  }
0x6a: {  	v38 =	vld [tilespmem:$0x1FC70]  }
0x6b: {  	v39 =	vld [tilespmem:$0x1FC80]  }
0x6c: {  	v40 =	vld [tilespmem:$0x1FC90]  }
0x6d: {  	v41 =	vld [tilespmem:$0x1FCA0]  }
0x6e: {  	v42 =	vld [tilespmem:$0x1FCB0]  }
0x6f: {  	v43 =	vld [tilespmem:$0x1FCC0]  }
0x70: {  	v44 =	vld [tilespmem:$0x1FCD0]  }
0x71: {  	v45 =	vld [tilespmem:$0x1FCE0]  }
0x72: {  	v46 =	vld [tilespmem:$0x1FCF0]  }
0x73: {  	v47 =	vld [tilespmem:$0x1FD00]  }
0x74: {  	v48 =	vld [tilespmem:$0x1FD10]  }
0x75: {  	v49 =	vld [tilespmem:$0x1FD20]  }
0x76: {  	v50 =	vld [tilespmem:$0x1FD30]  }
0x77: {  	v51 =	vld [tilespmem:$0x1FD40]  }
0x78: {  	v52 =	vld [tilespmem:$0x1FD50]  }
0x79: {  	v54 =	vld [tilespmem:$0x1FD60]  }
0x7a: {  	v56 =	vld [tilespmem:$0x1FD70]  }
0x7b: {  	v59 =	vld [tilespmem:$0x1FD80]  }
0x7c: {  	v61 =	vld [tilespmem:$0x1FD90]  }
0x7d: {  	v63 =	vld [tilespmem:$0x1FDA0]  }
0x7e: {  	[sflag:s31] =	ssyncset.done $0x0;
	v5 =	vld [tilespmem:$0x1FDB0]  }
0x7f: {  	v6 =	vld [tilespmem:$0x1FDC0];
	[sflag:s31] =	ssyncadd.s32 $0xFFFFFD80  }
0x80: {  	v9 =	vld.idx.msk [tilespmem:v57+s12+$0x0], $0xffff  }
0x81: {  	v11 =	vld.idx.msk [tilespmem:v0+s12+$0x0], $0xffff  }
0x82: {  	v12 =	vld.idx.msk [tilespmem:v0+s9+$0x0], $0xffff  }
0x83: {  	v13 =	vld.idx.msk [tilespmem:v33+s12+$0x0], $0xffff  }
0x84: {  	v14 =	vld.idx.msk [tilespmem:v33+s9+$0x0], $0xffff  }
0x85: {  	v15 =	vld.idx.msk [tilespmem:v34+s12+$0x0], $0xffff  }
0x86: {  	v16 =	vld.idx.msk [tilespmem:v34+s9+$0x0], $0xffff  }
0x87: {  	v17 =	vld.idx.msk [tilespmem:v35+s12+$0x0], $0xffff  }
0x88: {  	v18 =	vld.idx.msk [tilespmem:v35+s9+$0x0], $0xffff  }
0x89: {  	v19 =	vld.idx.msk [tilespmem:v36+s12+$0x0], $0xffff  }
0x8a: {  	v20 =	vld.idx.msk [tilespmem:v36+s9+$0x0], $0xffff  }
0x8b: {  	v21 =	vld.idx.msk [tilespmem:v37+s12+$0x0], $0xffff  }
0x8c: {  	v22 =	vld.idx.msk [tilespmem:v37+s9+$0x0], $0xffff  }
0x8d: {  	v23 =	vld.idx.msk [tilespmem:v38+s12+$0x0], $0xffff  }
0x8e: {  	v24 =	vld.idx.msk [tilespmem:v38+s9+$0x0], $0xffff  }
0x8f: {  	v25 =	vld.idx.msk [tilespmem:v39+s12+$0x0], $0xffff  }
0x90: {  	v26 =	vld.idx.msk [tilespmem:v39+s9+$0x0], $0xffff  }
0x91: {  	v27 =	vld.idx.msk [tilespmem:v40+s12+$0x0], $0xffff  }
0x92: {  	v28 =	vld.idx.msk [tilespmem:v40+s9+$0x0], $0xffff  }
0x93: {  	v29 =	vld.idx.msk [tilespmem:v41+s12+$0x0], $0xffff  }
0x94: {  	v30 =	vld.idx.msk [tilespmem:v41+s9+$0x0], $0xffff  }
0x95: {  	v31 =	vld.idx.msk [tilespmem:v42+s12+$0x0], $0xffff  }
0x96: {  	v32 =	vld.idx.msk [tilespmem:v42+s9+$0x0], $0xffff  }
0x97: {  	v33 =	vld.idx.msk [tilespmem:v43+s12+$0x0], $0xffff  }
0x98: {  	v34 =	vld.idx.msk [tilespmem:v43+s9+$0x0], $0xffff  }
0x99: {  	v35 =	vld.idx.msk [tilespmem:v44+s12+$0x0], $0xffff  }
0x9a: {  	v36 =	vld.idx.msk [tilespmem:v44+s9+$0x0], $0xffff  }
0x9b: {  	v37 =	vld.idx.msk [tilespmem:v45+s12+$0x0], $0xffff  }
0x9c: {  	v38 =	vld.idx.msk [tilespmem:v45+s9+$0x0], $0xffff  }
0x9d: {  	v39 =	vld.idx.msk [tilespmem:v46+s12+$0x0], $0xffff  }
0x9e: {  	v40 =	vld.idx.msk [tilespmem:v46+s9+$0x0], $0xffff  }
0x9f: {  	v41 =	vld.idx.msk [tilespmem:v47+s12+$0x0], $0xffff  }
0xa0: {  	v42 =	vld.idx.msk [tilespmem:v47+s9+$0x0], $0xffff  }
0xa1: {  	v43 =	vld.idx.msk [tilespmem:v48+s12+$0x0], $0xffff  }
0xa2: {  	v44 =	vld.idx.msk [tilespmem:v48+s9+$0x0], $0xffff  }
0xa3: {  	v45 =	vld.idx.msk [tilespmem:v49+s12+$0x0], $0xffff  }
0xa4: {  	v46 =	vld.idx.msk [tilespmem:v49+s9+$0x0], $0xffff  }
0xa5: {  	v47 =	vld.idx.msk [tilespmem:v50+s12+$0x0], $0xffff  }
0xa6: {  	v48 =	vld.idx.msk [tilespmem:v50+s9+$0x0], $0xffff  }
0xa7: {  	v1 =	vld.idx.msk [tilespmem:v51+s12+$0x0], $0xffff  }
0xa8: {  	v0 =	vld.idx.msk [tilespmem:v51+s9+$0x0], $0xffff  }
0xa9: {  	v53 =	vld.idx.msk [tilespmem:v52+s12+$0x0], $0xffff  }
0xaa: {  	v55 =	vld.idx.msk [tilespmem:v54+s12+$0x0], $0xffff  }
0xab: {  	v58 =	vld.idx.msk [tilespmem:v56+s12+$0x0], $0xffff  }
0xac: {  	v60 =	vld.idx.msk [tilespmem:v59+s12+$0x0], $0xffff  }
0xad: {  	v62 =	vld.idx.msk [tilespmem:v61+s12+$0x0], $0xffff  }
0xae: {  	v4 =	vld.idx.msk [tilespmem:v63+s12+$0x0], $0xffff  }
0xaf: {  	v7 =	vld.idx.msk [tilespmem:v5+s9+$0x0], $0xffff  }
0xb0: {  	v8 =	vld.idx.msk [tilespmem:v6+s12+$0x0], $0xffff  }
0xb1: {  	v49 =	vld [tilespmem:$0x1FDD0]  }
0xb2: {  	v51 =	vld [tilespmem:$0x1FDE0]  }
0xb3: {  	[tilespmem:$0x1F940] =	vst v0;
	v0 =	vld.idx.msk [tilespmem:v54+s9+$0x0], $0xffff  }
0xb4: {  	[tilespmem:$0x1F990] =	vst v60;
	v60 =	vld.idx.msk [tilespmem:v61+s9+$0x0], $0xffff  }
0xb5: {  	[tilespmem:$0x1F9B0] =	vst v62;
	v62 =	vld.idx.msk [tilespmem:v63+s9+$0x0], $0xffff  }
0xb6: {  	v63 =	vld.idx.msk [tilespmem:v5+s12+$0x0], $0xffff  }
0xb7: {  	v54 =	vld [tilespmem:$0x1FDF0]  }
0xb8: {  	[tilespmem:$0x1F980] =	vst v58;
	v58 =	vld [tilespmem:$0x1FE00]  }
0xb9: {  	[tilespmem:$0x1F9C0] =	vst v4;
	v4 =	vld [tilespmem:$0x1FE10]  }
0xba: {  	v50 =	vld.idx.msk [tilespmem:v49+s12+$0x0], $0xffff  }
0xbb: {  	[tilespmem:$0x1F950] =	vst v53;
	v53 =	vld.idx.msk [tilespmem:v51+s12+$0x0], $0xffff  }
0xbc: {  	v61 =	vld.idx.msk [tilespmem:v51+s9+$0x0], $0xffff  }
0xbd: {  	v51 =	vld [tilespmem:$0x1FE40]  }
0xbe: {  	[tilespmem:$0x1F970] =	vst v0;
	v0 =	vld.idx.msk [tilespmem:v59+s9+$0x0], $0xffff  }
0xbf: {  	[tilespmem:$0x1F9F0] =	vst v50;
	v50 =	vld.idx.msk [tilespmem:v49+s9+$0x0], $0xffff  }
0xc0: {  	[tilespmem:$0x1F960] =	vst v55;
	v55 =	vld.idx.msk [tilespmem:v54+s12+$0x0], $0xffff  }
0xc1: {  	[tilespmem:$0x1FA00] =	vst v53;
	v53 =	vld.idx.msk [tilespmem:v54+s9+$0x0], $0xffff  }
0xc2: {  	v59 =	vld.idx.msk [tilespmem:v58+s12+$0x0], $0xffff  }
0xc3: {  	[tilespmem:$0x1F9A0] =	vst v0;
	v0 =	vld.idx.msk [tilespmem:v6+s9+$0x0], $0xffff  }
0xc4: {  	v49 =	vld [tilespmem:$0x1FE30]  }
0xc5: {  	v6 =	vld [tilespmem:$0x1FE20]  }
0xc6: {  	v54 =	vld.idx.msk [tilespmem:v51+s12+$0x0], $0xffff  }
0xc7: {  	v5 =	vld.idx.msk [tilespmem:v4+s12+$0x0], $0xffff  }
0xc8: {  	[tilespmem:$0x1F9E0] =	vst v0;
	v0 =	vld.idx.msk [tilespmem:v58+s9+$0x0], $0xffff  }
0xc9: {  	v58 =	vld [tilespmem:$0x1FE50]  }
0xca: {  	[tilespmem:$0x1FA10] =	vst v55;
	v55 =	vld.idx.msk [tilespmem:v4+s9+$0x0], $0xffff  }
0xcb: {  	[tilespmem:$0x1FA60] =	vst v54;
	v54 =	vld [tilespmem:$0x1FE70]  }
0xcc: {  	[tilespmem:$0x1FA20] =	vst v59;
	v59 =	vld [tilespmem:$0x1FE60]  }
0xcd: {  	v4 =	vld.idx.msk [tilespmem:v49+s9+$0x0], $0xffff  }
0xce: {  	[tilespmem:$0x1F9D0] =	vst v8;
	v8 =	vld.idx.msk [tilespmem:v6+s12+$0x0], $0xffff  }
0xcf: {  	[tilespmem:$0x1FA40] =	vst v5;
	v5 =	vld.idx.msk [tilespmem:v6+s9+$0x0], $0xffff  }
0xd0: {  	v6 =	vld.idx.msk [tilespmem:v49+s12+$0x0], $0xffff  }
0xd1: {  	v49 =	vld.idx.msk [tilespmem:v58+s12+$0x0], $0xffff  }
0xd2: {  	v2 =	vld.idx.msk [tilespmem:v58+s9+$0x0], $0xffff  }
0xd3: {  	v58 =	vld.idx.msk [tilespmem:v54+s12+$0x0], $0xffff  }
0xd4: {  	[tilespmem:$0x1F930] =	vst v1;
	v1 =	vld.idx.msk [tilespmem:v54+s9+$0x0], $0xffff  }
0xd5: {  	v10 =	vld.idx.msk [tilespmem:v57+s9+$0x0], $0xffff  }
0xd6: {  	v52 =	vld.idx.msk [tilespmem:v52+s9+$0x0], $0xffff;
	[tilespmem:$0x1FA30] =	vst v0  }
0xd7: {  	v56 =	vld.idx.msk [tilespmem:v56+s9+$0x0], $0xffff;
	[tilespmem:$0x1FA50] =	vst v8  }
0xd8: {  	v0 =	vadd.s32 $0x3C4, v57;
	v3 =	vld.idx.msk [tilespmem:v59+s9+$0x0], $0xffff;
	[tilespmem:$0x1FA70] =	vst v58  }
0xd9: {  	v8 =	vld.idx.msk [tilespmem:v51+s9+$0x0], $0xffff;
	[tilespmem:$0x1FA80] =	vst v1  }
0xda: {  	v51 =	vld.idx.msk [tilespmem:v59+s12+$0x0], $0xffff;
	_ =	swait.ge [sflag:s31], $0x280  }
0xdb: {  	[sflag:s31] =	ssyncset.done $0x0  }
0xdc: {  	[sflag:s31] =	ssyncadd.s32 $0xFFFFFD80  }
0xdd: {  	v1 =	vadd.s32 $0x3C5, v57;
	v58 =	vld.idx.msk [tilespmem:v0+s12+$0x0], $0xffff  }
0xde: {  	v54 =	vadd.s32 $0x3C6, v57;
	v0 =	vld.idx.msk [tilespmem:v0+s9+$0x0], $0xffff;
	_ =	sdelay $0x3  }
0xdf: {  	[tilespmem:$0x1FB90] =	vst v58;
	v58 =	vld.idx.msk [tilespmem:v1+s12+$0x0], $0xffff  }
0xe0: {  	v59 =	vld.idx.msk [tilespmem:v54+s12+$0x0], $0xffff;
	[tilespmem:$0x1FBA0] =	vst v0;
	v0 =	vadd.s32 $0x3C7, v57;
	_ =	sdelay $0x3  }
0xe1: {  	[tilespmem:$0x1FBB0] =	vst v58;
	v58 =	vld.idx.msk [tilespmem:v54+s9+$0x0], $0xffff  }
0xe2: {  	[tilespmem:$0x1FBD0] =	vst v59;
	v59 =	vld.idx.msk [tilespmem:v0+s12+$0x0], $0xffff  }
0xe3: {  	v54 =	vld [tilespmem:$0x1FE80];
	_ =	sdelay $0x4  }
0xe4: {  	[tilespmem:$0x1FBF0] =	vst v59;
	v59 =	vld [tilespmem:$0x1FE90];
	_ =	sdelay $0x2  }
0xe5: {  	[tilespmem:$0x1FBE0] =	vst v58;
	v58 =	vld.idx.msk [tilespmem:v54+s12+$0x0], $0xffff  }
0xe6: {  	v0 =	vld.idx.msk [tilespmem:v0+s9+$0x0], $0xffff;
	_ =	sdelay $0x3  }
0xe7: {  	[tilespmem:$0x1FA90] =	vst v58;
	v58 =	vld.idx.msk [tilespmem:v59+s12+$0x0], $0xffff  }
0xe8: {  	[tilespmem:$0x1FC00] =	vst v0;
	v0 =	vld.idx.msk [tilespmem:v59+s9+$0x0], $0xffff  }
0xe9: {  	v59 =	vld [tilespmem:$0x1FEA0];
	_ =	sdelay $0x7  }
0xea: {  	[tilespmem:$0x1FAA0] =	vst v58;
	v58 =	vld.idx.msk [tilespmem:v59+s12+$0x0], $0xffff  }
0xeb: {  	[tilespmem:$0x1FAB0] =	vst v0;
	v0 =	vld.idx.msk [tilespmem:v59+s9+$0x0], $0xffff  }
0xec: {  	v59 =	vld [tilespmem:$0x1FEB0];
	_ =	sdelay $0x6  }
0xed: {  	v1 =	vld.idx.msk [tilespmem:v1+s9+$0x0], $0xffff  }
0xee: {  	[tilespmem:$0x1FAC0] =	vst v58;
	v58 =	vld.idx.msk [tilespmem:v59+s12+$0x0], $0xffff  }
0xef: {  	[tilespmem:$0x1FAD0] =	vst v0;
	v0 =	vld.idx.msk [tilespmem:v59+s9+$0x0], $0xffff  }
0xf0: {  	v59 =	vld [tilespmem:$0x1FEC0];
	_ =	sdelay $0x4  }
0xf1: {  	[tilespmem:$0x1FBC0] =	vst v1;
	v1 =	vld.idx.msk [tilespmem:v54+s9+$0x0], $0xffff  }
0xf2: {  	v54 =	vld [tilespmem:$0x1FED0];
	_ =	sdelay $0x1  }
0xf3: {  	[tilespmem:$0x1FAE0] =	vst v58;
	v58 =	vld.idx.msk [tilespmem:v59+s12+$0x0], $0xffff;
	_ =	sdelay $0x4  }
0xf4: {  	[tilespmem:$0x1FB00] =	vst v58;
	v58 =	vld.idx.msk [tilespmem:v59+s9+$0x0], $0xffff  }
0xf5: {  	v59 =	vld.idx.msk [tilespmem:v54+s12+$0x0], $0xffff  }
0xf6: {  	v54 =	vld.idx.msk [tilespmem:v54+s9+$0x0], $0xffff;
	_ =	sdelay $0x4  }
0xf7: {  	[tilespmem:$0x1FB20] =	vst v54;
	v54 =	vld [tilespmem:$0x1FEE0];
	_ =	sdelay $0x3  }
0xf8: {  	v11 =	vmul.f32 v12, v11  }
0xf9: {  	v12 =	vmul.f32 v14, v13;
	v14 =	vmul.f32 v16, v15  }
0xfa: {  	v15 =	vmul.f32 v18, v17;
	v17 =	vmul.f32 v20, v19  }
0xfb: {  	v20 =	vmul.f32 v24, v23;
	v24 =	vmul.f32 v30, v29;
	v30 =	vld [tilespmem:$0x1FF40]  }
0xfc: {  	v18 =	vmul.f32 v22, v21;
	[tilespmem:$0x1FB10] =	vst v59;
	v59 =	vld.idx.msk [tilespmem:v54+s12+$0x0], $0xffff  }
0xfd: {  	v41 =	vmul.f32 v42, v41;
	v54 =	vld.idx.msk [tilespmem:v54+s9+$0x0], $0xffff  }
0xfe: {  	v42 =	vmul.f32 v44, v43;
	v43 =	vadd.f32 v17, v15;
	v18 =	vadd.f32 v20, v18;
	v44 =	vld [tilespmem:$0x1FF60]  }
0xff: {  	v40 =	vmul.f32 v40, v39;
	v39 =	vld [tilespmem:$0x1FF70]  }
0x100: {  	v12 =	vadd.f32 v14, v12;
	v14 =	vadd.f32 v18, v43;
	v43 =	vld [tilespmem:$0x1F940]  }
0x101: {  	v7 =	vmul.f32 v7, v63;
	v63 =	vld [tilespmem:$0x1FFA0]  }
0x102: {  	[tilespmem:$0x1FB40] =	vst v54;
	v54 =	vld [tilespmem:$0x1FEF0]  }
0x103: {  	v21 =	vmul.f32 v26, v25;
	v25 =	vld.idx.msk [tilespmem:v30+s12+$0x0], $0xffff  }
0x104: {  	v23 =	vmul.f32 v28, v27;
	v28 =	vld.idx.msk [tilespmem:v30+s9+$0x0], $0xffff  }
0x105: {  	v30 =	vmul.f32 v38, v37;
	v38 =	vld [tilespmem:$0x1FF50]  }
0x106: {  	v15 =	vld.idx.msk [tilespmem:v44+s12+$0x0], $0xffff  }
0x107: {  	v29 =	vmul.f32 v36, v35;
	v36 =	vadd.f32 v23, v21;
	v21 =	vld.idx.msk [tilespmem:v44+s9+$0x0], $0xffff  }
0x108: {  	v26 =	vmul.f32 v32, v31;
	v32 =	vld.idx.msk [tilespmem:v39+s9+$0x0], $0xffff  }
0x109: {  	v44 =	vld [tilespmem:$0x1F950]  }
0x10a: {  	[tilespmem:$0x1FB30] =	vst v59;
	v59 =	vld.idx.msk [tilespmem:v54+s12+$0x0], $0xffff  }
0x10b: {  	v54 =	vld.idx.msk [tilespmem:v54+s9+$0x0], $0xffff  }
0x10c: {  	v37 =	vmul.f32 v48, v47;
	v47 =	vld [tilespmem:$0x1F980]  }
0x10d: {  	v48 =	vld [tilespmem:$0x1FF90]  }
0x10e: {  	v40 =	vadd.f32 v40, v30;
	v30 =	vadd.f32 v42, v41;
	v41 =	vld [tilespmem:$0x1FF80]  }
0x10f: {  	v42 =	vld [tilespmem:$0x1F930]  }
0x110: {  	[tilespmem:$0x1FB60] =	vst v54;
	v54 =	vld [tilespmem:$0x1FF00]  }
0x111: {  	v23 =	vmul.f32 v52, v44;
	v52 =	vld [tilespmem:$0x1F990]  }
0x112: {  	v27 =	vmul.f32 v34, v33;
	v34 =	vmul.f32 v56, v47;
	v56 =	vld [tilespmem:$0x1F9A0]  }
0x113: {  	v44 =	vld [tilespmem:$0x1F9F0]  }
0x114: {  	v47 =	vld [tilespmem:$0x1FFB0]  }
0x115: {  	[tilespmem:$0x1FAF0] =	vst v0;
	v0 =	vld [tilespmem:$0x1FF10]  }
0x116: {  	v18 =	vmul.f32 v43, v42;
	v42 =	vld [tilespmem:$0x1F9D0]  }
0x117: {  	v43 =	vld [tilespmem:$0x1F9E0]  }
0x118: {  	v9 =	vmul.f32 v10, v9;
	[tilespmem:$0x1FB50] =	vst v59;
	v59 =	vld.idx.msk [tilespmem:v54+s12+$0x0], $0xffff  }
0x119: {  	v31 =	vld.idx.msk [tilespmem:v38+s12+$0x0], $0xffff  }
0x11a: {  	v9 =	vadd.f32 v11, v9;
	v11 =	vld.idx.msk [tilespmem:v38+s9+$0x0], $0xffff  }
0x11b: {  	v38 =	vadd.f32 v29, v27;
	v27 =	vld.idx.msk [tilespmem:v39+s12+$0x0], $0xffff  }
0x11c: {  	v35 =	vld.idx.msk [tilespmem:v48+s12+$0x0], $0xffff  }
0x11d: {  	[tilespmem:$0x1FB70] =	vst v59;
	v59 =	vld.idx.msk [tilespmem:v0+s12+$0x0], $0xffff  }
0x11e: {  	v9 =	vadd.f32 v12, v9;
	v12 =	vld.idx.msk [tilespmem:v41+s12+$0x0], $0xffff  }
0x11f: {  	v33 =	vld.idx.msk [tilespmem:v41+s9+$0x0], $0xffff  }
0x120: {  	v24 =	vadd.f32 v26, v24;
	v26 =	vadd.f32 v40, v38;
	v38 =	vld.idx.msk [tilespmem:v63+s12+$0x0], $0xffff  }
0x121: {  	v29 =	vmul.f32 v56, v52;
	v52 =	vld [tilespmem:$0x1FA40]  }
0x122: {  	[tilespmem:$0x1FB80] =	vst v59;
	v59 =	vld [tilespmem:$0x1FF20]  }
0x123: {  	v40 =	vld.idx.msk [tilespmem:v63+s9+$0x0], $0xffff  }
0x124: {  	v20 =	vadd.f32 v24, v36;
	v39 =	vmul.f32 v50, v44;
	v50 =	vld [tilespmem:$0x1FA30]  }
0x125: {  	v56 =	vld [tilespmem:$0x1FA60]  }
0x126: {  	v20 =	vadd.f32 v26, v20;
	v26 =	vmul.f32 v43, v42;
	v43 =	vmul.f32 v55, v52;
	v55 =	vld [tilespmem:$0x1FFC0]  }
0x127: {  	v63 =	vld [tilespmem:$0x1FA80]  }
0x128: {  	v42 =	vld.idx.msk [tilespmem:v47+s12+$0x0], $0xffff  }
0x129: {  	v44 =	vld.idx.msk [tilespmem:v47+s9+$0x0], $0xffff  }
0x12a: {  	v13 =	vld.idx.msk [tilespmem:v59+s12+$0x0], $0xffff  }
0x12b: {  	v16 =	vld.idx.msk [tilespmem:v59+s9+$0x0], $0xffff  }
0x12c: {  	v59 =	vld [tilespmem:$0x1FF30]  }
0x12d: {  	v47 =	vld [tilespmem:$0x1FA90]  }
0x12e: {  	v4 =	vmul.f32 v4, v6;
	v6 =	vld.idx.msk [tilespmem:v55+s12+$0x0], $0xffff  }
0x12f: {  	v2 =	vmul.f32 v2, v49;
	v49 =	vld [tilespmem:$0x1FAB0]  }
0x130: {  	v3 =	vmul.f32 v3, v51;
	v51 =	vld [tilespmem:$0x1FAD0]  }
0x131: {  	v52 =	vld [tilespmem:$0x1FAE0]  }
0x132: {  	v10 =	vld.idx.msk [tilespmem:v0+s9+$0x0], $0xffff  }
0x133: {  	v8 =	vmul.f32 v8, v56;
	v56 =	vld [tilespmem:$0x1FB10]  }
0x134: {  	v19 =	vld.idx.msk [tilespmem:v59+s12+$0x0], $0xffff  }
0x135: {  	v22 =	vld.idx.msk [tilespmem:v59+s9+$0x0], $0xffff  }
0x136: {  	v59 =	vmul.f32 v46, v45;
	v45 =	vld [tilespmem:$0x1F960]  }
0x137: {  	v46 =	vld [tilespmem:$0x1F970]  }
0x138: {  	v54 =	vld.idx.msk [tilespmem:v54+s9+$0x0], $0xffff  }
0x139: {  	v17 =	vadd.f32 v37, v59;
	v59 =	vld [tilespmem:$0x1F9B0]  }
0x13a: {  	v9 =	vadd.f32 v14, v9;
	v37 =	vld.idx.msk [tilespmem:v48+s9+$0x0], $0xffff  }
0x13b: {  	v48 =	vld [tilespmem:$0x1FA20]  }
0x13c: {  	v9 =	vadd.f32 v20, v9;
	v17 =	vadd.f32 v17, v30;
	v24 =	vmul.f32 v46, v45;
	v45 =	vld [tilespmem:$0x1FA00]  }
0x13d: {  	v46 =	vld [tilespmem:$0x1FA10]  }
0x13e: {  	v9 =	vadd.f32 v17, v9;
	v17 =	vld.idx.msk [tilespmem:v55+s9+$0x0], $0xffff  }
0x13f: {  	v55 =	vld [tilespmem:$0x1FB00]  }
0x140: {  	v36 =	vmul.f32 v60, v59;
	v60 =	vld [tilespmem:$0x1F9C0]  }
0x141: {  	v18 =	vadd.f32 v23, v18;
	v20 =	vmul.f32 v50, v48;
	v59 =	vadd.f32 v34, v24;
	v48 =	vld [tilespmem:$0x1FAA0]  }
0x142: {  	v50 =	vld [tilespmem:$0x1FAC0]  }
0x143: {  	v18 =	vadd.f32 v59, v18;
	v59 =	vld [tilespmem:$0x1FB30]  }
0x144: {  	v41 =	vmul.f32 v53, v46;
	v53 =	vld [tilespmem:$0x1FA50]  }
0x145: {  	v30 =	vmul.f32 v61, v45;
	v45 =	vld [tilespmem:$0x1FFE0]  }
0x146: {  	v1 =	vmul.f32 v1, v47;
	v61 =	vadd.s32 $0x3C8, v57;
	v46 =	vld [tilespmem:$0x1FFF0]  }
0x147: {  	v47 =	vadd.s32 $0x3CB, v57;
	v0 =	vmul.f32 v58, v55;
	v58 =	vld [tilespmem:$0x1FB20];
	v62 =	vmul.f32 v62, v60  }
0x148: {  	v55 =	vadd.s32 $0x3CD, v57;
	v60 =	vld [tilespmem:$0x1FFD0]  }
0x149: {  	v26 =	vadd.f32 v39, v26;
	v7 =	vadd.f32 v7, v62;
	v62 =	vld [tilespmem:$0x1FA70]  }
0x14a: {  	v30 =	vadd.f32 v41, v30;
	v41 =	vadd.s32 $0x3C9, v57;
	v5 =	vmul.f32 v5, v53;
	v53 =	vld [tilespmem:$0x1FAF0]  }
0x14b: {  	v13 =	vmul.f32 v16, v13;
	v19 =	vmul.f32 v22, v19;
	v34 =	vld.idx.msk [tilespmem:v61+s9+$0x0], $0xffff  }
0x14c: {  	v26 =	vadd.f32 v30, v26;
	v30 =	vmul.f32 v58, v56;
	v58 =	vmul.f32 v21, v15;
	v15 =	vld.idx.msk [tilespmem:v47+s12+$0x0], $0xffff  }
0x14d: {  	v13 =	vadd.f32 v19, v13;
	v29 =	vadd.f32 v36, v29;
	v19 =	vld.idx.msk [tilespmem:v55+s12+$0x0], $0xffff  }
0x14e: {  	v56 =	vmul.f32 v11, v31;
	v31 =	vld [tilespmem:$0x1FB90]  }
0x14f: {  	v7 =	vadd.f32 v7, v29;
	v29 =	vmul.f32 v49, v48;
	v49 =	vld.idx.msk [tilespmem:v41+s12+$0x0], $0xffff  }
0x150: {  	v41 =	vld.idx.msk [tilespmem:v41+s9+$0x0], $0xffff  }
0x151: {  	v39 =	vld.idx.msk [tilespmem:v45+s12+$0x0], $0xffff  }
0x152: {  	v4 =	vadd.f32 v4, v5;
	v5 =	vld.idx.msk [tilespmem:v45+s9+$0x0], $0xffff  }
0x153: {  	v2 =	vadd.f32 v2, v8;
	v8 =	vld.idx.msk [tilespmem:v46+s12+$0x0], $0xffff  }
0x154: {  	v23 =	vld.idx.msk [tilespmem:v46+s9+$0x0], $0xffff  }
0x155: {  	v45 =	vld.idx.msk [tilespmem:v61+s12+$0x0], $0xffff  }
0x156: {  	v61 =	vld [tilespmem:$0x1FB50]  }
0x157: {  	v20 =	vadd.f32 v43, v20;
	v36 =	vmul.f32 v63, v62;
	v62 =	vld [tilespmem:$0x1FB60]  }
0x158: {  	v63 =	vld [tilespmem:$0x1FB70]  }
0x159: {  	v4 =	vadd.f32 v4, v20;
	v20 =	vld.idx.msk [tilespmem:v55+s9+$0x0], $0xffff  }
0x15a: {  	v24 =	vld.idx.msk [tilespmem:v60+s12+$0x0], $0xffff  }
0x15b: {  	v14 =	vld.idx.msk [tilespmem:v60+s9+$0x0], $0xffff  }
0x15c: {  	v60 =	vld [tilespmem:$0x1FB40]  }
0x15d: {  	v46 =	vmul.f32 v53, v52;
	v53 =	vld [tilespmem:$0x1FB80]  }
0x15e: {  	v43 =	vmul.f32 v51, v50;
	v5 =	vmul.f32 v5, v39;
	v39 =	vld [tilespmem:$0x1FBE0]  }
0x15f: {  	v52 =	vadd.s32 $0x3CC, v57;
	v50 =	vmul.f32 v62, v61;
	v61 =	vmul.f32 v37, v35;
	v35 =	vld [tilespmem:$0x1FBA0]  }
0x160: {  	v3 =	vadd.f32 v36, v3;
	v37 =	vld [tilespmem:$0x1FBC0]  }
0x161: {  	v36 =	vadd.s32 $0x3CA, v57;
	v62 =	vadd.f32 v46, v43;
	v46 =	vmul.f32 v40, v38;
	v38 =	vld [tilespmem:$0x1FBD0]  }
0x162: {  	v40 =	vld [tilespmem:$0x1FBF0]  }
0x163: {  	v48 =	vmul.f32 v60, v59;
	v59 =	vmul.f32 v32, v27;
	v27 =	vld.idx.msk [tilespmem:v47+s9+$0x0], $0xffff  }
0x164: {  	v32 =	vld.idx.msk [tilespmem:v52+s12+$0x0], $0xffff  }
0x165: {  	v12 =	vmul.f32 v33, v12;
	v9 =	vadd.f32 $0.0e+00, v9;
	v43 =	vadd.s32 $0x3CF, v57;
	v33 =	vld.idx.msk [tilespmem:v52+s9+$0x0], $0xffff  }
0x166: {  	v1 =	vadd.f32 v29, v1;
	v0 =	vadd.f32 v30, v0;
	v16 =	vld.idx.msk [tilespmem:v36+s12+$0x0], $0xffff  }
0x167: {  	v7 =	vadd.f32 v7, v18;
	v4 =	vadd.f32 v4, v26;
	v60 =	vadd.s32 $0x3CE, v57;
	v22 =	vld.idx.msk [tilespmem:v36+s9+$0x0], $0xffff  }
0x168: {  	v2 =	vadd.f32 v3, v2;
	v51 =	vmul.f32 v54, v63;
	v54 =	vmul.f32 v28, v25;
	v36 =	vld [tilespmem:$0x1FBB0]  }
0x169: {  	v47 =	vadd.s32 $0x3D0, v57;
	v63 =	vadd.f32 v50, v48;
	v48 =	vmul.f32 v44, v42;
	v42 =	vld [tilespmem:$0x1FC00]  }
0x16a: {  	v8 =	vmul.f32 v23, v8;
	v4 =	vadd.f32 v4, v7;
	v10 =	vmul.f32 v10, v53;
	v53 =	vld.idx.msk [tilespmem:v43+s12+$0x0], $0xffff  }
0x16b: {  	v52 =	vadd.s32 $0x3D1, v57;
	v3 =	vadd.f32 v56, v54;
	v1 =	vadd.f32 v62, v1;
	v55 =	vld.idx.msk [tilespmem:v43+s9+$0x0], $0xffff  }
0x16c: {  	v19 =	vmul.f32 v20, v19;
	v10 =	vadd.f32 v10, v51;
	v11 =	vadd.f32 v59, v58;
	v50 =	vld.idx.msk [tilespmem:v60+s12+$0x0], $0xffff  }
0x16d: {  	v12 =	vadd.f32 v61, v12;
	v56 =	vadd.s32 $0x3D2, v57;
	v0 =	vadd.f32 v63, v0;
	v51 =	vld.idx.msk [tilespmem:v60+s9+$0x0], $0xffff  }
0x16e: {  	v59 =	vmul.f32 v17, v6;
	v10 =	vadd.f32 v13, v10;
	v3 =	vadd.f32 v11, v3;
	v58 =	vld.idx.msk [tilespmem:v47+s12+$0x0], $0xffff  }
0x16f: {  	v44 =	vmul.f32 v34, v45;
	v45 =	vmul.f32 v41, v49;
	v25 =	vadd.f32 v48, v46;
	v61 =	vld.idx.msk [tilespmem:v47+s9+$0x0], $0xffff  }
0x170: {  	v63 =	vadd.s32 $0x3D3, v57;
	v62 =	vld.idx.msk [tilespmem:v52+s12+$0x0], $0xffff;
	v0 =	vadd.f32 v0, v1;
	v54 =	vadd.f32 v3, v10  }
0x171: {  	v5 =	vadd.f32 v8, v5;
	v23 =	vmul.f32 v35, v31;
	v60 =	vmul.f32 v14, v24;
	v13 =	vld.idx.msk [tilespmem:v52+s9+$0x0], $0xffff  }
0x172: {  	v15 =	vmul.f32 v27, v15;
	v47 =	vld [tilespmem:$0xF00];
	v12 =	vadd.f32 v25, v12;
	v0 =	vadd.f32 v54, v0  }
0x173: {  	v48 =	vmul.f32 v33, v32;
	v43 =	vld.idx.msk [tilespmem:v56+s12+$0x0], $0xffff;
	v46 =	vmul.f32 v22, v16;
	v1 =	vadd.f32 v60, v59  }
0x174: {  	v52 =	vadd.f32 v45, v44;
	v24 =	vmul.f32 v37, v36;
	v10 =	vld.idx.msk [tilespmem:v56+s9+$0x0], $0xffff;
	v0 =	vadd.f32 v12, v0  }
0x175: {  	v25 =	vmul.f32 v42, v40;
	v7 =	vadd.f32 v15, v46;
	v49 =	vld.idx.msk [tilespmem:v63+s12+$0x0], $0xffff;
	v1 =	vadd.f32 v5, v1  }
0x176: {  	v12 =	vmul.f32 v39, v38;
	v11 =	vmul.f32 v51, v50;
	v50 =	vld.idx.msk [tilespmem:v63+s9+$0x0], $0xffff;
	v0 =	vadd.f32 v0, v9  }
0x177: {  	v3 =	vmul.f32 v55, v53;
	v51 =	vadd.f32 v24, v23;
	v7 =	vadd.f32 v7, v52  }
0x178: {  	v12 =	vadd.f32 v25, v12;
	v0 =	vadd.f32 v47, v0  }
0x179: {  	v14 =	vmul.f32 v61, v58;
	v9 =	vadd.f32 v19, v48;
	v3 =	vadd.f32 v3, v11  }
0x17a: {  	v13 =	vmul.f32 v13, v62;
	v54 =	vadd.f32 v12, v51;
	v0 =	vsub.f32 $0.0e+00, v0  }
0x17b: {  	v10 =	vmul.f32 v10, v43;
	v3 =	vadd.f32 v3, v9;
	v53 =	vmul.f32 v50, v49  }
0x17c: {  	v55 =	vadd.f32 v13, v14;
	v1 =	vadd.f32 v54, v1;
	v0 =	vmul.f32 $1.442695020e+00, v0  }
0x17d: {  	v3 =	vadd.f32 v3, v7;
	v5 =	vadd.f32 v53, v10  }
0x17e: {  	v2 =	vadd.f32 v2, v4;
	(erf) = vpow2.f32 v0  }
0x17f: {  	v1 =	vadd.f32 v3, v1;
	v56 =	vadd.f32 v5, v55  }
0x180: {  	v58 =	vld [tilespmem:$0xF10]  }
0x181: {  	v59 =	vadd.f32 $0.0e+00, v2;
	v0 =	vadd.f32 v56, v1;
	_ =	sdelay $0x1  }
0x182: {  	v0 =	vadd.f32 v0, v59;
	_ =	sdelay $0x1  }
0x183: {  	v0 =	vadd.f32 v0, v58;
	_ =	sdelay $0x1  }
0x184: {  	v0 =	vsub.f32 $0.0e+00, v0;
	v60 =	vpop (erf)  }
0x185: {  	v1 =	vadd.f32 $1.000000000e+00, v60  }
0x186: {  	v0 =	vmul.f32 $1.442695020e+00, v0  }
0x187: {  	(erf) = vrcp.f32 v1  }
0x188: {  	(erf) = vpow2.f32 v0;
	_ =	sdelay $0x7  }
0x189: {  	v61 =	vpop (erf)  }
0x18a: {  	v62 =	vpop (erf)  }
0x18b: {  	v1 =	vadd.f32 $1.000000000e+00, v62;
	_ =	sdelay $0x1  }
0x18c: {  	(erf) = vrcp.f32 v1;
	_ =	sdelay $0x8  }
0x18d: {  	p0 =	sne.s32 s7, $0x1;
	[tilespmem:$0xF20] =	vst v61;
	v63 =	vpop (erf)  }
.Ltmp0:
0x18e: {  	[tilespmem:$0xF30] =	vst v63;
	(pc) =	sbr.rel @p0 .LBB2_1-.Ltmp0, $4  }
0x18f: {  	[hbm4b:s6+s2] =	stream.linear.scatter [tilespmem:s1], [sflag:$0x2], $0x20, $0x38;
	[tilespmem:$0xF40] =	vst v63  }
0x190: {  	_ =	swait.ge [sflag:s8], $0x20  }
0x191: {  	[sflag:s8] =	ssyncset.done $0x0  }
0x192: {  	s7 =	sadd.s32 $0xFFFFFFFF, s7;
	[sflag:s8] =	ssyncadd.s32 $0xFFFFFFE0  }
0x193: {  	_ =	sfence.sel $0x180000  }
0x194: {  	[bflag:$0x0] =	sbarrier.arrive $0xFFFF  }
0x195: {  	_ =	strace $0x9000004D  }
0x196: {  	s0 =	stileid.u32;
	[bflag:$0x2] =	sbarrier.arrive $0xFFFF  }
0x197: {  	p0 =	sne.s32 s0, $0x0;
	s0 =	rddreg [dreg:$0x2]  }
0x198: {  	s0 =	sadd.s32 @!p0 $0x100000, s0  }
0x199: {  	[sflag:s0] =	ssyncadd.tile.s32 @!p0 $0x1;
	_ =	shalt  }
.Lfunc_end2:
_tile_overlayer_lowered:
.L_overlay_start_2:
0x19a: {  	(tag) =	ssettag $0x2  }
0x19b: {  	s0 =	rddreg [dreg:$0x0];
	s2 =	stileid.u32  }
0x19c: {  	s1 =	rddreg [dreg:$0x1];
	p0 =	sne.s32 s2, $0x0  }
0x19d: {  	s3 =	rddreg [dreg:$0x2];
	[bflag:$0x3] =	sbarrier.arrive $0xFFFF;
	s2 =	simm.s32 @!p0 $0x1C02  }
0x19e: {  	[timem:s3], [sflag:s2] =	dma.local @!p0 [hbm:s0], s1  }
0x19f: {  	s0 =	simm.s32 @!p0 $0x2  }
0x1a0: {  	_ =	swait.ge @!p0 [sflag:s0], s1  }
0x1a1: {  	s1 =	ssub.s32 @!p0 $0x0, s1;
	[sflag:s0] =	ssyncset.done @!p0 $0x0  }
0x1a2: {  	[sflag:s0] =	ssyncadd.s32 @!p0 s1  }
0x1a3: {  	[bflag:$0x3] =	sbarrier.arrive $0xFFFF  }
0x1a4: {  	_ =	shalt  }

// kernel: kernel.8.cloned.1.call-start
scs
__scs_entry_jumppad:
0x0: {  	(pc) =	sbr.rel $0x88, $3  }
0x1: {  	(tag) =	ssettag $0x0;
	lr =	simm.s32 $0x1  }
0x2: {  	[smem:$0x3F97] =	sst lr;
	_ =	strace $0xD0000000  }
0x3: {  	_ = 	snop  }
0x4: {  	_ = 	snop  }
0x5: {  	_ = 	snop  }
0x6: {  	_ = 	snop  }
0x7: {  	_ = 	snop  }
__scs_overlays_trampoline_lowered:
0x8: {  	[smem:$0x3FA6] =	sst s0  }
0x9: {  	[smem:$0x3FA7] =	sst s1  }
0xa: {  	[smem:$0x3FA8] =	sst s2  }
0xb: {  	[smem:$0x3FA9] =	sst s3  }
0xc: {  	[smem:$0x3FAA] =	sst s4  }
0xd: {  	[smem:$0x3FAB] =	sst s5  }
0xe: {  	[smem:$0x3FAC] =	sst s6  }
0xf: {  	[smem:$0x3FAD] =	sst s7  }
0x10: {  	[smem:$0x3FAE] =	sst s8  }
0x11: {  	[smem:$0x3FAF] =	sst s9;
	s0 =	simm.s32 @!p0 $0x0  }
0x12: {  	s1 =	sld [smem:$0x3F95];
	s0 =	simm.s32 @p0 $0x1  }
0x13: {  	[smem:$0x3FB0] =	sst s0;
	s0 =	simm.s32 @!p1 $0x0  }
0x14: {  	s2 =	sld [smem:$0x3F94];
	s0 =	simm.s32 @p1 $0x1  }
0x15: {  	[smem:$0x3FB1] =	sst s0;
	s0 =	simm.s32 @!p2 $0x0  }
0x16: {  	s3 =	sld [smem:$0x3FDB];
	s0 =	simm.s32 @p2 $0x1  }
0x17: {  	s4 =	simm.s32 $0x1BF5;
	[smem:$0x3FB3] =	sst s0  }
0x18: {  	s0 =	sld [smem:$0x3F96];
	_ =	swait.ge [sflag:s4], $0x0  }
0x19: {  	s7 =	sld [smem:$0x3F97]  }
0x1a: {  	s8 =	sadd.s32 $0xFFFFE003, lr  }
0x1b: {  	s9 =	sadd.s32 $0xFFFFFEF7, lr;
	s5 =	simm.s32 $0xFFFFFFFF;
	p2 =	slt.u32 s8, $0xFFFFF086  }
0x1c: {  	p1 =	slt.u32 s9, $0xF7A;
	s5 =	simm.s32 @!p2 $0x0  }
0x1d: {  	s5 =	simm.s32 @p1 $0x1;
	p0 =	seq.s32 s7, s2  }
0x1e: {  	s7 =	smul.u32 @!p0 $0xF7A, s2;
	p2 =	seq.s32 @!p0 s5, $0x0  }
0x1f: {  	s9 =	smul.u32 $0xF7A, s1;
	s8 =	simm.s32 @!p0 $0x1BF5;
	p2 =	por !p2, p0  }
0x20: {  	[sflag:s8] =	ssyncset.s32 @!p0 $0xFFFFF086;
	s6 =	sadd.s32 @!p0 s3, s7;
	s7 =	simm.s32 @!p0 $0x108  }
0x21: {  	s3 =	sadd.s32 s3, s9;
	s6 =	sadd.s32 @!p0 $0x88, s6;
	s7 =	simm.s32 @p2 $0x1082  }
0x22: {  	[simem:s7], [sflag:s8] =	dma.local @!p0 [hbm:s6], $0xF7A  }
0x23: {  	s9 =	sor.u32 $0xD0000000, s2;
	s6 =	simm.s32 $0x108;
	_ =	swait.ge @!p0 [sflag:s8], $0x0  }
0x24: {  	s3 =	sadd.s32 $0x88, s3;
	s6 =	simm.s32 @!p1 $0x1082;
	[sflag:s4] =	ssyncset.s32 $0xFFFFF086  }
0x25: {  	[simem:s6], [sflag:s4] =	dma.local [hbm:s3], $0xF7A  }
0x26: {  	[smem:$0x3F97] =	sst s1;
	(tag) =	ssettag s2;
	_ =	strace s9  }
0x27: {  	s1 =	sld [smem:$0x3FA7]  }
0x28: {  	s2 =	sld [smem:$0x3FA8]  }
0x29: {  	s4 =	sld [smem:$0x3FAA]  }
0x2a: {  	p0 =	seq.s32 s5, $0x0;
	s5 =	sld [smem:$0x3FAB]  }
0x2b: {  	s6 =	sld [smem:$0x3FAC]  }
0x2c: {  	s7 =	sld [smem:$0x3FAD]  }
0x2d: {  	s3 =	simm.s32 $0x108;
	s8 =	sld [smem:$0x3FAE]  }
0x2e: {  	s3 =	simm.s32 @!p0 $0x1082;
	s9 =	sld [smem:$0x3FAF]  }
0x2f: {  	lr =	sadd.s32 s0, s3;
	s0 =	sld [smem:$0x3FA6]  }
0x30: {  	s3 =	sld [smem:$0x3FA9]  }
0x31: {  	[smem:$0x3FB2] =	sst s10  }
0x32: {  	s10 =	sld [smem:$0x3FB0];
	_ =	sdelay $0x3  }
0x33: {  	p0 =	seq.s32 s10, $0x1;
	s10 =	sld [smem:$0x3FB2];
	_ =	sdelay $0x3  }
0x34: {  	[smem:$0x3FB2] =	sst s10  }
0x35: {  	s10 =	sld [smem:$0x3FB1];
	_ =	sdelay $0x3  }
0x36: {  	p1 =	seq.s32 s10, $0x1;
	s10 =	sld [smem:$0x3FB2];
	_ =	sdelay $0x3  }
0x37: {  	[smem:$0x3FB2] =	sst s10  }
0x38: {  	s10 =	sld [smem:$0x3FB3]  }
0x39: {  	_ = 	snop;
	(pc) =	sbr.ind lr, $3  }
0x3a: {  	_ = 	snop  }
0x3b: {  	_ = 	snop  }
0x3c: {  	p2 =	seq.s32 s10, $0x1;
	s10 =	sld [smem:$0x3FB2]  }
0x3d: {  	_ =	shalt  }
0x3e: {  	_ =	shalt  }
0x3f: {  	_ =	shalt  }
0x40: {  	_ =	shalt  }
0x41: {  	_ =	shalt  }
0x42: {  	_ =	shalt  }
0x43: {  	_ =	shalt  }
0x44: {  	_ =	shalt  }
0x45: {  	_ =	shalt  }
0x46: {  	_ =	shalt  }
0x47: {  	_ =	shalt  }
0x48: {  	_ =	shalt  }
0x49: {  	_ =	shalt  }
0x4a: {  	_ =	shalt  }
0x4b: {  	_ =	shalt  }
0x4c: {  	_ =	shalt  }
0x4d: {  	_ =	shalt  }
0x4e: {  	_ =	shalt  }
0x4f: {  	_ =	shalt  }
0x50: {  	_ =	shalt  }
0x51: {  	_ =	shalt  }
0x52: {  	_ =	shalt  }
0x53: {  	_ =	shalt  }
0x54: {  	_ =	shalt  }
0x55: {  	_ =	shalt  }
0x56: {  	_ =	shalt  }
0x57: {  	_ =	shalt  }
0x58: {  	_ =	shalt  }
0x59: {  	_ =	shalt  }
0x5a: {  	_ =	shalt  }
0x5b: {  	_ =	shalt  }
0x5c: {  	_ =	shalt  }
0x5d: {  	_ =	shalt  }
0x5e: {  	_ =	shalt  }
0x5f: {  	_ =	shalt  }
0x60: {  	_ =	shalt  }
0x61: {  	_ =	shalt  }
0x62: {  	_ =	shalt  }
0x63: {  	_ =	shalt  }
0x64: {  	_ =	shalt  }
0x65: {  	_ =	shalt  }
0x66: {  	_ =	shalt  }
0x67: {  	_ =	shalt  }
0x68: {  	_ =	shalt  }
0x69: {  	_ =	shalt  }
0x6a: {  	_ =	shalt  }
0x6b: {  	_ =	shalt  }
0x6c: {  	_ =	shalt  }
0x6d: {  	_ =	shalt  }
0x6e: {  	_ =	shalt  }
0x6f: {  	_ =	shalt  }
0x70: {  	_ =	shalt  }
0x71: {  	_ =	shalt  }
0x72: {  	_ =	shalt  }
0x73: {  	_ =	shalt  }
0x74: {  	_ =	shalt  }
0x75: {  	_ =	shalt  }
0x76: {  	_ =	shalt  }
0x77: {  	_ =	shalt  }
0x78: {  	_ =	shalt  }
0x79: {  	_ =	shalt  }
0x7a: {  	_ =	shalt  }
0x7b: {  	_ =	shalt  }
0x7c: {  	_ =	shalt  }
0x7d: {  	_ =	shalt  }
0x7e: {  	_ =	shalt  }
0x7f: {  	_ =	shalt  }
0x80: {  	_ =	shalt  }
0x81: {  	_ =	shalt  }
0x82: {  	_ =	shalt  }
0x83: {  	_ =	shalt  }
0x84: {  	_ =	shalt  }
0x85: {  	_ =	shalt  }
0x86: {  	_ =	shalt  }
0x87: {  	_ =	shalt  }
.Lfunc_end0:
.L_simem_size_0:
called_computation_lowered:
.L_overlay_start_0:
0x88: {  	s2 =	sld [smem:$0x3FD9]  }
0x89: {  	s3 =	sld [smem:$0x3FFE];
	_ =	sdelay $0x1  }
0x8a: {  	s1 =	srdreg.scid  }
0x8b: {  	s0 =	sand.u32 $0x1, s1  }
0x8c: {  	s17 =	sshll.u32 s0, $0xA;
	s2 =	sadd.s32 s3, s2  }
0x8d: {  	s2 =	sadd.s32 s2, s17  }
0x8e: {  	[smem:$0x3FBE] =	sst s2  }
0x8f: {  	_ = 	snop  }
0x90: {  	s2 =	sld [smem:$0x3FD0];
	(tm) =	ssettm $0x1  }
0x91: {  	s18 =	sld [smem:$0x3FFB];
	_ =	sdelay $0x3  }
0x92: {  	_ =	strace s18  }
0x93: {  	s3 =	sld [smem:$0x3FFC];
	_ =	sdelay $0x3  }
0x94: {  	_ =	strace s3  }
0x95: {  	s3 =	sld [smem:$0x3FFD];
	_ =	sdelay $0x3  }
0x96: {  	_ =	strace s3  }
0x97: {  	_ =	strace $0x8FFFFFFF  }
0x98: {  	s19 =	sld [smem:$0x3FDB];
	_ =	sdelay $0x1  }
0x99: {  	s4 =	simm.s32 $_scs_section_size  }
0x9a: {  	s5 =	simm.s32 $_size__tile_overlayer_lowered;
	s6 =	simm.s32 $_tile_overlayer_lowered  }
0x9b: {  	s22 =	simm.s32 $0x1BFF;
	s21 =	sshll.u32 s6, $0x1;
	s3 =	sadd.s32 s4, s19  }
0x9c: {  	s7 =	simm.s32 $0x0;
	s20 =	sshll.u32 s5, $0x1;
	s5 =	sadd.s32 s21, s3  }
0x9d: {  	[timem:s7], [sflag:s22] =	dma.local [hbm:s5], s20  }
0x9e: {  	_ =	swait.ge [sflag:s22], s20  }
0x9f: {  	s4 =	ssub.s32 $0x0, s20;
	[sflag:s22] =	ssyncset.done $0x0  }
0xa0: {  	[sflag:s22] =	ssyncadd.s32 s4;
	_ =	sdelay $0x1  }
0xa1: {  	s23 =	simm.s32 $0x1B8B  }
0xa2: {  	_ =	swait.ge [sflag:s23], $0x1  }
0xa3: {  	[sflag:s23] =	ssyncset.done $0x0  }
0xa4: {  	s25 =	simm.s32 $0x1B8E;
	s24 =	sld [smem:$0x3FFE];
	[sflag:s23] =	ssyncadd.s32 $0xFFFFFFFF  }
0xa5: {  	s26 =	simm.s32 $execute0_lowered;
	[smem:$0x3FD2] =	sst s25  }
0xa6: {  	s5 =	sshll.u32 s26, $0x1;
	_ =	strace $0x80000046;
	[dreg:$0x1] =	wrdreg $0xFFFFFFFF  }
0xa7: {  	s28 =	simm.s32 $_size_execute0_lowered;
	s3 =	sadd.s32 s3, s5;
	[dreg:$0x0] =	wrdreg $0x0  }
0xa8: {  	s5 =	sshll.u32 s28, $0x1;
	[dreg:$0x2] =	wrdreg s3  }
0xa9: {  	[dreg:$0x3] =	wrdreg s5  }
0xaa: {  	[dreg:$0x4] =	wrdreg $0xC0  }
0xab: {  	_ =	task [dreg:s7], $0x5FFFF  }
0xac: {  	[dreg:$0x1] =	wrdreg $0xFFFFFFFF  }
0xad: {  	[dreg:$0x0] =	wrdreg $0x60  }
0xae: {  	[dreg:$0x2] =	wrdreg s24  }
0xaf: {  	[dreg:$0x3] =	wrdreg s2  }
0xb0: {  	[dreg:$0x4] =	wrdreg $0x9  }
0xb1: {  	_ =	task.clear_ibuf [dreg:s7], $0x5FFFF;
	_ =	strace $0x90000046  }
0xb2: {  	s29 =	simm.s32 $0x9;
	_ =	strace $0x80000048  }
0xb3: {  	_ =	swait.ge [sflag:s29], $0x1  }
0xb4: {  	[sflag:s29] =	ssyncadd.s32 $0xFFFFFFFF  }
0xb5: {  	_ =	strace $0x90000048  }
0xb6: {  	_ =	sfence  }
0xb7: {  	s30 =	sld [smem:$0x0];
	_ =	sdelay $0x2  }
0xb8: {  	s31 =	sshll.u32 s1, $0xD;
	s1 =	sshrl.u32 s1, $0x2  }
0xb9: {  	s3 =	sand.u32 $0x4000, s31;
	s1 =	sadd.s32 s1, s30  }
0xba: {  	s0 =	sor.u32 s3, s0;
	s1 =	sshll.u32 s1, $0x11  }
0xbb: {  	s0 =	sor.u32 s1, s0  }
0xbc: {  	s0 =	sadd.s32 $0x8F2B, s0  }
0xbd: {  	[sflag:s0] =	ssyncadd.remote.s32 $0x1  }
0xbe: {  	_ =	sfence.sel $0xFFFF  }
0xbf: {  	[dreg:$0x0] =	wrdreg $0xFFFFFFFF;
	(pc) =	sbr.abs _section_cstart, $3  }
0xc0: {  	[dreg:$0x1] =	wrdreg $0xFFFFFFFF  }
0xc1: {  	_ =	task.clear_ibuf [dreg:s7], $0x2FFFF;
	_ =	strace $0x9FFFFFFF  }
0xc2: {  	(tm) =	ssettm $0x7FFFFFFF  }
0xc3: {  	_ =	shalt  }
tec
execute0_lowered:
.L_overlay_start_1:
0x0: {  	(tag) =	ssettag $0x1  }
0x1: {  	v0 =	vimm.s32 $0xFEDCBA98  }
0x2: {  	v1 =	vimm.s32 $0x76543210;
	v2 =	vimm.s32 $0xBA98FEDC;
	v3 =	vimm.s32 $0x32107654  }
0x3: {  	v4 =	vimm.s32 $0xDCFE98BA;
	v5 =	vimm.s32 $0x54761032;
	v6 =	vimm.s32 $0xEFCDAB89  }
0x4: {  	v7 =	vimm.s32 $0x67452301;
	vm0 =	vcmask $0xB00;
	vm1 =	vcmask $0x270C  }
0x5: {  	v46 =	vimm.s32 $0x3C281400;
	v47 =	vimm.s32 $0xC786450;
	v48 =	vimm.s32 $0x5D493521  }
0x6: {  	v49 =	vimm.s32 $0x2D190571;
	v60 =	vimm.s32 $0x614D3925;
	v62 =	vimm.s32 $0x311D0975  }
0x7: {  	v34 =	vimm.s32 $0x422E1A06;
	v35 =	vimm.s32 $0x127E6A56;
	v37 =	vimm.s32 $0x331F0B77  }
0x8: {  	v39 =	vimm.s32 $0x432F1B07;
	v40 =	vimm.s32 $0x137F6B57;
	v15 =	vimm.s32 $0x64503C28  }
0x9: {  	v16 =	vimm.s32 $0x34200C78;
	v17 =	vimm.s32 $0x44301C08;
	v18 =	vimm.s32 $0x14006C58  }
0xa: {  	v42 =	vimm.s32 $0x35210D79;
	v44 =	vimm.s32 $0x45311D09;
	v0 =	vunpack.c.l.s4.s8 v0  }
0xb: {  	v1 =	vunpack.c.l.s4.s8 v1;
	v2 =	vunpack.c.l.s4.s8 v2;
	v3 =	vunpack.c.l.s4.s8 v3  }
0xc: {  	v4 =	vunpack.c.l.s4.s8 v4;
	v5 =	vunpack.c.l.s4.s8 v5;
	v6 =	vunpack.c.l.s4.s8 v6  }
0xd: {  	v7 =	vunpack.c.l.s4.s8 v7;
	v10 =	vunpack.c.0.s8.s32 v47;
	v11 =	vunpack.c.0.s8.s32 v48  }
0xe: {  	v12 =	vunpack.c.0.s8.s32 v49;
	v36 =	vunpack.c.0.s8.s32 v35;
	v38 =	vunpack.c.0.s8.s32 v37  }
0xf: {  	v15 =	vunpack.c.0.s8.s32 v15;
	v16 =	vunpack.c.0.s8.s32 v16;
	v17 =	vunpack.c.0.s8.s32 v17  }
0x10: {  	v18 =	vunpack.c.0.s8.s32 v18;
	v47 =	vimm.s32 $0x67533F2B;
	v48 =	vimm.s32 $0x37230F7B  }
0x11: {  	v49 =	vimm.s32 $0x47331F0B;
	v35 =	vimm.s32 $0x1A06725E;
	v0 =	vunpack.c.0.s8.s32 v0  }
0x12: {  	v1 =	vunpack.c.0.s8.s32 v1;
	v2 =	vunpack.c.0.s8.s32 v2;
	v3 =	vunpack.c.0.s8.s32 v3  }
0x13: {  	v4 =	vunpack.c.0.s8.s32 v4;
	v5 =	vunpack.c.0.s8.s32 v5;
	v0 =	vand.u32 $0xF, v0  }
0x14: {  	v6 =	vunpack.c.0.s8.s32 v6;
	v7 =	vunpack.c.0.s8.s32 v7;
	v0 =	vcombine.low v0, v1  }
0x15: {  	v1 =	vcombine.low v3, v2;
	v2 =	vcombine.low v5, v4;
	v4 =	vimm.s32 $0x200  }
0x16: {  	v3 =	vcombine.low v7, v6;
	v5 =	vsel vm0, $0x100, v4;
	vm0 =	vcmask $0x230C  }
0x17: {  	v55 =	vsel vm0, $0x180, v5;
	v56 =	vsel vm1, $0x180, v5;
	vm0 =	vcmask $0xF00  }
0x18: {  	v5 =	vimm.s32 $0x100;
	v4 =	vsel vm0, $0x100, v4;
	vm0 =	vcmask $0x1700  }
0x19: {  	vm1 =	vcmask $0x2710;
	v45 =	vsel vm0, $0x0, v5;
	vm0 =	vcmask $0x2F18  }
0x1a: {  	v57 =	vsel vm1, $0x180, v4;
	vm1 =	vcmask $0x1B00;
	v4 =	vimm.s32 $0x5C483420  }
0x1b: {  	v58 =	vsel vm0, $0x80, v45;
	vm0 =	vcmask $0x3318;
	v8 =	vunpack.c.0.s8.s32 v4  }
0x1c: {  	v4 =	vimm.s32 $0x2C180470;
	v6 =	vsel vm1, $0x0, v5;
	vm1 =	vcmask $0x331C  }
0x1d: {  	v61 =	vsel vm0, $0x80, v45;
	v9 =	vunpack.c.0.s8.s32 v4;
	v4 =	vunpack.c.0.s8.s32 v46  }
0x1e: {  	[tilespmem:$0x1FC60] =	vst v12;
	vm0 =	vcmask $0x1F10;
	v45 =	vimm.s32 $0x15016D59;
	v24 =	vsel vm1, $0x80, v6  }
0x1f: {  	[tilespmem:$0x1FC20] =	vst v8;
	v51 =	vsel vm0, v12, v11;
	v12 =	vunpack.c.0.s8.s32 v60;
	v5 =	vsel vm0, v9, v8  }
0x20: {  	[tilespmem:$0x1FC30] =	vst v9;
	v50 =	vsel vm0, v10, v4;
	v8 =	vimm.s32 $0xD796551;
	v9 =	vimm.s32 $0x5E4A3622  }
0x21: {  	[tilespmem:$0x1FC40] =	vst v10;
	v63 =	vcombine.low v50, v5;
	v5 =	vimm.s32 $0x3D291501;
	v10 =	vunpack.c.0.s8.s32 v8  }
0x22: {  	[tilespmem:$0x1FC50] =	vst v11;
	v11 =	vunpack.c.0.s8.s32 v9;
	v8 =	vimm.s32 $0x2E1A0672;
	v9 =	vimm.s32 $0xE7A6652  }
0x23: {  	v5 =	vunpack.c.0.s8.s32 v5;
	v52 =	vunpack.c.0.s8.s32 v8;
	v8 =	vimm.s32 $0x3E2A1602  }
0x24: {  	v14 =	vunpack.c.0.s8.s32 v9;
	v9 =	vimm.s32 $0x5F4B3723;
	v13 =	vunpack.c.0.s8.s32 v8  }
0x25: {  	v60 =	vimm.s32 $0x4935210D;
	[tilespmem:$0x1FC70] =	vst v10;
	v9 =	vunpack.c.0.s8.s32 v9;
	v10 =	vsel vm0, v10, v5  }
0x26: {  	[tilespmem:$0x1FC80] =	vst v11;
	v8 =	vsel vm0, v52, v11;
	v11 =	vimm.s32 $0x2F1B0773;
	v53 =	vsel vm0, v14, v13  }
0x27: {  	v11 =	vunpack.c.0.s8.s32 v11;
	v22 =	vcombine.low v10, v51;
	v10 =	vimm.s32 $0x402C1804  }
0x28: {  	[tilespmem:$0x1FCA0] =	vst v13;
	v13 =	vunpack.c.0.s8.s32 v62;
	v62 =	vimm.s32 $0x1905715D;
	v51 =	vcombine.low v53, v8  }
0x29: {  	v8 =	vimm.s32 $0x3F2B1703;
	v10 =	vunpack.c.0.s8.s32 v10;
	v54 =	vsel vm0, v11, v9  }
0x2a: {  	[tilespmem:$0x1FCC0] =	vst v9;
	v9 =	vimm.s32 $0xF7B6753;
	v19 =	vunpack.c.0.s8.s32 v8;
	v8 =	vimm.s32 $0x604C3824  }
0x2b: {  	[tilespmem:$0x1FCD0] =	vst v11;
	v11 =	vimm.s32 $0x107C6854;
	v33 =	vsel vm0, v13, v12;
	v13 =	vunpack.c.0.s8.s32 v39  }
0x2c: {  	v12 =	vunpack.c.0.s8.s32 v42;
	v59 =	vunpack.c.0.s8.s32 v9;
	v9 =	vimm.s32 $0x301C0874  }
0x2d: {  	[tilespmem:$0x1FCB0] =	vst v14;
	v8 =	vunpack.c.0.s8.s32 v8;
	v11 =	vunpack.c.0.s8.s32 v11;
	v9 =	vunpack.c.0.s8.s32 v9  }
0x2e: {  	v39 =	vimm.s32 $0x3B27137F;
	[tilespmem:$0x1FCE0] =	vst v59;
	v14 =	vsel vm0, v59, v19;
	v59 =	vimm.s32 $0x3925117D  }
0x2f: {  	v32 =	vsel vm0, v9, v8;
	v8 =	vsel vm0, v11, v10;
	v9 =	vimm.s32 $0x117D6955  }
0x30: {  	v10 =	vimm.s32 $0x624E3A26;
	v11 =	vimm.s32 $0x321E0A76;
	v53 =	vcombine.low v8, v32  }
0x31: {  	v8 =	vimm.s32 $0x412D1905;
	v10 =	vunpack.c.0.s8.s32 v10;
	v11 =	vunpack.c.0.s8.s32 v11  }
0x32: {  	v27 =	vcombine.low v14, v54;
	v9 =	vunpack.c.0.s8.s32 v9;
	v8 =	vunpack.c.0.s8.s32 v8  }
0x33: {  	v14 =	vunpack.c.0.s8.s32 v40;
	v10 =	vsel vm0, v11, v10;
	v11 =	vimm.s32 $0x634F3B27  }
0x34: {  	v8 =	vsel vm0, v9, v8;
	v9 =	vunpack.c.0.s8.s32 v34;
	v11 =	vunpack.c.0.s8.s32 v11  }
0x35: {  	v34 =	vimm.s32 $0x4A36220E;
	v43 =	vcombine.low v8, v33;
	v8 =	vsel vm0, v14, v13  }
0x36: {  	v13 =	vunpack.c.0.s8.s32 v44;
	v14 =	vunpack.c.0.s8.s32 v45;
	v33 =	vimm.s32 $0x3A26127E  }
0x37: {  	v45 =	vimm.s32 $0x6C5844;
	v9 =	vsel vm0, v36, v9;
	v41 =	vsel vm0, v38, v11  }
0x38: {  	v11 =	vimm.s32 $0x65513D29;
	v20 =	vcombine.low v9, v10;
	v9 =	vsel vm0, v16, v15  }
0x39: {  	v10 =	vsel vm0, v18, v17;
	v11 =	vunpack.c.0.s8.s32 v11;
	v15 =	vimm.s32 $0x66523E2A  }
0x3a: {  	v16 =	vimm.s32 $0x36220E7A;
	v32 =	vcombine.low v8, v41;
	v8 =	vsel vm0, v14, v13  }
0x3b: {  	v13 =	vunpack.c.0.s8.s32 v48;
	v14 =	vunpack.c.0.s8.s32 v62;
	v48 =	vimm.s32 $0x220E7A66  }
0x3c: {  	v15 =	vunpack.c.0.s8.s32 v15;
	v21 =	vcombine.low v10, v9;
	v10 =	vimm.s32 $0x46321E0A  }
0x3d: {  	v16 =	vunpack.c.0.s8.s32 v16;
	v46 =	vsel vm0, v12, v11;
	v10 =	vunpack.c.0.s8.s32 v10  }
0x3e: {  	v11 =	vimm.s32 $0x16026E5A;
	v12 =	vunpack.c.0.s8.s32 v47;
	v47 =	vimm.s32 $0x513D2915  }
0x3f: {  	v9 =	vsel vm0, v16, v15;
	v11 =	vunpack.c.0.s8.s32 v11;
	v15 =	vimm.s32 $0x17036F5B  }
0x40: {  	[tilespmem:$0x1FC90] =	vst v52;
	v50 =	vunpack.c.0.s8.s32 v15;
	v15 =	vcombine.low v8, v46;
	v52 =	vsel vm0, v13, v12  }
0x41: {  	v12 =	vunpack.c.0.s8.s32 v59;
	v13 =	vunpack.c.0.s8.s32 v60;
	v46 =	vimm.s32 $0x503C2814  }
0x42: {  	v59 =	vimm.s32 $0x75614D39;
	v10 =	vsel vm0, v11, v10;
	v11 =	vunpack.c.0.s8.s32 v49  }
0x43: {  	v62 =	vunpack.c.0.s8.s32 v59;
	v16 =	vcombine.low v10, v9;
	v9 =	vimm.s32 $0x6854402C  }
0x44: {  	v10 =	vimm.s32 $0x3824107C;
	v8 =	vsel vm0, v50, v11;
	v54 =	vunpack.c.0.s8.s32 v9  }
0x45: {  	v9 =	vimm.s32 $0x4834200C;
	v11 =	vimm.s32 $0x6955412D;
	v50 =	vimm.s32 $0x533F2B17  }
0x46: {  	v23 =	vcombine.low v8, v52;
	v8 =	vunpack.c.0.s8.s32 v10;
	v10 =	vimm.s32 $0x1804705C  }
0x47: {  	v9 =	vunpack.c.0.s8.s32 v9;
	v11 =	vunpack.c.0.s8.s32 v11;
	v10 =	vunpack.c.0.s8.s32 v10  }
0x48: {  	v52 =	vimm.s32 $0x24107C68;
	v7 =	vsel vm0, v8, v54;
	v54 =	vimm.s32 $0x25117D69  }
0x49: {  	v8 =	vsel vm0, v10, v9;
	v9 =	vimm.s32 $0x6A56422E;
	v10 =	vsel vm0, v12, v11  }
0x4a: {  	v11 =	vsel vm0, v14, v13;
	v12 =	vunpack.c.0.s8.s32 v33;
	v13 =	vunpack.c.0.s8.s32 v34  }
0x4b: {  	v14 =	vunpack.c.0.s8.s32 v35;
	v60 =	vunpack.c.0.s8.s32 v54;
	v9 =	vunpack.c.0.s8.s32 v9  }
0x4c: {  	v26 =	vcombine.low v8, v7;
	v25 =	vcombine.low v11, v10;
	v8 =	vimm.s32 $0x6B57432F  }
0x4d: {  	v7 =	vunpack.c.0.s8.s32 v39;
	v10 =	vimm.s32 $0x6C584430;
	v11 =	vimm.s32 $0x1C087460  }
0x4e: {  	v39 =	vimm.s32 $0x57432F1B;
	v37 =	vsel vm0, v14, v13;
	v38 =	vunpack.c.0.s8.s32 v8  }
0x4f: {  	v8 =	vimm.s32 $0x4B37230F;
	v40 =	vunpack.c.0.s8.s32 v10;
	v10 =	vimm.s32 $0x4C382410  }
0x50: {  	v11 =	vunpack.c.0.s8.s32 v11;
	v14 =	vimm.s32 $0x55412D19;
	v36 =	vsel vm0, v12, v9  }
0x51: {  	v9 =	vimm.s32 $0x1B07735F;
	v8 =	vunpack.c.0.s8.s32 v8;
	v41 =	vunpack.c.0.s8.s32 v10  }
0x52: {  	v10 =	vimm.s32 $0x6D594531;
	v28 =	vcombine.low v37, v36;
	v9 =	vunpack.c.0.s8.s32 v9  }
0x53: {  	v6 =	vsel vm0, v7, v38;
	v4 =	vsel vm0, v4, v40;
	v7 =	vunpack.c.0.s8.s32 v46  }
0x54: {  	[tilespmem:$0x1FCF0] =	vst v40;
	v36 =	vimm.s32 $0x26127E6A;
	v40 =	vimm.s32 $0x2814006C;
	v44 =	vsel vm0, v11, v41  }
0x55: {  	[tilespmem:$0x1FD10] =	vst v11;
	v11 =	vimm.s32 $0x54402C18;
	v42 =	vsel vm0, v9, v8;
	v8 =	vunpack.c.0.s8.s32 v10  }
0x56: {  	v38 =	vcombine.low v44, v4;
	v9 =	vimm.s32 $0x715D4935;
	v10 =	vimm.s32 $0x4D392511  }
0x57: {  	v31 =	vcombine.low v42, v6;
	v6 =	vunpack.c.0.s8.s32 v45;
	v4 =	vsel vm0, v5, v8  }
0x58: {  	v10 =	vunpack.c.0.s8.s32 v10;
	v5 =	vimm.s32 $0x705C4834;
	[tilespmem:$0x1FD30] =	vst v4;
	v4 =	vimm.s32 $0x200C7864  }
0x59: {  	[tilespmem:$0x1FD20] =	vst v8;
	v8 =	vimm.s32 $0x210D7965;
	v5 =	vunpack.c.0.s8.s32 v5;
	v4 =	vunpack.c.0.s8.s32 v4  }
0x5a: {  	v9 =	vunpack.c.0.s8.s32 v9;
	v8 =	vunpack.c.0.s8.s32 v8;
	[tilespmem:$0x1FD40] =	vst v10;
	v10 =	vimm.s32 $0x523E2A16  }
0x5b: {  	v4 =	vsel vm0, v5, v4;
	v5 =	vsel vm0, v7, v6;
	v6 =	vunpack.c.0.s8.s32 v47  }
0x5c: {  	v7 =	vunpack.c.0.s8.s32 v48;
	v30 =	vcombine.low v5, v4;
	v5 =	vimm.s32 $0x16D5945  }
0x5d: {  	v4 =	vsel vm0, v9, v8;
	v9 =	vimm.s32 $0x26E5A46;
	v5 =	vunpack.c.0.s8.s32 v5  }
0x5e: {  	v8 =	vimm.s32 $0x725E4A36;
	v49 =	vunpack.c.0.s8.s32 v9;
	v9 =	vunpack.c.0.s8.s32 v10  }
0x5f: {  	v8 =	vunpack.c.0.s8.s32 v8;
	v10 =	vimm.s32 $0x735F4B37;
	v5 =	vsel vm0, v6, v5  }
0x60: {  	v6 =	vsel vm0, v9, v49;
	v9 =	vunpack.c.0.s8.s32 v10;
	v10 =	vimm.s32 $0x1D097561  }
0x61: {  	[tilespmem:$0x1FD00] =	vst v41;
	v41 =	vimm.s32 $0x7965513D;
	v11 =	vunpack.c.0.s8.s32 v11;
	v10 =	vunpack.c.0.s8.s32 v10  }
0x62: {  	s4 =	rddreg [dreg:$0x0];
	s2 =	simm.s32 $0x0;
	v44 =	vimm.s32 $0x5945311D;
	v7 =	vsel vm0, v8, v7;
	v8 =	vimm.s32 $0x230F7B67  }
0x63: {  	[smem:$0x7FF] =	sst s2;
	v45 =	vimm.s32 $0x2A16026E;
	v8 =	vunpack.c.0.s8.s32 v8;
	v33 =	vcombine.low v5, v4;
	[tilespmem:$0x1FD50] =	vst v10  }
0x64: {  	s7 =	rddreg [dreg:$0x1];
	v49 =	vcombine.low v6, v7;
	v5 =	vimm.s32 $0x36F5B47;
	v6 =	vunpack.c.0.s8.s32 v50;
	_ =	strace $0x80000047;
	[tilespmem:$0x1FDD0] =	vst v0  }
0x65: {  	v7 =	vunpack.c.0.s8.s32 v52;
	v52 =	vimm.s32 $0x7B67533F;
	v5 =	vunpack.c.0.s8.s32 v5;
	[tilespmem:$0x1FDE0] =	vst v1  }
0x66: {  	v4 =	vsel vm0, v9, v8;
	v8 =	vimm.s32 $0x74604C38;
	v9 =	vimm.s32 $0x4705C48;
	[tilespmem:$0x1FDF0] =	vst v2  }
0x67: {  	v10 =	vimm.s32 $0x5844301C;
	v8 =	vunpack.c.0.s8.s32 v8;
	v9 =	vunpack.c.0.s8.s32 v9;
	[tilespmem:$0x1FE00] =	vst v3  }
0x68: {  	v5 =	vsel vm0, v6, v5;
	v6 =	vunpack.c.0.s8.s32 v14;
	v10 =	vunpack.c.0.s8.s32 v10;
	[tilespmem:$0x1FE10] =	vst v30  }
0x69: {  	[tilespmem:$0x1FE30] =	vst v20;
	v34 =	vcombine.low v5, v4;
	v4 =	vsel vm0, v8, v7;
	v5 =	vsel vm0, v11, v9  }
0x6a: {  	[tilespmem:$0x1FE50] =	vst v19;
	v7 =	vunpack.c.0.s8.s32 v36;
	v8 =	vimm.s32 $0x76624E3A;
	v9 =	vimm.s32 $0x6725E4A  }
0x6b: {  	[tilespmem:$0x1FE60] =	vst v15;
	v11 =	vimm.s32 $0x56422E1A;
	v35 =	vcombine.low v5, v4;
	v5 =	vimm.s32 $0x5715D49  }
0x6c: {  	[tilespmem:$0x1FE80] =	vst v25;
	v4 =	vsel vm0, v62, v60;
	v8 =	vunpack.c.0.s8.s32 v8;
	v5 =	vunpack.c.0.s8.s32 v5  }
0x6d: {  	[tilespmem:$0x1FE90] =	vst v24;
	v37 =	vunpack.c.0.s8.s32 v9;
	v9 =	vunpack.c.0.s8.s32 v11;
	v11 =	vimm.s32 $0x77634F3B  }
0x6e: {  	[tilespmem:$0x1FEB0] =	vst v28;
	v7 =	vsel vm0, v8, v7;
	v8 =	vimm.s32 $0x27137F6B;
	v5 =	vsel vm0, v6, v5  }
0x6f: {  	[tilespmem:$0x1FEC0] =	vst v23;
	v6 =	vsel vm0, v9, v37;
	v8 =	vunpack.c.0.s8.s32 v8;
	v9 =	vunpack.c.0.s8.s32 v11  }
0x70: {  	[tilespmem:$0x1FED0] =	vst v22;
	v11 =	vimm.s32 $0x2915016D;
	v36 =	vcombine.low v5, v4;
	v37 =	vcombine.low v6, v7  }
0x71: {  	[tilespmem:$0x1FEE0] =	vst v26;
	v5 =	vimm.s32 $0x7735F4B;
	v6 =	vunpack.c.0.s8.s32 v39;
	v7 =	vunpack.c.0.s8.s32 v40  }
0x72: {  	[tilespmem:$0x1FEF0] =	vst v31;
	v4 =	vsel vm0, v9, v8;
	v5 =	vunpack.c.0.s8.s32 v5;
	v8 =	vimm.s32 $0x7864503C  }
0x73: {  	[tilespmem:$0x1FF00] =	vst v33;
	v42 =	vunpack.c.0.s8.s32 v11;
	v9 =	vimm.s32 $0x874604C;
	v8 =	vunpack.c.0.s8.s32 v8  }
0x74: {  	[tilespmem:$0x1FF50] =	vst v27;
	v11 =	vunpack.c.0.s8.s32 v41;
	v9 =	vunpack.c.0.s8.s32 v9;
	v5 =	vsel vm0, v6, v5  }
0x75: {  	[tilespmem:$0x1FF90] =	vst v32;
	v6 =	vunpack.c.0.s8.s32 v44;
	v47 =	vcombine.low v5, v4;
	v4 =	vsel vm0, v8, v7  }
0x76: {  	[tilespmem:$0x1FFB0] =	vst v49;
	v5 =	vsel vm0, v10, v9;
	v8 =	vimm.s32 $0x7A66523E;
	v9 =	vimm.s32 $0xA76624E  }
0x77: {  	[tilespmem:$0x1FFC0] =	vst v38;
	v10 =	vimm.s32 $0x5A46321E;
	v54 =	vcombine.low v5, v4;
	v5 =	vimm.s32 $0x975614D  }
0x78: {  	[tilespmem:$0x1FFD0] =	vst v16;
	v46 =	vunpack.c.0.s8.s32 v9;
	v9 =	vunpack.c.0.s8.s32 v10;
	v5 =	vunpack.c.0.s8.s32 v5  }
0x79: {  	[tilespmem:$0x1FFE0] =	vst v43;
	v7 =	vunpack.c.0.s8.s32 v45;
	v4 =	vsel vm0, v11, v42;
	v8 =	vunpack.c.0.s8.s32 v8  }
0x7a: {  	[tilespmem:$0x1FFF0] =	vst v21;
	v5 =	vsel vm0, v6, v5;
	v6 =	vsel vm0, v9, v46;
	v9 =	vimm.s32 $0x5B47331F  }
0x7b: {  	[tilespmem:$0x1FF70] =	vst v34;
	v50 =	vcombine.low v5, v4;
	v4 =	vsel vm0, v8, v7;
	v5 =	vimm.s32 $0x2B17036F  }
0x7c: {  	[tilespmem:$0x1FE20] =	vst v35;
	v7 =	vunpack.c.0.s8.s32 v52;
	v8 =	vimm.s32 $0xB77634F;
	v59 =	vunpack.c.0.s8.s32 v9  }
0x7d: {  	[tilespmem:$0x1FF20] =	vst v36;
	v5 =	vunpack.c.0.s8.s32 v5;
	v10 =	vcombine.low v6, v4;
	v4 =	vunpack.c.0.s8.s32 v8  }
0x7e: {  	v62 =	vimm.s32 $0x1E0A7662;
	[tilespmem:$0x1FF60] =	vst v37  }
0x7f: {  	[tilespmem:$0x1FF80] =	vst v47;
	v8 =	vimm.s32 $0x6E5A4632;
	v5 =	vsel vm0, v7, v5;
	v4 =	vsel vm0, v59, v4  }
0x80: {  	[tilespmem:$0x1FFA0] =	vst v54;
	v9 =	vcombine.low v4, v5;
	v4 =	vimm.s32 $0x6F5B4733;
	v5 =	vunpack.c.0.s8.s32 v62  }
0x81: {  	v8 =	vunpack.c.0.s8.s32 v8;
	[tilespmem:$0x1FF40] =	vst v50;
	v46 =	vunpack.c.0.s8.s32 v4;
	v4 =	vimm.s32 $0x4F3B2713  }
0x82: {  	[tilespmem:$0x1FD80] =	vst v5;
	v52 =	vunpack.c.0.s8.s32 v4;
	v4 =	vimm.s32 $0x1F0B7763;
	v5 =	vimm.s32 $0x7C685440  }
0x83: {  	s3 =	srdreg.scid;
	s0 =	stileid.u32;
	v60 =	vimm.s32 $0x4E3A2612;
	[tilespmem:$0x1FE40] =	vst v10;
	v59 =	vunpack.c.0.s8.s32 v4;
	v4 =	vunpack.c.0.s8.s32 v5  }
0x84: {  	s12 =	simm.s32 $0x3480;
	s13 =	simm.s32 $0x3500;
	s14 =	simm.s32 $0x3580;
	v7 =	vunpack.c.0.s8.s32 v60;
	[tilespmem:$0x1FD60] =	vst v8  }
0x85: {  	s15 =	simm.s32 $0x180;
	s16 =	simm.s32 $0x3600;
	s17 =	simm.s32 $0x100;
	[tilespmem:$0x1FD90] =	vst v4;
	v4 =	vimm.s32 $0x7D695541  }
0x86: {  	s18 =	simm.s32 $0x200;
	s19 =	simm.s32 $0x3680;
	s20 =	simm.s32 $0x1;
	[tilespmem:$0x1FD70] =	vst v7;
	v4 =	vunpack.c.0.s8.s32 v4  }
0x87: {  	s21 =	simm.s32 $0x3B90;
	s5 =	sand.u32 $0x1, s3;
	s31 =	sshll.u32 s0, $0x1;
	[tilespmem:$0x1FE70] =	vst v9  }
0x88: {  	s22 =	simm.s32 $0x0;
	s3 =	sadd.s32 $0xF800, s4;
	s6 =	sor.u32 s5, s31;
	[tilespmem:$0x1FDA0] =	vst v4;
	v4 =	vimm.s32 $0x7E6A5642  }
0x89: {  	s5 =	ssub.s32 $0x2, s5;
	s8 =	smul.u32 $0x690, s6;
	s9 =	sshll.u32 s6, $0x6;
	[tilespmem:$0x1FF10] =	vst v46;
	v4 =	vunpack.c.0.s8.s32 v4  }
0x8a: {  	s10 =	sshrl.u32 s5, $0x1;
	s11 =	sshll.u32 s6, $0x2;
	s9 =	sadd.s32 s9, s4;
	v5 =	vimm.s32 $0x7F6B5743;
	[tilespmem:$0x1FEA0] =	vst v52  }
0x8b: {  	s10 =	ssub.s32 s5, s10;
	s7 =	sadd.s32 s7, s11;
	s11 =	simm.s32 $0x80;
	[tilespmem:$0x1FDB0] =	vst v4;
	v4 =	vunpack.c.0.s8.s32 v5  }
0x8c: {  	s8 =	sadd.s32 s8, s4;
	s4 =	sadd.s32 $0xEE00, s4;
	s6 =	sadd.s32 $0xF000, s9;
	[tilespmem:$0x1FF30] =	vst v59  }
0x8d: {  	v29 =	vlaneseq.u32;
	s9 =	simm.s32 $0x2;
	s5 =	sadd.s32 $0x1C00, s8;
	s8 =	smax.u32 s10, $0x1;
	[tilespmem:$0x1FDC0] =	vst v4  }
.LBB2_1:
0x8e: {  	[tilespmem:s2], [sflag:$0x2] =	stream.linear.gather [hbm4b:s5+s2], $0x3480, $0x38;
	[tilespmem:$0x3BB0] =	vst v63  }
0x8f: {  	_ =	swait.ge [sflag:s9], $0x3480  }
0x90: {  	[sflag:s9] =	ssyncset.done $0x0  }
0x91: {  	s23 =	simm.s32 $0x3980;
	[sflag:s9] =	ssyncadd.s32 $0xFFFFCB80  }
0x92: {  	[tilespmem:s23], [sflag:$0x2] =	stream.linear.gather [hbm4b:s6+s2], $0x200, $0x38;
	[tilespmem:$0x3BB0] =	vst v63  }
0x93: {  	_ =	swait.ge [sflag:s9], $0x200  }
0x94: {  	[sflag:s9] =	ssyncset.done $0x0  }
0x95: {  	s0 =	simm.s32 $0x3B80;
	[sflag:s9] =	ssyncadd.s32 $0xFFFFFE00  }
0x96: {  	[tilespmem:s0], [sflag:$0x2] =	stream.linear.gather [hbm4b:s4+s2], $0x10, $0x38;
	[tilespmem:$0x3BB0] =	vst v63  }
0x97: {  	_ =	swait.ge [sflag:s9], $0x10  }
0x98: {  	[sflag:s9] =	ssyncset.done $0x0  }
0x99: {  	[sflag:s9] =	ssyncadd.s32 $0xFFFFFFF0  }
0x9a: {  	v5 =	vld [tilespmem:$0x3B80]  }
0x9b: {  	v4 =	vld [tilespmem:s23+$0x0];
	_ =	sdelay $0x3  }
0x9c: {  	s29 =	simm.s32 $0x3990  }
0x9d: {  	v6 =	vld [tilespmem:s29+$0x0];
	v4 =	vmul.f32 v4, v5;
	_ =	sdelay $0x1  }
0x9e: {  	v7 =	vperm.xlane v4, v0;
	_ =	sdelay $0x1  }
0x9f: {  	v4 =	vadd.f32 v7, v4  }
0xa0: {  	s30 =	simm.s32 $0x39A0;
	v6 =	vmul.f32 v6, v5  }
0xa1: {  	v8 =	vld [tilespmem:s30+$0x0];
	v7 =	vperm.xlane v4, v1  }
0xa2: {  	v11 =	vperm.xlane v6, v0  }
0xa3: {  	v4 =	vadd.f32 v7, v4  }
0xa4: {  	v6 =	vadd.f32 v11, v6  }
0xa5: {  	v7 =	vperm.xlane v4, v2  }
0xa6: {  	s31 =	simm.s32 $0x39B0;
	v11 =	vmul.f32 v8, v5;
	v8 =	vperm.xlane v6, v1  }
0xa7: {  	v12 =	vld [tilespmem:s31+$0x0];
	v13 =	vadd.f32 v7, v4  }
0xa8: {  	v8 =	vadd.f32 v8, v6  }
0xa9: {  	v7 =	vperm.xlane v11, v0;
	v6 =	vperm.xlane v13, v3  }
0xaa: {  	v14 =	vperm.xlane v8, v2  }
0xab: {  	s25 =	simm.s32 $0x1;
	s24 =	simm.s32 $0x2;
	v4 =	vimm.f32 $0.0e+00;
	v7 =	vadd.f32 v7, v11;
	v13 =	vadd.f32 v6, v13  }
0xac: {  	s26 =	simm.s32 $0x4;
	s28 =	simm.s32 $0x39C0;
	s23 =	simm.s32 $0x3;
	v11 =	vmul.f32 v12, v5;
	v12 =	vmov s2;
	v6 =	vimm.f32 $0.0e+00  }
.LBB2_2:
0xad: {  	v15 =	vld [tilespmem:s28+$0x0];
	v17 =	vperm.xlane v7, v1;
	v18 =	vadd.f32 v14, v8;
	v13 =	vadd.f32 v13, v6;
	s29 =	smov.u32 s23;
	s23 =	smov.u32 s26;
	p0 =	sne.s32 s26, $0xF  }
.Ltmp0:
0xae: {  	s26 =	sadd.s32 $0x1, s26;
	vm1 =	veq.s32 v12, v29;
	v14 =	vperm.xlane v11, v0;
	(pc) =	sbr.rel @p0 .LBB2_2-.Ltmp0, $3  }
0xaf: {  	v8 =	vadd.f32 v17, v7;
	v12 =	vperm.xlane v18, v3;
	v6 =	vsel vm1, v13, v6;
	_ =	sdelay $0x1  }
0xb0: {  	v7 =	vadd.f32 v14, v11;
	v14 =	vperm.xlane v8, v2;
	v13 =	vadd.f32 v12, v18  }
0xb1: {  	s28 =	sadd.s32 $0x10, s28;
	v12 =	vmov s25;
	s25 =	smov.u32 s24;
	s24 =	smov.u32 s29;
	v11 =	vmul.f32 v15, v5  }
0xb2: {  	s26 =	simm.s32 $0x3A80  }
0xb3: {  	v15 =	vld [tilespmem:s26+$0x0];
	_ =	sdelay $0x1  }
0xb4: {  	v17 =	vperm.xlane v11, v0  }
0xb5: {  	v18 =	vperm.xlane v7, v1  }
0xb6: {  	v8 =	vadd.f32 v14, v8;
	s29 =	simm.s32 $0x3A90;
	v11 =	vadd.f32 v17, v11  }
0xb7: {  	v7 =	vadd.f32 v18, v7;
	v14 =	vmul.f32 v15, v5;
	v15 =	vld [tilespmem:s29+$0x0]  }
0xb8: {  	v17 =	vperm.xlane v8, v3;
	v18 =	vperm.xlane v11, v1  }
0xb9: {  	v13 =	vadd.f32 v13, v6;
	v19 =	vperm.xlane v7, v2;
	v20 =	vperm.xlane v14, v0  }
0xba: {  	vm1 =	veq.s32 v12, v29;
	v8 =	vadd.f32 v17, v8;
	v11 =	vadd.f32 v18, v11  }
0xbb: {  	v6 =	vsel vm1, v13, v6;
	v7 =	vadd.f32 v19, v7;
	v12 =	vadd.f32 v20, v14  }
0xbc: {  	v13 =	vmov s25;
	v14 =	vperm.xlane v11, v2;
	v15 =	vmul.f32 v15, v5  }
0xbd: {  	s30 =	simm.s32 $0x3AA0;
	v8 =	vadd.f32 v8, v6;
	v17 =	vperm.xlane v7, v3;
	v19 =	vperm.xlane v12, v1  }
0xbe: {  	vm1 =	veq.s32 v13, v29;
	v18 =	vld [tilespmem:s30+$0x0];
	v11 =	vadd.f32 v14, v11;
	v13 =	vperm.xlane v15, v0  }
0xbf: {  	v6 =	vsel vm1, v8, v6;
	v7 =	vadd.f32 v17, v7;
	v8 =	vadd.f32 v19, v12  }
0xc0: {  	v12 =	vmov s24;
	v14 =	vperm.xlane v11, v3;
	v13 =	vadd.f32 v13, v15  }
0xc1: {  	v7 =	vadd.f32 v7, v6;
	vm1 =	veq.s32 v12, v29;
	v12 =	vperm.xlane v8, v2  }
0xc2: {  	s31 =	simm.s32 $0x3AB0;
	v11 =	vadd.f32 v14, v11;
	v17 =	vperm.xlane v13, v1  }
0xc3: {  	v15 =	vld [tilespmem:s31+$0x0];
	v14 =	vmul.f32 v18, v5;
	v7 =	vsel vm1, v7, v6;
	v8 =	vadd.f32 v12, v8  }
0xc4: {  	v12 =	vmov s23;
	v11 =	vadd.f32 v11, v7;
	v6 =	vadd.f32 v17, v13  }
0xc5: {  	v13 =	vperm.xlane v14, v0;
	vm1 =	veq.s32 v12, v29;
	v12 =	vperm.xlane v8, v3  }
0xc6: {  	v17 =	vsel vm1, v11, v7  }
0xc7: {  	s28 =	simm.s32 $0x3AC0;
	s26 =	simm.s32 $0x1;
	s29 =	simm.s32 $0x0;
	v7 =	vadd.f32 v13, v14;
	v13 =	vperm.xlane v6, v2;
	v12 =	vadd.f32 v12, v8  }
0xc8: {  	v54 =	vmov v16;
	s25 =	simm.s32 $0x2;
	s24 =	simm.s32 $0x3;
	s23 =	simm.s32 $0x4;
	v11 =	vmul.f32 v15, v5;
	v8 =	vmov s29  }
.LBB2_4:
0xc9: {  	v14 =	vld [tilespmem:s28+$0x0];
	v15 =	vperm.xlane v7, v1;
	v18 =	vadd.f32 v13, v6;
	v12 =	vadd.f32 v12, v4;
	s29 =	smov.u32 s24;
	s24 =	smov.u32 s23;
	p0 =	sne.s32 s23, $0xF  }
.Ltmp1:
0xca: {  	s23 =	sadd.s32 $0x1, s23;
	vm1 =	veq.s32 v8, v29;
	v13 =	vperm.xlane v11, v0;
	(pc) =	sbr.rel @p0 .LBB2_4-.Ltmp1, $3  }
0xcb: {  	v6 =	vadd.f32 v15, v7;
	v8 =	vperm.xlane v18, v3;
	v4 =	vsel vm1, v12, v4;
	_ =	sdelay $0x1  }
0xcc: {  	v7 =	vadd.f32 v13, v11;
	v13 =	vperm.xlane v6, v2;
	v12 =	vadd.f32 v8, v18  }
0xcd: {  	s28 =	sadd.s32 $0x10, s28;
	v8 =	vmov s26;
	s26 =	smov.u32 s25;
	s25 =	smov.u32 s29;
	v11 =	vmul.f32 v14, v5  }
0xce: {  	v14 =	vperm.xlane v7, v1  }
0xcf: {  	v5 =	vperm.xlane v11, v0  }
0xd0: {  	v7 =	vadd.f32 v14, v7  }
0xd1: {  	v5 =	vadd.f32 v5, v11  }
0xd2: {  	v6 =	vadd.f32 v13, v6;
	v13 =	vperm.xlane v7, v2  }
0xd3: {  	v11 =	vperm.xlane v5, v1  }
0xd4: {  	v14 =	vperm.xlane v6, v3;
	v7 =	vadd.f32 v13, v7  }
0xd5: {  	v5 =	vadd.f32 v11, v5;
	v11 =	vadd.f32 v12, v4  }
0xd6: {  	vm1 =	veq.s32 v8, v29;
	v6 =	vadd.f32 v14, v6  }
0xd7: {  	v4 =	vsel vm1, v11, v4;
	v11 =	vperm.xlane v7, v3  }
0xd8: {  	v12 =	vmov s26;
	v6 =	vadd.f32 v6, v4  }
0xd9: {  	s23 =	simm.s32 $0x0;
	v8 =	vperm.xlane v5, v2;
	vm1 =	veq.s32 v12, v29;
	v7 =	vadd.f32 v11, v7  }
0xda: {  	v41 =	vld [tilespmem:$0x1FD70];
	[tilespmem:s12], [sflag:$0x1] =	stream.indirect.gather [hbm4b:s3+s11], $0x1, s23, s11, $0xb8;
	v4 =	vsel vm1, v6, v4  }
0xdb: {  	p0 =	por $0x0, $0x0;
	v42 =	vld [tilespmem:$0x1FD80];
	s23 =	simm.s32 $0x1;
	v5 =	vadd.f32 v8, v5;
	v8 =	vmov s25;
	v7 =	vadd.f32 v7, v4  }
0xdc: {  	v40 =	vld [tilespmem:$0x1FD60];
	[tilespmem:s13], [sflag:$0x1] =	stream.indirect.gather [hbm4b:s3+s11], $0x1, s11, s11, $0xb8;
	vm1 =	veq.s32 v8, v29  }
0xdd: {  	s28 =	sand.u32 @!p0 $0x1, s23;
	v4 =	vsel vm1, v7, v4;
	v7 =	vld [tilespmem:$0x1FCA0]  }
0xde: {  	[tilespmem:s14], [sflag:$0x1] =	stream.indirect.gather [hbm4b:s3+s11], $0x1, s17, s11, $0xb8;
	[tilespmem:$0x3BB0] =	vst v63  }
0xdf: {  	p1 =	seq.s32 @!p0 s28, $0x1;
	v6 =	vperm.xlane v5, v3  }
0xe0: {  	v19 =	vld [tilespmem:$0x1FD40];
	[tilespmem:s16], [sflag:$0x1] =	stream.indirect.gather [hbm4b:s3+s11], $0x1, s15, s11, $0xb8  }
0xe1: {  	v20 =	vld [tilespmem:$0x1FD50];
	p1 =	por !p1, p0;
	s26 =	simm.s32 @!p0 $0x280;
	v5 =	vadd.f32 v6, v5;
	v6 =	vmov s24  }
0xe2: {  	s30 =	simm.s32 @!p0 $0x80;
	v0 =	vld [tilespmem:$0x1FD30];
	s26 =	simm.s32 @p1 $0x0;
	vm1 =	veq.s32 v6, v29;
	v6 =	vsel vm0, v42, v41;
	v7 =	vsel vm0, v7, v40  }
0xe3: {  	[tilespmem:s19], [sflag:$0x1] =	stream.indirect.gather [hbm4b:s3+s11], $0x1, s18, s11, $0xb8;
	v10 =	vcombine.low v6, v7;
	v6 =	vld [tilespmem:$0x1FCC0]  }
0xe4: {  	s31 =	sand.u32 $0x1, s23;
	s28 =	simm.s32 @!p0 $0x280;
	s29 =	sadd.s32 @!p0 $0x3480, s26;
	v5 =	vadd.f32 v5, v4;
	v7 =	vld [tilespmem:$0x1FCE0]  }
0xe5: {  	[tilespmem:s29], [sflag:$0x1] =	stream.indirect.gather @!p0 [hbm4b:s3+s30], $0x1, s28, s30, $0xb8;
	[tilespmem:$0x3BB0] =	vst v63  }
0xe6: {  	v16 =	vld [tilespmem:$0x1FDC0];
	p1 =	seq.s32 s31, $0x1;
	s28 =	simm.s32 @!p0 $0x300;
	s29 =	sor.u32 @!p0 $0x3500, s26;
	v18 =	vsel vm1, v5, v4;
	v5 =	vsel vm0, v20, v19  }
0xe7: {  	[tilespmem:s29], [sflag:$0x1] =	stream.indirect.gather @!p0 [hbm4b:s3+s30], $0x1, s28, s30, $0xb8;
	v0 =	vcombine.low v5, v0;
	v5 =	vld [tilespmem:$0x1FCD0]  }
0xe8: {  	s25 =	sadd.s32 @!p0 $0x3580, s26;
	v8 =	vld [tilespmem:$0x1FCB0];
	s28 =	simm.s32 @!p0 $0x380;
	s24 =	simm.s32 $0x0  }
0xe9: {  	[tilespmem:s25], [sflag:$0x1] =	stream.indirect.gather @!p0 [hbm4b:s3+s30], $0x1, s28, s30, $0xb8;
	v6 =	vsel vm0, v6, v7;
	v7 =	vld [tilespmem:$0x1FC80]  }
0xea: {  	v48 =	vld [tilespmem:$0x1FDA0];
	s24 =	simm.s32 @!p1 $0x5  }
0xeb: {  	v12 =	vld [tilespmem:$0x1FC60];
	s25 =	sadd.s32 @!p0 $0x3600, s26;
	v4 =	vmov s24;
	s24 =	simm.s32 @!p0 $0x400  }
0xec: {  	v29 =	vld [tilespmem:$0x1FDB0];
	v4 =	vshll.u32 v4, $0x7;
	[tilespmem:s25], [sflag:$0x1] =	stream.indirect.gather @!p0 [hbm4b:s3+s30], $0x1, s24, s30, $0xb8;
	v5 =	vsel vm0, v16, v5  }
0xed: {  	s24 =	simm.s32 @!p0 $0x480;
	s25 =	sadd.s32 @!p0 $0x3680, s26;
	v30 =	vadd.s32 v55, v4;
	v1 =	vcombine.low v6, v5;
	v5 =	vld [tilespmem:$0x1FC50]  }
0xee: {  	[tilespmem:s25], [sflag:$0x1] =	stream.indirect.gather @!p0 [hbm4b:s3+s30], $0x1, s24, s30, $0xb8;
	v7 =	vsel vm0, v7, v8;
	v8 =	vor.u32 v9, v30;
	v9 =	vld [tilespmem:$0x1FC90]  }
0xef: {  	v6 =	vld [tilespmem:$0x1FC70];
	_ =	swait.ge [sflag:s20], $0x280  }
0xf0: {  	v2 =	vld [tilespmem:$0x1FCF0]  }
0xf1: {  	v3 =	vld [tilespmem:$0x1FD10]  }
0xf2: {  	[sflag:s20] =	ssyncset.done $0x0;
	v15 =	vld [tilespmem:$0x1FC40]  }
0xf3: {  	[sflag:s20] =	ssyncadd.s32 $0xFFFFFD80;
	v11 =	vsel vm0, v29, v9;
	v9 =	vld [tilespmem:$0x1FD90]  }
0xf4: {  	v44 =	vadd.s32 v61, v4;
	v62 =	vld.idx.msk [tilespmem:v8+s12+$0x0], $0xffff  }
0xf5: {  	v14 =	vor.u32 v25, v44;
	v25 =	vcombine.low v7, v11;
	v11 =	vld [tilespmem:$0x1FC20]  }
0xf6: {  	v8 =	vsel vm0, v2, v3;
	v2 =	vld [tilespmem:$0x1FD00]  }
0xf7: {  	v13 =	vsel vm0, v48, v12;
	v5 =	vsel vm0, v5, v6  }
0xf8: {  	v6 =	vor.u32 v31, v44;
	v45 =	vcombine.low v5, v13;
	v5 =	vld [tilespmem:$0x1FC30]  }
0xf9: {  	v7 =	vor.u32 v28, v44  }
0xfa: {  	v12 =	vadd.s32 v24, v4;
	v11 =	vsel vm0, v11, v15  }
0xfb: {  	v15 =	vor.u32 v22, v12;
	v22 =	vor.u32 v23, v44;
	v23 =	vsel vm0, v2, v9;
	v2 =	vld [tilespmem:$0x1FD20]  }
0xfc: {  	v24 =	vld.idx.msk [tilespmem:v14+s12+$0x0], $0xffff  }
0xfd: {  	v60 =	vadd.s32 v56, v4;
	v35 =	vld.idx.msk [tilespmem:v6+s12+$0x0], $0xffff;
	v5 =	vsel vm0, v9, v5  }
0xfe: {  	v13 =	vor.u32 v37, v60;
	v39 =	vcombine.low v11, v5;
	v11 =	vsel vm0, v19, v48;
	v48 =	vld.idx.msk [tilespmem:v7+s12+$0x0], $0xffff  }
0xff: {  	v5 =	vor.u32 v26, v44;
	v19 =	vld [tilespmem:$0x1FE50]  }
0x100: {  	v7 =	vsel vm0, v2, v20;
	v2 =	vld [tilespmem:$0x1FE60]  }
0x101: {  	v28 =	vor.u32 v33, v60;
	v26 =	vsel vm0, v52, v16;
	v52 =	vld.idx.msk [tilespmem:v15+s12+$0x0], $0xffff  }
0x102: {  	v20 =	vld [tilespmem:$0x1FE10]  }
0x103: {  	v14 =	vsel vm0, v40, v42;
	v40 =	vcombine.low v11, v7;
	v7 =	vld.idx.msk [tilespmem:v13+s12+$0x0], $0xffff  }
0x104: {  	v6 =	vsel vm0, v41, v29;
	v41 =	vcombine.low v23, v8;
	v11 =	vor.u32 v34, v60;
	v33 =	vld.idx.msk [tilespmem:v5+s12+$0x0], $0xffff  }
0x105: {  	v8 =	vor.u32 v36, v60;
	v15 =	vsel vm0, v46, v59;
	v13 =	vor.u32 v27, v12;
	v27 =	vld.idx.msk [tilespmem:v22+s12+$0x0], $0xffff  }
0x106: {  	v31 =	vadd.s32 v57, v4;
	v46 =	vcombine.low v26, v15;
	v26 =	vadd.s32 v58, v4;
	v4 =	vld.idx.msk [tilespmem:v28+s12+$0x0], $0xffff  }
0x107: {  	v5 =	vor.u32 v38, v26;
	v38 =	vor.u32 v49, v60;
	v29 =	vor.u32 v2, v44;
	v2 =	vld [tilespmem:$0x1FFA0]  }
0x108: {  	v49 =	vor.u32 v43, v12;
	v43 =	vor.u32 v54, v44;
	v44 =	vor.u32 v21, v44;
	v21 =	vld [tilespmem:$0x1FE30]  }
0x109: {  	v42 =	vcombine.low v6, v14;
	v36 =	vor.u32 v40, v31;
	v34 =	vld.idx.msk [tilespmem:v11+s12+$0x0], $0xffff  }
0x10a: {  	v3 =	vmovc v0;
	v15 =	vor.u32 v50, v30;
	v50 =	vor.u32 v0, v26;
	v0 =	vmov v10;
	v11 =	vld.idx.msk [tilespmem:v8+s12+$0x0], $0xffff  }
0x10b: {  	v8 =	vor.u32 v10, v26;
	v33 =	vadd.f32 v24, v33;
	v10 =	vmovc v1;
	v24 =	vor.u32 v1, v30;
	v1 =	vld [tilespmem:$0x1FE20]  }
0x10c: {  	v59 =	vor.u32 v32, v12;
	v35 =	vadd.f32 v35, v48;
	v48 =	vor.u32 v2, v30;
	v2 =	vld [tilespmem:$0x1FE40]  }
0x10d: {  	v47 =	vor.u32 v47, v60;
	v28 =	vld.idx.msk [tilespmem:v29+s12+$0x0], $0xffff  }
0x10e: {  	v32 =	vor.u32 v42, v31;
	v37 =	vor.u32 v46, v31;
	v29 =	vor.u32 v41, v31;
	v31 =	vld.idx.msk [tilespmem:v36+s12+$0x0], $0xffff  }
0x10f: {  	v36 =	vld.idx.msk [tilespmem:v15+s12+$0x0], $0xffff  }
0x110: {  	v6 =	vor.u32 v25, v30;
	v23 =	vor.u32 v45, v30;
	v15 =	vld.idx.msk [tilespmem:v50+s12+$0x0], $0xffff  }
0x111: {  	s24 =	simm.s32 $0xA00;
	v14 =	vor.u32 v39, v30;
	v22 =	vor.u32 v63, v12;
	v50 =	vor.u32 v2, v30;
	v30 =	vld.idx.msk [tilespmem:v59+s12+$0x0], $0xffff  }
.LBB2_6:
0x112: {  	v47 =	vld.idx.msk [tilespmem:v47+s12+$0x0], $0xffff  }
0x113: {  	v49 =	vld.idx.msk [tilespmem:v49+s12+$0x0], $0xffff  }
0x114: {  	v37 =	vld.idx.msk [tilespmem:v37+s12+$0x0], $0xffff  }
0x115: {  	v38 =	vld.idx.msk [tilespmem:v38+s12+$0x0], $0xffff  }
0x116: {  	v43 =	vld.idx.msk [tilespmem:v43+s12+$0x0], $0xffff  }
0x117: {  	v59 =	vor.u32 v51, v12;
	v48 =	vld.idx.msk [tilespmem:v48+s12+$0x0], $0xffff  }
0x118: {  	v2 =	vmov v53;
	v53 =	vor.u32 v53, v12;
	v50 =	vld.idx.msk [tilespmem:v50+s12+$0x0], $0xffff  }
0x119: {  	v9 =	vld [tilespmem:$0x1FF10]  }
0x11a: {  	v44 =	vld.idx.msk [tilespmem:v44+s12+$0x0], $0xffff  }
0x11b: {  	v29 =	vld.idx.msk [tilespmem:v29+s12+$0x0], $0xffff  }
0x11c: {  	v54 =	vld.idx.msk [tilespmem:v59+s12+$0x0], $0xffff  }
0x11d: {  	v34 =	vadd.f32 v34, v38;
	v38 =	vld.idx.msk [tilespmem:v53+s12+$0x0], $0xffff  }
0x11e: {  	v53 =	vsel vm0, v19, v9;
	v9 =	vld [tilespmem:$0x1FEA0]  }
0x11f: {  	v59 =	vld [tilespmem:$0x1FF30]  }
0x120: {  	v32 =	vld.idx.msk [tilespmem:v32+s12+$0x0], $0xffff  }
0x121: {  	v22 =	vld.idx.msk [tilespmem:v22+s12+$0x0], $0xffff  }
0x122: {  	v12 =	vor.u32 v21, v12;
	v13 =	vld.idx.msk [tilespmem:v13+s12+$0x0], $0xffff  }
0x123: {  	v16 =	vmov v51;
	v51 =	vor.u32 v20, v60;
	v14 =	vld.idx.msk [tilespmem:v14+s12+$0x0], $0xffff  }
0x124: {  	v23 =	vld.idx.msk [tilespmem:v23+s12+$0x0], $0xffff;
	v59 =	vsel vm0, v59, v9  }
0x125: {  	s25 =	smov.u32 s24;
	v6 =	vld.idx.msk [tilespmem:v6+s12+$0x0], $0xffff;
	v59 =	vcombine.low v59, v53  }
0x126: {  	s23 =	sadd.s32 $0x1, s23;
	v60 =	vor.u32 v1, v60;
	v24 =	vld.idx.msk [tilespmem:v24+s12+$0x0], $0xffff;
	p1 =	seq.s32 s25, $0xC800  }
0x127: {  	s28 =	sand.u32 @!p1 $0x1, s23;
	v12 =	vld.idx.msk [tilespmem:v12+s12+$0x0], $0xffff;
	v26 =	vor.u32 v59, v26  }
0x128: {  	s26 =	sand.u32 $0x1, s23;
	p3 =	seq.s32 @!p1 s28, $0x1;
	v53 =	vld.idx.msk [tilespmem:v51+s12+$0x0], $0xffff  }
0x129: {  	v8 =	vld.idx.msk [tilespmem:v8+s12+$0x0], $0xffff;
	p2 =	seq.s32 s26, $0x1;
	s26 =	simm.s32 @!p1 $0x280;
	p3 =	por !p3, p1  }
0x12a: {  	v5 =	vld.idx.msk [tilespmem:v5+s12+$0x0], $0xffff;
	s25 =	sshra.s32 @!p1 s25, $0x2;
	s26 =	simm.s32 @p3 $0x0  }
0x12b: {  	s1 =	simm.s32 @!p1 $0x80;
	s28 =	sadd.s32 @!p1 $0x280, s25;
	v50 =	vadd.f32 v62, v50;
	v62 =	vld.idx.msk [tilespmem:v60+s12+$0x0], $0xffff;
	v29 =	vadd.f32 v31, v29;
	s0 =	sadd.s32 @!p1 $0x3480, s26  }
0x12c: {  	v31 =	vadd.f32 v49, v38;
	v12 =	vadd.f32 v30, v12;
	v26 =	vld.idx.msk [tilespmem:v26+s12+$0x0], $0xffff;
	[tilespmem:s0], [sflag:$0x1] =	stream.indirect.gather @!p1 [hbm4b:s3+s1], $0x1, s28, s1, $0xb8  }
0x12d: {  	s29 =	sadd.s32 @!p1 $0x300, s25;
	v32 =	vadd.f32 v37, v32;
	s10 =	sor.u32 @!p1 $0x3500, s26;
	v4 =	vadd.f32 v4, v53  }
0x12e: {  	v30 =	vadd.f32 v12, v31;
	[tilespmem:s10], [sflag:$0x1] =	stream.indirect.gather @!p1 [hbm4b:s3+s1], $0x1, s29, s1, $0xb8;
	[tilespmem:$0x3BB0] =	vst v63  }
0x12f: {  	v9 =	vld [tilespmem:$0x1FE70];
	v12 =	vadd.f32 v32, v29;
	v4 =	vadd.f32 v34, v4;
	s10 =	simm.s32 $0x0  }
0x130: {  	s10 =	simm.s32 @!p2 $0x5  }
0x131: {  	s30 =	sadd.s32 @!p1 $0x400, s25;
	v7 =	vadd.f32 v47, v7;
	v4 =	vadd.f32 v4, v12;
	v12 =	vmov s10  }
0x132: {  	s31 =	sadd.s32 @!p1 $0x480, s25;
	s25 =	sadd.s32 @!p1 $0x380, s25;
	v11 =	vadd.f32 v11, v62;
	s0 =	sadd.s32 @!p1 $0x3580, s26;
	v8 =	vadd.f32 v26, v8;
	v26 =	vshll.u32 v12, $0x7  }
0x133: {  	v33 =	vadd.f32 v35, v33;
	[tilespmem:s0], [sflag:$0x1] =	stream.indirect.gather @!p1 [hbm4b:s3+s1], $0x1, s25, s1, $0xb8;
	v35 =	vadd.s32 v55, v26;
	[tilespmem:$0x3BB0] =	vst v63  }
0x134: {  	v7 =	vadd.f32 v7, v11;
	s28 =	sadd.s32 @!p1 $0x3600, s26;
	v11 =	vor.u32 v9, v35;
	v9 =	vld [tilespmem:$0x1FEF0]  }
0x135: {  	[tilespmem:s28], [sflag:$0x1] =	stream.indirect.gather @!p1 [hbm4b:s3+s1], $0x1, s30, s1, $0xb8;
	[tilespmem:$0x3BB0] =	vst v63  }
0x136: {  	v27 =	vadd.f32 v27, v43;
	s26 =	sadd.s32 @!p1 $0x3680, s26  }
0x137: {  	v22 =	vadd.f32 v52, v22;
	v13 =	vadd.f32 v13, v54;
	[tilespmem:s26], [sflag:$0x1] =	stream.indirect.gather @!p1 [hbm4b:s3+s1], $0x1, s31, s1, $0xb8;
	[tilespmem:$0x3BB0] =	vst v63  }
0x138: {  	v36 =	vadd.f32 v36, v48;
	v5 =	vadd.f32 v15, v5;
	v15 =	vadd.s32 v61, v26;
	_ =	swait.ge [sflag:s20], $0x280  }
0x139: {  	v28 =	vadd.f32 v28, v44;
	v13 =	vadd.f32 v13, v22;
	v22 =	vor.u32 v9, v15;
	v9 =	vld [tilespmem:$0x1FF60];
	_ =	sdelay $0x1  }
0x13a: {  	v27 =	vadd.f32 v27, v28;
	v28 =	vadd.f32 v50, v36;
	_ =	sdelay $0x1  }
0x13b: {  	v28 =	vadd.f32 v28, v7;
	v60 =	vadd.s32 v56, v26;
	v7 =	vld [tilespmem:$0x1FE90]  }
0x13c: {  	v31 =	vor.u32 v9, v60;
	v9 =	vld [tilespmem:$0x1FED0];
	_ =	sdelay $0x3  }
0x13d: {  	v12 =	vadd.s32 v7, v26  }
0x13e: {  	v6 =	vadd.f32 v24, v6;
	v24 =	vor.u32 v9, v12;
	v9 =	vld [tilespmem:$0x1FEE0];
	_ =	sdelay $0x4  }
0x13f: {  	v47 =	vor.u32 v9, v15;
	v9 =	vld [tilespmem:$0x1FF50];
	_ =	sdelay $0x1  }
0x140: {  	[sflag:s20] =	ssyncset.done $0x0;
	v7 =	vld [tilespmem:$0x1FE80]  }
0x141: {  	[sflag:s20] =	ssyncadd.s32 $0xFFFFFD80  }
0x142: {  	v62 =	vld.idx.msk [tilespmem:v11+s12+$0x0], $0xffff  }
0x143: {  	v11 =	vadd.f32 v30, v13;
	v13 =	vor.u32 v9, v12;
	v9 =	vld [tilespmem:$0x1FEC0];
	_ =	sdelay $0x1  }
0x144: {  	v7 =	vor.u32 v7, v15  }
0x145: {  	v5 =	vadd.f32 v8, v5;
	v8 =	vld [tilespmem:$0x1FEB0];
	_ =	sdelay $0x1  }
0x146: {  	v30 =	vor.u32 v9, v15;
	v9 =	vld [tilespmem:$0x1FF90];
	_ =	sdelay $0x1  }
0x147: {  	v27 =	vadd.f32 v33, v27;
	v33 =	vld.idx.msk [tilespmem:v7+s12+$0x0], $0xffff  }
0x148: {  	v8 =	vor.u32 v8, v15;
	v7 =	vld [tilespmem:$0x1FF00];
	_ =	sdelay $0x1  }
0x149: {  	v53 =	vor.u32 v9, v12;
	v9 =	vld [tilespmem:$0x1FE60];
	_ =	sdelay $0x1  }
0x14a: {  	v14 =	vadd.f32 v23, v14  }
0x14b: {  	v54 =	vld.idx.msk [tilespmem:v8+s12+$0x0], $0xffff;
	v49 =	vor.u32 v7, v60;
	v7 =	vadd.f32 v27, v11  }
0x14c: {  	v8 =	vadd.f32 v6, v14;
	v6 =	vld [tilespmem:$0x1FF70]  }
0x14d: {  	v5 =	vadd.f32 v5, v7;
	v7 =	vld.idx.msk [tilespmem:v31+s12+$0x0], $0xffff;
	v11 =	vor.u32 v9, v15  }
0x14e: {  	v23 =	vadd.s32 v57, v26;
	v31 =	vld.idx.msk [tilespmem:v47+s12+$0x0], $0xffff  }
0x14f: {  	v27 =	vld.idx.msk [tilespmem:v30+s12+$0x0], $0xffff;
	v30 =	vor.u32 v40, v23  }
0x150: {  	v52 =	vld.idx.msk [tilespmem:v24+s12+$0x0], $0xffff  }
0x151: {  	v24 =	vor.u32 v6, v60;
	v6 =	vld [tilespmem:$0x1FF20]  }
0x152: {  	v4 =	vadd.f32 v28, v4;
	v28 =	vld.idx.msk [tilespmem:v11+s12+$0x0], $0xffff  }
0x153: {  	v11 =	vld [tilespmem:$0x1FFB0]  }
0x154: {  	v33 =	vadd.f32 v33, v31;
	v31 =	vld.idx.msk [tilespmem:v30+s12+$0x0], $0xffff  }
0x155: {  	v30 =	vld [tilespmem:$0x1FFA0];
	_ =	sdelay $0x1  }
0x156: {  	v51 =	vld.idx.msk [tilespmem:v22+s12+$0x0], $0xffff  }
0x157: {  	v38 =	vor.u32 v11, v60;
	v11 =	vld [tilespmem:$0x1FFE0]  }
0x158: {  	v36 =	vor.u32 v6, v60;
	v6 =	vld [tilespmem:$0x1FF40]  }
0x159: {  	v48 =	vor.u32 v30, v35;
	v30 =	vld [tilespmem:$0x1FE40]  }
0x15a: {  	v50 =	vadd.f32 v8, v4;
	v8 =	vld [tilespmem:$0x1FF80]  }
0x15b: {  	v26 =	vadd.s32 v58, v26;
	v4 =	vld.idx.msk [tilespmem:v49+s12+$0x0], $0xffff  }
0x15c: {  	v22 =	vor.u32 v63, v12;
	v18 =	vadd.f32 v50, v18;
	v49 =	vor.u32 v11, v12;
	v11 =	vld [tilespmem:$0x1FFD0]  }
0x15d: {  	v17 =	vadd.f32 v5, v17;
	v5 =	vld [tilespmem:$0x1FFC0];
	v44 =	vor.u32 v6, v35;
	v9 =	vmovc v63;
	v63 =	vmovc v61;
	v61 =	vmov v58  }
0x15e: {  	s24 =	sadd.s32 $0xA00, s24;
	v58 =	vmovc v57;
	v57 =	vmovc v56;
	v56 =	vmov v55;
	v55 =	vor.u32 v3, v26;
	v50 =	vor.u32 v30, v35;
	v30 =	vld [tilespmem:$0x1FFF0]  }
0x15f: {  	p0 =	sne.s32 s24, $0xD200;
	v29 =	vor.u32 v41, v23;
	v37 =	vor.u32 v46, v23;
	v32 =	vor.u32 v42, v23  }
.Ltmp2:
0x160: {  	v14 =	vor.u32 v39, v35;
	v47 =	vor.u32 v8, v60;
	v8 =	vor.u32 v0, v26;
	v34 =	vld.idx.msk [tilespmem:v24+s12+$0x0], $0xffff;
	(pc) =	sbr.rel @p0 .LBB2_6-.Ltmp2, $4  }
0x161: {  	v24 =	vor.u32 v10, v35;
	v6 =	vor.u32 v25, v35;
	v43 =	vor.u32 v11, v15;
	v11 =	vld.idx.msk [tilespmem:v36+s12+$0x0], $0xffff  }
0x162: {  	v5 =	vor.u32 v5, v26;
	v23 =	vor.u32 v45, v35;
	v35 =	vadd.f32 v51, v54;
	v36 =	vld.idx.msk [tilespmem:v44+s12+$0x0], $0xffff  }
0x163: {  	v51 =	vmovc v16;
	v44 =	vor.u32 v30, v15;
	v15 =	vld.idx.msk [tilespmem:v55+s12+$0x0], $0xffff;
	v55 =	vmov v56;
	v56 =	vmov v57  }
0x164: {  	v57 =	vmovc v58;
	v58 =	vmovc v61;
	v61 =	vmov v63;
	v63 =	vmov v9;
	v30 =	vld.idx.msk [tilespmem:v53+s12+$0x0], $0xffff;
	v53 =	vmov v2  }
0x165: {  	_ =	sdelay $0x3  }
0x166: {  	v0 =	vld.idx.msk [tilespmem:v47+s12+$0x0], $0xffff  }
0x167: {  	v2 =	vld.idx.msk [tilespmem:v49+s12+$0x0], $0xffff  }
0x168: {  	v25 =	vld.idx.msk [tilespmem:v37+s12+$0x0], $0xffff  }
0x169: {  	v37 =	vld.idx.msk [tilespmem:v38+s12+$0x0], $0xffff  }
0x16a: {  	v38 =	vld.idx.msk [tilespmem:v43+s12+$0x0], $0xffff  }
0x16b: {  	v40 =	vld.idx.msk [tilespmem:v48+s12+$0x0], $0xffff  }
0x16c: {  	v41 =	vld.idx.msk [tilespmem:v50+s12+$0x0], $0xffff  }
0x16d: {  	v42 =	vld.idx.msk [tilespmem:v44+s12+$0x0], $0xffff  }
0x16e: {  	v29 =	vld.idx.msk [tilespmem:v29+s12+$0x0], $0xffff  }
0x16f: {  	v3 =	vor.u32 v51, v12;
	v32 =	vld.idx.msk [tilespmem:v32+s12+$0x0], $0xffff  }
0x170: {  	v39 =	vor.u32 v53, v12;
	v22 =	vld.idx.msk [tilespmem:v22+s12+$0x0], $0xffff  }
0x171: {  	v49 =	vor.u32 v21, v12;
	v13 =	vld.idx.msk [tilespmem:v13+s12+$0x0], $0xffff  }
0x172: {  	v50 =	vor.u32 v20, v60;
	v8 =	vld.idx.msk [tilespmem:v8+s12+$0x0], $0xffff  }
0x173: {  	v54 =	vor.u32 v1, v60;
	v5 =	vld.idx.msk [tilespmem:v5+s12+$0x0], $0xffff  }
0x174: {  	v26 =	vor.u32 v59, v26;
	v33 =	vadd.f32 v35, v33;
	v3 =	vld.idx.msk [tilespmem:v3+s12+$0x0], $0xffff;
	v34 =	vadd.f32 v34, v37  }
0x175: {  	v39 =	vld.idx.msk [tilespmem:v39+s12+$0x0], $0xffff;
	v27 =	vadd.f32 v27, v38;
	v36 =	vadd.f32 v36, v40  }
0x176: {  	v12 =	vld.idx.msk [tilespmem:v49+s12+$0x0], $0xffff;
	v60 =	vadd.f32 v62, v41;
	v28 =	vadd.f32 v28, v42  }
0x177: {  	v59 =	vld.idx.msk [tilespmem:v50+s12+$0x0], $0xffff;
	v29 =	vadd.f32 v31, v29;
	v25 =	vadd.f32 v25, v32  }
0x178: {  	v62 =	vld.idx.msk [tilespmem:v54+s12+$0x0], $0xffff;
	v7 =	vadd.f32 v0, v7;
	v22 =	vadd.f32 v52, v22  }
0x179: {  	v26 =	vld.idx.msk [tilespmem:v26+s12+$0x0], $0xffff;
	v5 =	vadd.f32 v15, v5;
	v1 =	vadd.f32 v25, v29  }
0x17a: {  	v14 =	vld.idx.msk [tilespmem:v14+s12+$0x0], $0xffff;
	v0 =	vadd.f32 v2, v39;
	v2 =	vadd.f32 v27, v28  }
0x17b: {  	v23 =	vld.idx.msk [tilespmem:v23+s12+$0x0], $0xffff;
	v27 =	vadd.f32 v60, v36;
	v12 =	vadd.f32 v30, v12  }
0x17c: {  	v6 =	vld.idx.msk [tilespmem:v6+s12+$0x0], $0xffff;
	v4 =	vadd.f32 v4, v59;
	v13 =	vadd.f32 v13, v3  }
0x17d: {  	v11 =	vadd.f32 v11, v62;
	v12 =	vadd.f32 v12, v0;
	v0 =	vld.idx.msk [tilespmem:v24+s12+$0x0], $0xffff  }
0x17e: {  	v8 =	vadd.f32 v26, v8;
	v2 =	vadd.f32 v33, v2  }
0x17f: {  	v4 =	vadd.f32 v34, v4;
	v13 =	vadd.f32 v13, v22  }
0x180: {  	v7 =	vadd.f32 v7, v11;
	v11 =	vadd.f32 v23, v14  }
0x181: {  	v4 =	vadd.f32 v4, v1;
	v12 =	vadd.f32 v12, v13  }
0x182: {  	v7 =	vadd.f32 v27, v7;
	v6 =	vadd.f32 v0, v6  }
0x183: {  	v5 =	vadd.f32 v8, v5;
	v8 =	vadd.f32 v2, v12  }
0x184: {  	v4 =	vadd.f32 v7, v4;
	v6 =	vadd.f32 v6, v11  }
0x185: {  	v5 =	vadd.f32 v5, v8  }
0x186: {  	v4 =	vadd.f32 v6, v4  }
0x187: {  	v5 =	vadd.f32 v5, v17  }
0x188: {  	v4 =	vadd.f32 v4, v18  }
0x189: {  	[tilespmem:$0x3B90] =	vst v5  }
0x18a: {  	[tilespmem:$0x3BA0] =	vst v4  }
0x18b: {  	[hbm4b:s7+s2] =	stream.linear.scatter [tilespmem:s21], [sflag:$0x2], $0x20, $0x38;
	[tilespmem:$0x3BB0] =	vst v63  }
0x18c: {  	_ =	swait.ge [sflag:s9], $0x20  }
0x18d: {  	v22 =	vld [tilespmem:$0x1FED0]  }
0x18e: {  	v0 =	vld [tilespmem:$0x1FDD0]  }
0x18f: {  	v27 =	vld [tilespmem:$0x1FF50]  }
0x190: {  	v1 =	vld [tilespmem:$0x1FDE0]  }
0x191: {  	v2 =	vld [tilespmem:$0x1FDF0]  }
0x192: {  	v43 =	vld [tilespmem:$0x1FFE0]  }
0x193: {  	v3 =	vld [tilespmem:$0x1FE00]  }
0x194: {  	v32 =	vld [tilespmem:$0x1FF90]  }
0x195: {  	v21 =	vld [tilespmem:$0x1FFF0]  }
0x196: {  	v16 =	vld [tilespmem:$0x1FFD0]  }
0x197: {  	v23 =	vld [tilespmem:$0x1FEC0]  }
0x198: {  	v24 =	vld [tilespmem:$0x1FE90]  }
0x199: {  	v26 =	vld [tilespmem:$0x1FEE0]  }
0x19a: {  	v25 =	vld [tilespmem:$0x1FE80]  }
0x19b: {  	v28 =	vld [tilespmem:$0x1FEB0]  }
0x19c: {  	v31 =	vld [tilespmem:$0x1FEF0]  }
0x19d: {  	v38 =	vld [tilespmem:$0x1FFC0]  }
0x19e: {  	v33 =	vld [tilespmem:$0x1FF00]  }
0x19f: {  	v49 =	vld [tilespmem:$0x1FFB0]  }
0x1a0: {  	v34 =	vld [tilespmem:$0x1FF70]  }
0x1a1: {  	v36 =	vld [tilespmem:$0x1FF20]  }
0x1a2: {  	s22 =	sadd.s32 $0x1, s22;
	v37 =	vld [tilespmem:$0x1FF60]  }
0x1a3: {  	p0 =	sne.s32 s22, s8;
	v47 =	vld [tilespmem:$0x1FF80]  }
.Ltmp3:
0x1a4: {  	v50 =	vld [tilespmem:$0x1FF40];
	(pc) =	sbr.rel @p0 .LBB2_1-.Ltmp3, $4  }
0x1a5: {  	v9 =	vld [tilespmem:$0x1FE70]  }
0x1a6: {  	v46 =	vld [tilespmem:$0x1FF10]  }
0x1a7: {  	[sflag:s9] =	ssyncset.done $0x0;
	v52 =	vld [tilespmem:$0x1FEA0]  }
0x1a8: {  	v29 =	vlaneseq.u32;
	v59 =	vld [tilespmem:$0x1FF30];
	[sflag:s9] =	ssyncadd.s32 $0xFFFFFFE0  }
0x1a9: {  	_ =	sfence.sel $0x180000  }
0x1aa: {  	[bflag:$0x0] =	sbarrier.arrive $0xFFFF  }
0x1ab: {  	_ =	strace $0x90000047  }
0x1ac: {  	s0 =	stileid.u32;
	[bflag:$0x2] =	sbarrier.arrive $0xFFFF  }
0x1ad: {  	p0 =	sne.s32 s0, $0x0;
	s0 =	rddreg [dreg:$0x2]  }
0x1ae: {  	s0 =	sadd.s32 @!p0 $0x100000, s0  }
0x1af: {  	[sflag:s0] =	ssyncadd.tile.s32 @!p0 $0x1;
	_ =	shalt  }
.Lfunc_end2:
_tile_overlayer_lowered:
.L_overlay_start_2:
0x1b0: {  	(tag) =	ssettag $0x2  }
0x1b1: {  	s0 =	rddreg [dreg:$0x0];
	s2 =	stileid.u32  }
0x1b2: {  	s1 =	rddreg [dreg:$0x1];
	p0 =	sne.s32 s2, $0x0  }
0x1b3: {  	s3 =	rddreg [dreg:$0x2];
	[bflag:$0x3] =	sbarrier.arrive $0xFFFF;
	s2 =	simm.s32 @!p0 $0x1C02  }
0x1b4: {  	[timem:s3], [sflag:s2] =	dma.local @!p0 [hbm:s0], s1  }
0x1b5: {  	s0 =	simm.s32 @!p0 $0x2  }
0x1b6: {  	_ =	swait.ge @!p0 [sflag:s0], s1  }
0x1b7: {  	s1 =	ssub.s32 @!p0 $0x0, s1;
	[sflag:s0] =	ssyncset.done @!p0 $0x0  }
0x1b8: {  	[sflag:s0] =	ssyncadd.s32 @!p0 s1  }
0x1b9: {  	[bflag:$0x3] =	sbarrier.arrive $0xFFFF  }
0x1ba: {  	_ =	shalt  }

</sc_bundles>
